<compile_context>
chip_gen: v7x
topology: tpu7x:2x2x1
jax: 0.10.2.dev20260603
libtpu: 0.0.44.dev20260713+nightly
codegen_flags: <defaults>
</compile_context>

<pallas_src>
import functools

import jax
import jax.numpy as jnp
from jax import lax
from jax.experimental import pallas as pl
from jax.experimental.pallas import tpu as pltpu
from jax.experimental.pallas import tpu_sc as plsc

N_NODES = 10000
N_EDGES = 320000
N_GRAPHS = 64
EMBED = 256
HALF = 128
N_PAD = 10240
BLK = 1024
N_BLKS = N_PAD // BLK
EC = 128
N_CHUNKS = N_EDGES // EC
RPT = 624
TAIL0 = 16 * RPT
TAILN = N_NODES - TAIL0
BATCH_PAD = 1 << 30
NEG_INF = float("-inf")

@functools.cache
def _sc_mesh():
    return plsc.VectorSubcoreMesh(core_axis_name="c", subcore_axis_name="s",
                                  num_cores=2, num_subcores=16)


EC2 = 256
NC2 = N_EDGES // EC2
NT2 = (NC2 // 16 + 2) // 2


@functools.cache
def _make_segsum23():

    @functools.partial(
        pl.kernel,
        out_type=jax.ShapeDtypeStruct((2 * N_PAD, HALF), jnp.float32),
        mesh=_sc_mesh(),
        scratch_types=[
            pltpu.VMEM((EC2,), jnp.int32),
            pltpu.VMEM((EC2,), jnp.int32),
            pltpu.VMEM((EC2,), jnp.int32),
            pltpu.VMEM((EC2,), jnp.int32),
            pltpu.VMEM((EC2,), jnp.int32),
            pltpu.VMEM((EC2,), jnp.int32),
            pltpu.VMEM((EC2, HALF), jnp.float32),
            pltpu.VMEM((EC2, HALF), jnp.float32),
            pltpu.VMEM_SHARED((N_NODES, HALF), jnp.float32),
            pltpu.SemaphoreType.DMA,
            pltpu.SemaphoreType.DMA,
            pltpu.SemaphoreType.DMA,
            pltpu.SemaphoreType.DMA,
        ],
    )
    def body(table_h, src_h, dst_h, zeros_h, out_h, srcA, gidxA, dstA,
             srcB, gidxB, dstB, bufA, bufB, acc_sh, gsA, gsB, ssA, ssB):
        c = lax.axis_index("c")
        s = lax.axis_index("s")
        pltpu.sync_copy(zeros_h.at[pl.ds(0, RPT)],
                        acc_sh.at[pl.ds(s * RPT, RPT)])

        @pl.when(s == 15)
        def _():
            pltpu.sync_copy(zeros_h.at[pl.ds(RPT, TAILN)],
                            acc_sh.at[pl.ds(TAIL0, TAILN)])

        plsc.subcore_barrier()

        def chunk(k, carry):
            cid = k * 16 + s

            @pl.when(cid < NC2)
            def _():
                base = cid * EC2
                pltpu.sync_copy(src_h.at[pl.ds(base, EC2)], srcA)
                pltpu.sync_copy(dst_h.at[pl.ds(base, EC2)], dstA)

                def add_off(g, carry2):
                    gidxA[pl.ds(g * 16, 16)] = (
                        srcA[pl.ds(g * 16, 16)] + c * N_PAD)
                    return carry2

                lax.fori_loop(0, EC2 // 16, add_off, 0)
                pltpu.async_copy(table_h.at[gidxA], bufA, gsA).wait()
                pltpu.sync_copy(bufA, acc_sh.at[dstA], add=True)

            return carry

        lax.fori_loop(0, (NC2 + 15) // 16, chunk, 0)

        plsc.subcore_barrier()
        r0 = s * RPT
        pltpu.sync_copy(acc_sh.at[pl.ds(r0, RPT)],
                        out_h.at[pl.ds(c * N_PAD + r0, RPT)])

        @pl.when(s == 15)
        def _():
            pltpu.sync_copy(acc_sh.at[pl.ds(TAIL0, TAILN)],
                            out_h.at[pl.ds(c * N_PAD + TAIL0, TAILN)])

    return body


F1 = N_NODES * 4
W1 = 2496
W1T0 = 16 * W1
W1TN = F1 - W1T0


def _segsum1(x_flat, src, dst):

    @functools.partial(
        pl.kernel,
        out_type=jax.ShapeDtypeStruct((2 * F1,), jnp.float32),
        mesh=_sc_mesh(),
        scratch_types=[
            pltpu.VMEM((EC,), jnp.int32),
            pltpu.VMEM((EC,), jnp.int32),
            [pltpu.VMEM((EC,), jnp.int32) for _ in range(4)],
            [pltpu.VMEM((EC,), jnp.int32) for _ in range(4)],
            [pltpu.VMEM((EC,), jnp.float32) for _ in range(4)],
            pltpu.VMEM((W1,), jnp.float32),
            pltpu.VMEM_SHARED((F1,), jnp.float32),
            pltpu.SemaphoreType.DMA,
            pltpu.SemaphoreType.DMA,
        ],
    )
    def body(x_h, src_h, dst_h, out_h, src_v, dst_v, gi_v, si_v,
             col_v, stage_v, acc_sh, gsem, ssem):
        c = lax.axis_index("c")
        s = lax.axis_index("s")

        def zinit(j, carry):
            stage_v[pl.ds(j * 16, 16)] = jnp.zeros((16,), jnp.float32)
            return carry

        lax.fori_loop(0, W1 // 16, zinit, 0)
        pltpu.sync_copy(stage_v, acc_sh.at[pl.ds(s * W1, W1)])

        @pl.when(s == 15)
        def _():
            pltpu.sync_copy(stage_v.at[pl.ds(0, W1TN)],
                            acc_sh.at[pl.ds(W1T0, W1TN)])

        plsc.subcore_barrier()
        wid = s * 2 + c

        def drain_scatters():
            for j in range(4):
                pltpu.make_async_copy(col_v[j], acc_sh.at[si_v[j]],
                                      ssem).wait()

        def chunk(k, carry):
            cid = k * 32 + wid

            @pl.when((k > 0) & ((k - 1) * 32 + wid < N_CHUNKS))
            def _():
                drain_scatters()

            @pl.when(cid < N_CHUNKS)
            def _():
                base = cid * EC
                pltpu.sync_copy(src_h.at[pl.ds(base, EC)], src_v)
                pltpu.sync_copy(dst_h.at[pl.ds(base, EC)], dst_v)
                for j in range(4):
                    def mkidx(g, carry2):
                        sl = src_v[pl.ds(g * 16, 16)]
                        gi_v[j][pl.ds(g * 16, 16)] = sl * 4 + j
                        dl = dst_v[pl.ds(g * 16, 16)]
                        si_v[j][pl.ds(g * 16, 16)] = dl * 4 + j
                        return carry2

                    lax.fori_loop(0, EC // 16, mkidx, 0)
                    pltpu.async_copy(x_h.at[gi_v[j]], col_v[j], gsem)
                for j in range(4):
                    pltpu.make_async_copy(x_h.at[gi_v[j]], col_v[j],
                                          gsem).wait()
                for j in range(4):
                    pltpu.async_copy(col_v[j], acc_sh.at[si_v[j]], ssem,
                                     add=True)

            return carry

        nk = (N_CHUNKS + 31) // 32
        lax.fori_loop(0, nk, chunk, 0)

        @pl.when((nk - 1) * 32 + wid < N_CHUNKS)
        def _():
            drain_scatters()
        plsc.subcore_barrier()
        r0 = s * W1
        pltpu.sync_copy(acc_sh.at[pl.ds(r0, W1)], stage_v)
        pltpu.sync_copy(stage_v, out_h.at[pl.ds(c * F1 + r0, W1)])

        @pl.when(s == 15)
        def _():
            pltpu.sync_copy(acc_sh.at[pl.ds(W1T0, W1TN)],
                            stage_v.at[pl.ds(0, W1TN)])
            pltpu.sync_copy(stage_v.at[pl.ds(0, W1TN)],
                            out_h.at[pl.ds(c * F1 + W1T0, W1TN)])

    return body(x_flat, src, dst)


def _relu(v):
    return jnp.maximum(v, 0.0)


def _pool_update(i, batch_blk, h, mx_acc, sm_acc):
    @pl.when(i == 0)
    def _():
        mx_acc[...] = jnp.full((N_GRAPHS, EMBED), NEG_INF, jnp.float32)
        sm_acc[...] = jnp.zeros((N_GRAPHS, EMBED), jnp.float32)

    b0 = jnp.min(batch_blk)
    b1 = jnp.minimum(jnp.max(batch_blk) + 1, N_GRAPHS)

    def gbody(g, carry):
        m = batch_blk == g
        mx = jnp.max(jnp.where(m, h, NEG_INF), axis=0, keepdims=True)
        sm = jnp.sum(jnp.where(m, h, 0.0), axis=0, keepdims=True)
        mx_acc[pl.ds(g, 1), :] = jnp.maximum(mx_acc[pl.ds(g, 1), :], mx)
        sm_acc[pl.ds(g, 1), :] = sm_acc[pl.ds(g, 1), :] + sm
        return carry

    lax.fori_loop(b0, b1, gbody, 0)


def _gconv23_body(batch_ref, agg_ref, x_ref, wrel_ref, wroot_ref, b_ref,
                  invc_ref, h_ref, pool_ref, mx_acc, sm_acc):
    i = pl.program_id(0)
    agg = jnp.concatenate([agg_ref[0], agg_ref[1]], axis=1)
    xin = jnp.concatenate([x_ref[0], x_ref[1]], axis=1)
    h = _relu(jnp.dot(agg, wrel_ref[...], preferred_element_type=jnp.float32)
              + jnp.dot(xin, wroot_ref[...],
                        preferred_element_type=jnp.float32)
              + b_ref[...])
    h_ref[0] = h[:, :HALF]
    h_ref[1] = h[:, HALF:]
    _pool_update(i, batch_ref[...], h, mx_acc, sm_acc)

    @pl.when(i == pl.num_programs(0) - 1)
    def _():
        pool_ref[0] = mx_acc[...]
        pool_ref[1] = sm_acc[...] / invc_ref[...]


def _gconv1_body(batch_ref, agg_ref, x_ref, wrel_ref, wroot_ref, b_ref,
                 invc_ref, h_ref, pool_ref, mx_acc, sm_acc):
    i = pl.program_id(0)
    agg = agg_ref[0] + agg_ref[1]
    h = _relu(jnp.dot(agg, wrel_ref[...], preferred_element_type=jnp.float32)
              + jnp.dot(x_ref[...], wroot_ref[...],
                        preferred_element_type=jnp.float32)
              + b_ref[...])
    h_ref[0] = h[:, :HALF]
    h_ref[1] = h[:, HALF:]
    _pool_update(i, batch_ref[...], h, mx_acc, sm_acc)

    @pl.when(i == pl.num_programs(0) - 1)
    def _():
        pool_ref[0] = mx_acc[...]
        pool_ref[1] = sm_acc[...] / invc_ref[...]


def _gconv3_body(agg_ref, x_ref, wrel_ref, wroot_ref, b_ref, h_ref):
    agg = jnp.concatenate([agg_ref[0], agg_ref[1]], axis=1)
    xin = jnp.concatenate([x_ref[0], x_ref[1]], axis=1)
    h = _relu(jnp.dot(agg, wrel_ref[...], preferred_element_type=jnp.float32)
              + jnp.dot(xin, wroot_ref[...],
                        preferred_element_type=jnp.float32)
              + b_ref[...])
    h_ref[0] = h[:, :HALF]
    h_ref[1] = h[:, HALF:]


def _split_spec(k):
    return pl.BlockSpec((2, BLK, k), lambda i: (0, i, 0))


def _full_spec(shape):
    nd = len(shape)
    return pl.BlockSpec(shape, lambda i: (0,) * nd)


def _gconv23(batch_col, agg_s, h_s, w_rel, w_root, b, invc, with_pool=True):
    body = _gconv23_body if with_pool else _gconv3_body
    in_specs = [
        _split_spec(HALF),
        _split_spec(HALF),
        _full_spec((EMBED, EMBED)),
        _full_spec((EMBED, EMBED)),
        _full_spec((1, EMBED)),
    ]
    out_shapes = [jax.ShapeDtypeStruct((2, N_PAD, HALF), jnp.float32)]
    out_specs = [_split_spec(HALF)]
    scratch = []
    if with_pool:
        in_specs = [pl.BlockSpec((BLK, 1), lambda i: (i, 0))] + in_specs
        in_specs.append(_full_spec((N_GRAPHS, 1)))
        out_shapes.append(
            jax.ShapeDtypeStruct((2, N_GRAPHS, EMBED), jnp.float32))
        out_specs.append(pl.BlockSpec((2, N_GRAPHS, EMBED),
                                      lambda i: (0, 0, 0)))
        scratch = [pltpu.VMEM((N_GRAPHS, EMBED), jnp.float32),
                   pltpu.VMEM((N_GRAPHS, EMBED), jnp.float32)]
    args = ([batch_col] if with_pool else []) + [
        agg_s, h_s, w_rel, w_root, b.reshape(1, EMBED)]
    if with_pool:
        args.append(invc)
    res = pl.pallas_call(
        body,
        grid=(N_BLKS,),
        in_specs=in_specs,
        out_specs=out_specs,
        out_shape=out_shapes,
        scratch_shapes=scratch,
    )(*args)
    return res if with_pool else res[0]


def _gconv1(batch_col, agg_s, x_pad, w_rel, w_root, b, invc):
    res = pl.pallas_call(
        _gconv1_body,
        grid=(N_BLKS,),
        in_specs=[
            pl.BlockSpec((BLK, 1), lambda i: (i, 0)),
            _split_spec(4),
            pl.BlockSpec((BLK, 4), lambda i: (i, 0)),
            _full_spec((4, EMBED)),
            _full_spec((4, EMBED)),
            _full_spec((1, EMBED)),
            _full_spec((N_GRAPHS, 1)),
        ],
        out_specs=[_split_spec(HALF),
                   pl.BlockSpec((2, N_GRAPHS, EMBED), lambda i: (0, 0, 0))],
        out_shape=[jax.ShapeDtypeStruct((2, N_PAD, HALF), jnp.float32),
                   jax.ShapeDtypeStruct((2, N_GRAPHS, EMBED), jnp.float32)],
        scratch_shapes=[pltpu.VMEM((N_GRAPHS, EMBED), jnp.float32),
                        pltpu.VMEM((N_GRAPHS, EMBED), jnp.float32)],
    )(batch_col, agg_s, x_pad, w_rel, w_root, b.reshape(1, EMBED), invc)
    return res


def _final_body(h3_ref, batch_ref, p3_ref, starts_ref, kper_ref, invc3_ref,
                x12_ref, w1_ref, b1_ref, w2_ref, b2_ref, w3_ref, b3_ref,
                out_ref, score_s, sel_s, mx_acc):
    f32, i32, u32 = jnp.float32, jnp.int32, jnp.uint32
    p3 = p3_ref[...]
    nrm = jnp.sqrt(jnp.sum(p3 * p3))
    raw = (jnp.dot(h3_ref[0], p3[:HALF], preferred_element_type=f32)
           + jnp.dot(h3_ref[1], p3[HALF:], preferred_element_type=f32))
    score = jnp.tanh(raw / nrm)
    score_s[...] = score

    u = lax.bitcast_convert_type(score, u32)
    ukey = jnp.where((u >> 31) > 0, ~u, u | jnp.uint32(0x80000000))

    bcol = batch_ref[...]
    gids = lax.broadcasted_iota(i32, (1, N_GRAPHS), 1)
    ohf = jnp.where(bcol == gids, 1.0, 0.0).astype(f32)
    kperc = kper_ref[...]

    def tnode_of(tt):
        vhi = (tt >> 16).astype(f32)
        vlo = (tt & jnp.uint32(0xFFFF)).astype(f32)
        thi = jnp.dot(ohf, vhi, preferred_element_type=f32)
        tlo = jnp.dot(ohf, vlo, preferred_element_type=f32)
        return (thi.astype(u32) << 16) | tlo.astype(u32)

    def cnt_of(indf):
        return lax.dot_general(ohf, indf, (((0,), (0,)), ((), ())),
                               preferred_element_type=f32)

    def bit_body(t, v):
        bit = (31 - t).astype(u32)
        tt = v | (jnp.uint32(1) << bit)
        tnode = tnode_of(tt)
        indf = jnp.where(ukey >= tnode, 1.0, 0.0)
        return jnp.where(cnt_of(indf) >= kperc, tt, v)

    v = lax.fori_loop(0, 32, bit_body,
                      jnp.zeros((N_GRAPHS, 1), u32))

    tnode = tnode_of(v)
    gt = ukey > tnode
    eq = ukey == tnode
    eqf = jnp.where(eq, 1.0, 0.0)
    n_gt = cnt_of(jnp.where(gt, 1.0, 0.0))
    tie_g = kperc - n_gt

    e_incl = eqf
    shift = 1
    while shift < N_PAD:
        e_incl = e_incl + jnp.concatenate(
            [jnp.zeros((shift, 1), jnp.float32), e_incl[:N_PAD - shift]],
            axis=0)
        shift *= 2
    e_excl = e_incl - eqf

    icol = lax.broadcasted_iota(i32, (N_PAD, 1), 0)
    ltf = jnp.where(icol < starts_ref[...], 1.0, 0.0)
    base_g = lax.dot_general(ltf, eqf, (((0,), (0,)), ((), ())),
                             preferred_element_type=f32)
    base_node = jnp.dot(ohf, base_g, preferred_element_type=f32)
    tie_node = jnp.dot(ohf, tie_g, preferred_element_type=f32)
    rank = e_excl - base_node

    selb = (gt | (eq & (rank < tie_node))) & (bcol < N_GRAPHS)
    sel_s[...] = jnp.where(selb, 1.0, 0.0)
    selw = jnp.where(selb, score, 0.0)

    wsel = ohf * selw
    s0 = lax.dot_general(wsel, h3_ref[0], (((0,), (0,)), ((), ())),
                         preferred_element_type=f32)
    s1 = lax.dot_general(wsel, h3_ref[1], (((0,), (0,)), ((), ())),
                         preferred_element_type=f32)
    x3_mean = jnp.concatenate([s0, s1], axis=1) * invc3_ref[...]

    mx_acc[...] = jnp.full((N_GRAPHS, EMBED), NEG_INF, jnp.float32)

    def blk(b, carry):
        r0 = pl.multiple_of(b * BLK, BLK)
        h0b = h3_ref[0, pl.ds(r0, BLK), :]
        h1b = h3_ref[1, pl.ds(r0, BLK), :]
        scb = score_s[pl.ds(r0, BLK), :]
        seb = sel_s[pl.ds(r0, BLK), :]
        bb = batch_ref[pl.ds(r0, BLK), :]
        xp0 = h0b * scb
        xp1 = h1b * scb
        g0 = jnp.min(bb)
        g1 = jnp.minimum(jnp.max(bb) + 1, N_GRAPHS)

        def gbody(g, carry2):
            m = (bb == g) & (seb > 0.5)
            m0 = jnp.max(jnp.where(m, xp0, NEG_INF), axis=0, keepdims=True)
            m1 = jnp.max(jnp.where(m, xp1, NEG_INF), axis=0, keepdims=True)
            mq = jnp.concatenate([m0, m1], axis=1)
            mx_acc[pl.ds(g, 1), :] = jnp.maximum(mx_acc[pl.ds(g, 1), :], mq)
            return carry2

        lax.fori_loop(g0, g1, gbody, 0)
        return carry

    lax.fori_loop(0, N_BLKS, blk, 0)

    xs = x12_ref[...] + jnp.concatenate([mx_acc[...], x3_mean], axis=1)
    h = _relu(jnp.dot(xs, w1_ref[...], preferred_element_type=f32)
              + b1_ref[...])
    h = _relu(jnp.dot(h, w2_ref[...], preferred_element_type=f32)
              + b2_ref[...])
    out_ref[...] = jax.nn.sigmoid(
        jnp.dot(h, w3_ref[...], preferred_element_type=f32) + b3_ref[...])


def _final(h3_s, batch_col, p3c, starts_row, kper_col, invc3, x12,
           lin1_w, lin1_b, lin2_w, lin2_b, lin3_w, lin3_b):
    shapes = [a.shape for a in (h3_s, batch_col, p3c, starts_row, kper_col,
                                invc3, x12, lin1_w, lin1_b, lin2_w, lin2_b,
                                lin3_w, lin3_b)]
    return pl.pallas_call(
        _final_body,
        grid=(1,),
        in_specs=[pl.BlockSpec(s, lambda i, nd=len(s): (0,) * nd)
                  for s in shapes],
        out_specs=pl.BlockSpec((N_GRAPHS, 1), lambda i: (0, 0)),
        out_shape=jax.ShapeDtypeStruct((N_GRAPHS, 1), jnp.float32),
        scratch_shapes=[pltpu.VMEM((N_PAD, 1), jnp.float32),
                        pltpu.VMEM((N_PAD, 1), jnp.float32),
                        pltpu.VMEM((N_GRAPHS, EMBED), jnp.float32)],
    )(h3_s, batch_col, p3c, starts_row, kper_col, invc3, x12, lin1_w,
      lin1_b, lin2_w, lin2_b, lin3_w, lin3_b)


def kernel(x, edge_index, batch, W_rel1, b1, W_root1, W_rel2, b2, W_root2,
           W_rel3, b3, W_root3, p3, lin1_w, lin1_b, lin2_w, lin2_b, lin3_w,
           lin3_b):
    src, dst = edge_index[0], edge_index[1]

    starts = jnp.searchsorted(batch, jnp.arange(N_GRAPHS, dtype=jnp.int32),
                              side="left").astype(jnp.int32)
    ends = jnp.concatenate(
        [starts[1:], jnp.full((1,), N_NODES, jnp.int32)])
    counts = ends - starts
    invc = jnp.maximum(counts.astype(jnp.float32), 1.0).reshape(
        N_GRAPHS, 1)
    k_per = (counts * 8 + 9) // 10

    batch_col = jnp.pad(batch.reshape(N_NODES, 1),
                        ((0, N_PAD - N_NODES), (0, 0)),
                        constant_values=BATCH_PAD)

    zeros_h = jnp.zeros((RPT + TAILN, HALF), jnp.float32)
    x_pad = jnp.pad(x, ((0, N_PAD - N_NODES), (0, 0)))

    agg1 = jnp.pad(
        _segsum1(x.reshape(-1), src, dst).reshape(2, N_NODES, 4),
        ((0, 0), (0, N_PAD - N_NODES), (0, 0)))
    h1_s, pool1 = _gconv1(batch_col, agg1, x_pad, W_rel1, W_root1, b1, invc)
    agg2 = _make_segsum23()(h1_s.reshape(2 * N_PAD, HALF), src, dst,
                     zeros_h).reshape(2, N_PAD, HALF)
    h2_s, pool2 = _gconv23(batch_col, agg2, h1_s, W_rel2, W_root2, b2, invc)
    agg3 = _make_segsum23()(h2_s.reshape(2 * N_PAD, HALF), src, dst,
                     zeros_h).reshape(2, N_PAD, HALF)
    h3_s = _gconv23(None, agg3, h2_s, W_rel3, W_root3, b3, None,
                    with_pool=False)

    x1 = jnp.concatenate([pool1[0], pool1[1]], axis=1)
    x2 = jnp.concatenate([pool2[0], pool2[1]], axis=1)
    pos = jnp.arange(N_NODES, dtype=jnp.int32)
    rank = pos - starts[batch]
    mask = rank < k_per[batch]
    h3 = jnp.concatenate([h3_s[0][:N_NODES], h3_s[1][:N_NODES]], axis=1)
    score = jnp.tanh(h3 @ p3 / jnp.linalg.norm(p3))
    order = jnp.lexsort((-score, batch))
    xp = h3[order] * score[order][:, None]
    bp = batch[order]
    x3_max = jax.ops.segment_max(jnp.where(mask[:, None], xp, NEG_INF), bp,
                                 num_segments=N_GRAPHS)
    s = jax.ops.segment_sum(jnp.where(mask[:, None], xp, 0.0), bp,
                            num_segments=N_GRAPHS)
    c = jax.ops.segment_sum(jnp.where(mask, 1.0, 0.0)[:, None], bp,
                            num_segments=N_GRAPHS)
    x3 = jnp.concatenate([x3_max, s / jnp.maximum(c, 1.0)], axis=1)
    xs = x1 + x2 + x3
    h = jax.nn.relu(xs @ lin1_w + lin1_b)
    h = jax.nn.relu(h @ lin2_w + lin2_b)
    return jax.nn.sigmoid(h @ lin3_w + lin3_b)[:, 0]

# --- scband reference (transcript-rebuilt; emitter-appended) ---
"""Pipeline reference for scband-net-55319178772737 (READ-ONLY COPY).

The authoritative reference and input builder live on the scoring server;
editing this copy changes nothing except your own understanding.
"""

import jax, jax.numpy as jnp
import numpy as np

N_NODES = 10000
N_EDGES = 320000
N_GRAPHS = 64
EMBED = 256
RATIO = 0.8


def setup_inputs(seed: int = 0):
    key = jax.random.key(seed)
    ks = jax.random.split(key, 16)

    def nrm(k, shp, s=0.05):
        return jax.random.normal(k, shp, dtype=jnp.float32) * s

    inp = {}
    inp['x'] = jax.random.normal(ks[0], (N_NODES, 4), dtype=jnp.float32)
    inp['edge_index'] = jax.random.randint(ks[1], (2, N_EDGES), 0, N_NODES, dtype=jnp.int32)
    inp['batch'] = jnp.sort(jax.random.randint(ks[2], (N_NODES,), 0, N_GRAPHS, dtype=jnp.int32))
    inp['W_rel1'] = nrm(ks[3], (4, EMBED)); inp['b1'] = jnp.zeros((EMBED,), jnp.float32)
    inp['W_root1'] = nrm(ks[4], (4, EMBED))
    inp['W_rel2'] = nrm(ks[5], (EMBED, EMBED)); inp['b2'] = jnp.zeros((EMBED,), jnp.float32)
    inp['W_root2'] = nrm(ks[6], (EMBED, EMBED))
    inp['W_rel3'] = nrm(ks[7], (EMBED, EMBED)); inp['b3'] = jnp.zeros((EMBED,), jnp.float32)
    inp['W_root3'] = nrm(ks[8], (EMBED, EMBED))
    inp['p3'] = nrm(ks[9], (EMBED,), 1.0)
    inp['lin1_w'] = nrm(ks[10], (2 * EMBED, EMBED)); inp['lin1_b'] = jnp.zeros((EMBED,), jnp.float32)
    inp['lin2_w'] = nrm(ks[11], (EMBED, EMBED // 2)); inp['lin2_b'] = jnp.zeros((EMBED // 2,), jnp.float32)
    inp['lin3_w'] = nrm(ks[12], (EMBED // 2, 1)); inp['lin3_b'] = jnp.zeros((1,), jnp.float32)
    return inp


def _gconv(x, src, dst, W_rel, b, W_root):
    # torch_geometric GraphConv (aggr='add'): lin_rel(sum_{j->i} x_j) + lin_root(x_i)
    agg = jax.ops.segment_sum(x[src], dst, num_segments=x.shape[0])
    return agg @ W_rel + b + x @ W_root


def _gmp(x, b):
    return jax.ops.segment_max(x, b, num_segments=N_GRAPHS)


def _gap(x, b):
    s = jax.ops.segment_sum(x, b, num_segments=N_GRAPHS)
    c = jax.ops.segment_sum(jnp.ones((x.shape[0], 1), jnp.float32), b, num_segments=N_GRAPHS)
    return s / jnp.maximum(c, 1.0)


def _sel_mask(batch):
    # Boolean mask (in batch-major sorted order) of per-graph top ceil(ratio*n_g) positions.
    counts = jax.ops.segment_sum(jnp.ones_like(batch), batch, num_segments=N_GRAPHS)
    starts = jnp.concatenate([jnp.zeros((1,), counts.dtype), jnp.cumsum(counts)[:-1]])
    num = int(np.round(RATIO * 10))
    k_per = (counts * num + (10 - 1)) // 10  # exact ceil(RATIO * counts)
    pos = jnp.arange(N_NODES, dtype=counts.dtype)
    rank = pos - starts[batch]
    return rank < k_per[batch]


def reference(x, edge_index, batch, W_rel1, b1, W_root1, W_rel2, b2, W_root2, W_rel3, b3, W_root3, p3, lin1_w, lin1_b, lin2_w, lin2_b, lin3_w, lin3_b):
    src, dst = edge_index[0], edge_index[1]
    mask = _sel_mask(batch)
    h1 = jax.nn.relu(_gconv(x, src, dst, W_rel1, b1, W_root1))
    x1 = jnp.concatenate([_gmp(h1, batch), _gap(h1, batch)], axis=1)
    h2 = jax.nn.relu(_gconv(h1, src, dst, W_rel2, b2, W_root2))
    x2 = jnp.concatenate([_gmp(h2, batch), _gap(h2, batch)], axis=1)
    h3 = jax.nn.relu(_gconv(h2, src, dst, W_rel3, b3, W_root3))
    # TopKPooling(ratio=0.8): score = tanh(x@p/||p||), keep top ceil(0.8*n_g) per graph
    score = jnp.tanh(h3 @ p3 / jnp.linalg.norm(p3))
    order = jnp.lexsort((-score, batch))  # batch-major, score-descending within graph
    xp = h3[order] * score[order][:, None]
    bp = batch[order]
    x3_max = jax.ops.segment_max(jnp.where(mask[:, None], xp, -jnp.inf), bp, num_segments=N_GRAPHS)
    s = jax.ops.segment_sum(jnp.where(mask[:, None], xp, 0.0), bp, num_segments=N_GRAPHS)
    c = jax.ops.segment_sum(jnp.where(mask, 1.0, 0.0)[:, None], bp, num_segments=N_GRAPHS)
    x3 = jnp.concatenate([x3_max, s / jnp.maximum(c, 1.0)], axis=1)
    xs = x1 + x2 + x3
    h = jax.nn.relu(xs @ lin1_w + lin1_b)
    h = jax.nn.relu(h @ lin2_w + lin2_b)
    out = jax.nn.sigmoid(h @ lin3_w + lin3_b)[:, 0]
    return out

if __name__ == "__main__":
    import jax
    _d = setup_inputs()
    print(jax.jit(kernel)(*tuple(_d.values())))

</pallas_src>

<mosaic_0001>
#map = affine_map<(d0, d1) -> (0, 0)>
#map1 = affine_map<(d0, d1) -> (0)>
module attributes {stable_mosaic.version = 14 : i64} {
  func.func @body(%arg0: i32, %arg1: i32, %arg2: memref<20480x128xf32, #tpu.memory_space<hbm>>, %arg3: memref<320000xi32, #tpu.memory_space<hbm>>, %arg4: memref<320000xi32, #tpu.memory_space<hbm>>, %arg5: memref<640x128xf32, #tpu.memory_space<hbm>>, %arg6: memref<20480x128xf32, #tpu.memory_space<hbm>>, %arg7: memref<256xi32, #tpu.memory_space<vmem>>, %arg8: memref<256xi32, #tpu.memory_space<vmem>>, %arg9: memref<256xi32, #tpu.memory_space<vmem>>, %arg10: memref<256xi32, #tpu.memory_space<vmem>>, %arg11: memref<256xi32, #tpu.memory_space<vmem>>, %arg12: memref<256xi32, #tpu.memory_space<vmem>>, %arg13: memref<256x128xf32, #tpu.memory_space<vmem>>, %arg14: memref<256x128xf32, #tpu.memory_space<vmem>>, %arg15: memref<10000x128xf32, #tpu.memory_space<vmem_shared>>, %arg16: memref<!tpu.dma_semaphore, #tpu.memory_space<semaphore_mem>>, %arg17: memref<!tpu.dma_semaphore, #tpu.memory_space<semaphore_mem>>, %arg18: memref<!tpu.dma_semaphore, #tpu.memory_space<semaphore_mem>>, %arg19: memref<!tpu.dma_semaphore, #tpu.memory_space<semaphore_mem>>) attributes {dimension_semantics = [#tpu.dimension_semantics<core_parallel>, #tpu.dimension_semantics<subcore_parallel>], iteration_bounds = array<i64: 2, 16>, scalar_prefetch = 0 : i64, scratch_operands = 13 : i64, tpu.core_type = #tpu.core_type<sc_vector_subcore>, window_params = [{transform_indices = #map}, {transform_indices = #map1}, {transform_indices = #map1}, {transform_indices = #map}, {transform_indices = #map}]} {
    %mul3A = arith.constant 624 : i32
    %mul3A_0 = arith.muli %arg1, %mul3A : i32
    "tpu.region"() ({
      %run_scoped3A = tpu.sem_alloc : memref<!tpu.dma_semaphore, #tpu.memory_space<semaphore_mem>>
      %dma_start3A = arith.constant 0 : i32
      %dma_start3A_18 = tpu.memref_slice %arg15[%mul3A_0, %dma_start3A] : memref<10000x128xf32, #tpu.memory_space<vmem_shared>> -> memref<624x128xf32, #tpu.memory_space<vmem_shared>>
      %dma_start3A_19 = arith.constant 0 : i32
      %dma_start3A_20 = arith.constant 0 : i32
      %dma_start3A_21 = tpu.memref_slice %arg5[%dma_start3A_19, %dma_start3A_20] : memref<640x128xf32, #tpu.memory_space<hbm>> -> memref<624x128xf32, #tpu.memory_space<hbm>>
      tpu.enqueue_dma source(%dma_start3A_21 : memref<624x128xf32, #tpu.memory_space<hbm>>) target(%dma_start3A_18 : memref<624x128xf32, #tpu.memory_space<vmem_shared>>) target_semaphore(%run_scoped3A : memref<!tpu.dma_semaphore, #tpu.memory_space<semaphore_mem>>)
      %dma_wait3A = arith.constant 0 : i32
      %dma_wait3A_22 = tpu.memref_slice %arg15[%mul3A_0, %dma_wait3A] : memref<10000x128xf32, #tpu.memory_space<vmem_shared>> -> memref<624x128xf32, #tpu.memory_space<vmem_shared>>
      %dma_wait3A_23 = arith.constant 0 : i32
      %dma_wait3A_24 = arith.constant 0 : i32
      %dma_wait3A_25 = tpu.memref_slice %arg5[%dma_wait3A_23, %dma_wait3A_24] : memref<640x128xf32, #tpu.memory_space<hbm>> -> memref<624x128xf32, #tpu.memory_space<hbm>>
      tpu.wait_dma2 semaphore(%run_scoped3A : memref<!tpu.dma_semaphore, #tpu.memory_space<semaphore_mem>>) src(%dma_wait3A_25 : memref<624x128xf32, #tpu.memory_space<hbm>>) dst(%dma_wait3A_22 : memref<624x128xf32, #tpu.memory_space<vmem_shared>>)
      tpu.yield
    }) : () -> ()
    %eq3A = arith.constant 15 : i32
    %eq3A_1 = arith.cmpi eq, %arg1, %eq3A : i32
    %convert_element_type3A = arith.extui %eq3A_1 : i1 to i32
    %cond3A = arith.constant 0 : i32
    %cond3A_2 = arith.cmpi ne, %convert_element_type3A, %cond3A : i32
    scf.if %cond3A_2 {
      "tpu.region"() ({
        %run_scoped3A = tpu.sem_alloc : memref<!tpu.dma_semaphore, #tpu.memory_space<semaphore_mem>>
        %dma_start3A = arith.constant 9984 : i32
        %dma_start3A_18 = arith.constant 0 : i32
        %dma_start3A_19 = tpu.memref_slice %arg15[%dma_start3A, %dma_start3A_18] : memref<10000x128xf32, #tpu.memory_space<vmem_shared>> -> memref<16x128xf32, #tpu.memory_space<vmem_shared>>
        %dma_start3A_20 = arith.constant 624 : i32
        %dma_start3A_21 = arith.constant 0 : i32
        %dma_start3A_22 = tpu.memref_slice %arg5[%dma_start3A_20, %dma_start3A_21] : memref<640x128xf32, #tpu.memory_space<hbm>> -> memref<16x128xf32, #tpu.memory_space<hbm>>
        tpu.enqueue_dma source(%dma_start3A_22 : memref<16x128xf32, #tpu.memory_space<hbm>>) target(%dma_start3A_19 : memref<16x128xf32, #tpu.memory_space<vmem_shared>>) target_semaphore(%run_scoped3A : memref<!tpu.dma_semaphore, #tpu.memory_space<semaphore_mem>>)
        %dma_wait3A = arith.constant 9984 : i32
        %dma_wait3A_23 = arith.constant 0 : i32
        %dma_wait3A_24 = tpu.memref_slice %arg15[%dma_wait3A, %dma_wait3A_23] : memref<10000x128xf32, #tpu.memory_space<vmem_shared>> -> memref<16x128xf32, #tpu.memory_space<vmem_shared>>
        %dma_wait3A_25 = arith.constant 624 : i32
        %dma_wait3A_26 = arith.constant 0 : i32
        %dma_wait3A_27 = tpu.memref_slice %arg5[%dma_wait3A_25, %dma_wait3A_26] : memref<640x128xf32, #tpu.memory_space<hbm>> -> memref<16x128xf32, #tpu.memory_space<hbm>>
        tpu.wait_dma2 semaphore(%run_scoped3A : memref<!tpu.dma_semaphore, #tpu.memory_space<semaphore_mem>>) src(%dma_wait3A_27 : memref<16x128xf32, #tpu.memory_space<hbm>>) dst(%dma_wait3A_24 : memref<16x128xf32, #tpu.memory_space<vmem_shared>>)
        tpu.yield
      }) : () -> ()
    } else {
    }
    %barrier3A = arith.constant 0 : index
    tpu.barrier barrier_id(%barrier3A)
    %scan3A = arith.constant 0 : i32
    %scan3A_3 = arith.constant 0 : i32
    %scan3A_4 = arith.constant 79 : i32
    %scan3A_5 = arith.addi %scan3A_3, %scan3A_4 : i32
    %scan3A_6 = arith.constant 1 : i32
    scf.for %scan3A_18 = %scan3A_3 to %scan3A_5 step %scan3A_6  : i32 {
      %mul3A_19 = arith.constant 16 : i32
      %mul3A_20 = arith.muli %scan3A_18, %mul3A_19 : i32
      %add3A_21 = arith.addi %mul3A_20, %arg1 : i32
      %lt3A = arith.constant 1250 : i32
      %lt3A_22 = arith.cmpi slt, %add3A_21, %lt3A : i32
      %convert_element_type3A_23 = arith.extui %lt3A_22 : i1 to i32
      %cond3A_24 = arith.constant 0 : i32
      %cond3A_25 = arith.cmpi ne, %convert_element_type3A_23, %cond3A_24 : i32
      scf.if %cond3A_25 {
        %mul3A_26 = arith.constant 256 : i32
        %mul3A_27 = arith.muli %add3A_21, %mul3A_26 : i32
        "tpu.region"() ({
          %run_scoped3A = tpu.sem_alloc : memref<!tpu.dma_semaphore, #tpu.memory_space<semaphore_mem>>
          %dma_start3A_38 = tpu.memref_slice %arg3[%mul3A_27] : memref<320000xi32, #tpu.memory_space<hbm>> -> memref<256xi32, #tpu.memory_space<hbm>>
          %dma_start3A_39 = tpu.memref_slice %arg3[%mul3A_27] : memref<320000xi32, #tpu.memory_space<hbm>> -> memref<256xi32, #tpu.memory_space<hbm>>
          tpu.enqueue_dma source(%dma_start3A_39 : memref<256xi32, #tpu.memory_space<hbm>>) target(%arg7 : memref<256xi32, #tpu.memory_space<vmem>>) target_semaphore(%run_scoped3A : memref<!tpu.dma_semaphore, #tpu.memory_space<semaphore_mem>>)
          %dma_wait3A_40 = tpu.memref_slice %arg3[%mul3A_27] : memref<320000xi32, #tpu.memory_space<hbm>> -> memref<256xi32, #tpu.memory_space<hbm>>
          %dma_wait3A_41 = tpu.memref_slice %arg3[%mul3A_27] : memref<320000xi32, #tpu.memory_space<hbm>> -> memref<256xi32, #tpu.memory_space<hbm>>
          tpu.wait_dma2 semaphore(%run_scoped3A : memref<!tpu.dma_semaphore, #tpu.memory_space<semaphore_mem>>) src(%dma_wait3A_41 : memref<256xi32, #tpu.memory_space<hbm>>) dst(%arg7 : memref<256xi32, #tpu.memory_space<vmem>>)
          tpu.yield
        }) : () -> ()
        "tpu.region"() ({
          %run_scoped3A = tpu.sem_alloc : memref<!tpu.dma_semaphore, #tpu.memory_space<semaphore_mem>>
          %dma_start3A_38 = tpu.memref_slice %arg4[%mul3A_27] : memref<320000xi32, #tpu.memory_space<hbm>> -> memref<256xi32, #tpu.memory_space<hbm>>
          %dma_start3A_39 = tpu.memref_slice %arg4[%mul3A_27] : memref<320000xi32, #tpu.memory_space<hbm>> -> memref<256xi32, #tpu.memory_space<hbm>>
          tpu.enqueue_dma source(%dma_start3A_39 : memref<256xi32, #tpu.memory_space<hbm>>) target(%arg9 : memref<256xi32, #tpu.memory_space<vmem>>) target_semaphore(%run_scoped3A : memref<!tpu.dma_semaphore, #tpu.memory_space<semaphore_mem>>)
          %dma_wait3A_40 = tpu.memref_slice %arg4[%mul3A_27] : memref<320000xi32, #tpu.memory_space<hbm>> -> memref<256xi32, #tpu.memory_space<hbm>>
          %dma_wait3A_41 = tpu.memref_slice %arg4[%mul3A_27] : memref<320000xi32, #tpu.memory_space<hbm>> -> memref<256xi32, #tpu.memory_space<hbm>>
          tpu.wait_dma2 semaphore(%run_scoped3A : memref<!tpu.dma_semaphore, #tpu.memory_space<semaphore_mem>>) src(%dma_wait3A_41 : memref<256xi32, #tpu.memory_space<hbm>>) dst(%arg9 : memref<256xi32, #tpu.memory_space<vmem>>)
          tpu.yield
        }) : () -> ()
        %scan3A_28 = arith.constant 0 : i32
        %scan3A_29 = arith.constant 0 : i32
        %scan3A_30 = arith.constant 16 : i32
        %scan3A_31 = arith.addi %scan3A_29, %scan3A_30 : i32
        %scan3A_32 = arith.constant 1 : i32
        scf.for %scan3A_38 = %scan3A_29 to %scan3A_31 step %scan3A_32  : i32 {
          %mul3A_39 = arith.constant 16 : i32
          %mul3A_40 = arith.muli %scan3A_38, %mul3A_39 : i32
          %get3A = arith.index_cast %mul3A_40 : i32 to index
          %get3A_41 = tpu.vector_load %arg7[%get3A] {strides = array<i32>} : memref<256xi32, #tpu.memory_space<vmem>>, vector<16xi32>,
          %get3A_42 = vector.shape_cast %get3A_41 : vector<16xi32> to vector<16xi32>
          %mul3A_43 = arith.constant 10240 : i32
          %mul3A_44 = arith.muli %arg0, %mul3A_43 : i32
          %add3A_45 = vector.broadcast %mul3A_44 : i32 to vector<16xi32>
          %add3A_46 = arith.addi %get3A_42, %add3A_45 : vector<16xi32>
          %mul3A_47 = arith.constant 16 : i32
          %mul3A_48 = arith.muli %scan3A_38, %mul3A_47 : i32
          %swap3A = arith.index_cast %mul3A_48 : i32 to index
          %swap3A_49 = tpu.vector_load %arg8[%swap3A] {strides = array<i32>} : memref<256xi32, #tpu.memory_space<vmem>>, vector<16xi32>,
          %swap3A_50 = vector.shape_cast %swap3A_49 : vector<16xi32> to vector<16xi32>
          %swap3A_51 = vector.shape_cast %add3A_46 : vector<16xi32> to vector<16xi32>
          tpu.vector_store %arg8[%swap3A], %swap3A_51 {strides = array<i32>} : memref<256xi32, #tpu.memory_space<vmem>>, vector<16xi32>,
        }
        %scan3A_33 = arith.constant 16 : i32
        %dma_start3A = arith.constant 0 : i32
        %dma_start3A_34 = arith.constant 0 : i32
        %dma_start3A_35 = tpu.memref_slice %arg2[%dma_start3A, %dma_start3A_34] : memref<20480x128xf32, #tpu.memory_space<hbm>> -> memref<20480x128xf32, #tpu.memory_space<hbm>>
        tpu.enqueue_indirect_dma source(%dma_start3A_35 : memref<20480x128xf32, #tpu.memory_space<hbm>>) target(%arg13 : memref<256x128xf32, #tpu.memory_space<vmem>>) offsets(%arg8 : memref<256xi32, #tpu.memory_space<vmem>>) semaphore(%arg16 : memref<!tpu.dma_semaphore, #tpu.memory_space<semaphore_mem>>)
        %dma_wait3A = arith.constant 0 : i32
        %dma_wait3A_36 = arith.constant 0 : i32
        %dma_wait3A_37 = tpu.memref_slice %arg2[%dma_wait3A, %dma_wait3A_36] : memref<20480x128xf32, #tpu.memory_space<hbm>> -> memref<20480x128xf32, #tpu.memory_space<hbm>>
        tpu.wait_indirect_dma semaphore(%arg16 : memref<!tpu.dma_semaphore, #tpu.memory_space<semaphore_mem>>) src(%dma_wait3A_37 : memref<20480x128xf32, #tpu.memory_space<hbm>>) dst(%arg13 : memref<256x128xf32, #tpu.memory_space<vmem>>)
        "tpu.region"() ({
          %run_scoped3A = tpu.sem_alloc : memref<!tpu.dma_semaphore, #tpu.memory_space<semaphore_mem>>
          %dma_start3A_38 = arith.constant 0 : i32
          %dma_start3A_39 = arith.constant 0 : i32
          %dma_start3A_40 = tpu.memref_slice %arg15[%dma_start3A_38, %dma_start3A_39] : memref<10000x128xf32, #tpu.memory_space<vmem_shared>> -> memref<10000x128xf32, #tpu.memory_space<vmem_shared>>
          tpu.enqueue_indirect_dma source(%arg13 : memref<256x128xf32, #tpu.memory_space<vmem>>) target(%dma_start3A_40 : memref<10000x128xf32, #tpu.memory_space<vmem_shared>>) offsets(%arg9 : memref<256xi32, #tpu.memory_space<vmem>>) semaphore(%run_scoped3A : memref<!tpu.dma_semaphore, #tpu.memory_space<semaphore_mem>>) {add = true}
          %dma_wait3A_41 = arith.constant 0 : i32
          %dma_wait3A_42 = arith.constant 0 : i32
          %dma_wait3A_43 = tpu.memref_slice %arg15[%dma_wait3A_41, %dma_wait3A_42] : memref<10000x128xf32, #tpu.memory_space<vmem_shared>> -> memref<10000x128xf32, #tpu.memory_space<vmem_shared>>
          tpu.wait_indirect_dma semaphore(%run_scoped3A : memref<!tpu.dma_semaphore, #tpu.memory_space<semaphore_mem>>) src(%arg13 : memref<256x128xf32, #tpu.memory_space<vmem>>) dst(%dma_wait3A_43 : memref<10000x128xf32, #tpu.memory_space<vmem_shared>>)
          tpu.yield
        }) : () -> ()
      } else {
      }
    }
    %scan3A_7 = arith.constant 79 : i32
    %barrier3A_8 = arith.constant 0 : index
    tpu.barrier barrier_id(%barrier3A_8)
    %mul3A_9 = arith.constant 624 : i32
    %mul3A_10 = arith.muli %arg1, %mul3A_9 : i32
    %mul3A_11 = arith.constant 10240 : i32
    %mul3A_12 = arith.muli %arg0, %mul3A_11 : i32
    %add3A = arith.addi %mul3A_12, %mul3A_10 : i32
    "tpu.region"() ({
      %run_scoped3A = tpu.sem_alloc : memref<!tpu.dma_semaphore, #tpu.memory_space<semaphore_mem>>
      %dma_start3A = arith.constant 0 : i32
      %dma_start3A_18 = tpu.memref_slice %arg6[%add3A, %dma_start3A] : memref<20480x128xf32, #tpu.memory_space<hbm>> -> memref<624x128xf32, #tpu.memory_space<hbm>>
      %dma_start3A_19 = arith.constant 0 : i32
      %dma_start3A_20 = tpu.memref_slice %arg15[%mul3A_10, %dma_start3A_19] : memref<10000x128xf32, #tpu.memory_space<vmem_shared>> -> memref<624x128xf32, #tpu.memory_space<vmem_shared>>
      tpu.enqueue_dma source(%dma_start3A_20 : memref<624x128xf32, #tpu.memory_space<vmem_shared>>) target(%dma_start3A_18 : memref<624x128xf32, #tpu.memory_space<hbm>>) target_semaphore(%run_scoped3A : memref<!tpu.dma_semaphore, #tpu.memory_space<semaphore_mem>>)
      %dma_wait3A = arith.constant 0 : i32
      %dma_wait3A_21 = tpu.memref_slice %arg6[%add3A, %dma_wait3A] : memref<20480x128xf32, #tpu.memory_space<hbm>> -> memref<624x128xf32, #tpu.memory_space<hbm>>
      %dma_wait3A_22 = arith.constant 0 : i32
      %dma_wait3A_23 = tpu.memref_slice %arg15[%mul3A_10, %dma_wait3A_22] : memref<10000x128xf32, #tpu.memory_space<vmem_shared>> -> memref<624x128xf32, #tpu.memory_space<vmem_shared>>
      tpu.wait_dma2 semaphore(%run_scoped3A : memref<!tpu.dma_semaphore, #tpu.memory_space<semaphore_mem>>) src(%dma_wait3A_23 : memref<624x128xf32, #tpu.memory_space<vmem_shared>>) dst(%dma_wait3A_21 : memref<624x128xf32, #tpu.memory_space<hbm>>)
      tpu.yield
    }) : () -> ()
    %eq3A_13 = arith.constant 15 : i32
    %eq3A_14 = arith.cmpi eq, %arg1, %eq3A_13 : i32
    %convert_element_type3A_15 = arith.extui %eq3A_14 : i1 to i32
    %cond3A_16 = arith.constant 0 : i32
    %cond3A_17 = arith.cmpi ne, %convert_element_type3A_15, %cond3A_16 : i32
    scf.if %cond3A_17 {
      %mul3A_18 = arith.constant 10240 : i32
      %mul3A_19 = arith.muli %arg0, %mul3A_18 : i32
      %add3A_20 = arith.constant 9984 : i32
      %add3A_21 = arith.addi %mul3A_19, %add3A_20 : i32
      "tpu.region"() ({
        %run_scoped3A = tpu.sem_alloc : memref<!tpu.dma_semaphore, #tpu.memory_space<semaphore_mem>>
        %dma_start3A = arith.constant 0 : i32
        %dma_start3A_22 = tpu.memref_slice %arg6[%add3A_21, %dma_start3A] : memref<20480x128xf32, #tpu.memory_space<hbm>> -> memref<16x128xf32, #tpu.memory_space<hbm>>
        %dma_start3A_23 = arith.constant 9984 : i32
        %dma_start3A_24 = arith.constant 0 : i32
        %dma_start3A_25 = tpu.memref_slice %arg15[%dma_start3A_23, %dma_start3A_24] : memref<10000x128xf32, #tpu.memory_space<vmem_shared>> -> memref<16x128xf32, #tpu.memory_space<vmem_shared>>
        tpu.enqueue_dma source(%dma_start3A_25 : memref<16x128xf32, #tpu.memory_space<vmem_shared>>) target(%dma_start3A_22 : memref<16x128xf32, #tpu.memory_space<hbm>>) target_semaphore(%run_scoped3A : memref<!tpu.dma_semaphore, #tpu.memory_space<semaphore_mem>>)
        %dma_wait3A = arith.constant 0 : i32
        %dma_wait3A_26 = tpu.memref_slice %arg6[%add3A_21, %dma_wait3A] : memref<20480x128xf32, #tpu.memory_space<hbm>> -> memref<16x128xf32, #tpu.memory_space<hbm>>
        %dma_wait3A_27 = arith.constant 9984 : i32
        %dma_wait3A_28 = arith.constant 0 : i32
        %dma_wait3A_29 = tpu.memref_slice %arg15[%dma_wait3A_27, %dma_wait3A_28] : memref<10000x128xf32, #tpu.memory_space<vmem_shared>> -> memref<16x128xf32, #tpu.memory_space<vmem_shared>>
        tpu.wait_dma2 semaphore(%run_scoped3A : memref<!tpu.dma_semaphore, #tpu.memory_space<semaphore_mem>>) src(%dma_wait3A_29 : memref<16x128xf32, #tpu.memory_space<vmem_shared>>) dst(%dma_wait3A_26 : memref<16x128xf32, #tpu.memory_space<hbm>>)
        tpu.yield
      }) : () -> ()
    } else {
    }
    return
  }
}

#map = affine_map<(d0, d1) -> (0)>
module attributes {stable_mosaic.version = 14 : i64} {
  func.func @body(%arg0: i32, %arg1: i32, %arg2: memref<40000xf32, #tpu.memory_space<hbm>>, %arg3: memref<320000xi32, #tpu.memory_space<hbm>>, %arg4: memref<320000xi32, #tpu.memory_space<hbm>>, %arg5: memref<80000xf32, #tpu.memory_space<hbm>>, %arg6: memref<128xi32, #tpu.memory_space<vmem>>, %arg7: memref<128xi32, #tpu.memory_space<vmem>>, %arg8: memref<128xi32, #tpu.memory_space<vmem>>, %arg9: memref<128xi32, #tpu.memory_space<vmem>>, %arg10: memref<128xi32, #tpu.memory_space<vmem>>, %arg11: memref<128xi32, #tpu.memory_space<vmem>>, %arg12: memref<128xi32, #tpu.memory_space<vmem>>, %arg13: memref<128xi32, #tpu.memory_space<vmem>>, %arg14: memref<128xi32, #tpu.memory_space<vmem>>, %arg15: memref<128xi32, #tpu.memory_space<vmem>>, %arg16: memref<128xf32, #tpu.memory_space<vmem>>, %arg17: memref<128xf32, #tpu.memory_space<vmem>>, %arg18: memref<128xf32, #tpu.memory_space<vmem>>, %arg19: memref<128xf32, #tpu.memory_space<vmem>>, %arg20: memref<2496xf32, #tpu.memory_space<vmem>>, %arg21: memref<40000xf32, #tpu.memory_space<vmem_shared>>, %arg22: memref<!tpu.dma_semaphore, #tpu.memory_space<semaphore_mem>>, %arg23: memref<!tpu.dma_semaphore, #tpu.memory_space<semaphore_mem>>) attributes {dimension_semantics = [#tpu.dimension_semantics<core_parallel>, #tpu.dimension_semantics<subcore_parallel>], iteration_bounds = array<i64: 2, 16>, scalar_prefetch = 0 : i64, scratch_operands = 18 : i64, tpu.core_type = #tpu.core_type<sc_vector_subcore>, window_params = [{transform_indices = #map}, {transform_indices = #map}, {transform_indices = #map}, {transform_indices = #map}]} {
    %scan3A = arith.constant 0 : i32
    %scan3A_0 = arith.constant 0 : i32
    %scan3A_1 = arith.constant 156 : i32
    %scan3A_2 = arith.addi %scan3A_0, %scan3A_1 : i32
    %scan3A_3 = arith.constant 1 : i32
    scf.for %scan3A_33 = %scan3A_0 to %scan3A_2 step %scan3A_3  : i32 {
      %broadcast_in_dim3A = arith.constant 0.000000e+00 : f32
      %broadcast_in_dim3A_34 = vector.broadcast %broadcast_in_dim3A : f32 to vector<16xf32>
      %mul3A_35 = arith.constant 16 : i32
      %mul3A_36 = arith.muli %scan3A_33, %mul3A_35 : i32
      %swap3A = arith.index_cast %mul3A_36 : i32 to index
      %swap3A_37 = tpu.vector_load %arg20[%swap3A] {strides = array<i32>} : memref<2496xf32, #tpu.memory_space<vmem>>, vector<16xf32>,
      %swap3A_38 = vector.shape_cast %swap3A_37 : vector<16xf32> to vector<16xf32>
      %swap3A_39 = vector.shape_cast %broadcast_in_dim3A_34 : vector<16xf32> to vector<16xf32>
      tpu.vector_store %arg20[%swap3A], %swap3A_39 {strides = array<i32>} : memref<2496xf32, #tpu.memory_space<vmem>>, vector<16xf32>,
    }
    %scan3A_4 = arith.constant 156 : i32
    %mul3A = arith.constant 2496 : i32
    %mul3A_5 = arith.muli %arg1, %mul3A : i32
    "tpu.region"() ({
      %run_scoped3A = tpu.sem_alloc : memref<!tpu.dma_semaphore, #tpu.memory_space<semaphore_mem>>
      %dma_start3A = tpu.memref_slice %arg21[%mul3A_5] : memref<40000xf32, #tpu.memory_space<vmem_shared>> -> memref<2496xf32, #tpu.memory_space<vmem_shared>>
      %dma_start3A_33 = tpu.memref_slice %arg21[%mul3A_5] : memref<40000xf32, #tpu.memory_space<vmem_shared>> -> memref<2496xf32, #tpu.memory_space<vmem_shared>>
      tpu.enqueue_dma source(%arg20 : memref<2496xf32, #tpu.memory_space<vmem>>) target(%dma_start3A_33 : memref<2496xf32, #tpu.memory_space<vmem_shared>>) target_semaphore(%run_scoped3A : memref<!tpu.dma_semaphore, #tpu.memory_space<semaphore_mem>>)
      %dma_wait3A = tpu.memref_slice %arg21[%mul3A_5] : memref<40000xf32, #tpu.memory_space<vmem_shared>> -> memref<2496xf32, #tpu.memory_space<vmem_shared>>
      %dma_wait3A_34 = tpu.memref_slice %arg21[%mul3A_5] : memref<40000xf32, #tpu.memory_space<vmem_shared>> -> memref<2496xf32, #tpu.memory_space<vmem_shared>>
      tpu.wait_dma2 semaphore(%run_scoped3A : memref<!tpu.dma_semaphore, #tpu.memory_space<semaphore_mem>>) src(%arg20 : memref<2496xf32, #tpu.memory_space<vmem>>) dst(%dma_wait3A_34 : memref<2496xf32, #tpu.memory_space<vmem_shared>>)
      tpu.yield
    }) : () -> ()
    %eq3A = arith.constant 15 : i32
    %eq3A_6 = arith.cmpi eq, %arg1, %eq3A : i32
    %convert_element_type3A = arith.extui %eq3A_6 : i1 to i32
    %cond3A = arith.constant 0 : i32
    %cond3A_7 = arith.cmpi ne, %convert_element_type3A, %cond3A : i32
    scf.if %cond3A_7 {
      "tpu.region"() ({
        %run_scoped3A = tpu.sem_alloc : memref<!tpu.dma_semaphore, #tpu.memory_space<semaphore_mem>>
        %dma_start3A = arith.constant 0 : i32
        %dma_start3A_33 = tpu.memref_slice %arg20[%dma_start3A] : memref<2496xf32, #tpu.memory_space<vmem>> -> memref<64xf32, #tpu.memory_space<vmem>>
        %dma_start3A_34 = arith.constant 39936 : i32
        %dma_start3A_35 = tpu.memref_slice %arg21[%dma_start3A_34] : memref<40000xf32, #tpu.memory_space<vmem_shared>> -> memref<64xf32, #tpu.memory_space<vmem_shared>>
        %dma_start3A_36 = arith.constant 39936 : i32
        %dma_start3A_37 = tpu.memref_slice %arg21[%dma_start3A_36] : memref<40000xf32, #tpu.memory_space<vmem_shared>> -> memref<64xf32, #tpu.memory_space<vmem_shared>>
        %dma_start3A_38 = arith.constant 0 : i32
        %dma_start3A_39 = tpu.memref_slice %arg20[%dma_start3A_38] : memref<2496xf32, #tpu.memory_space<vmem>> -> memref<64xf32, #tpu.memory_space<vmem>>
        tpu.enqueue_dma source(%dma_start3A_39 : memref<64xf32, #tpu.memory_space<vmem>>) target(%dma_start3A_37 : memref<64xf32, #tpu.memory_space<vmem_shared>>) target_semaphore(%run_scoped3A : memref<!tpu.dma_semaphore, #tpu.memory_space<semaphore_mem>>)
        %dma_wait3A = arith.constant 0 : i32
        %dma_wait3A_40 = tpu.memref_slice %arg20[%dma_wait3A] : memref<2496xf32, #tpu.memory_space<vmem>> -> memref<64xf32, #tpu.memory_space<vmem>>
        %dma_wait3A_41 = arith.constant 39936 : i32
        %dma_wait3A_42 = tpu.memref_slice %arg21[%dma_wait3A_41] : memref<40000xf32, #tpu.memory_space<vmem_shared>> -> memref<64xf32, #tpu.memory_space<vmem_shared>>
        %dma_wait3A_43 = arith.constant 39936 : i32
        %dma_wait3A_44 = tpu.memref_slice %arg21[%dma_wait3A_43] : memref<40000xf32, #tpu.memory_space<vmem_shared>> -> memref<64xf32, #tpu.memory_space<vmem_shared>>
        %dma_wait3A_45 = arith.constant 0 : i32
        %dma_wait3A_46 = tpu.memref_slice %arg20[%dma_wait3A_45] : memref<2496xf32, #tpu.memory_space<vmem>> -> memref<64xf32, #tpu.memory_space<vmem>>
        tpu.wait_dma2 semaphore(%run_scoped3A : memref<!tpu.dma_semaphore, #tpu.memory_space<semaphore_mem>>) src(%dma_wait3A_46 : memref<64xf32, #tpu.memory_space<vmem>>) dst(%dma_wait3A_44 : memref<64xf32, #tpu.memory_space<vmem_shared>>)
        tpu.yield
      }) : () -> ()
    } else {
    }
    %barrier3A = arith.constant 0 : index
    tpu.barrier barrier_id(%barrier3A)
    %mul3A_8 = arith.constant 2 : i32
    %mul3A_9 = arith.muli %arg1, %mul3A_8 : i32
    %add3A = arith.addi %mul3A_9, %arg0 : i32
    %scan3A_10 = arith.constant 0 : i32
    %scan3A_11 = arith.constant 0 : i32
    %scan3A_12 = arith.constant 79 : i32
    %scan3A_13 = arith.addi %scan3A_11, %scan3A_12 : i32
    %scan3A_14 = arith.constant 1 : i32
    scf.for %scan3A_33 = %scan3A_11 to %scan3A_13 step %scan3A_14  : i32 {
      %mul3A_34 = arith.constant 32 : i32
      %mul3A_35 = arith.muli %scan3A_33, %mul3A_34 : i32
      %add3A_36 = arith.addi %mul3A_35, %add3A : i32
      %gt3A = arith.constant 0 : i32
      %gt3A_37 = arith.cmpi sgt, %scan3A_33, %gt3A : i32
      %sub3A = arith.constant 1 : i32
      %sub3A_38 = arith.subi %scan3A_33, %sub3A : i32
      %mul3A_39 = arith.constant 32 : i32
      %mul3A_40 = arith.muli %sub3A_38, %mul3A_39 : i32
      %add3A_41 = arith.addi %mul3A_40, %add3A : i32
      %lt3A_42 = arith.constant 2500 : i32
      %lt3A_43 = arith.cmpi slt, %add3A_41, %lt3A_42 : i32
      %and3A = arith.andi %gt3A_37, %lt3A_43 : i1
      %convert_element_type3A_44 = arith.extui %and3A : i1 to i32
      %cond3A_45 = arith.constant 0 : i32
      %cond3A_46 = arith.cmpi ne, %convert_element_type3A_44, %cond3A_45 : i32
      scf.if %cond3A_46 {
        %dma_wait3A = arith.constant 0 : i32
        %dma_wait3A_52 = tpu.memref_slice %arg21[%dma_wait3A] : memref<40000xf32, #tpu.memory_space<vmem_shared>> -> memref<40000xf32, #tpu.memory_space<vmem_shared>>
        tpu.wait_indirect_dma semaphore(%arg23 : memref<!tpu.dma_semaphore, #tpu.memory_space<semaphore_mem>>) src(%arg16 : memref<128xf32, #tpu.memory_space<vmem>>) dst(%dma_wait3A_52 : memref<40000xf32, #tpu.memory_space<vmem_shared>>)
        %dma_wait3A_53 = arith.constant 0 : i32
        %dma_wait3A_54 = tpu.memref_slice %arg21[%dma_wait3A_53] : memref<40000xf32, #tpu.memory_space<vmem_shared>> -> memref<40000xf32, #tpu.memory_space<vmem_shared>>
        tpu.wait_indirect_dma semaphore(%arg23 : memref<!tpu.dma_semaphore, #tpu.memory_space<semaphore_mem>>) src(%arg17 : memref<128xf32, #tpu.memory_space<vmem>>) dst(%dma_wait3A_54 : memref<40000xf32, #tpu.memory_space<vmem_shared>>)
        %dma_wait3A_55 = arith.constant 0 : i32
        %dma_wait3A_56 = tpu.memref_slice %arg21[%dma_wait3A_55] : memref<40000xf32, #tpu.memory_space<vmem_shared>> -> memref<40000xf32, #tpu.memory_space<vmem_shared>>
        tpu.wait_indirect_dma semaphore(%arg23 : memref<!tpu.dma_semaphore, #tpu.memory_space<semaphore_mem>>) src(%arg18 : memref<128xf32, #tpu.memory_space<vmem>>) dst(%dma_wait3A_56 : memref<40000xf32, #tpu.memory_space<vmem_shared>>)
        %dma_wait3A_57 = arith.constant 0 : i32
        %dma_wait3A_58 = tpu.memref_slice %arg21[%dma_wait3A_57] : memref<40000xf32, #tpu.memory_space<vmem_shared>> -> memref<40000xf32, #tpu.memory_space<vmem_shared>>
        tpu.wait_indirect_dma semaphore(%arg23 : memref<!tpu.dma_semaphore, #tpu.memory_space<semaphore_mem>>) src(%arg19 : memref<128xf32, #tpu.memory_space<vmem>>) dst(%dma_wait3A_58 : memref<40000xf32, #tpu.memory_space<vmem_shared>>)
      } else {
      }
      %lt3A_47 = arith.constant 2500 : i32
      %lt3A_48 = arith.cmpi slt, %add3A_36, %lt3A_47 : i32
      %convert_element_type3A_49 = arith.extui %lt3A_48 : i1 to i32
      %cond3A_50 = arith.constant 0 : i32
      %cond3A_51 = arith.cmpi ne, %convert_element_type3A_49, %cond3A_50 : i32
      scf.if %cond3A_51 {
        %mul3A_52 = arith.constant 128 : i32
        %mul3A_53 = arith.muli %add3A_36, %mul3A_52 : i32
        "tpu.region"() ({
          %run_scoped3A = tpu.sem_alloc : memref<!tpu.dma_semaphore, #tpu.memory_space<semaphore_mem>>
          %dma_start3A_100 = tpu.memref_slice %arg3[%mul3A_53] : memref<320000xi32, #tpu.memory_space<hbm>> -> memref<128xi32, #tpu.memory_space<hbm>>
          %dma_start3A_101 = tpu.memref_slice %arg3[%mul3A_53] : memref<320000xi32, #tpu.memory_space<hbm>> -> memref<128xi32, #tpu.memory_space<hbm>>
          tpu.enqueue_dma source(%dma_start3A_101 : memref<128xi32, #tpu.memory_space<hbm>>) target(%arg6 : memref<128xi32, #tpu.memory_space<vmem>>) target_semaphore(%run_scoped3A : memref<!tpu.dma_semaphore, #tpu.memory_space<semaphore_mem>>)
          %dma_wait3A_102 = tpu.memref_slice %arg3[%mul3A_53] : memref<320000xi32, #tpu.memory_space<hbm>> -> memref<128xi32, #tpu.memory_space<hbm>>
          %dma_wait3A_103 = tpu.memref_slice %arg3[%mul3A_53] : memref<320000xi32, #tpu.memory_space<hbm>> -> memref<128xi32, #tpu.memory_space<hbm>>
          tpu.wait_dma2 semaphore(%run_scoped3A : memref<!tpu.dma_semaphore, #tpu.memory_space<semaphore_mem>>) src(%dma_wait3A_103 : memref<128xi32, #tpu.memory_space<hbm>>) dst(%arg6 : memref<128xi32, #tpu.memory_space<vmem>>)
          tpu.yield
        }) : () -> ()
        "tpu.region"() ({
          %run_scoped3A = tpu.sem_alloc : memref<!tpu.dma_semaphore, #tpu.memory_space<semaphore_mem>>
          %dma_start3A_100 = tpu.memref_slice %arg4[%mul3A_53] : memref<320000xi32, #tpu.memory_space<hbm>> -> memref<128xi32, #tpu.memory_space<hbm>>
          %dma_start3A_101 = tpu.memref_slice %arg4[%mul3A_53] : memref<320000xi32, #tpu.memory_space<hbm>> -> memref<128xi32, #tpu.memory_space<hbm>>
          tpu.enqueue_dma source(%dma_start3A_101 : memref<128xi32, #tpu.memory_space<hbm>>) target(%arg7 : memref<128xi32, #tpu.memory_space<vmem>>) target_semaphore(%run_scoped3A : memref<!tpu.dma_semaphore, #tpu.memory_space<semaphore_mem>>)
          %dma_wait3A_102 = tpu.memref_slice %arg4[%mul3A_53] : memref<320000xi32, #tpu.memory_space<hbm>> -> memref<128xi32, #tpu.memory_space<hbm>>
          %dma_wait3A_103 = tpu.memref_slice %arg4[%mul3A_53] : memref<320000xi32, #tpu.memory_space<hbm>> -> memref<128xi32, #tpu.memory_space<hbm>>
          tpu.wait_dma2 semaphore(%run_scoped3A : memref<!tpu.dma_semaphore, #tpu.memory_space<semaphore_mem>>) src(%dma_wait3A_103 : memref<128xi32, #tpu.memory_space<hbm>>) dst(%arg7 : memref<128xi32, #tpu.memory_space<vmem>>)
          tpu.yield
        }) : () -> ()
        %scan3A_54 = arith.constant 0 : i32
        %scan3A_55 = arith.constant 0 : i32
        %scan3A_56 = arith.constant 8 : i32
        %scan3A_57 = arith.addi %scan3A_55, %scan3A_56 : i32
        %scan3A_58 = arith.constant 1 : i32
        scf.for %scan3A_100 = %scan3A_55 to %scan3A_57 step %scan3A_58  : i32 {
          %mul3A_101 = arith.constant 16 : i32
          %mul3A_102 = arith.muli %scan3A_100, %mul3A_101 : i32
          %get3A = arith.index_cast %mul3A_102 : i32 to index
          %get3A_103 = tpu.vector_load %arg6[%get3A] {strides = array<i32>} : memref<128xi32, #tpu.memory_space<vmem>>, vector<16xi32>,
          %get3A_104 = vector.shape_cast %get3A_103 : vector<16xi32> to vector<16xi32>
          %mul3A_105 = arith.constant 4 : i32
          %mul3A_106 = vector.broadcast %mul3A_105 : i32 to vector<16xi32>
          %mul3A_107 = arith.muli %get3A_104, %mul3A_106 : vector<16xi32>
          %add3A_108 = arith.constant 0 : i32
          %add3A_109 = vector.broadcast %add3A_108 : i32 to vector<16xi32>
          %add3A_110 = arith.addi %mul3A_107, %add3A_109 : vector<16xi32>
          %mul3A_111 = arith.constant 16 : i32
          %mul3A_112 = arith.muli %scan3A_100, %mul3A_111 : i32
          %swap3A = arith.index_cast %mul3A_112 : i32 to index
          %swap3A_113 = tpu.vector_load %arg8[%swap3A] {strides = array<i32>} : memref<128xi32, #tpu.memory_space<vmem>>, vector<16xi32>,
          %swap3A_114 = vector.shape_cast %swap3A_113 : vector<16xi32> to vector<16xi32>
          %swap3A_115 = vector.shape_cast %add3A_110 : vector<16xi32> to vector<16xi32>
          tpu.vector_store %arg8[%swap3A], %swap3A_115 {strides = array<i32>} : memref<128xi32, #tpu.memory_space<vmem>>, vector<16xi32>,
          %mul3A_116 = arith.constant 16 : i32
          %mul3A_117 = arith.muli %scan3A_100, %mul3A_116 : i32
          %get3A_118 = arith.index_cast %mul3A_117 : i32 to index
          %get3A_119 = tpu.vector_load %arg7[%get3A_118] {strides = array<i32>} : memref<128xi32, #tpu.memory_space<vmem>>, vector<16xi32>,
          %get3A_120 = vector.shape_cast %get3A_119 : vector<16xi32> to vector<16xi32>
          %mul3A_121 = arith.constant 4 : i32
          %mul3A_122 = vector.broadcast %mul3A_121 : i32 to vector<16xi32>
          %mul3A_123 = arith.muli %get3A_120, %mul3A_122 : vector<16xi32>
          %add3A_124 = arith.constant 0 : i32
          %add3A_125 = vector.broadcast %add3A_124 : i32 to vector<16xi32>
          %add3A_126 = arith.addi %mul3A_123, %add3A_125 : vector<16xi32>
          %mul3A_127 = arith.constant 16 : i32
          %mul3A_128 = arith.muli %scan3A_100, %mul3A_127 : i32
          %swap3A_129 = arith.index_cast %mul3A_128 : i32 to index
          %swap3A_130 = tpu.vector_load %arg12[%swap3A_129] {strides = array<i32>} : memref<128xi32, #tpu.memory_space<vmem>>, vector<16xi32>,
          %swap3A_131 = vector.shape_cast %swap3A_130 : vector<16xi32> to vector<16xi32>
          %swap3A_132 = vector.shape_cast %add3A_126 : vector<16xi32> to vector<16xi32>
          tpu.vector_store %arg12[%swap3A_129], %swap3A_132 {strides = array<i32>} : memref<128xi32, #tpu.memory_space<vmem>>, vector<16xi32>,
        }
        %scan3A_59 = arith.constant 8 : i32
        %dma_start3A = arith.constant 0 : i32
        %dma_start3A_60 = tpu.memref_slice %arg2[%dma_start3A] : memref<40000xf32, #tpu.memory_space<hbm>> -> memref<40000xf32, #tpu.memory_space<hbm>>
        tpu.enqueue_indirect_dma source(%dma_start3A_60 : memref<40000xf32, #tpu.memory_space<hbm>>) target(%arg16 : memref<128xf32, #tpu.memory_space<vmem>>) offsets(%arg8 : memref<128xi32, #tpu.memory_space<vmem>>) semaphore(%arg22 : memref<!tpu.dma_semaphore, #tpu.memory_space<semaphore_mem>>)
        %scan3A_61 = arith.constant 0 : i32
        %scan3A_62 = arith.constant 0 : i32
        %scan3A_63 = arith.constant 8 : i32
        %scan3A_64 = arith.addi %scan3A_62, %scan3A_63 : i32
        %scan3A_65 = arith.constant 1 : i32
        scf.for %scan3A_100 = %scan3A_62 to %scan3A_64 step %scan3A_65  : i32 {
          %mul3A_101 = arith.constant 16 : i32
          %mul3A_102 = arith.muli %scan3A_100, %mul3A_101 : i32
          %get3A = arith.index_cast %mul3A_102 : i32 to index
          %get3A_103 = tpu.vector_load %arg6[%get3A] {strides = array<i32>} : memref<128xi32, #tpu.memory_space<vmem>>, vector<16xi32>,
          %get3A_104 = vector.shape_cast %get3A_103 : vector<16xi32> to vector<16xi32>
          %mul3A_105 = arith.constant 4 : i32
          %mul3A_106 = vector.broadcast %mul3A_105 : i32 to vector<16xi32>
          %mul3A_107 = arith.muli %get3A_104, %mul3A_106 : vector<16xi32>
          %add3A_108 = arith.constant 1 : i32
          %add3A_109 = vector.broadcast %add3A_108 : i32 to vector<16xi32>
          %add3A_110 = arith.addi %mul3A_107, %add3A_109 : vector<16xi32>
          %mul3A_111 = arith.constant 16 : i32
          %mul3A_112 = arith.muli %scan3A_100, %mul3A_111 : i32
          %swap3A = arith.index_cast %mul3A_112 : i32 to index
          %swap3A_113 = tpu.vector_load %arg9[%swap3A] {strides = array<i32>} : memref<128xi32, #tpu.memory_space<vmem>>, vector<16xi32>,
          %swap3A_114 = vector.shape_cast %swap3A_113 : vector<16xi32> to vector<16xi32>
          %swap3A_115 = vector.shape_cast %add3A_110 : vector<16xi32> to vector<16xi32>
          tpu.vector_store %arg9[%swap3A], %swap3A_115 {strides = array<i32>} : memref<128xi32, #tpu.memory_space<vmem>>, vector<16xi32>,
          %mul3A_116 = arith.constant 16 : i32
          %mul3A_117 = arith.muli %scan3A_100, %mul3A_116 : i32
          %get3A_118 = arith.index_cast %mul3A_117 : i32 to index
          %get3A_119 = tpu.vector_load %arg7[%get3A_118] {strides = array<i32>} : memref<128xi32, #tpu.memory_space<vmem>>, vector<16xi32>,
          %get3A_120 = vector.shape_cast %get3A_119 : vector<16xi32> to vector<16xi32>
          %mul3A_121 = arith.constant 4 : i32
          %mul3A_122 = vector.broadcast %mul3A_121 : i32 to vector<16xi32>
          %mul3A_123 = arith.muli %get3A_120, %mul3A_122 : vector<16xi32>
          %add3A_124 = arith.constant 1 : i32
          %add3A_125 = vector.broadcast %add3A_124 : i32 to vector<16xi32>
          %add3A_126 = arith.addi %mul3A_123, %add3A_125 : vector<16xi32>
          %mul3A_127 = arith.constant 16 : i32
          %mul3A_128 = arith.muli %scan3A_100, %mul3A_127 : i32
          %swap3A_129 = arith.index_cast %mul3A_128 : i32 to index
          %swap3A_130 = tpu.vector_load %arg13[%swap3A_129] {strides = array<i32>} : memref<128xi32, #tpu.memory_space<vmem>>, vector<16xi32>,
          %swap3A_131 = vector.shape_cast %swap3A_130 : vector<16xi32> to vector<16xi32>
          %swap3A_132 = vector.shape_cast %add3A_126 : vector<16xi32> to vector<16xi32>
          tpu.vector_store %arg13[%swap3A_129], %swap3A_132 {strides = array<i32>} : memref<128xi32, #tpu.memory_space<vmem>>, vector<16xi32>,
        }
        %scan3A_66 = arith.constant 8 : i32
        %dma_start3A_67 = arith.constant 0 : i32
        %dma_start3A_68 = tpu.memref_slice %arg2[%dma_start3A_67] : memref<40000xf32, #tpu.memory_space<hbm>> -> memref<40000xf32, #tpu.memory_space<hbm>>
        tpu.enqueue_indirect_dma source(%dma_start3A_68 : memref<40000xf32, #tpu.memory_space<hbm>>) target(%arg17 : memref<128xf32, #tpu.memory_space<vmem>>) offsets(%arg9 : memref<128xi32, #tpu.memory_space<vmem>>) semaphore(%arg22 : memref<!tpu.dma_semaphore, #tpu.memory_space<semaphore_mem>>)
        %scan3A_69 = arith.constant 0 : i32
        %scan3A_70 = arith.constant 0 : i32
        %scan3A_71 = arith.constant 8 : i32
        %scan3A_72 = arith.addi %scan3A_70, %scan3A_71 : i32
        %scan3A_73 = arith.constant 1 : i32
        scf.for %scan3A_100 = %scan3A_70 to %scan3A_72 step %scan3A_73  : i32 {
          %mul3A_101 = arith.constant 16 : i32
          %mul3A_102 = arith.muli %scan3A_100, %mul3A_101 : i32
          %get3A = arith.index_cast %mul3A_102 : i32 to index
          %get3A_103 = tpu.vector_load %arg6[%get3A] {strides = array<i32>} : memref<128xi32, #tpu.memory_space<vmem>>, vector<16xi32>,
          %get3A_104 = vector.shape_cast %get3A_103 : vector<16xi32> to vector<16xi32>
          %mul3A_105 = arith.constant 4 : i32
          %mul3A_106 = vector.broadcast %mul3A_105 : i32 to vector<16xi32>
          %mul3A_107 = arith.muli %get3A_104, %mul3A_106 : vector<16xi32>
          %add3A_108 = arith.constant 2 : i32
          %add3A_109 = vector.broadcast %add3A_108 : i32 to vector<16xi32>
          %add3A_110 = arith.addi %mul3A_107, %add3A_109 : vector<16xi32>
          %mul3A_111 = arith.constant 16 : i32
          %mul3A_112 = arith.muli %scan3A_100, %mul3A_111 : i32
          %swap3A = arith.index_cast %mul3A_112 : i32 to index
          %swap3A_113 = tpu.vector_load %arg10[%swap3A] {strides = array<i32>} : memref<128xi32, #tpu.memory_space<vmem>>, vector<16xi32>,
          %swap3A_114 = vector.shape_cast %swap3A_113 : vector<16xi32> to vector<16xi32>
          %swap3A_115 = vector.shape_cast %add3A_110 : vector<16xi32> to vector<16xi32>
          tpu.vector_store %arg10[%swap3A], %swap3A_115 {strides = array<i32>} : memref<128xi32, #tpu.memory_space<vmem>>, vector<16xi32>,
          %mul3A_116 = arith.constant 16 : i32
          %mul3A_117 = arith.muli %scan3A_100, %mul3A_116 : i32
          %get3A_118 = arith.index_cast %mul3A_117 : i32 to index
          %get3A_119 = tpu.vector_load %arg7[%get3A_118] {strides = array<i32>} : memref<128xi32, #tpu.memory_space<vmem>>, vector<16xi32>,
          %get3A_120 = vector.shape_cast %get3A_119 : vector<16xi32> to vector<16xi32>
          %mul3A_121 = arith.constant 4 : i32
          %mul3A_122 = vector.broadcast %mul3A_121 : i32 to vector<16xi32>
          %mul3A_123 = arith.muli %get3A_120, %mul3A_122 : vector<16xi32>
          %add3A_124 = arith.constant 2 : i32
          %add3A_125 = vector.broadcast %add3A_124 : i32 to vector<16xi32>
          %add3A_126 = arith.addi %mul3A_123, %add3A_125 : vector<16xi32>
          %mul3A_127 = arith.constant 16 : i32
          %mul3A_128 = arith.muli %scan3A_100, %mul3A_127 : i32
          %swap3A_129 = arith.index_cast %mul3A_128 : i32 to index
          %swap3A_130 = tpu.vector_load %arg14[%swap3A_129] {strides = array<i32>} : memref<128xi32, #tpu.memory_space<vmem>>, vector<16xi32>,
          %swap3A_131 = vector.shape_cast %swap3A_130 : vector<16xi32> to vector<16xi32>
          %swap3A_132 = vector.shape_cast %add3A_126 : vector<16xi32> to vector<16xi32>
          tpu.vector_store %arg14[%swap3A_129], %swap3A_132 {strides = array<i32>} : memref<128xi32, #tpu.memory_space<vmem>>, vector<16xi32>,
        }
        %scan3A_74 = arith.constant 8 : i32
        %dma_start3A_75 = arith.constant 0 : i32
        %dma_start3A_76 = tpu.memref_slice %arg2[%dma_start3A_75] : memref<40000xf32, #tpu.memory_space<hbm>> -> memref<40000xf32, #tpu.memory_space<hbm>>
        tpu.enqueue_indirect_dma source(%dma_start3A_76 : memref<40000xf32, #tpu.memory_space<hbm>>) target(%arg18 : memref<128xf32, #tpu.memory_space<vmem>>) offsets(%arg10 : memref<128xi32, #tpu.memory_space<vmem>>) semaphore(%arg22 : memref<!tpu.dma_semaphore, #tpu.memory_space<semaphore_mem>>)
        %scan3A_77 = arith.constant 0 : i32
        %scan3A_78 = arith.constant 0 : i32
        %scan3A_79 = arith.constant 8 : i32
        %scan3A_80 = arith.addi %scan3A_78, %scan3A_79 : i32
        %scan3A_81 = arith.constant 1 : i32
        scf.for %scan3A_100 = %scan3A_78 to %scan3A_80 step %scan3A_81  : i32 {
          %mul3A_101 = arith.constant 16 : i32
          %mul3A_102 = arith.muli %scan3A_100, %mul3A_101 : i32
          %get3A = arith.index_cast %mul3A_102 : i32 to index
          %get3A_103 = tpu.vector_load %arg6[%get3A] {strides = array<i32>} : memref<128xi32, #tpu.memory_space<vmem>>, vector<16xi32>,
          %get3A_104 = vector.shape_cast %get3A_103 : vector<16xi32> to vector<16xi32>
          %mul3A_105 = arith.constant 4 : i32
          %mul3A_106 = vector.broadcast %mul3A_105 : i32 to vector<16xi32>
          %mul3A_107 = arith.muli %get3A_104, %mul3A_106 : vector<16xi32>
          %add3A_108 = arith.constant 3 : i32
          %add3A_109 = vector.broadcast %add3A_108 : i32 to vector<16xi32>
          %add3A_110 = arith.addi %mul3A_107, %add3A_109 : vector<16xi32>
          %mul3A_111 = arith.constant 16 : i32
          %mul3A_112 = arith.muli %scan3A_100, %mul3A_111 : i32
          %swap3A = arith.index_cast %mul3A_112 : i32 to index
          %swap3A_113 = tpu.vector_load %arg11[%swap3A] {strides = array<i32>} : memref<128xi32, #tpu.memory_space<vmem>>, vector<16xi32>,
          %swap3A_114 = vector.shape_cast %swap3A_113 : vector<16xi32> to vector<16xi32>
          %swap3A_115 = vector.shape_cast %add3A_110 : vector<16xi32> to vector<16xi32>
          tpu.vector_store %arg11[%swap3A], %swap3A_115 {strides = array<i32>} : memref<128xi32, #tpu.memory_space<vmem>>, vector<16xi32>,
          %mul3A_116 = arith.constant 16 : i32
          %mul3A_117 = arith.muli %scan3A_100, %mul3A_116 : i32
          %get3A_118 = arith.index_cast %mul3A_117 : i32 to index
          %get3A_119 = tpu.vector_load %arg7[%get3A_118] {strides = array<i32>} : memref<128xi32, #tpu.memory_space<vmem>>, vector<16xi32>,
          %get3A_120 = vector.shape_cast %get3A_119 : vector<16xi32> to vector<16xi32>
          %mul3A_121 = arith.constant 4 : i32
          %mul3A_122 = vector.broadcast %mul3A_121 : i32 to vector<16xi32>
          %mul3A_123 = arith.muli %get3A_120, %mul3A_122 : vector<16xi32>
          %add3A_124 = arith.constant 3 : i32
          %add3A_125 = vector.broadcast %add3A_124 : i32 to vector<16xi32>
          %add3A_126 = arith.addi %mul3A_123, %add3A_125 : vector<16xi32>
          %mul3A_127 = arith.constant 16 : i32
          %mul3A_128 = arith.muli %scan3A_100, %mul3A_127 : i32
          %swap3A_129 = arith.index_cast %mul3A_128 : i32 to index
          %swap3A_130 = tpu.vector_load %arg15[%swap3A_129] {strides = array<i32>} : memref<128xi32, #tpu.memory_space<vmem>>, vector<16xi32>,
          %swap3A_131 = vector.shape_cast %swap3A_130 : vector<16xi32> to vector<16xi32>
          %swap3A_132 = vector.shape_cast %add3A_126 : vector<16xi32> to vector<16xi32>
          tpu.vector_store %arg15[%swap3A_129], %swap3A_132 {strides = array<i32>} : memref<128xi32, #tpu.memory_space<vmem>>, vector<16xi32>,
        }
        %scan3A_82 = arith.constant 8 : i32
        %dma_start3A_83 = arith.constant 0 : i32
        %dma_start3A_84 = tpu.memref_slice %arg2[%dma_start3A_83] : memref<40000xf32, #tpu.memory_space<hbm>> -> memref<40000xf32, #tpu.memory_space<hbm>>
        tpu.enqueue_indirect_dma source(%dma_start3A_84 : memref<40000xf32, #tpu.memory_space<hbm>>) target(%arg19 : memref<128xf32, #tpu.memory_space<vmem>>) offsets(%arg11 : memref<128xi32, #tpu.memory_space<vmem>>) semaphore(%arg22 : memref<!tpu.dma_semaphore, #tpu.memory_space<semaphore_mem>>)
        %dma_wait3A = arith.constant 0 : i32
        %dma_wait3A_85 = tpu.memref_slice %arg2[%dma_wait3A] : memref<40000xf32, #tpu.memory_space<hbm>> -> memref<40000xf32, #tpu.memory_space<hbm>>
        tpu.wait_indirect_dma semaphore(%arg22 : memref<!tpu.dma_semaphore, #tpu.memory_space<semaphore_mem>>) src(%dma_wait3A_85 : memref<40000xf32, #tpu.memory_space<hbm>>) dst(%arg16 : memref<128xf32, #tpu.memory_space<vmem>>)
        %dma_wait3A_86 = arith.constant 0 : i32
        %dma_wait3A_87 = tpu.memref_slice %arg2[%dma_wait3A_86] : memref<40000xf32, #tpu.memory_space<hbm>> -> memref<40000xf32, #tpu.memory_space<hbm>>
        tpu.wait_indirect_dma semaphore(%arg22 : memref<!tpu.dma_semaphore, #tpu.memory_space<semaphore_mem>>) src(%dma_wait3A_87 : memref<40000xf32, #tpu.memory_space<hbm>>) dst(%arg17 : memref<128xf32, #tpu.memory_space<vmem>>)
        %dma_wait3A_88 = arith.constant 0 : i32
        %dma_wait3A_89 = tpu.memref_slice %arg2[%dma_wait3A_88] : memref<40000xf32, #tpu.memory_space<hbm>> -> memref<40000xf32, #tpu.memory_space<hbm>>
        tpu.wait_indirect_dma semaphore(%arg22 : memref<!tpu.dma_semaphore, #tpu.memory_space<semaphore_mem>>) src(%dma_wait3A_89 : memref<40000xf32, #tpu.memory_space<hbm>>) dst(%arg18 : memref<128xf32, #tpu.memory_space<vmem>>)
        %dma_wait3A_90 = arith.constant 0 : i32
        %dma_wait3A_91 = tpu.memref_slice %arg2[%dma_wait3A_90] : memref<40000xf32, #tpu.memory_space<hbm>> -> memref<40000xf32, #tpu.memory_space<hbm>>
        tpu.wait_indirect_dma semaphore(%arg22 : memref<!tpu.dma_semaphore, #tpu.memory_space<semaphore_mem>>) src(%dma_wait3A_91 : memref<40000xf32, #tpu.memory_space<hbm>>) dst(%arg19 : memref<128xf32, #tpu.memory_space<vmem>>)
        %dma_start3A_92 = arith.constant 0 : i32
        %dma_start3A_93 = tpu.memref_slice %arg21[%dma_start3A_92] : memref<40000xf32, #tpu.memory_space<vmem_shared>> -> memref<40000xf32, #tpu.memory_space<vmem_shared>>
        tpu.enqueue_indirect_dma source(%arg16 : memref<128xf32, #tpu.memory_space<vmem>>) target(%dma_start3A_93 : memref<40000xf32, #tpu.memory_space<vmem_shared>>) offsets(%arg12 : memref<128xi32, #tpu.memory_space<vmem>>) semaphore(%arg23 : memref<!tpu.dma_semaphore, #tpu.memory_space<semaphore_mem>>) {add = true}
        %dma_start3A_94 = arith.constant 0 : i32
        %dma_start3A_95 = tpu.memref_slice %arg21[%dma_start3A_94] : memref<40000xf32, #tpu.memory_space<vmem_shared>> -> memref<40000xf32, #tpu.memory_space<vmem_shared>>
        tpu.enqueue_indirect_dma source(%arg17 : memref<128xf32, #tpu.memory_space<vmem>>) target(%dma_start3A_95 : memref<40000xf32, #tpu.memory_space<vmem_shared>>) offsets(%arg13 : memref<128xi32, #tpu.memory_space<vmem>>) semaphore(%arg23 : memref<!tpu.dma_semaphore, #tpu.memory_space<semaphore_mem>>) {add = true}
        %dma_start3A_96 = arith.constant 0 : i32
        %dma_start3A_97 = tpu.memref_slice %arg21[%dma_start3A_96] : memref<40000xf32, #tpu.memory_space<vmem_shared>> -> memref<40000xf32, #tpu.memory_space<vmem_shared>>
        tpu.enqueue_indirect_dma source(%arg18 : memref<128xf32, #tpu.memory_space<vmem>>) target(%dma_start3A_97 : memref<40000xf32, #tpu.memory_space<vmem_shared>>) offsets(%arg14 : memref<128xi32, #tpu.memory_space<vmem>>) semaphore(%arg23 : memref<!tpu.dma_semaphore, #tpu.memory_space<semaphore_mem>>) {add = true}
        %dma_start3A_98 = arith.constant 0 : i32
        %dma_start3A_99 = tpu.memref_slice %arg21[%dma_start3A_98] : memref<40000xf32, #tpu.memory_space<vmem_shared>> -> memref<40000xf32, #tpu.memory_space<vmem_shared>>
        tpu.enqueue_indirect_dma source(%arg19 : memref<128xf32, #tpu.memory_space<vmem>>) target(%dma_start3A_99 : memref<40000xf32, #tpu.memory_space<vmem_shared>>) offsets(%arg15 : memref<128xi32, #tpu.memory_space<vmem>>) semaphore(%arg23 : memref<!tpu.dma_semaphore, #tpu.memory_space<semaphore_mem>>) {add = true}
      } else {
      }
    }
    %scan3A_15 = arith.constant 79 : i32
    %add3A_16 = arith.constant 2496 : i32
    %add3A_17 = arith.addi %add3A_16, %add3A : i32
    %lt3A = arith.constant 2500 : i32
    %lt3A_18 = arith.cmpi slt, %add3A_17, %lt3A : i32
    %convert_element_type3A_19 = arith.extui %lt3A_18 : i1 to i32
    %cond3A_20 = arith.constant 0 : i32
    %cond3A_21 = arith.cmpi ne, %convert_element_type3A_19, %cond3A_20 : i32
    scf.if %cond3A_21 {
      %dma_wait3A = arith.constant 0 : i32
      %dma_wait3A_33 = tpu.memref_slice %arg21[%dma_wait3A] : memref<40000xf32, #tpu.memory_space<vmem_shared>> -> memref<40000xf32, #tpu.memory_space<vmem_shared>>
      tpu.wait_indirect_dma semaphore(%arg23 : memref<!tpu.dma_semaphore, #tpu.memory_space<semaphore_mem>>) src(%arg16 : memref<128xf32, #tpu.memory_space<vmem>>) dst(%dma_wait3A_33 : memref<40000xf32, #tpu.memory_space<vmem_shared>>)
      %dma_wait3A_34 = arith.constant 0 : i32
      %dma_wait3A_35 = tpu.memref_slice %arg21[%dma_wait3A_34] : memref<40000xf32, #tpu.memory_space<vmem_shared>> -> memref<40000xf32, #tpu.memory_space<vmem_shared>>
      tpu.wait_indirect_dma semaphore(%arg23 : memref<!tpu.dma_semaphore, #tpu.memory_space<semaphore_mem>>) src(%arg17 : memref<128xf32, #tpu.memory_space<vmem>>) dst(%dma_wait3A_35 : memref<40000xf32, #tpu.memory_space<vmem_shared>>)
      %dma_wait3A_36 = arith.constant 0 : i32
      %dma_wait3A_37 = tpu.memref_slice %arg21[%dma_wait3A_36] : memref<40000xf32, #tpu.memory_space<vmem_shared>> -> memref<40000xf32, #tpu.memory_space<vmem_shared>>
      tpu.wait_indirect_dma semaphore(%arg23 : memref<!tpu.dma_semaphore, #tpu.memory_space<semaphore_mem>>) src(%arg18 : memref<128xf32, #tpu.memory_space<vmem>>) dst(%dma_wait3A_37 : memref<40000xf32, #tpu.memory_space<vmem_shared>>)
      %dma_wait3A_38 = arith.constant 0 : i32
      %dma_wait3A_39 = tpu.memref_slice %arg21[%dma_wait3A_38] : memref<40000xf32, #tpu.memory_space<vmem_shared>> -> memref<40000xf32, #tpu.memory_space<vmem_shared>>
      tpu.wait_indirect_dma semaphore(%arg23 : memref<!tpu.dma_semaphore, #tpu.memory_space<semaphore_mem>>) src(%arg19 : memref<128xf32, #tpu.memory_space<vmem>>) dst(%dma_wait3A_39 : memref<40000xf32, #tpu.memory_space<vmem_shared>>)
    } else {
    }
    %barrier3A_22 = arith.constant 0 : index
    tpu.barrier barrier_id(%barrier3A_22)
    %mul3A_23 = arith.constant 2496 : i32
    %mul3A_24 = arith.muli %arg1, %mul3A_23 : i32
    "tpu.region"() ({
      %run_scoped3A = tpu.sem_alloc : memref<!tpu.dma_semaphore, #tpu.memory_space<semaphore_mem>>
      %dma_start3A = tpu.memref_slice %arg21[%mul3A_24] : memref<40000xf32, #tpu.memory_space<vmem_shared>> -> memref<2496xf32, #tpu.memory_space<vmem_shared>>
      %dma_start3A_33 = tpu.memref_slice %arg21[%mul3A_24] : memref<40000xf32, #tpu.memory_space<vmem_shared>> -> memref<2496xf32, #tpu.memory_space<vmem_shared>>
      tpu.enqueue_dma source(%dma_start3A_33 : memref<2496xf32, #tpu.memory_space<vmem_shared>>) target(%arg20 : memref<2496xf32, #tpu.memory_space<vmem>>) target_semaphore(%run_scoped3A : memref<!tpu.dma_semaphore, #tpu.memory_space<semaphore_mem>>)
      %dma_wait3A = tpu.memref_slice %arg21[%mul3A_24] : memref<40000xf32, #tpu.memory_space<vmem_shared>> -> memref<2496xf32, #tpu.memory_space<vmem_shared>>
      %dma_wait3A_34 = tpu.memref_slice %arg21[%mul3A_24] : memref<40000xf32, #tpu.memory_space<vmem_shared>> -> memref<2496xf32, #tpu.memory_space<vmem_shared>>
      tpu.wait_dma2 semaphore(%run_scoped3A : memref<!tpu.dma_semaphore, #tpu.memory_space<semaphore_mem>>) src(%dma_wait3A_34 : memref<2496xf32, #tpu.memory_space<vmem_shared>>) dst(%arg20 : memref<2496xf32, #tpu.memory_space<vmem>>)
      tpu.yield
    }) : () -> ()
    %mul3A_25 = arith.constant 40000 : i32
    %mul3A_26 = arith.muli %arg0, %mul3A_25 : i32
    %add3A_27 = arith.addi %mul3A_26, %mul3A_24 : i32
    "tpu.region"() ({
      %run_scoped3A = tpu.sem_alloc : memref<!tpu.dma_semaphore, #tpu.memory_space<semaphore_mem>>
      %dma_start3A = tpu.memref_slice %arg5[%add3A_27] : memref<80000xf32, #tpu.memory_space<hbm>> -> memref<2496xf32, #tpu.memory_space<hbm>>
      %dma_start3A_33 = tpu.memref_slice %arg5[%add3A_27] : memref<80000xf32, #tpu.memory_space<hbm>> -> memref<2496xf32, #tpu.memory_space<hbm>>
      tpu.enqueue_dma source(%arg20 : memref<2496xf32, #tpu.memory_space<vmem>>) target(%dma_start3A_33 : memref<2496xf32, #tpu.memory_space<hbm>>) target_semaphore(%run_scoped3A : memref<!tpu.dma_semaphore, #tpu.memory_space<semaphore_mem>>)
      %dma_wait3A = tpu.memref_slice %arg5[%add3A_27] : memref<80000xf32, #tpu.memory_space<hbm>> -> memref<2496xf32, #tpu.memory_space<hbm>>
      %dma_wait3A_34 = tpu.memref_slice %arg5[%add3A_27] : memref<80000xf32, #tpu.memory_space<hbm>> -> memref<2496xf32, #tpu.memory_space<hbm>>
      tpu.wait_dma2 semaphore(%run_scoped3A : memref<!tpu.dma_semaphore, #tpu.memory_space<semaphore_mem>>) src(%arg20 : memref<2496xf32, #tpu.memory_space<vmem>>) dst(%dma_wait3A_34 : memref<2496xf32, #tpu.memory_space<hbm>>)
      tpu.yield
    }) : () -> ()
    %eq3A_28 = arith.constant 15 : i32
    %eq3A_29 = arith.cmpi eq, %arg1, %eq3A_28 : i32
    %convert_element_type3A_30 = arith.extui %eq3A_29 : i1 to i32
    %cond3A_31 = arith.constant 0 : i32
    %cond3A_32 = arith.cmpi ne, %convert_element_type3A_30, %cond3A_31 : i32
    scf.if %cond3A_32 {
      "tpu.region"() ({
        %run_scoped3A = tpu.sem_alloc : memref<!tpu.dma_semaphore, #tpu.memory_space<semaphore_mem>>
        %dma_start3A = arith.constant 0 : i32
        %dma_start3A_37 = tpu.memref_slice %arg20[%dma_start3A] : memref<2496xf32, #tpu.memory_space<vmem>> -> memref<64xf32, #tpu.memory_space<vmem>>
        %dma_start3A_38 = arith.constant 39936 : i32
        %dma_start3A_39 = tpu.memref_slice %arg21[%dma_start3A_38] : memref<40000xf32, #tpu.memory_space<vmem_shared>> -> memref<64xf32, #tpu.memory_space<vmem_shared>>
        %dma_start3A_40 = arith.constant 0 : i32
        %dma_start3A_41 = tpu.memref_slice %arg20[%dma_start3A_40] : memref<2496xf32, #tpu.memory_space<vmem>> -> memref<64xf32, #tpu.memory_space<vmem>>
        %dma_start3A_42 = arith.constant 39936 : i32
        %dma_start3A_43 = tpu.memref_slice %arg21[%dma_start3A_42] : memref<40000xf32, #tpu.memory_space<vmem_shared>> -> memref<64xf32, #tpu.memory_space<vmem_shared>>
        tpu.enqueue_dma source(%dma_start3A_43 : memref<64xf32, #tpu.memory_space<vmem_shared>>) target(%dma_start3A_41 : memref<64xf32, #tpu.memory_space<vmem>>) target_semaphore(%run_scoped3A : memref<!tpu.dma_semaphore, #tpu.memory_space<semaphore_mem>>)
        %dma_wait3A = arith.constant 0 : i32
        %dma_wait3A_44 = tpu.memref_slice %arg20[%dma_wait3A] : memref<2496xf32, #tpu.memory_space<vmem>> -> memref<64xf32, #tpu.memory_space<vmem>>
        %dma_wait3A_45 = arith.constant 39936 : i32
        %dma_wait3A_46 = tpu.memref_slice %arg21[%dma_wait3A_45] : memref<40000xf32, #tpu.memory_space<vmem_shared>> -> memref<64xf32, #tpu.memory_space<vmem_shared>>
        %dma_wait3A_47 = arith.constant 0 : i32
        %dma_wait3A_48 = tpu.memref_slice %arg20[%dma_wait3A_47] : memref<2496xf32, #tpu.memory_space<vmem>> -> memref<64xf32, #tpu.memory_space<vmem>>
        %dma_wait3A_49 = arith.constant 39936 : i32
        %dma_wait3A_50 = tpu.memref_slice %arg21[%dma_wait3A_49] : memref<40000xf32, #tpu.memory_space<vmem_shared>> -> memref<64xf32, #tpu.memory_space<vmem_shared>>
        tpu.wait_dma2 semaphore(%run_scoped3A : memref<!tpu.dma_semaphore, #tpu.memory_space<semaphore_mem>>) src(%dma_wait3A_50 : memref<64xf32, #tpu.memory_space<vmem_shared>>) dst(%dma_wait3A_48 : memref<64xf32, #tpu.memory_space<vmem>>)
        tpu.yield
      }) : () -> ()
      %mul3A_33 = arith.constant 40000 : i32
      %mul3A_34 = arith.muli %arg0, %mul3A_33 : i32
      %add3A_35 = arith.constant 39936 : i32
      %add3A_36 = arith.addi %mul3A_34, %add3A_35 : i32
      "tpu.region"() ({
        %run_scoped3A = tpu.sem_alloc : memref<!tpu.dma_semaphore, #tpu.memory_space<semaphore_mem>>
        %dma_start3A = arith.constant 0 : i32
        %dma_start3A_37 = tpu.memref_slice %arg20[%dma_start3A] : memref<2496xf32, #tpu.memory_space<vmem>> -> memref<64xf32, #tpu.memory_space<vmem>>
        %dma_start3A_38 = tpu.memref_slice %arg5[%add3A_36] : memref<80000xf32, #tpu.memory_space<hbm>> -> memref<64xf32, #tpu.memory_space<hbm>>
        %dma_start3A_39 = tpu.memref_slice %arg5[%add3A_36] : memref<80000xf32, #tpu.memory_space<hbm>> -> memref<64xf32, #tpu.memory_space<hbm>>
        %dma_start3A_40 = arith.constant 0 : i32
        %dma_start3A_41 = tpu.memref_slice %arg20[%dma_start3A_40] : memref<2496xf32, #tpu.memory_space<vmem>> -> memref<64xf32, #tpu.memory_space<vmem>>
        tpu.enqueue_dma source(%dma_start3A_41 : memref<64xf32, #tpu.memory_space<vmem>>) target(%dma_start3A_39 : memref<64xf32, #tpu.memory_space<hbm>>) target_semaphore(%run_scoped3A : memref<!tpu.dma_semaphore, #tpu.memory_space<semaphore_mem>>)
        %dma_wait3A = arith.constant 0 : i32
        %dma_wait3A_42 = tpu.memref_slice %arg20[%dma_wait3A] : memref<2496xf32, #tpu.memory_space<vmem>> -> memref<64xf32, #tpu.memory_space<vmem>>
        %dma_wait3A_43 = tpu.memref_slice %arg5[%add3A_36] : memref<80000xf32, #tpu.memory_space<hbm>> -> memref<64xf32, #tpu.memory_space<hbm>>
        %dma_wait3A_44 = tpu.memref_slice %arg5[%add3A_36] : memref<80000xf32, #tpu.memory_space<hbm>> -> memref<64xf32, #tpu.memory_space<hbm>>
        %dma_wait3A_45 = arith.constant 0 : i32
        %dma_wait3A_46 = tpu.memref_slice %arg20[%dma_wait3A_45] : memref<2496xf32, #tpu.memory_space<vmem>> -> memref<64xf32, #tpu.memory_space<vmem>>
        tpu.wait_dma2 semaphore(%run_scoped3A : memref<!tpu.dma_semaphore, #tpu.memory_space<semaphore_mem>>) src(%dma_wait3A_46 : memref<64xf32, #tpu.memory_space<vmem>>) dst(%dma_wait3A_44 : memref<64xf32, #tpu.memory_space<hbm>>)
        tpu.yield
      }) : () -> ()
    } else {
    }
    return
  }
}

#map = affine_map<(d0, d1) -> (0, 0)>
#map1 = affine_map<(d0, d1) -> (0)>
module attributes {stable_mosaic.version = 14 : i64} {
  func.func @body(%arg0: i32, %arg1: i32, %arg2: memref<20480x128xf32, #tpu.memory_space<hbm>>, %arg3: memref<320000xi32, #tpu.memory_space<hbm>>, %arg4: memref<320000xi32, #tpu.memory_space<hbm>>, %arg5: memref<640x128xf32, #tpu.memory_space<hbm>>, %arg6: memref<20480x128xf32, #tpu.memory_space<hbm>>, %arg7: memref<256xi32, #tpu.memory_space<vmem>>, %arg8: memref<256xi32, #tpu.memory_space<vmem>>, %arg9: memref<256xi32, #tpu.memory_space<vmem>>, %arg10: memref<256xi32, #tpu.memory_space<vmem>>, %arg11: memref<256xi32, #tpu.memory_space<vmem>>, %arg12: memref<256xi32, #tpu.memory_space<vmem>>, %arg13: memref<256x128xf32, #tpu.memory_space<vmem>>, %arg14: memref<256x128xf32, #tpu.memory_space<vmem>>, %arg15: memref<10000x128xf32, #tpu.memory_space<vmem_shared>>, %arg16: memref<!tpu.dma_semaphore, #tpu.memory_space<semaphore_mem>>, %arg17: memref<!tpu.dma_semaphore, #tpu.memory_space<semaphore_mem>>, %arg18: memref<!tpu.dma_semaphore, #tpu.memory_space<semaphore_mem>>, %arg19: memref<!tpu.dma_semaphore, #tpu.memory_space<semaphore_mem>>) attributes {dimension_semantics = [#tpu.dimension_semantics<core_parallel>, #tpu.dimension_semantics<subcore_parallel>], iteration_bounds = array<i64: 2, 16>, scalar_prefetch = 0 : i64, scratch_operands = 13 : i64, tpu.core_type = #tpu.core_type<sc_vector_subcore>, window_params = [{transform_indices = #map}, {transform_indices = #map1}, {transform_indices = #map1}, {transform_indices = #map}, {transform_indices = #map}]} {
    %mul3A = arith.constant 624 : i32
    %mul3A_0 = arith.muli %arg1, %mul3A : i32
    "tpu.region"() ({
      %run_scoped3A = tpu.sem_alloc : memref<!tpu.dma_semaphore, #tpu.memory_space<semaphore_mem>>
      %dma_start3A = arith.constant 0 : i32
      %dma_start3A_18 = tpu.memref_slice %arg15[%mul3A_0, %dma_start3A] : memref<10000x128xf32, #tpu.memory_space<vmem_shared>> -> memref<624x128xf32, #tpu.memory_space<vmem_shared>>
      %dma_start3A_19 = arith.constant 0 : i32
      %dma_start3A_20 = arith.constant 0 : i32
      %dma_start3A_21 = tpu.memref_slice %arg5[%dma_start3A_19, %dma_start3A_20] : memref<640x128xf32, #tpu.memory_space<hbm>> -> memref<624x128xf32, #tpu.memory_space<hbm>>
      tpu.enqueue_dma source(%dma_start3A_21 : memref<624x128xf32, #tpu.memory_space<hbm>>) target(%dma_start3A_18 : memref<624x128xf32, #tpu.memory_space<vmem_shared>>) target_semaphore(%run_scoped3A : memref<!tpu.dma_semaphore, #tpu.memory_space<semaphore_mem>>)
      %dma_wait3A = arith.constant 0 : i32
      %dma_wait3A_22 = tpu.memref_slice %arg15[%mul3A_0, %dma_wait3A] : memref<10000x128xf32, #tpu.memory_space<vmem_shared>> -> memref<624x128xf32, #tpu.memory_space<vmem_shared>>
      %dma_wait3A_23 = arith.constant 0 : i32
      %dma_wait3A_24 = arith.constant 0 : i32
      %dma_wait3A_25 = tpu.memref_slice %arg5[%dma_wait3A_23, %dma_wait3A_24] : memref<640x128xf32, #tpu.memory_space<hbm>> -> memref<624x128xf32, #tpu.memory_space<hbm>>
      tpu.wait_dma2 semaphore(%run_scoped3A : memref<!tpu.dma_semaphore, #tpu.memory_space<semaphore_mem>>) src(%dma_wait3A_25 : memref<624x128xf32, #tpu.memory_space<hbm>>) dst(%dma_wait3A_22 : memref<624x128xf32, #tpu.memory_space<vmem_shared>>)
      tpu.yield
    }) : () -> ()
    %eq3A = arith.constant 15 : i32
    %eq3A_1 = arith.cmpi eq, %arg1, %eq3A : i32
    %convert_element_type3A = arith.extui %eq3A_1 : i1 to i32
    %cond3A = arith.constant 0 : i32
    %cond3A_2 = arith.cmpi ne, %convert_element_type3A, %cond3A : i32
    scf.if %cond3A_2 {
      "tpu.region"() ({
        %run_scoped3A = tpu.sem_alloc : memref<!tpu.dma_semaphore, #tpu.memory_space<semaphore_mem>>
        %dma_start3A = arith.constant 9984 : i32
        %dma_start3A_18 = arith.constant 0 : i32
        %dma_start3A_19 = tpu.memref_slice %arg15[%dma_start3A, %dma_start3A_18] : memref<10000x128xf32, #tpu.memory_space<vmem_shared>> -> memref<16x128xf32, #tpu.memory_space<vmem_shared>>
        %dma_start3A_20 = arith.constant 624 : i32
        %dma_start3A_21 = arith.constant 0 : i32
        %dma_start3A_22 = tpu.memref_slice %arg5[%dma_start3A_20, %dma_start3A_21] : memref<640x128xf32, #tpu.memory_space<hbm>> -> memref<16x128xf32, #tpu.memory_space<hbm>>
        tpu.enqueue_dma source(%dma_start3A_22 : memref<16x128xf32, #tpu.memory_space<hbm>>) target(%dma_start3A_19 : memref<16x128xf32, #tpu.memory_space<vmem_shared>>) target_semaphore(%run_scoped3A : memref<!tpu.dma_semaphore, #tpu.memory_space<semaphore_mem>>)
        %dma_wait3A = arith.constant 9984 : i32
        %dma_wait3A_23 = arith.constant 0 : i32
        %dma_wait3A_24 = tpu.memref_slice %arg15[%dma_wait3A, %dma_wait3A_23] : memref<10000x128xf32, #tpu.memory_space<vmem_shared>> -> memref<16x128xf32, #tpu.memory_space<vmem_shared>>
        %dma_wait3A_25 = arith.constant 624 : i32
        %dma_wait3A_26 = arith.constant 0 : i32
        %dma_wait3A_27 = tpu.memref_slice %arg5[%dma_wait3A_25, %dma_wait3A_26] : memref<640x128xf32, #tpu.memory_space<hbm>> -> memref<16x128xf32, #tpu.memory_space<hbm>>
        tpu.wait_dma2 semaphore(%run_scoped3A : memref<!tpu.dma_semaphore, #tpu.memory_space<semaphore_mem>>) src(%dma_wait3A_27 : memref<16x128xf32, #tpu.memory_space<hbm>>) dst(%dma_wait3A_24 : memref<16x128xf32, #tpu.memory_space<vmem_shared>>)
        tpu.yield
      }) : () -> ()
    } else {
    }
    %barrier3A = arith.constant 0 : index
    tpu.barrier barrier_id(%barrier3A)
    %scan3A = arith.constant 0 : i32
    %scan3A_3 = arith.constant 0 : i32
    %scan3A_4 = arith.constant 79 : i32
    %scan3A_5 = arith.addi %scan3A_3, %scan3A_4 : i32
    %scan3A_6 = arith.constant 1 : i32
    scf.for %scan3A_18 = %scan3A_3 to %scan3A_5 step %scan3A_6  : i32 {
      %mul3A_19 = arith.constant 16 : i32
      %mul3A_20 = arith.muli %scan3A_18, %mul3A_19 : i32
      %add3A_21 = arith.addi %mul3A_20, %arg1 : i32
      %lt3A = arith.constant 1250 : i32
      %lt3A_22 = arith.cmpi slt, %add3A_21, %lt3A : i32
      %convert_element_type3A_23 = arith.extui %lt3A_22 : i1 to i32
      %cond3A_24 = arith.constant 0 : i32
      %cond3A_25 = arith.cmpi ne, %convert_element_type3A_23, %cond3A_24 : i32
      scf.if %cond3A_25 {
        %mul3A_26 = arith.constant 256 : i32
        %mul3A_27 = arith.muli %add3A_21, %mul3A_26 : i32
        "tpu.region"() ({
          %run_scoped3A = tpu.sem_alloc : memref<!tpu.dma_semaphore, #tpu.memory_space<semaphore_mem>>
          %dma_start3A_38 = tpu.memref_slice %arg3[%mul3A_27] : memref<320000xi32, #tpu.memory_space<hbm>> -> memref<256xi32, #tpu.memory_space<hbm>>
          %dma_start3A_39 = tpu.memref_slice %arg3[%mul3A_27] : memref<320000xi32, #tpu.memory_space<hbm>> -> memref<256xi32, #tpu.memory_space<hbm>>
          tpu.enqueue_dma source(%dma_start3A_39 : memref<256xi32, #tpu.memory_space<hbm>>) target(%arg7 : memref<256xi32, #tpu.memory_space<vmem>>) target_semaphore(%run_scoped3A : memref<!tpu.dma_semaphore, #tpu.memory_space<semaphore_mem>>)
          %dma_wait3A_40 = tpu.memref_slice %arg3[%mul3A_27] : memref<320000xi32, #tpu.memory_space<hbm>> -> memref<256xi32, #tpu.memory_space<hbm>>
          %dma_wait3A_41 = tpu.memref_slice %arg3[%mul3A_27] : memref<320000xi32, #tpu.memory_space<hbm>> -> memref<256xi32, #tpu.memory_space<hbm>>
          tpu.wait_dma2 semaphore(%run_scoped3A : memref<!tpu.dma_semaphore, #tpu.memory_space<semaphore_mem>>) src(%dma_wait3A_41 : memref<256xi32, #tpu.memory_space<hbm>>) dst(%arg7 : memref<256xi32, #tpu.memory_space<vmem>>)
          tpu.yield
        }) : () -> ()
        "tpu.region"() ({
          %run_scoped3A = tpu.sem_alloc : memref<!tpu.dma_semaphore, #tpu.memory_space<semaphore_mem>>
          %dma_start3A_38 = tpu.memref_slice %arg4[%mul3A_27] : memref<320000xi32, #tpu.memory_space<hbm>> -> memref<256xi32, #tpu.memory_space<hbm>>
          %dma_start3A_39 = tpu.memref_slice %arg4[%mul3A_27] : memref<320000xi32, #tpu.memory_space<hbm>> -> memref<256xi32, #tpu.memory_space<hbm>>
          tpu.enqueue_dma source(%dma_start3A_39 : memref<256xi32, #tpu.memory_space<hbm>>) target(%arg9 : memref<256xi32, #tpu.memory_space<vmem>>) target_semaphore(%run_scoped3A : memref<!tpu.dma_semaphore, #tpu.memory_space<semaphore_mem>>)
          %dma_wait3A_40 = tpu.memref_slice %arg4[%mul3A_27] : memref<320000xi32, #tpu.memory_space<hbm>> -> memref<256xi32, #tpu.memory_space<hbm>>
          %dma_wait3A_41 = tpu.memref_slice %arg4[%mul3A_27] : memref<320000xi32, #tpu.memory_space<hbm>> -> memref<256xi32, #tpu.memory_space<hbm>>
          tpu.wait_dma2 semaphore(%run_scoped3A : memref<!tpu.dma_semaphore, #tpu.memory_space<semaphore_mem>>) src(%dma_wait3A_41 : memref<256xi32, #tpu.memory_space<hbm>>) dst(%arg9 : memref<256xi32, #tpu.memory_space<vmem>>)
          tpu.yield
        }) : () -> ()
        %scan3A_28 = arith.constant 0 : i32
        %scan3A_29 = arith.constant 0 : i32
        %scan3A_30 = arith.constant 16 : i32
        %scan3A_31 = arith.addi %scan3A_29, %scan3A_30 : i32
        %scan3A_32 = arith.constant 1 : i32
        scf.for %scan3A_38 = %scan3A_29 to %scan3A_31 step %scan3A_32  : i32 {
          %mul3A_39 = arith.constant 16 : i32
          %mul3A_40 = arith.muli %scan3A_38, %mul3A_39 : i32
          %get3A = arith.index_cast %mul3A_40 : i32 to index
          %get3A_41 = tpu.vector_load %arg7[%get3A] {strides = array<i32>} : memref<256xi32, #tpu.memory_space<vmem>>, vector<16xi32>,
          %get3A_42 = vector.shape_cast %get3A_41 : vector<16xi32> to vector<16xi32>
          %mul3A_43 = arith.constant 10240 : i32
          %mul3A_44 = arith.muli %arg0, %mul3A_43 : i32
          %add3A_45 = vector.broadcast %mul3A_44 : i32 to vector<16xi32>
          %add3A_46 = arith.addi %get3A_42, %add3A_45 : vector<16xi32>
          %mul3A_47 = arith.constant 16 : i32
          %mul3A_48 = arith.muli %scan3A_38, %mul3A_47 : i32
          %swap3A = arith.index_cast %mul3A_48 : i32 to index
          %swap3A_49 = tpu.vector_load %arg8[%swap3A] {strides = array<i32>} : memref<256xi32, #tpu.memory_space<vmem>>, vector<16xi32>,
          %swap3A_50 = vector.shape_cast %swap3A_49 : vector<16xi32> to vector<16xi32>
          %swap3A_51 = vector.shape_cast %add3A_46 : vector<16xi32> to vector<16xi32>
          tpu.vector_store %arg8[%swap3A], %swap3A_51 {strides = array<i32>} : memref<256xi32, #tpu.memory_space<vmem>>, vector<16xi32>,
        }
        %scan3A_33 = arith.constant 16 : i32
        %dma_start3A = arith.constant 0 : i32
        %dma_start3A_34 = arith.constant 0 : i32
        %dma_start3A_35 = tpu.memref_slice %arg2[%dma_start3A, %dma_start3A_34] : memref<20480x128xf32, #tpu.memory_space<hbm>> -> memref<20480x128xf32, #tpu.memory_space<hbm>>
        tpu.enqueue_indirect_dma source(%dma_start3A_35 : memref<20480x128xf32, #tpu.memory_space<hbm>>) target(%arg13 : memref<256x128xf32, #tpu.memory_space<vmem>>) offsets(%arg8 : memref<256xi32, #tpu.memory_space<vmem>>) semaphore(%arg16 : memref<!tpu.dma_semaphore, #tpu.memory_space<semaphore_mem>>)
        %dma_wait3A = arith.constant 0 : i32
        %dma_wait3A_36 = arith.constant 0 : i32
        %dma_wait3A_37 = tpu.memref_slice %arg2[%dma_wait3A, %dma_wait3A_36] : memref<20480x128xf32, #tpu.memory_space<hbm>> -> memref<20480x128xf32, #tpu.memory_space<hbm>>
        tpu.wait_indirect_dma semaphore(%arg16 : memref<!tpu.dma_semaphore, #tpu.memory_space<semaphore_mem>>) src(%dma_wait3A_37 : memref<20480x128xf32, #tpu.memory_space<hbm>>) dst(%arg13 : memref<256x128xf32, #tpu.memory_space<vmem>>)
        "tpu.region"() ({
          %run_scoped3A = tpu.sem_alloc : memref<!tpu.dma_semaphore, #tpu.memory_space<semaphore_mem>>
          %dma_start3A_38 = arith.constant 0 : i32
          %dma_start3A_39 = arith.constant 0 : i32
          %dma_start3A_40 = tpu.memref_slice %arg15[%dma_start3A_38, %dma_start3A_39] : memref<10000x128xf32, #tpu.memory_space<vmem_shared>> -> memref<10000x128xf32, #tpu.memory_space<vmem_shared>>
          tpu.enqueue_indirect_dma source(%arg13 : memref<256x128xf32, #tpu.memory_space<vmem>>) target(%dma_start3A_40 : memref<10000x128xf32, #tpu.memory_space<vmem_shared>>) offsets(%arg9 : memref<256xi32, #tpu.memory_space<vmem>>) semaphore(%run_scoped3A : memref<!tpu.dma_semaphore, #tpu.memory_space<semaphore_mem>>) {add = true}
          %dma_wait3A_41 = arith.constant 0 : i32
          %dma_wait3A_42 = arith.constant 0 : i32
          %dma_wait3A_43 = tpu.memref_slice %arg15[%dma_wait3A_41, %dma_wait3A_42] : memref<10000x128xf32, #tpu.memory_space<vmem_shared>> -> memref<10000x128xf32, #tpu.memory_space<vmem_shared>>
          tpu.wait_indirect_dma semaphore(%run_scoped3A : memref<!tpu.dma_semaphore, #tpu.memory_space<semaphore_mem>>) src(%arg13 : memref<256x128xf32, #tpu.memory_space<vmem>>) dst(%dma_wait3A_43 : memref<10000x128xf32, #tpu.memory_space<vmem_shared>>)
          tpu.yield
        }) : () -> ()
      } else {
      }
    }
    %scan3A_7 = arith.constant 79 : i32
    %barrier3A_8 = arith.constant 0 : index
    tpu.barrier barrier_id(%barrier3A_8)
    %mul3A_9 = arith.constant 624 : i32
    %mul3A_10 = arith.muli %arg1, %mul3A_9 : i32
    %mul3A_11 = arith.constant 10240 : i32
    %mul3A_12 = arith.muli %arg0, %mul3A_11 : i32
    %add3A = arith.addi %mul3A_12, %mul3A_10 : i32
    "tpu.region"() ({
      %run_scoped3A = tpu.sem_alloc : memref<!tpu.dma_semaphore, #tpu.memory_space<semaphore_mem>>
      %dma_start3A = arith.constant 0 : i32
      %dma_start3A_18 = tpu.memref_slice %arg6[%add3A, %dma_start3A] : memref<20480x128xf32, #tpu.memory_space<hbm>> -> memref<624x128xf32, #tpu.memory_space<hbm>>
      %dma_start3A_19 = arith.constant 0 : i32
      %dma_start3A_20 = tpu.memref_slice %arg15[%mul3A_10, %dma_start3A_19] : memref<10000x128xf32, #tpu.memory_space<vmem_shared>> -> memref<624x128xf32, #tpu.memory_space<vmem_shared>>
      tpu.enqueue_dma source(%dma_start3A_20 : memref<624x128xf32, #tpu.memory_space<vmem_shared>>) target(%dma_start3A_18 : memref<624x128xf32, #tpu.memory_space<hbm>>) target_semaphore(%run_scoped3A : memref<!tpu.dma_semaphore, #tpu.memory_space<semaphore_mem>>)
      %dma_wait3A = arith.constant 0 : i32
      %dma_wait3A_21 = tpu.memref_slice %arg6[%add3A, %dma_wait3A] : memref<20480x128xf32, #tpu.memory_space<hbm>> -> memref<624x128xf32, #tpu.memory_space<hbm>>
      %dma_wait3A_22 = arith.constant 0 : i32
      %dma_wait3A_23 = tpu.memref_slice %arg15[%mul3A_10, %dma_wait3A_22] : memref<10000x128xf32, #tpu.memory_space<vmem_shared>> -> memref<624x128xf32, #tpu.memory_space<vmem_shared>>
      tpu.wait_dma2 semaphore(%run_scoped3A : memref<!tpu.dma_semaphore, #tpu.memory_space<semaphore_mem>>) src(%dma_wait3A_23 : memref<624x128xf32, #tpu.memory_space<vmem_shared>>) dst(%dma_wait3A_21 : memref<624x128xf32, #tpu.memory_space<hbm>>)
      tpu.yield
    }) : () -> ()
    %eq3A_13 = arith.constant 15 : i32
    %eq3A_14 = arith.cmpi eq, %arg1, %eq3A_13 : i32
    %convert_element_type3A_15 = arith.extui %eq3A_14 : i1 to i32
    %cond3A_16 = arith.constant 0 : i32
    %cond3A_17 = arith.cmpi ne, %convert_element_type3A_15, %cond3A_16 : i32
    scf.if %cond3A_17 {
      %mul3A_18 = arith.constant 10240 : i32
      %mul3A_19 = arith.muli %arg0, %mul3A_18 : i32
      %add3A_20 = arith.constant 9984 : i32
      %add3A_21 = arith.addi %mul3A_19, %add3A_20 : i32
      "tpu.region"() ({
        %run_scoped3A = tpu.sem_alloc : memref<!tpu.dma_semaphore, #tpu.memory_space<semaphore_mem>>
        %dma_start3A = arith.constant 0 : i32
        %dma_start3A_22 = tpu.memref_slice %arg6[%add3A_21, %dma_start3A] : memref<20480x128xf32, #tpu.memory_space<hbm>> -> memref<16x128xf32, #tpu.memory_space<hbm>>
        %dma_start3A_23 = arith.constant 9984 : i32
        %dma_start3A_24 = arith.constant 0 : i32
        %dma_start3A_25 = tpu.memref_slice %arg15[%dma_start3A_23, %dma_start3A_24] : memref<10000x128xf32, #tpu.memory_space<vmem_shared>> -> memref<16x128xf32, #tpu.memory_space<vmem_shared>>
        tpu.enqueue_dma source(%dma_start3A_25 : memref<16x128xf32, #tpu.memory_space<vmem_shared>>) target(%dma_start3A_22 : memref<16x128xf32, #tpu.memory_space<hbm>>) target_semaphore(%run_scoped3A : memref<!tpu.dma_semaphore, #tpu.memory_space<semaphore_mem>>)
        %dma_wait3A = arith.constant 0 : i32
        %dma_wait3A_26 = tpu.memref_slice %arg6[%add3A_21, %dma_wait3A] : memref<20480x128xf32, #tpu.memory_space<hbm>> -> memref<16x128xf32, #tpu.memory_space<hbm>>
        %dma_wait3A_27 = arith.constant 9984 : i32
        %dma_wait3A_28 = arith.constant 0 : i32
        %dma_wait3A_29 = tpu.memref_slice %arg15[%dma_wait3A_27, %dma_wait3A_28] : memref<10000x128xf32, #tpu.memory_space<vmem_shared>> -> memref<16x128xf32, #tpu.memory_space<vmem_shared>>
        tpu.wait_dma2 semaphore(%run_scoped3A : memref<!tpu.dma_semaphore, #tpu.memory_space<semaphore_mem>>) src(%dma_wait3A_29 : memref<16x128xf32, #tpu.memory_space<vmem_shared>>) dst(%dma_wait3A_26 : memref<16x128xf32, #tpu.memory_space<hbm>>)
        tpu.yield
      }) : () -> ()
    } else {
    }
    return
  }
}

module attributes {stable_mosaic.version = 14 : i64} {
  func.func @_gconv1_body(%arg0: i32, %arg1: memref<1024x1xi32, #tpu.memory_space<vmem>>, %arg2: memref<2x1024x4xf32, #tpu.memory_space<vmem>>, %arg3: memref<1024x4xf32, #tpu.memory_space<vmem>>, %arg4: memref<4x256xf32, #tpu.memory_space<vmem>>, %arg5: memref<4x256xf32, #tpu.memory_space<vmem>>, %arg6: memref<1x256xf32, #tpu.memory_space<vmem>>, %arg7: memref<64x1xf32, #tpu.memory_space<vmem>>, %arg8: memref<2x1024x128xf32, #tpu.memory_space<vmem>>, %arg9: memref<2x64x256xf32, #tpu.memory_space<vmem>>, %arg10: memref<64x256xf32, #tpu.memory_space<vmem>>, %arg11: memref<64x256xf32, #tpu.memory_space<vmem>>) attributes {dimension_semantics = [#tpu.dimension_semantics<arbitrary>], iteration_bounds = array<i64: 10>, scalar_prefetch = 0 : i64, scratch_operands = 2 : i64, tpu.core_type = #tpu.core_type<tc>, window_params = [{transform_indices = @transform_0, window_bounds = array<i64: 1024, 1>}, {transform_indices = @transform_1, window_bounds = array<i64: 2, 1024, 4>}, {transform_indices = @transform_2, window_bounds = array<i64: 1024, 4>}, {pipeline_mode = #tpu.pipeline_mode<synchronous>, transform_indices = @transform_3, window_bounds = array<i64: 4, 256>}, {pipeline_mode = #tpu.pipeline_mode<synchronous>, transform_indices = @transform_4, window_bounds = array<i64: 4, 256>}, {pipeline_mode = #tpu.pipeline_mode<synchronous>, transform_indices = @transform_5, window_bounds = array<i64: 1, 256>}, {pipeline_mode = #tpu.pipeline_mode<synchronous>, transform_indices = @transform_6, window_bounds = array<i64: 64, 1>}, {transform_indices = @transform_7, window_bounds = array<i64: 2, 1024, 128>}, {pipeline_mode = #tpu.pipeline_mode<synchronous>, transform_indices = @transform_8, window_bounds = array<i64: 2, 64, 256>}]} {
    %get3A = arith.constant 0 : index
    %get3A_0 = arith.constant 0 : index
    %get3A_1 = arith.constant 0 : index
    %get3A_2 = vector.load %arg2[%get3A, %get3A_0, %get3A_1] : memref<2x1024x4xf32, #tpu.memory_space<vmem>>, vector<1x1024x4xf32>
    %get3A_3 = vector.shape_cast %get3A_2 : vector<1x1024x4xf32> to vector<1024x4xf32>
    %get3A_4 = arith.constant 1 : index
    %get3A_5 = arith.constant 0 : index
    %get3A_6 = arith.constant 0 : index
    %get3A_7 = vector.load %arg2[%get3A_4, %get3A_5, %get3A_6] : memref<2x1024x4xf32, #tpu.memory_space<vmem>>, vector<1x1024x4xf32>
    %get3A_8 = vector.shape_cast %get3A_7 : vector<1x1024x4xf32> to vector<1024x4xf32>
    %add3A = arith.addf %get3A_3, %get3A_8 : vector<1024x4xf32>
    %get3A_9 = arith.constant 0 : index
    %get3A_10 = arith.constant 0 : index
    %get3A_11 = vector.load %arg4[%get3A_9, %get3A_10] : memref<4x256xf32, #tpu.memory_space<vmem>>, vector<4x256xf32>
    %dot_general3A = arith.constant dense<0.000000e+00> : vector<1024x256xf32>
    %dot_general3A_12 = tpu.matmul %add3A, %get3A_11, %dot_general3A {dimension_numbers = #tpu.dot_dimension_numbers<[1], [0], [0], [1], [0, 0, 1, 1], [], []>, transpose_lhs_hint = false} : vector<1024x4xf32>, vector<4x256xf32>, vector<1024x256xf32> -> vector<1024x256xf32>
    %get3A_13 = arith.constant 0 : index
    %get3A_14 = arith.constant 0 : index
    %get3A_15 = vector.load %arg3[%get3A_13, %get3A_14] : memref<1024x4xf32, #tpu.memory_space<vmem>>, vector<1024x4xf32>
    %get3A_16 = arith.constant 0 : index
    %get3A_17 = arith.constant 0 : index
    %get3A_18 = vector.load %arg5[%get3A_16, %get3A_17] : memref<4x256xf32, #tpu.memory_space<vmem>>, vector<4x256xf32>
    %dot_general3A_19 = arith.constant dense<0.000000e+00> : vector<1024x256xf32>
    %dot_general3A_20 = tpu.matmul %get3A_15, %get3A_18, %dot_general3A_19 {dimension_numbers = #tpu.dot_dimension_numbers<[1], [0], [0], [1], [0, 0, 1, 1], [], []>, transpose_lhs_hint = false} : vector<1024x4xf32>, vector<4x256xf32>, vector<1024x256xf32> -> vector<1024x256xf32>
    %add3A_21 = arith.addf %dot_general3A_12, %dot_general3A_20 : vector<1024x256xf32>
    %get3A_22 = arith.constant 0 : index
    %get3A_23 = arith.constant 0 : index
    %get3A_24 = vector.load %arg6[%get3A_22, %get3A_23] : memref<1x256xf32, #tpu.memory_space<vmem>>, vector<1x256xf32>
    %add3A_25 = vector.broadcast %get3A_24 : vector<1x256xf32> to vector<1024x256xf32>
    %add3A_26 = arith.addf %add3A_21, %add3A_25 : vector<1024x256xf32>
    %max3A = arith.constant 0.000000e+00 : f32
    %max3A_27 = vector.broadcast %max3A : f32 to vector<1024x256xf32>
    %max3A_28 = arith.maximumf %add3A_26, %max3A_27 : vector<1024x256xf32>
    %slice3A = vector.extract_strided_slice %max3A_28 {offsets = [0, 0], sizes = [1024, 128], strides = [1, 1]} : vector<1024x256xf32> to vector<1024x128xf32>
    %swap3A = arith.constant 0 : index
    %swap3A_29 = arith.constant 0 : index
    %swap3A_30 = arith.constant 0 : index
    %swap3A_31 = vector.load %arg8[%swap3A, %swap3A_29, %swap3A_30] : memref<2x1024x128xf32, #tpu.memory_space<vmem>>, vector<1x1024x128xf32>
    %swap3A_32 = vector.shape_cast %swap3A_31 : vector<1x1024x128xf32> to vector<1024x128xf32>
    %swap3A_33 = vector.shape_cast %slice3A : vector<1024x128xf32> to vector<1x1024x128xf32>
    tpu.vector_store %arg8[%swap3A, %swap3A_29, %swap3A_30], %swap3A_33 {strides = array<i32>} : memref<2x1024x128xf32, #tpu.memory_space<vmem>>, vector<1x1024x128xf32>,
    %slice3A_34 = vector.extract_strided_slice %max3A_28 {offsets = [0, 128], sizes = [1024, 128], strides = [1, 1]} : vector<1024x256xf32> to vector<1024x128xf32>
    %swap3A_35 = arith.constant 1 : index
    %swap3A_36 = arith.constant 0 : index
    %swap3A_37 = arith.constant 0 : index
    %swap3A_38 = vector.load %arg8[%swap3A_35, %swap3A_36, %swap3A_37] : memref<2x1024x128xf32, #tpu.memory_space<vmem>>, vector<1x1024x128xf32>
    %swap3A_39 = vector.shape_cast %swap3A_38 : vector<1x1024x128xf32> to vector<1024x128xf32>
    %swap3A_40 = vector.shape_cast %slice3A_34 : vector<1024x128xf32> to vector<1x1024x128xf32>
    tpu.vector_store %arg8[%swap3A_35, %swap3A_36, %swap3A_37], %swap3A_40 {strides = array<i32>} : memref<2x1024x128xf32, #tpu.memory_space<vmem>>, vector<1x1024x128xf32>,
    %get3A_41 = arith.constant 0 : index
    %get3A_42 = arith.constant 0 : index
    %get3A_43 = vector.load %arg1[%get3A_41, %get3A_42] : memref<1024x1xi32, #tpu.memory_space<vmem>>, vector<1024x1xi32>
    %eq3A = arith.constant 0 : i32
    %eq3A_44 = arith.cmpi eq, %arg0, %eq3A : i32
    %convert_element_type3A = arith.extui %eq3A_44 : i1 to i32
    %cond3A = arith.constant 0 : i32
    %cond3A_45 = arith.cmpi ne, %convert_element_type3A, %cond3A : i32
    scf.if %cond3A_45 {
      %broadcast_in_dim3A = arith.constant 0xFF800000 : f32
      %broadcast_in_dim3A_70 = vector.broadcast %broadcast_in_dim3A : f32 to vector<64x256xf32>
      %swap3A_71 = arith.constant 0 : index
      %swap3A_72 = arith.constant 0 : index
      %swap3A_73 = vector.load %arg10[%swap3A_71, %swap3A_72] : memref<64x256xf32, #tpu.memory_space<vmem>>, vector<64x256xf32>
      tpu.vector_store %arg10[%swap3A_71, %swap3A_72], %broadcast_in_dim3A_70 {strides = array<i32>} : memref<64x256xf32, #tpu.memory_space<vmem>>, vector<64x256xf32>,
      %broadcast_in_dim3A_74 = arith.constant 0.000000e+00 : f32
      %broadcast_in_dim3A_75 = vector.broadcast %broadcast_in_dim3A_74 : f32 to vector<64x256xf32>
      %swap3A_76 = arith.constant 0 : index
      %swap3A_77 = arith.constant 0 : index
      %swap3A_78 = vector.load %arg11[%swap3A_76, %swap3A_77] : memref<64x256xf32, #tpu.memory_space<vmem>>, vector<64x256xf32>
      tpu.vector_store %arg11[%swap3A_76, %swap3A_77], %broadcast_in_dim3A_75 {strides = array<i32>} : memref<64x256xf32, #tpu.memory_space<vmem>>, vector<64x256xf32>,
    } else {
    }
    %reduce_min3A = vector.shape_cast %get3A_43 : vector<1024x1xi32> to vector<1x1024x1xi32>
    %reduce_min3A_46 = arith.constant dense<2147483647> : vector<1xi32>
    %reduce_min3A_47 = vector.multi_reduction <minsi>, %reduce_min3A, %reduce_min3A_46 [1, 2] : vector<1x1024x1xi32> to vector<1xi32>
    %reduce_min3A_48 = vector.shape_cast %reduce_min3A_47 : vector<1xi32> to vector<1x1x1xi32>
    %reduce_min3A_49 = vector.extract %reduce_min3A_48[0, 0, 0] : i32 from vector<1x1x1xi32>
    %reduce_max3A = vector.shape_cast %get3A_43 : vector<1024x1xi32> to vector<1x1024x1xi32>
    %reduce_max3A_50 = arith.constant dense<-2147483648> : vector<1xi32>
    %reduce_max3A_51 = vector.multi_reduction <maxsi>, %reduce_max3A, %reduce_max3A_50 [1, 2] : vector<1x1024x1xi32> to vector<1xi32>
    %reduce_max3A_52 = vector.shape_cast %reduce_max3A_51 : vector<1xi32> to vector<1x1x1xi32>
    %reduce_max3A_53 = vector.extract %reduce_max3A_52[0, 0, 0] : i32 from vector<1x1x1xi32>
    %add3A_54 = arith.constant 1 : i32
    %add3A_55 = arith.addi %reduce_max3A_53, %add3A_54 : i32
    %min3A = arith.constant 64 : i32
    %min3A_56 = arith.minsi %add3A_55, %min3A : i32
    %while3A = arith.constant 0 : i32
    %while3A_57 = arith.subi %min3A_56, %reduce_min3A_49 : i32
    %while3A_58 = arith.addi %reduce_min3A_49, %while3A_57 : i32
    %while3A_59 = arith.constant 1 : i32
    %while3A_60 = arith.divsi %while3A_57, %while3A_59 : i32
    %while3A_61 = arith.muli %while3A_60, %while3A_59 : i32
    %while3A_62 = arith.addi %reduce_min3A_49, %while3A_61 : i32
    %while3A_63 = arith.constant 1 : i32
    scf.for %while3A_70 = %reduce_min3A_49 to %while3A_62 step %while3A_63  : i32 {
      %eq3A_71 = vector.broadcast %while3A_70 : i32 to vector<1024x1xi32>
      %eq3A_72 = arith.cmpi eq, %get3A_43, %eq3A_71 : vector<1024x1xi32>
      %jit3A = arith.constant 0xFF800000 : f32
      %broadcast_in_dim3A = vector.shape_cast %eq3A_72 : vector<1024x1xi1> to vector<1024x1xi1>
      %broadcast_in_dim3A_73 = vector.broadcast %broadcast_in_dim3A : vector<1024x1xi1> to vector<1024x256xi1>
      %broadcast_in_dim3A_74 = vector.broadcast %jit3A : f32 to vector<1024x256xf32>
      %select_n3A = arith.select %broadcast_in_dim3A_73, %max3A_28, %broadcast_in_dim3A_74 : vector<1024x256xi1>, vector<1024x256xf32>
      %reduce_max3A_75 = arith.constant dense<0xFF800000> : vector<256xf32>
      %reduce_max3A_76 = vector.multi_reduction <maximumf>, %select_n3A, %reduce_max3A_75 [0] : vector<1024x256xf32> to vector<256xf32>
      %broadcast_in_dim3A_77 = vector.shape_cast %reduce_max3A_76 : vector<256xf32> to vector<1x256xf32>
      %jit3A_78 = arith.constant 0.000000e+00 : f32
      %broadcast_in_dim3A_79 = vector.shape_cast %eq3A_72 : vector<1024x1xi1> to vector<1024x1xi1>
      %broadcast_in_dim3A_80 = vector.broadcast %broadcast_in_dim3A_79 : vector<1024x1xi1> to vector<1024x256xi1>
      %broadcast_in_dim3A_81 = vector.broadcast %jit3A_78 : f32 to vector<1024x256xf32>
      %select_n3A_82 = arith.select %broadcast_in_dim3A_80, %max3A_28, %broadcast_in_dim3A_81 : vector<1024x256xi1>, vector<1024x256xf32>
      %reduce_sum3A = arith.constant dense<0.000000e+00> : vector<256xf32>
      %reduce_sum3A_83 = vector.multi_reduction <add>, %select_n3A_82, %reduce_sum3A [0] : vector<1024x256xf32> to vector<256xf32>
      %broadcast_in_dim3A_84 = vector.shape_cast %reduce_sum3A_83 : vector<256xf32> to vector<1x256xf32>
      %get3A_85 = arith.index_cast %while3A_70 : i32 to index
      %get3A_86 = arith.constant 0 : index
      %get3A_87 = vector.load %arg10[%get3A_85, %get3A_86] : memref<64x256xf32, #tpu.memory_space<vmem>>, vector<1x256xf32>
      %max3A_88 = arith.maximumf %get3A_87, %broadcast_in_dim3A_77 : vector<1x256xf32>
      %swap3A_89 = arith.index_cast %while3A_70 : i32 to index
      %swap3A_90 = arith.constant 0 : index
      %swap3A_91 = vector.load %arg10[%swap3A_89, %swap3A_90] : memref<64x256xf32, #tpu.memory_space<vmem>>, vector<1x256xf32>
      tpu.vector_store %arg10[%swap3A_89, %swap3A_90], %max3A_88 {strides = array<i32>} : memref<64x256xf32, #tpu.memory_space<vmem>>, vector<1x256xf32>,
      %get3A_92 = arith.index_cast %while3A_70 : i32 to index
      %get3A_93 = arith.constant 0 : index
      %get3A_94 = vector.load %arg11[%get3A_92, %get3A_93] : memref<64x256xf32, #tpu.memory_space<vmem>>, vector<1x256xf32>
      %add3A_95 = arith.addf %get3A_94, %broadcast_in_dim3A_84 : vector<1x256xf32>
      %swap3A_96 = arith.index_cast %while3A_70 : i32 to index
      %swap3A_97 = arith.constant 0 : index
      %swap3A_98 = vector.load %arg11[%swap3A_96, %swap3A_97] : memref<64x256xf32, #tpu.memory_space<vmem>>, vector<1x256xf32>
      tpu.vector_store %arg11[%swap3A_96, %swap3A_97], %add3A_95 {strides = array<i32>} : memref<64x256xf32, #tpu.memory_space<vmem>>, vector<1x256xf32>,
    }
    %while3A_64 = arith.constant 1 : i32
    scf.for %while3A_70 = %while3A_62 to %while3A_58 step %while3A_64  : i32 {
      %eq3A_71 = vector.broadcast %while3A_70 : i32 to vector<1024x1xi32>
      %eq3A_72 = arith.cmpi eq, %get3A_43, %eq3A_71 : vector<1024x1xi32>
      %jit3A = arith.constant 0xFF800000 : f32
      %broadcast_in_dim3A = vector.shape_cast %eq3A_72 : vector<1024x1xi1> to vector<1024x1xi1>
      %broadcast_in_dim3A_73 = vector.broadcast %broadcast_in_dim3A : vector<1024x1xi1> to vector<1024x256xi1>
      %broadcast_in_dim3A_74 = vector.broadcast %jit3A : f32 to vector<1024x256xf32>
      %select_n3A = arith.select %broadcast_in_dim3A_73, %max3A_28, %broadcast_in_dim3A_74 : vector<1024x256xi1>, vector<1024x256xf32>
      %reduce_max3A_75 = arith.constant dense<0xFF800000> : vector<256xf32>
      %reduce_max3A_76 = vector.multi_reduction <maximumf>, %select_n3A, %reduce_max3A_75 [0] : vector<1024x256xf32> to vector<256xf32>
      %broadcast_in_dim3A_77 = vector.shape_cast %reduce_max3A_76 : vector<256xf32> to vector<1x256xf32>
      %jit3A_78 = arith.constant 0.000000e+00 : f32
      %broadcast_in_dim3A_79 = vector.shape_cast %eq3A_72 : vector<1024x1xi1> to vector<1024x1xi1>
      %broadcast_in_dim3A_80 = vector.broadcast %broadcast_in_dim3A_79 : vector<1024x1xi1> to vector<1024x256xi1>
      %broadcast_in_dim3A_81 = vector.broadcast %jit3A_78 : f32 to vector<1024x256xf32>
      %select_n3A_82 = arith.select %broadcast_in_dim3A_80, %max3A_28, %broadcast_in_dim3A_81 : vector<1024x256xi1>, vector<1024x256xf32>
      %reduce_sum3A = arith.constant dense<0.000000e+00> : vector<256xf32>
      %reduce_sum3A_83 = vector.multi_reduction <add>, %select_n3A_82, %reduce_sum3A [0] : vector<1024x256xf32> to vector<256xf32>
      %broadcast_in_dim3A_84 = vector.shape_cast %reduce_sum3A_83 : vector<256xf32> to vector<1x256xf32>
      %get3A_85 = arith.index_cast %while3A_70 : i32 to index
      %get3A_86 = arith.constant 0 : index
      %get3A_87 = vector.load %arg10[%get3A_85, %get3A_86] : memref<64x256xf32, #tpu.memory_space<vmem>>, vector<1x256xf32>
      %max3A_88 = arith.maximumf %get3A_87, %broadcast_in_dim3A_77 : vector<1x256xf32>
      %swap3A_89 = arith.index_cast %while3A_70 : i32 to index
      %swap3A_90 = arith.constant 0 : index
      %swap3A_91 = vector.load %arg10[%swap3A_89, %swap3A_90] : memref<64x256xf32, #tpu.memory_space<vmem>>, vector<1x256xf32>
      tpu.vector_store %arg10[%swap3A_89, %swap3A_90], %max3A_88 {strides = array<i32>} : memref<64x256xf32, #tpu.memory_space<vmem>>, vector<1x256xf32>,
      %get3A_92 = arith.index_cast %while3A_70 : i32 to index
      %get3A_93 = arith.constant 0 : index
      %get3A_94 = vector.load %arg11[%get3A_92, %get3A_93] : memref<64x256xf32, #tpu.memory_space<vmem>>, vector<1x256xf32>
      %add3A_95 = arith.addf %get3A_94, %broadcast_in_dim3A_84 : vector<1x256xf32>
      %swap3A_96 = arith.index_cast %while3A_70 : i32 to index
      %swap3A_97 = arith.constant 0 : index
      %swap3A_98 = vector.load %arg11[%swap3A_96, %swap3A_97] : memref<64x256xf32, #tpu.memory_space<vmem>>, vector<1x256xf32>
      tpu.vector_store %arg11[%swap3A_96, %swap3A_97], %add3A_95 {strides = array<i32>} : memref<64x256xf32, #tpu.memory_space<vmem>>, vector<1x256xf32>,
    }
    %eq3A_65 = arith.constant 9 : i32
    %eq3A_66 = arith.cmpi eq, %arg0, %eq3A_65 : i32
    %convert_element_type3A_67 = arith.extui %eq3A_66 : i1 to i32
    %cond3A_68 = arith.constant 0 : i32
    %cond3A_69 = arith.cmpi ne, %convert_element_type3A_67, %cond3A_68 : i32
    scf.if %cond3A_69 {
      %get3A_70 = arith.constant 0 : index
      %get3A_71 = arith.constant 0 : index
      %get3A_72 = vector.load %arg10[%get3A_70, %get3A_71] : memref<64x256xf32, #tpu.memory_space<vmem>>, vector<64x256xf32>
      %swap3A_73 = arith.constant 0 : index
      %swap3A_74 = arith.constant 0 : index
      %swap3A_75 = arith.constant 0 : index
      %swap3A_76 = vector.load %arg9[%swap3A_73, %swap3A_74, %swap3A_75] : memref<2x64x256xf32, #tpu.memory_space<vmem>>, vector<1x64x256xf32>
      %swap3A_77 = vector.shape_cast %swap3A_76 : vector<1x64x256xf32> to vector<64x256xf32>
      %swap3A_78 = vector.shape_cast %get3A_72 : vector<64x256xf32> to vector<1x64x256xf32>
      tpu.vector_store %arg9[%swap3A_73, %swap3A_74, %swap3A_75], %swap3A_78 {strides = array<i32>} : memref<2x64x256xf32, #tpu.memory_space<vmem>>, vector<1x64x256xf32>,
      %get3A_79 = arith.constant 0 : index
      %get3A_80 = arith.constant 0 : index
      %get3A_81 = vector.load %arg11[%get3A_79, %get3A_80] : memref<64x256xf32, #tpu.memory_space<vmem>>, vector<64x256xf32>
      %get3A_82 = arith.constant 0 : index
      %get3A_83 = arith.constant 0 : index
      %get3A_84 = vector.load %arg7[%get3A_82, %get3A_83] : memref<64x1xf32, #tpu.memory_space<vmem>>, vector<64x1xf32>
      %div3A = vector.broadcast %get3A_84 : vector<64x1xf32> to vector<64x256xf32>
      %div3A_85 = arith.divf %get3A_81, %div3A : vector<64x256xf32>
      %swap3A_86 = arith.constant 1 : index
      %swap3A_87 = arith.constant 0 : index
      %swap3A_88 = arith.constant 0 : index
      %swap3A_89 = vector.load %arg9[%swap3A_86, %swap3A_87, %swap3A_88] : memref<2x64x256xf32, #tpu.memory_space<vmem>>, vector<1x64x256xf32>
      %swap3A_90 = vector.shape_cast %swap3A_89 : vector<1x64x256xf32> to vector<64x256xf32>
      %swap3A_91 = vector.shape_cast %div3A_85 : vector<64x256xf32> to vector<1x64x256xf32>
      tpu.vector_store %arg9[%swap3A_86, %swap3A_87, %swap3A_88], %swap3A_91 {strides = array<i32>} : memref<2x64x256xf32, #tpu.memory_space<vmem>>, vector<1x64x256xf32>,
    } else {
    }
    return
  }
  func.func @transform_0(%arg0: i32) -> (i32, i32) {
    %c0_i32 = arith.constant 0 : i32
    %c0_i32_0 = arith.constant 0 : i32
    return %arg0, %c0_i32 : i32, i32
  }
  func.func @transform_1(%arg0: i32) -> (i32, i32, i32) {
    %c0_i32 = arith.constant 0 : i32
    %c0_i32_0 = arith.constant 0 : i32
    %c0_i32_1 = arith.constant 0 : i32
    return %c0_i32, %arg0, %c0_i32_0 : i32, i32, i32
  }
  func.func @transform_2(%arg0: i32) -> (i32, i32) {
    %c0_i32 = arith.constant 0 : i32
    %c0_i32_0 = arith.constant 0 : i32
    return %arg0, %c0_i32 : i32, i32
  }
  func.func @transform_3(%arg0: i32) -> (i32, i32) {
    %c0_i32 = arith.constant 0 : i32
    %c0_i32_0 = arith.constant 0 : i32
    %c0_i32_1 = arith.constant 0 : i32
    return %c0_i32, %c0_i32_0 : i32, i32
  }
  func.func @transform_4(%arg0: i32) -> (i32, i32) {
    %c0_i32 = arith.constant 0 : i32
    %c0_i32_0 = arith.constant 0 : i32
    %c0_i32_1 = arith.constant 0 : i32
    return %c0_i32, %c0_i32_0 : i32, i32
  }
  func.func @transform_5(%arg0: i32) -> (i32, i32) {
    %c0_i32 = arith.constant 0 : i32
    %c0_i32_0 = arith.constant 0 : i32
    %c0_i32_1 = arith.constant 0 : i32
    return %c0_i32, %c0_i32_0 : i32, i32
  }
  func.func @transform_6(%arg0: i32) -> (i32, i32) {
    %c0_i32 = arith.constant 0 : i32
    %c0_i32_0 = arith.constant 0 : i32
    %c0_i32_1 = arith.constant 0 : i32
    return %c0_i32, %c0_i32_0 : i32, i32
  }
  func.func @transform_7(%arg0: i32) -> (i32, i32, i32) {
    %c0_i32 = arith.constant 0 : i32
    %c0_i32_0 = arith.constant 0 : i32
    %c0_i32_1 = arith.constant 0 : i32
    return %c0_i32, %arg0, %c0_i32_0 : i32, i32, i32
  }
  func.func @transform_8(%arg0: i32) -> (i32, i32, i32) {
    %c0_i32 = arith.constant 0 : i32
    %c0_i32_0 = arith.constant 0 : i32
    %c0_i32_1 = arith.constant 0 : i32
    %c0_i32_2 = arith.constant 0 : i32
    return %c0_i32, %c0_i32_0, %c0_i32_1 : i32, i32, i32
  }
}

module attributes {stable_mosaic.version = 14 : i64} {
  func.func @_gconv23_body(%arg0: i32, %arg1: memref<1024x1xi32, #tpu.memory_space<vmem>>, %arg2: memref<2x1024x128xf32, #tpu.memory_space<vmem>>, %arg3: memref<2x1024x128xf32, #tpu.memory_space<vmem>>, %arg4: memref<256x256xf32, #tpu.memory_space<vmem>>, %arg5: memref<256x256xf32, #tpu.memory_space<vmem>>, %arg6: memref<1x256xf32, #tpu.memory_space<vmem>>, %arg7: memref<64x1xf32, #tpu.memory_space<vmem>>, %arg8: memref<2x1024x128xf32, #tpu.memory_space<vmem>>, %arg9: memref<2x64x256xf32, #tpu.memory_space<vmem>>, %arg10: memref<64x256xf32, #tpu.memory_space<vmem>>, %arg11: memref<64x256xf32, #tpu.memory_space<vmem>>) attributes {dimension_semantics = [#tpu.dimension_semantics<arbitrary>], iteration_bounds = array<i64: 10>, scalar_prefetch = 0 : i64, scratch_operands = 2 : i64, tpu.core_type = #tpu.core_type<tc>, window_params = [{transform_indices = @transform_0, window_bounds = array<i64: 1024, 1>}, {transform_indices = @transform_1, window_bounds = array<i64: 2, 1024, 128>}, {transform_indices = @transform_2, window_bounds = array<i64: 2, 1024, 128>}, {pipeline_mode = #tpu.pipeline_mode<synchronous>, transform_indices = @transform_3, window_bounds = array<i64: 256, 256>}, {pipeline_mode = #tpu.pipeline_mode<synchronous>, transform_indices = @transform_4, window_bounds = array<i64: 256, 256>}, {pipeline_mode = #tpu.pipeline_mode<synchronous>, transform_indices = @transform_5, window_bounds = array<i64: 1, 256>}, {pipeline_mode = #tpu.pipeline_mode<synchronous>, transform_indices = @transform_6, window_bounds = array<i64: 64, 1>}, {transform_indices = @transform_7, window_bounds = array<i64: 2, 1024, 128>}, {pipeline_mode = #tpu.pipeline_mode<synchronous>, transform_indices = @transform_8, window_bounds = array<i64: 2, 64, 256>}]} {
    %get3A = arith.constant 0 : index
    %get3A_0 = arith.constant 0 : index
    %get3A_1 = arith.constant 0 : index
    %get3A_2 = vector.load %arg2[%get3A, %get3A_0, %get3A_1] : memref<2x1024x128xf32, #tpu.memory_space<vmem>>, vector<1x1024x128xf32>
    %get3A_3 = vector.shape_cast %get3A_2 : vector<1x1024x128xf32> to vector<1024x128xf32>
    %get3A_4 = arith.constant 1 : index
    %get3A_5 = arith.constant 0 : index
    %get3A_6 = arith.constant 0 : index
    %get3A_7 = vector.load %arg2[%get3A_4, %get3A_5, %get3A_6] : memref<2x1024x128xf32, #tpu.memory_space<vmem>>, vector<1x1024x128xf32>
    %get3A_8 = vector.shape_cast %get3A_7 : vector<1x1024x128xf32> to vector<1024x128xf32>
    %concatenate3A = tpu.concatenate %get3A_3, %get3A_8 in 1 : vector<1024x128xf32>, vector<1024x128xf32> -> vector<1024x256xf32>
    %get3A_9 = arith.constant 0 : index
    %get3A_10 = arith.constant 0 : index
    %get3A_11 = arith.constant 0 : index
    %get3A_12 = vector.load %arg3[%get3A_9, %get3A_10, %get3A_11] : memref<2x1024x128xf32, #tpu.memory_space<vmem>>, vector<1x1024x128xf32>
    %get3A_13 = vector.shape_cast %get3A_12 : vector<1x1024x128xf32> to vector<1024x128xf32>
    %get3A_14 = arith.constant 1 : index
    %get3A_15 = arith.constant 0 : index
    %get3A_16 = arith.constant 0 : index
    %get3A_17 = vector.load %arg3[%get3A_14, %get3A_15, %get3A_16] : memref<2x1024x128xf32, #tpu.memory_space<vmem>>, vector<1x1024x128xf32>
    %get3A_18 = vector.shape_cast %get3A_17 : vector<1x1024x128xf32> to vector<1024x128xf32>
    %concatenate3A_19 = tpu.concatenate %get3A_13, %get3A_18 in 1 : vector<1024x128xf32>, vector<1024x128xf32> -> vector<1024x256xf32>
    %get3A_20 = arith.constant 0 : index
    %get3A_21 = arith.constant 0 : index
    %get3A_22 = vector.load %arg4[%get3A_20, %get3A_21] : memref<256x256xf32, #tpu.memory_space<vmem>>, vector<256x256xf32>
    %dot_general3A = arith.constant dense<0.000000e+00> : vector<1024x256xf32>
    %dot_general3A_23 = tpu.matmul %concatenate3A, %get3A_22, %dot_general3A {dimension_numbers = #tpu.dot_dimension_numbers<[1], [0], [0], [1], [0, 0, 1, 1], [], []>, transpose_lhs_hint = false} : vector<1024x256xf32>, vector<256x256xf32>, vector<1024x256xf32> -> vector<1024x256xf32>
    %get3A_24 = arith.constant 0 : index
    %get3A_25 = arith.constant 0 : index
    %get3A_26 = vector.load %arg5[%get3A_24, %get3A_25] : memref<256x256xf32, #tpu.memory_space<vmem>>, vector<256x256xf32>
    %dot_general3A_27 = arith.constant dense<0.000000e+00> : vector<1024x256xf32>
    %dot_general3A_28 = tpu.matmul %concatenate3A_19, %get3A_26, %dot_general3A_27 {dimension_numbers = #tpu.dot_dimension_numbers<[1], [0], [0], [1], [0, 0, 1, 1], [], []>, transpose_lhs_hint = false} : vector<1024x256xf32>, vector<256x256xf32>, vector<1024x256xf32> -> vector<1024x256xf32>
    %add3A = arith.addf %dot_general3A_23, %dot_general3A_28 : vector<1024x256xf32>
    %get3A_29 = arith.constant 0 : index
    %get3A_30 = arith.constant 0 : index
    %get3A_31 = vector.load %arg6[%get3A_29, %get3A_30] : memref<1x256xf32, #tpu.memory_space<vmem>>, vector<1x256xf32>
    %add3A_32 = vector.broadcast %get3A_31 : vector<1x256xf32> to vector<1024x256xf32>
    %add3A_33 = arith.addf %add3A, %add3A_32 : vector<1024x256xf32>
    %max3A = arith.constant 0.000000e+00 : f32
    %max3A_34 = vector.broadcast %max3A : f32 to vector<1024x256xf32>
    %max3A_35 = arith.maximumf %add3A_33, %max3A_34 : vector<1024x256xf32>
    %slice3A = vector.extract_strided_slice %max3A_35 {offsets = [0, 0], sizes = [1024, 128], strides = [1, 1]} : vector<1024x256xf32> to vector<1024x128xf32>
    %swap3A = arith.constant 0 : index
    %swap3A_36 = arith.constant 0 : index
    %swap3A_37 = arith.constant 0 : index
    %swap3A_38 = vector.load %arg8[%swap3A, %swap3A_36, %swap3A_37] : memref<2x1024x128xf32, #tpu.memory_space<vmem>>, vector<1x1024x128xf32>
    %swap3A_39 = vector.shape_cast %swap3A_38 : vector<1x1024x128xf32> to vector<1024x128xf32>
    %swap3A_40 = vector.shape_cast %slice3A : vector<1024x128xf32> to vector<1x1024x128xf32>
    tpu.vector_store %arg8[%swap3A, %swap3A_36, %swap3A_37], %swap3A_40 {strides = array<i32>} : memref<2x1024x128xf32, #tpu.memory_space<vmem>>, vector<1x1024x128xf32>,
    %slice3A_41 = vector.extract_strided_slice %max3A_35 {offsets = [0, 128], sizes = [1024, 128], strides = [1, 1]} : vector<1024x256xf32> to vector<1024x128xf32>
    %swap3A_42 = arith.constant 1 : index
    %swap3A_43 = arith.constant 0 : index
    %swap3A_44 = arith.constant 0 : index
    %swap3A_45 = vector.load %arg8[%swap3A_42, %swap3A_43, %swap3A_44] : memref<2x1024x128xf32, #tpu.memory_space<vmem>>, vector<1x1024x128xf32>
    %swap3A_46 = vector.shape_cast %swap3A_45 : vector<1x1024x128xf32> to vector<1024x128xf32>
    %swap3A_47 = vector.shape_cast %slice3A_41 : vector<1024x128xf32> to vector<1x1024x128xf32>
    tpu.vector_store %arg8[%swap3A_42, %swap3A_43, %swap3A_44], %swap3A_47 {strides = array<i32>} : memref<2x1024x128xf32, #tpu.memory_space<vmem>>, vector<1x1024x128xf32>,
    %get3A_48 = arith.constant 0 : index
    %get3A_49 = arith.constant 0 : index
    %get3A_50 = vector.load %arg1[%get3A_48, %get3A_49] : memref<1024x1xi32, #tpu.memory_space<vmem>>, vector<1024x1xi32>
    %eq3A = arith.constant 0 : i32
    %eq3A_51 = arith.cmpi eq, %arg0, %eq3A : i32
    %convert_element_type3A = arith.extui %eq3A_51 : i1 to i32
    %cond3A = arith.constant 0 : i32
    %cond3A_52 = arith.cmpi ne, %convert_element_type3A, %cond3A : i32
    scf.if %cond3A_52 {
      %broadcast_in_dim3A = arith.constant 0xFF800000 : f32
      %broadcast_in_dim3A_77 = vector.broadcast %broadcast_in_dim3A : f32 to vector<64x256xf32>
      %swap3A_78 = arith.constant 0 : index
      %swap3A_79 = arith.constant 0 : index
      %swap3A_80 = vector.load %arg10[%swap3A_78, %swap3A_79] : memref<64x256xf32, #tpu.memory_space<vmem>>, vector<64x256xf32>
      tpu.vector_store %arg10[%swap3A_78, %swap3A_79], %broadcast_in_dim3A_77 {strides = array<i32>} : memref<64x256xf32, #tpu.memory_space<vmem>>, vector<64x256xf32>,
      %broadcast_in_dim3A_81 = arith.constant 0.000000e+00 : f32
      %broadcast_in_dim3A_82 = vector.broadcast %broadcast_in_dim3A_81 : f32 to vector<64x256xf32>
      %swap3A_83 = arith.constant 0 : index
      %swap3A_84 = arith.constant 0 : index
      %swap3A_85 = vector.load %arg11[%swap3A_83, %swap3A_84] : memref<64x256xf32, #tpu.memory_space<vmem>>, vector<64x256xf32>
      tpu.vector_store %arg11[%swap3A_83, %swap3A_84], %broadcast_in_dim3A_82 {strides = array<i32>} : memref<64x256xf32, #tpu.memory_space<vmem>>, vector<64x256xf32>,
    } else {
    }
    %reduce_min3A = vector.shape_cast %get3A_50 : vector<1024x1xi32> to vector<1x1024x1xi32>
    %reduce_min3A_53 = arith.constant dense<2147483647> : vector<1xi32>
    %reduce_min3A_54 = vector.multi_reduction <minsi>, %reduce_min3A, %reduce_min3A_53 [1, 2] : vector<1x1024x1xi32> to vector<1xi32>
    %reduce_min3A_55 = vector.shape_cast %reduce_min3A_54 : vector<1xi32> to vector<1x1x1xi32>
    %reduce_min3A_56 = vector.extract %reduce_min3A_55[0, 0, 0] : i32 from vector<1x1x1xi32>
    %reduce_max3A = vector.shape_cast %get3A_50 : vector<1024x1xi32> to vector<1x1024x1xi32>
    %reduce_max3A_57 = arith.constant dense<-2147483648> : vector<1xi32>
    %reduce_max3A_58 = vector.multi_reduction <maxsi>, %reduce_max3A, %reduce_max3A_57 [1, 2] : vector<1x1024x1xi32> to vector<1xi32>
    %reduce_max3A_59 = vector.shape_cast %reduce_max3A_58 : vector<1xi32> to vector<1x1x1xi32>
    %reduce_max3A_60 = vector.extract %reduce_max3A_59[0, 0, 0] : i32 from vector<1x1x1xi32>
    %add3A_61 = arith.constant 1 : i32
    %add3A_62 = arith.addi %reduce_max3A_60, %add3A_61 : i32
    %min3A = arith.constant 64 : i32
    %min3A_63 = arith.minsi %add3A_62, %min3A : i32
    %while3A = arith.constant 0 : i32
    %while3A_64 = arith.subi %min3A_63, %reduce_min3A_56 : i32
    %while3A_65 = arith.addi %reduce_min3A_56, %while3A_64 : i32
    %while3A_66 = arith.constant 1 : i32
    %while3A_67 = arith.divsi %while3A_64, %while3A_66 : i32
    %while3A_68 = arith.muli %while3A_67, %while3A_66 : i32
    %while3A_69 = arith.addi %reduce_min3A_56, %while3A_68 : i32
    %while3A_70 = arith.constant 1 : i32
    scf.for %while3A_77 = %reduce_min3A_56 to %while3A_69 step %while3A_70  : i32 {
      %eq3A_78 = vector.broadcast %while3A_77 : i32 to vector<1024x1xi32>
      %eq3A_79 = arith.cmpi eq, %get3A_50, %eq3A_78 : vector<1024x1xi32>
      %jit3A = arith.constant 0xFF800000 : f32
      %broadcast_in_dim3A = vector.shape_cast %eq3A_79 : vector<1024x1xi1> to vector<1024x1xi1>
      %broadcast_in_dim3A_80 = vector.broadcast %broadcast_in_dim3A : vector<1024x1xi1> to vector<1024x256xi1>
      %broadcast_in_dim3A_81 = vector.broadcast %jit3A : f32 to vector<1024x256xf32>
      %select_n3A = arith.select %broadcast_in_dim3A_80, %max3A_35, %broadcast_in_dim3A_81 : vector<1024x256xi1>, vector<1024x256xf32>
      %reduce_max3A_82 = arith.constant dense<0xFF800000> : vector<256xf32>
      %reduce_max3A_83 = vector.multi_reduction <maximumf>, %select_n3A, %reduce_max3A_82 [0] : vector<1024x256xf32> to vector<256xf32>
      %broadcast_in_dim3A_84 = vector.shape_cast %reduce_max3A_83 : vector<256xf32> to vector<1x256xf32>
      %jit3A_85 = arith.constant 0.000000e+00 : f32
      %broadcast_in_dim3A_86 = vector.shape_cast %eq3A_79 : vector<1024x1xi1> to vector<1024x1xi1>
      %broadcast_in_dim3A_87 = vector.broadcast %broadcast_in_dim3A_86 : vector<1024x1xi1> to vector<1024x256xi1>
      %broadcast_in_dim3A_88 = vector.broadcast %jit3A_85 : f32 to vector<1024x256xf32>
      %select_n3A_89 = arith.select %broadcast_in_dim3A_87, %max3A_35, %broadcast_in_dim3A_88 : vector<1024x256xi1>, vector<1024x256xf32>
      %reduce_sum3A = arith.constant dense<0.000000e+00> : vector<256xf32>
      %reduce_sum3A_90 = vector.multi_reduction <add>, %select_n3A_89, %reduce_sum3A [0] : vector<1024x256xf32> to vector<256xf32>
      %broadcast_in_dim3A_91 = vector.shape_cast %reduce_sum3A_90 : vector<256xf32> to vector<1x256xf32>
      %get3A_92 = arith.index_cast %while3A_77 : i32 to index
      %get3A_93 = arith.constant 0 : index
      %get3A_94 = vector.load %arg10[%get3A_92, %get3A_93] : memref<64x256xf32, #tpu.memory_space<vmem>>, vector<1x256xf32>
      %max3A_95 = arith.maximumf %get3A_94, %broadcast_in_dim3A_84 : vector<1x256xf32>
      %swap3A_96 = arith.index_cast %while3A_77 : i32 to index
      %swap3A_97 = arith.constant 0 : index
      %swap3A_98 = vector.load %arg10[%swap3A_96, %swap3A_97] : memref<64x256xf32, #tpu.memory_space<vmem>>, vector<1x256xf32>
      tpu.vector_store %arg10[%swap3A_96, %swap3A_97], %max3A_95 {strides = array<i32>} : memref<64x256xf32, #tpu.memory_space<vmem>>, vector<1x256xf32>,
      %get3A_99 = arith.index_cast %while3A_77 : i32 to index
      %get3A_100 = arith.constant 0 : index
      %get3A_101 = vector.load %arg11[%get3A_99, %get3A_100] : memref<64x256xf32, #tpu.memory_space<vmem>>, vector<1x256xf32>
      %add3A_102 = arith.addf %get3A_101, %broadcast_in_dim3A_91 : vector<1x256xf32>
      %swap3A_103 = arith.index_cast %while3A_77 : i32 to index
      %swap3A_104 = arith.constant 0 : index
      %swap3A_105 = vector.load %arg11[%swap3A_103, %swap3A_104] : memref<64x256xf32, #tpu.memory_space<vmem>>, vector<1x256xf32>
      tpu.vector_store %arg11[%swap3A_103, %swap3A_104], %add3A_102 {strides = array<i32>} : memref<64x256xf32, #tpu.memory_space<vmem>>, vector<1x256xf32>,
    }
    %while3A_71 = arith.constant 1 : i32
    scf.for %while3A_77 = %while3A_69 to %while3A_65 step %while3A_71  : i32 {
      %eq3A_78 = vector.broadcast %while3A_77 : i32 to vector<1024x1xi32>
      %eq3A_79 = arith.cmpi eq, %get3A_50, %eq3A_78 : vector<1024x1xi32>
      %jit3A = arith.constant 0xFF800000 : f32
      %broadcast_in_dim3A = vector.shape_cast %eq3A_79 : vector<1024x1xi1> to vector<1024x1xi1>
      %broadcast_in_dim3A_80 = vector.broadcast %broadcast_in_dim3A : vector<1024x1xi1> to vector<1024x256xi1>
      %broadcast_in_dim3A_81 = vector.broadcast %jit3A : f32 to vector<1024x256xf32>
      %select_n3A = arith.select %broadcast_in_dim3A_80, %max3A_35, %broadcast_in_dim3A_81 : vector<1024x256xi1>, vector<1024x256xf32>
      %reduce_max3A_82 = arith.constant dense<0xFF800000> : vector<256xf32>
      %reduce_max3A_83 = vector.multi_reduction <maximumf>, %select_n3A, %reduce_max3A_82 [0] : vector<1024x256xf32> to vector<256xf32>
      %broadcast_in_dim3A_84 = vector.shape_cast %reduce_max3A_83 : vector<256xf32> to vector<1x256xf32>
      %jit3A_85 = arith.constant 0.000000e+00 : f32
      %broadcast_in_dim3A_86 = vector.shape_cast %eq3A_79 : vector<1024x1xi1> to vector<1024x1xi1>
      %broadcast_in_dim3A_87 = vector.broadcast %broadcast_in_dim3A_86 : vector<1024x1xi1> to vector<1024x256xi1>
      %broadcast_in_dim3A_88 = vector.broadcast %jit3A_85 : f32 to vector<1024x256xf32>
      %select_n3A_89 = arith.select %broadcast_in_dim3A_87, %max3A_35, %broadcast_in_dim3A_88 : vector<1024x256xi1>, vector<1024x256xf32>
      %reduce_sum3A = arith.constant dense<0.000000e+00> : vector<256xf32>
      %reduce_sum3A_90 = vector.multi_reduction <add>, %select_n3A_89, %reduce_sum3A [0] : vector<1024x256xf32> to vector<256xf32>
      %broadcast_in_dim3A_91 = vector.shape_cast %reduce_sum3A_90 : vector<256xf32> to vector<1x256xf32>
      %get3A_92 = arith.index_cast %while3A_77 : i32 to index
      %get3A_93 = arith.constant 0 : index
      %get3A_94 = vector.load %arg10[%get3A_92, %get3A_93] : memref<64x256xf32, #tpu.memory_space<vmem>>, vector<1x256xf32>
      %max3A_95 = arith.maximumf %get3A_94, %broadcast_in_dim3A_84 : vector<1x256xf32>
      %swap3A_96 = arith.index_cast %while3A_77 : i32 to index
      %swap3A_97 = arith.constant 0 : index
      %swap3A_98 = vector.load %arg10[%swap3A_96, %swap3A_97] : memref<64x256xf32, #tpu.memory_space<vmem>>, vector<1x256xf32>
      tpu.vector_store %arg10[%swap3A_96, %swap3A_97], %max3A_95 {strides = array<i32>} : memref<64x256xf32, #tpu.memory_space<vmem>>, vector<1x256xf32>,
      %get3A_99 = arith.index_cast %while3A_77 : i32 to index
      %get3A_100 = arith.constant 0 : index
      %get3A_101 = vector.load %arg11[%get3A_99, %get3A_100] : memref<64x256xf32, #tpu.memory_space<vmem>>, vector<1x256xf32>
      %add3A_102 = arith.addf %get3A_101, %broadcast_in_dim3A_91 : vector<1x256xf32>
      %swap3A_103 = arith.index_cast %while3A_77 : i32 to index
      %swap3A_104 = arith.constant 0 : index
      %swap3A_105 = vector.load %arg11[%swap3A_103, %swap3A_104] : memref<64x256xf32, #tpu.memory_space<vmem>>, vector<1x256xf32>
      tpu.vector_store %arg11[%swap3A_103, %swap3A_104], %add3A_102 {strides = array<i32>} : memref<64x256xf32, #tpu.memory_space<vmem>>, vector<1x256xf32>,
    }
    %eq3A_72 = arith.constant 9 : i32
    %eq3A_73 = arith.cmpi eq, %arg0, %eq3A_72 : i32
    %convert_element_type3A_74 = arith.extui %eq3A_73 : i1 to i32
    %cond3A_75 = arith.constant 0 : i32
    %cond3A_76 = arith.cmpi ne, %convert_element_type3A_74, %cond3A_75 : i32
    scf.if %cond3A_76 {
      %get3A_77 = arith.constant 0 : index
      %get3A_78 = arith.constant 0 : index
      %get3A_79 = vector.load %arg10[%get3A_77, %get3A_78] : memref<64x256xf32, #tpu.memory_space<vmem>>, vector<64x256xf32>
      %swap3A_80 = arith.constant 0 : index
      %swap3A_81 = arith.constant 0 : index
      %swap3A_82 = arith.constant 0 : index
      %swap3A_83 = vector.load %arg9[%swap3A_80, %swap3A_81, %swap3A_82] : memref<2x64x256xf32, #tpu.memory_space<vmem>>, vector<1x64x256xf32>
      %swap3A_84 = vector.shape_cast %swap3A_83 : vector<1x64x256xf32> to vector<64x256xf32>
      %swap3A_85 = vector.shape_cast %get3A_79 : vector<64x256xf32> to vector<1x64x256xf32>
      tpu.vector_store %arg9[%swap3A_80, %swap3A_81, %swap3A_82], %swap3A_85 {strides = array<i32>} : memref<2x64x256xf32, #tpu.memory_space<vmem>>, vector<1x64x256xf32>,
      %get3A_86 = arith.constant 0 : index
      %get3A_87 = arith.constant 0 : index
      %get3A_88 = vector.load %arg11[%get3A_86, %get3A_87] : memref<64x256xf32, #tpu.memory_space<vmem>>, vector<64x256xf32>
      %get3A_89 = arith.constant 0 : index
      %get3A_90 = arith.constant 0 : index
      %get3A_91 = vector.load %arg7[%get3A_89, %get3A_90] : memref<64x1xf32, #tpu.memory_space<vmem>>, vector<64x1xf32>
      %div3A = vector.broadcast %get3A_91 : vector<64x1xf32> to vector<64x256xf32>
      %div3A_92 = arith.divf %get3A_88, %div3A : vector<64x256xf32>
      %swap3A_93 = arith.constant 1 : index
      %swap3A_94 = arith.constant 0 : index
      %swap3A_95 = arith.constant 0 : index
      %swap3A_96 = vector.load %arg9[%swap3A_93, %swap3A_94, %swap3A_95] : memref<2x64x256xf32, #tpu.memory_space<vmem>>, vector<1x64x256xf32>
      %swap3A_97 = vector.shape_cast %swap3A_96 : vector<1x64x256xf32> to vector<64x256xf32>
      %swap3A_98 = vector.shape_cast %div3A_92 : vector<64x256xf32> to vector<1x64x256xf32>
      tpu.vector_store %arg9[%swap3A_93, %swap3A_94, %swap3A_95], %swap3A_98 {strides = array<i32>} : memref<2x64x256xf32, #tpu.memory_space<vmem>>, vector<1x64x256xf32>,
    } else {
    }
    return
  }
  func.func @transform_0(%arg0: i32) -> (i32, i32) {
    %c0_i32 = arith.constant 0 : i32
    %c0_i32_0 = arith.constant 0 : i32
    return %arg0, %c0_i32 : i32, i32
  }
  func.func @transform_1(%arg0: i32) -> (i32, i32, i32) {
    %c0_i32 = arith.constant 0 : i32
    %c0_i32_0 = arith.constant 0 : i32
    %c0_i32_1 = arith.constant 0 : i32
    return %c0_i32, %arg0, %c0_i32_0 : i32, i32, i32
  }
  func.func @transform_2(%arg0: i32) -> (i32, i32, i32) {
    %c0_i32 = arith.constant 0 : i32
    %c0_i32_0 = arith.constant 0 : i32
    %c0_i32_1 = arith.constant 0 : i32
    return %c0_i32, %arg0, %c0_i32_0 : i32, i32, i32
  }
  func.func @transform_3(%arg0: i32) -> (i32, i32) {
    %c0_i32 = arith.constant 0 : i32
    %c0_i32_0 = arith.constant 0 : i32
    %c0_i32_1 = arith.constant 0 : i32
    return %c0_i32, %c0_i32_0 : i32, i32
  }
  func.func @transform_4(%arg0: i32) -> (i32, i32) {
    %c0_i32 = arith.constant 0 : i32
    %c0_i32_0 = arith.constant 0 : i32
    %c0_i32_1 = arith.constant 0 : i32
    return %c0_i32, %c0_i32_0 : i32, i32
  }
  func.func @transform_5(%arg0: i32) -> (i32, i32) {
    %c0_i32 = arith.constant 0 : i32
    %c0_i32_0 = arith.constant 0 : i32
    %c0_i32_1 = arith.constant 0 : i32
    return %c0_i32, %c0_i32_0 : i32, i32
  }
  func.func @transform_6(%arg0: i32) -> (i32, i32) {
    %c0_i32 = arith.constant 0 : i32
    %c0_i32_0 = arith.constant 0 : i32
    %c0_i32_1 = arith.constant 0 : i32
    return %c0_i32, %c0_i32_0 : i32, i32
  }
  func.func @transform_7(%arg0: i32) -> (i32, i32, i32) {
    %c0_i32 = arith.constant 0 : i32
    %c0_i32_0 = arith.constant 0 : i32
    %c0_i32_1 = arith.constant 0 : i32
    return %c0_i32, %arg0, %c0_i32_0 : i32, i32, i32
  }
  func.func @transform_8(%arg0: i32) -> (i32, i32, i32) {
    %c0_i32 = arith.constant 0 : i32
    %c0_i32_0 = arith.constant 0 : i32
    %c0_i32_1 = arith.constant 0 : i32
    %c0_i32_2 = arith.constant 0 : i32
    return %c0_i32, %c0_i32_0, %c0_i32_1 : i32, i32, i32
  }
}

module attributes {stable_mosaic.version = 14 : i64} {
  func.func @_gconv3_body(%arg0: i32, %arg1: memref<2x1024x128xf32, #tpu.memory_space<vmem>>, %arg2: memref<2x1024x128xf32, #tpu.memory_space<vmem>>, %arg3: memref<256x256xf32, #tpu.memory_space<vmem>>, %arg4: memref<256x256xf32, #tpu.memory_space<vmem>>, %arg5: memref<1x256xf32, #tpu.memory_space<vmem>>, %arg6: memref<2x1024x128xf32, #tpu.memory_space<vmem>>) attributes {dimension_semantics = [#tpu.dimension_semantics<arbitrary>], iteration_bounds = array<i64: 10>, scalar_prefetch = 0 : i64, scratch_operands = 0 : i64, tpu.core_type = #tpu.core_type<tc>, window_params = [{transform_indices = @transform_0, window_bounds = array<i64: 2, 1024, 128>}, {transform_indices = @transform_1, window_bounds = array<i64: 2, 1024, 128>}, {pipeline_mode = #tpu.pipeline_mode<synchronous>, transform_indices = @transform_2, window_bounds = array<i64: 256, 256>}, {pipeline_mode = #tpu.pipeline_mode<synchronous>, transform_indices = @transform_3, window_bounds = array<i64: 256, 256>}, {pipeline_mode = #tpu.pipeline_mode<synchronous>, transform_indices = @transform_4, window_bounds = array<i64: 1, 256>}, {transform_indices = @transform_5, window_bounds = array<i64: 2, 1024, 128>}]} {
    %get3A = arith.constant 0 : index
    %get3A_0 = arith.constant 0 : index
    %get3A_1 = arith.constant 0 : index
    %get3A_2 = vector.load %arg1[%get3A, %get3A_0, %get3A_1] : memref<2x1024x128xf32, #tpu.memory_space<vmem>>, vector<1x1024x128xf32>
    %get3A_3 = vector.shape_cast %get3A_2 : vector<1x1024x128xf32> to vector<1024x128xf32>
    %get3A_4 = arith.constant 1 : index
    %get3A_5 = arith.constant 0 : index
    %get3A_6 = arith.constant 0 : index
    %get3A_7 = vector.load %arg1[%get3A_4, %get3A_5, %get3A_6] : memref<2x1024x128xf32, #tpu.memory_space<vmem>>, vector<1x1024x128xf32>
    %get3A_8 = vector.shape_cast %get3A_7 : vector<1x1024x128xf32> to vector<1024x128xf32>
    %concatenate3A = tpu.concatenate %get3A_3, %get3A_8 in 1 : vector<1024x128xf32>, vector<1024x128xf32> -> vector<1024x256xf32>
    %get3A_9 = arith.constant 0 : index
    %get3A_10 = arith.constant 0 : index
    %get3A_11 = arith.constant 0 : index
    %get3A_12 = vector.load %arg2[%get3A_9, %get3A_10, %get3A_11] : memref<2x1024x128xf32, #tpu.memory_space<vmem>>, vector<1x1024x128xf32>
    %get3A_13 = vector.shape_cast %get3A_12 : vector<1x1024x128xf32> to vector<1024x128xf32>
    %get3A_14 = arith.constant 1 : index
    %get3A_15 = arith.constant 0 : index
    %get3A_16 = arith.constant 0 : index
    %get3A_17 = vector.load %arg2[%get3A_14, %get3A_15, %get3A_16] : memref<2x1024x128xf32, #tpu.memory_space<vmem>>, vector<1x1024x128xf32>
    %get3A_18 = vector.shape_cast %get3A_17 : vector<1x1024x128xf32> to vector<1024x128xf32>
    %concatenate3A_19 = tpu.concatenate %get3A_13, %get3A_18 in 1 : vector<1024x128xf32>, vector<1024x128xf32> -> vector<1024x256xf32>
    %get3A_20 = arith.constant 0 : index
    %get3A_21 = arith.constant 0 : index
    %get3A_22 = vector.load %arg3[%get3A_20, %get3A_21] : memref<256x256xf32, #tpu.memory_space<vmem>>, vector<256x256xf32>
    %dot_general3A = arith.constant dense<0.000000e+00> : vector<1024x256xf32>
    %dot_general3A_23 = tpu.matmul %concatenate3A, %get3A_22, %dot_general3A {dimension_numbers = #tpu.dot_dimension_numbers<[1], [0], [0], [1], [0, 0, 1, 1], [], []>, transpose_lhs_hint = false} : vector<1024x256xf32>, vector<256x256xf32>, vector<1024x256xf32> -> vector<1024x256xf32>
    %get3A_24 = arith.constant 0 : index
    %get3A_25 = arith.constant 0 : index
    %get3A_26 = vector.load %arg4[%get3A_24, %get3A_25] : memref<256x256xf32, #tpu.memory_space<vmem>>, vector<256x256xf32>
    %dot_general3A_27 = arith.constant dense<0.000000e+00> : vector<1024x256xf32>
    %dot_general3A_28 = tpu.matmul %concatenate3A_19, %get3A_26, %dot_general3A_27 {dimension_numbers = #tpu.dot_dimension_numbers<[1], [0], [0], [1], [0, 0, 1, 1], [], []>, transpose_lhs_hint = false} : vector<1024x256xf32>, vector<256x256xf32>, vector<1024x256xf32> -> vector<1024x256xf32>
    %add3A = arith.addf %dot_general3A_23, %dot_general3A_28 : vector<1024x256xf32>
    %get3A_29 = arith.constant 0 : index
    %get3A_30 = arith.constant 0 : index
    %get3A_31 = vector.load %arg5[%get3A_29, %get3A_30] : memref<1x256xf32, #tpu.memory_space<vmem>>, vector<1x256xf32>
    %add3A_32 = vector.broadcast %get3A_31 : vector<1x256xf32> to vector<1024x256xf32>
    %add3A_33 = arith.addf %add3A, %add3A_32 : vector<1024x256xf32>
    %max3A = arith.constant 0.000000e+00 : f32
    %max3A_34 = vector.broadcast %max3A : f32 to vector<1024x256xf32>
    %max3A_35 = arith.maximumf %add3A_33, %max3A_34 : vector<1024x256xf32>
    %slice3A = vector.extract_strided_slice %max3A_35 {offsets = [0, 0], sizes = [1024, 128], strides = [1, 1]} : vector<1024x256xf32> to vector<1024x128xf32>
    %swap3A = arith.constant 0 : index
    %swap3A_36 = arith.constant 0 : index
    %swap3A_37 = arith.constant 0 : index
    %swap3A_38 = vector.load %arg6[%swap3A, %swap3A_36, %swap3A_37] : memref<2x1024x128xf32, #tpu.memory_space<vmem>>, vector<1x1024x128xf32>
    %swap3A_39 = vector.shape_cast %swap3A_38 : vector<1x1024x128xf32> to vector<1024x128xf32>
    %swap3A_40 = vector.shape_cast %slice3A : vector<1024x128xf32> to vector<1x1024x128xf32>
    tpu.vector_store %arg6[%swap3A, %swap3A_36, %swap3A_37], %swap3A_40 {strides = array<i32>} : memref<2x1024x128xf32, #tpu.memory_space<vmem>>, vector<1x1024x128xf32>,
    %slice3A_41 = vector.extract_strided_slice %max3A_35 {offsets = [0, 128], sizes = [1024, 128], strides = [1, 1]} : vector<1024x256xf32> to vector<1024x128xf32>
    %swap3A_42 = arith.constant 1 : index
    %swap3A_43 = arith.constant 0 : index
    %swap3A_44 = arith.constant 0 : index
    %swap3A_45 = vector.load %arg6[%swap3A_42, %swap3A_43, %swap3A_44] : memref<2x1024x128xf32, #tpu.memory_space<vmem>>, vector<1x1024x128xf32>
    %swap3A_46 = vector.shape_cast %swap3A_45 : vector<1x1024x128xf32> to vector<1024x128xf32>
    %swap3A_47 = vector.shape_cast %slice3A_41 : vector<1024x128xf32> to vector<1x1024x128xf32>
    tpu.vector_store %arg6[%swap3A_42, %swap3A_43, %swap3A_44], %swap3A_47 {strides = array<i32>} : memref<2x1024x128xf32, #tpu.memory_space<vmem>>, vector<1x1024x128xf32>,
    return
  }
  func.func @transform_0(%arg0: i32) -> (i32, i32, i32) {
    %c0_i32 = arith.constant 0 : i32
    %c0_i32_0 = arith.constant 0 : i32
    %c0_i32_1 = arith.constant 0 : i32
    return %c0_i32, %arg0, %c0_i32_0 : i32, i32, i32
  }
  func.func @transform_1(%arg0: i32) -> (i32, i32, i32) {
    %c0_i32 = arith.constant 0 : i32
    %c0_i32_0 = arith.constant 0 : i32
    %c0_i32_1 = arith.constant 0 : i32
    return %c0_i32, %arg0, %c0_i32_0 : i32, i32, i32
  }
  func.func @transform_2(%arg0: i32) -> (i32, i32) {
    %c0_i32 = arith.constant 0 : i32
    %c0_i32_0 = arith.constant 0 : i32
    %c0_i32_1 = arith.constant 0 : i32
    return %c0_i32, %c0_i32_0 : i32, i32
  }
  func.func @transform_3(%arg0: i32) -> (i32, i32) {
    %c0_i32 = arith.constant 0 : i32
    %c0_i32_0 = arith.constant 0 : i32
    %c0_i32_1 = arith.constant 0 : i32
    return %c0_i32, %c0_i32_0 : i32, i32
  }
  func.func @transform_4(%arg0: i32) -> (i32, i32) {
    %c0_i32 = arith.constant 0 : i32
    %c0_i32_0 = arith.constant 0 : i32
    %c0_i32_1 = arith.constant 0 : i32
    return %c0_i32, %c0_i32_0 : i32, i32
  }
  func.func @transform_5(%arg0: i32) -> (i32, i32, i32) {
    %c0_i32 = arith.constant 0 : i32
    %c0_i32_0 = arith.constant 0 : i32
    %c0_i32_1 = arith.constant 0 : i32
    return %c0_i32, %arg0, %c0_i32_0 : i32, i32, i32
  }
}

</mosaic_0001>

<sc_bundles>
// kernel: gather_offload_async_start.1
scs
__scs_entry_jumppad:
0x0: {  	(pc) =	sbr.rel $0x88, $3  }
0x1: {  	(tag) =	ssettag $0x0;
	lr =	simm.s32 $0x1  }
0x2: {  	[smem:$0x3F8E] =	sst lr;
	_ =	strace $0xD0000000  }
0x3: {  	_ = 	snop  }
0x4: {  	_ = 	snop  }
0x5: {  	_ = 	snop  }
0x6: {  	_ = 	snop  }
0x7: {  	_ = 	snop  }
__scs_overlays_trampoline_lowered:
0x8: {  	[smem:$0x3F9D] =	sst s0  }
0x9: {  	[smem:$0x3F9E] =	sst s1  }
0xa: {  	[smem:$0x3F9F] =	sst s2  }
0xb: {  	[smem:$0x3FA0] =	sst s3  }
0xc: {  	[smem:$0x3FA1] =	sst s4  }
0xd: {  	[smem:$0x3FA2] =	sst s5  }
0xe: {  	[smem:$0x3FA3] =	sst s6  }
0xf: {  	[smem:$0x3FA4] =	sst s7  }
0x10: {  	[smem:$0x3FA5] =	sst s8  }
0x11: {  	[smem:$0x3FA6] =	sst s9;
	s0 =	simm.s32 @!p0 $0x0  }
0x12: {  	s1 =	sld [smem:$0x3F8C];
	s0 =	simm.s32 @p0 $0x1  }
0x13: {  	[smem:$0x3FA7] =	sst s0;
	s0 =	simm.s32 @!p1 $0x0  }
0x14: {  	s2 =	sld [smem:$0x3F8B];
	s0 =	simm.s32 @p1 $0x1  }
0x15: {  	[smem:$0x3FA8] =	sst s0;
	s0 =	simm.s32 @!p2 $0x0  }
0x16: {  	s3 =	sld [smem:$0x3FDB];
	s0 =	simm.s32 @p2 $0x1  }
0x17: {  	s4 =	simm.s32 $0x1BF5;
	[smem:$0x3FAA] =	sst s0  }
0x18: {  	s0 =	sld [smem:$0x3F8D];
	_ =	swait.ge [sflag:s4], $0x0  }
0x19: {  	s7 =	sld [smem:$0x3F8E]  }
0x1a: {  	s8 =	sadd.s32 $0xFFFFE003, lr  }
0x1b: {  	s9 =	sadd.s32 $0xFFFFFEF7, lr;
	s5 =	simm.s32 $0xFFFFFFFF;
	p2 =	slt.u32 s8, $0xFFFFF086  }
0x1c: {  	p1 =	slt.u32 s9, $0xF7A;
	s5 =	simm.s32 @!p2 $0x0  }
0x1d: {  	s5 =	simm.s32 @p1 $0x1;
	p0 =	seq.s32 s7, s2  }
0x1e: {  	s7 =	smul.u32 @!p0 $0xF7A, s2;
	p2 =	seq.s32 @!p0 s5, $0x0  }
0x1f: {  	s9 =	smul.u32 $0xF7A, s1;
	s8 =	simm.s32 @!p0 $0x1BF5;
	p2 =	por !p2, p0  }
0x20: {  	[sflag:s8] =	ssyncset.s32 @!p0 $0xFFFFF086;
	s6 =	sadd.s32 @!p0 s3, s7;
	s7 =	simm.s32 @!p0 $0x108  }
0x21: {  	s3 =	sadd.s32 s3, s9;
	s6 =	sadd.s32 @!p0 $0x88, s6;
	s7 =	simm.s32 @p2 $0x1082  }
0x22: {  	[simem:s7], [sflag:s8] =	dma.local @!p0 [hbm:s6], $0xF7A  }
0x23: {  	s9 =	sor.u32 $0xD0000000, s2;
	s6 =	simm.s32 $0x108;
	_ =	swait.ge @!p0 [sflag:s8], $0x0  }
0x24: {  	s3 =	sadd.s32 $0x88, s3;
	s6 =	simm.s32 @!p1 $0x1082;
	[sflag:s4] =	ssyncset.s32 $0xFFFFF086  }
0x25: {  	[simem:s6], [sflag:s4] =	dma.local [hbm:s3], $0xF7A  }
0x26: {  	[smem:$0x3F8E] =	sst s1;
	(tag) =	ssettag s2;
	_ =	strace s9  }
0x27: {  	s1 =	sld [smem:$0x3F9E]  }
0x28: {  	s2 =	sld [smem:$0x3F9F]  }
0x29: {  	s4 =	sld [smem:$0x3FA1]  }
0x2a: {  	p0 =	seq.s32 s5, $0x0;
	s5 =	sld [smem:$0x3FA2]  }
0x2b: {  	s6 =	sld [smem:$0x3FA3]  }
0x2c: {  	s7 =	sld [smem:$0x3FA4]  }
0x2d: {  	s3 =	simm.s32 $0x108;
	s8 =	sld [smem:$0x3FA5]  }
0x2e: {  	s3 =	simm.s32 @!p0 $0x1082;
	s9 =	sld [smem:$0x3FA6]  }
0x2f: {  	lr =	sadd.s32 s0, s3;
	s0 =	sld [smem:$0x3F9D]  }
0x30: {  	s3 =	sld [smem:$0x3FA0]  }
0x31: {  	[smem:$0x3FA9] =	sst s10  }
0x32: {  	s10 =	sld [smem:$0x3FA7];
	_ =	sdelay $0x3  }
0x33: {  	p0 =	seq.s32 s10, $0x1;
	s10 =	sld [smem:$0x3FA9];
	_ =	sdelay $0x3  }
0x34: {  	[smem:$0x3FA9] =	sst s10  }
0x35: {  	s10 =	sld [smem:$0x3FA8];
	_ =	sdelay $0x3  }
0x36: {  	p1 =	seq.s32 s10, $0x1;
	s10 =	sld [smem:$0x3FA9];
	_ =	sdelay $0x3  }
0x37: {  	[smem:$0x3FA9] =	sst s10  }
0x38: {  	s10 =	sld [smem:$0x3FAA]  }
0x39: {  	_ = 	snop;
	(pc) =	sbr.ind lr, $3  }
0x3a: {  	_ = 	snop  }
0x3b: {  	_ = 	snop  }
0x3c: {  	p2 =	seq.s32 s10, $0x1;
	s10 =	sld [smem:$0x3FA9]  }
0x3d: {  	_ =	shalt  }
0x3e: {  	_ =	shalt  }
0x3f: {  	_ =	shalt  }
0x40: {  	_ =	shalt  }
0x41: {  	_ =	shalt  }
0x42: {  	_ =	shalt  }
0x43: {  	_ =	shalt  }
0x44: {  	_ =	shalt  }
0x45: {  	_ =	shalt  }
0x46: {  	_ =	shalt  }
0x47: {  	_ =	shalt  }
0x48: {  	_ =	shalt  }
0x49: {  	_ =	shalt  }
0x4a: {  	_ =	shalt  }
0x4b: {  	_ =	shalt  }
0x4c: {  	_ =	shalt  }
0x4d: {  	_ =	shalt  }
0x4e: {  	_ =	shalt  }
0x4f: {  	_ =	shalt  }
0x50: {  	_ =	shalt  }
0x51: {  	_ =	shalt  }
0x52: {  	_ =	shalt  }
0x53: {  	_ =	shalt  }
0x54: {  	_ =	shalt  }
0x55: {  	_ =	shalt  }
0x56: {  	_ =	shalt  }
0x57: {  	_ =	shalt  }
0x58: {  	_ =	shalt  }
0x59: {  	_ =	shalt  }
0x5a: {  	_ =	shalt  }
0x5b: {  	_ =	shalt  }
0x5c: {  	_ =	shalt  }
0x5d: {  	_ =	shalt  }
0x5e: {  	_ =	shalt  }
0x5f: {  	_ =	shalt  }
0x60: {  	_ =	shalt  }
0x61: {  	_ =	shalt  }
0x62: {  	_ =	shalt  }
0x63: {  	_ =	shalt  }
0x64: {  	_ =	shalt  }
0x65: {  	_ =	shalt  }
0x66: {  	_ =	shalt  }
0x67: {  	_ =	shalt  }
0x68: {  	_ =	shalt  }
0x69: {  	_ =	shalt  }
0x6a: {  	_ =	shalt  }
0x6b: {  	_ =	shalt  }
0x6c: {  	_ =	shalt  }
0x6d: {  	_ =	shalt  }
0x6e: {  	_ =	shalt  }
0x6f: {  	_ =	shalt  }
0x70: {  	_ =	shalt  }
0x71: {  	_ =	shalt  }
0x72: {  	_ =	shalt  }
0x73: {  	_ =	shalt  }
0x74: {  	_ =	shalt  }
0x75: {  	_ =	shalt  }
0x76: {  	_ =	shalt  }
0x77: {  	_ =	shalt  }
0x78: {  	_ =	shalt  }
0x79: {  	_ =	shalt  }
0x7a: {  	_ =	shalt  }
0x7b: {  	_ =	shalt  }
0x7c: {  	_ =	shalt  }
0x7d: {  	_ =	shalt  }
0x7e: {  	_ =	shalt  }
0x7f: {  	_ =	shalt  }
0x80: {  	_ =	shalt  }
0x81: {  	_ =	shalt  }
0x82: {  	_ =	shalt  }
0x83: {  	_ =	shalt  }
0x84: {  	_ =	shalt  }
0x85: {  	_ =	shalt  }
0x86: {  	_ =	shalt  }
0x87: {  	_ =	shalt  }
.Lfunc_end0:
.L_simem_size_0:
called_computation.4_lowered:
.L_overlay_start_0:
0x88: {  	s0 =	sld [smem:$0x3FD9]  }
0x89: {  	s1 =	sld [smem:$0x3FFE];
	_ =	sdelay $0x3  }
0x8a: {  	s0 =	sadd.s32 s1, s0  }
0x8b: {  	[smem:$0x3FB5] =	sst s0  }
0x8c: {  	_ = 	snop  }
0x8d: {  	(tm) =	ssettm $0x1  }
0x8e: {  	s15 =	sld [smem:$0x3FFB];
	_ =	sdelay $0x3  }
0x8f: {  	_ =	strace s15  }
0x90: {  	s0 =	sld [smem:$0x3FFC];
	_ =	sdelay $0x3  }
0x91: {  	_ =	strace s0  }
0x92: {  	s0 =	sld [smem:$0x3FFD];
	_ =	sdelay $0x3  }
0x93: {  	_ =	strace s0  }
0x94: {  	_ =	strace $0x8FFFFFFF  }
0x95: {  	s16 =	sld [smem:$0x3FDB];
	_ =	sdelay $0x1  }
0x96: {  	s17 =	simm.s32 $_scs_section_size  }
0x97: {  	s2 =	simm.s32 $_size__tile_overlayer_lowered;
	s3 =	simm.s32 $_tile_overlayer_lowered  }
0x98: {  	s20 =	simm.s32 $0x1BFF;
	s19 =	sshll.u32 s3, $0x1;
	s0 =	sadd.s32 s17, s16  }
0x99: {  	s4 =	simm.s32 $0x0;
	s18 =	sshll.u32 s2, $0x1;
	s2 =	sadd.s32 s19, s0  }
0x9a: {  	[timem:s4], [sflag:s20] =	dma.local [hbm:s2], s18  }
0x9b: {  	_ =	swait.ge [sflag:s20], s18  }
0x9c: {  	s1 =	ssub.s32 $0x0, s18;
	[sflag:s20] =	ssyncset.done $0x0  }
0x9d: {  	[sflag:s20] =	ssyncadd.s32 s1;
	_ =	sdelay $0x1  }
0x9e: {  	s21 =	simm.s32 $0x1B8B  }
0x9f: {  	_ =	swait.ge [sflag:s21], $0x1  }
0xa0: {  	[sflag:s21] =	ssyncset.done $0x0  }
0xa1: {  	s23 =	simm.s32 $0x1B8E;
	s22 =	sld [smem:$0x3FFE];
	[sflag:s21] =	ssyncadd.s32 $0xFFFFFFFF  }
0xa2: {  	s24 =	simm.s32 $execute0_lowered;
	[smem:$0x3FD2] =	sst s23  }
0xa3: {  	s2 =	sshll.u32 s24, $0x1;
	_ =	strace $0x80000055;
	[dreg:$0x1] =	wrdreg $0xFFFFFFFF  }
0xa4: {  	s25 =	simm.s32 $_size_execute0_lowered;
	s0 =	sadd.s32 s0, s2;
	[dreg:$0x0] =	wrdreg $0x0  }
0xa5: {  	s2 =	sshll.u32 s25, $0x1;
	[dreg:$0x2] =	wrdreg s0  }
0xa6: {  	[dreg:$0x3] =	wrdreg s2  }
0xa7: {  	[dreg:$0x4] =	wrdreg $0xC0  }
0xa8: {  	_ =	task [dreg:s4], $0x5FFFF  }
0xa9: {  	[dreg:$0x1] =	wrdreg $0xFFFFFFFF  }
0xaa: {  	[dreg:$0x0] =	wrdreg $0x60  }
0xab: {  	[dreg:$0x2] =	wrdreg s22  }
0xac: {  	[dreg:$0x3] =	wrdreg $0xA  }
0xad: {  	_ =	task.clear_ibuf [dreg:s4], $0x4FFFF;
	_ =	strace $0x90000055  }
0xae: {  	s26 =	simm.s32 $0xA;
	_ =	strace $0x80000057  }
0xaf: {  	_ =	swait.ge [sflag:s26], $0x1  }
0xb0: {  	[sflag:s26] =	ssyncadd.s32 $0xFFFFFFFF  }
0xb1: {  	_ =	strace $0x90000057  }
0xb2: {  	_ =	sfence  }
0xb3: {  	s28 =	sld [smem:$0x0];
	_ =	sdelay $0x1  }
0xb4: {  	s29 =	srdreg.scid  }
0xb5: {  	s30 =	sshll.u32 s29, $0xD;
	s31 =	sshrl.u32 s29, $0x2  }
0xb6: {  	s1 =	sand.u32 $0x1, s29;
	s2 =	sand.u32 $0x4000, s30;
	s0 =	sadd.s32 s31, s28  }
0xb7: {  	s1 =	sor.u32 s2, s1;
	s0 =	sshll.u32 s0, $0x11  }
0xb8: {  	s0 =	sor.u32 s0, s1  }
0xb9: {  	s0 =	sadd.s32 $0x8F2B, s0  }
0xba: {  	[sflag:s0] =	ssyncadd.remote.s32 $0x1  }
0xbb: {  	_ =	sfence.sel $0xFFFF  }
0xbc: {  	[dreg:$0x0] =	wrdreg $0xFFFFFFFF;
	(pc) =	sbr.abs _section_cstart, $3  }
0xbd: {  	[dreg:$0x1] =	wrdreg $0xFFFFFFFF  }
0xbe: {  	_ =	task.clear_ibuf [dreg:s4], $0x2FFFF;
	_ =	strace $0x9FFFFFFF  }
0xbf: {  	(tm) =	ssettm $0x7FFFFFFF  }
tec
execute0_lowered:
.L_overlay_start_1:
0x0: {  	(tag) =	ssettag $0x1  }
0x1: {  	s8 =	rddreg [dreg:$0x0]  }
0x2: {  	s0 =	rddreg [dreg:$0x1];
	_ =	strace $0x80000056  }
0x3: {  	s4 =	simm.s32 $0x1;
	s1 =	stileid.u32;
	s7 =	simm.s32 $0x1  }
0x4: {  	s9 =	simm.s32 $0x1;
	s6 =	simm.s32 $0x2;
	s10 =	simm.s32 $0x3  }
0x5: {  	s13 =	simm.s32 $0x0;
	s12 =	simm.s32 $0x0;
	s2 =	sadd.s32 $0x65C00, s8  }
.Ltmp0:
0x6: {  	s3 =	sadd.s32 $0x66200, s8;
	p0 =	slt.u32 s1, $0xA;
	(pc) =	sbr.rel .LBB2_1-.Ltmp0, $4  }
0x7: {  	[sflag:s4] =	ssyncpa.u1 $0x0;
	s7 =	simm.s32 @!p0 $0x0;
	p0 =	sne.s32 s1, $0x9  }
0x8: {  	s5 =	smul.u32 $0x190, s1;
	[sflag:s6] =	ssyncpa.u1 $0x0;
	s9 =	simm.s32 @!p0 $0x0  }
0x9: {  	s8 =	sadd.s32 $0x66E00, s8;
	[sflag:s10] =	ssyncpa.u1 $0x0;
	s7 =	sadd.s32 s9, s7  }
0xa: {  	vm0 =	vmmov $0xffff;
	s10 =	simm.s32 $0x0;
	s11 =	smov.u32 s5;
	s9 =	sadd.s32 $0x1, s7  }
.LBB2_4:
0xb: {  	v2 =	vnsel vm1, $0x0, v2  }
0xc: {  	vm1 =	vgt.s32 v0, $0x0;
	v2 =	vmin.u32 v2, $0x270F  }
0xd: {  	v0 =	vnsel vm1, $0x0, v0  }
0xe: {  	v0 =	vmin.u32 v0, $0x270F  }
0xf: {  	[tilespmem:s18], [sflag:$0x1] =	stream.indirect_vreg.gather [hbm4b:s2+s10], $0x1, v1, vm0, $0x4038;
	[tilespmem:$0x640] =	vst v63  }
0x10: {  	(ifvalue) =	ssetifvalue $0x7FFFFFFF  }
0x11: {  	[tilespmem:s15], [sflag:$0x1] =	stream.indirect_vreg.gather [hbm4b:s2+s10], $0x1, v2, vm0, $0x4038;
	[tilespmem:$0x640] =	vst v63  }
0x12: {  	s29 =	sadd.s32 $0x10, s15;
	(ifvalue) =	ssetifvalue $0x7FFFFFFF  }
0x13: {  	[tilespmem:s29], [sflag:$0x1] =	stream.indirect_vreg.gather [hbm4b:s2+s10], $0x1, v0, vm0, $0x4038;
	[tilespmem:$0x640] =	vst v63  }
0x14: {  	_ =	swait.ge [sflag:s4], $0x190  }
0x15: {  	s30 =	sshrl.u32 s13, $0x3;
	[sflag:s4] =	ssyncset.done $0x0  }
0x16: {  	s31 =	sand.u32 $0x7, s13;
	s15 =	sadd.s32 s8, s30;
	[sflag:s4] =	ssyncadd.s32 $0xFFFFFE70  }
0x17: {  	[hbm4b:s15+s31] =	stream.linear.scatter [tilespmem:s14], [sflag:$0x3], $0x190, $0x38;
	[tilespmem:$0x640] =	vst v63  }
.LBB2_5:
0x18: {  	s15 =	sadd.s32 $0x1900, s11  }
0x19: {  	p1 =	sgt.s32 s15, $0x270F  }
0x1a: {  	s15 =	smov.u32 @p1 s5;
	p1 =	sne.s32 s12, s9  }
.Ltmp1:
0x1b: {  	p0 =	slt.u32 s12, $0x2;
	(pc) =	sbr.rel @!p1 .LBB2_6-.Ltmp1, $4  }
0x1c: {  	s14 =	simm.s32 @!p0 $0x3  }
0x1d: {  	_ =	swait.ge @!p0 [sflag:s14], $0x190  }
0x1e: {  	s16 =	sadd.s32 $0x1, s12;
	s13 =	smov.u32 s11;
	[sflag:s14] =	ssyncset.done @!p0 $0x0  }
0x1f: {  	s12 =	smov.u32 s16;
	s11 =	smov.u32 s15;
	[sflag:s14] =	ssyncadd.s32 @!p0 $0xFFFFFE70  }
.LBB2_1:
0x20: {  	p0 =	sge.u32 s12, s7  }
0x21: {  	s14 =	sxor.u32 @!p0 $0x1, s12  }
0x22: {  	s14 =	smul.u32 @!p0 $0x640, s14  }
0x23: {  	s31 =	sadd.s32 $0xFFFFFFFF, s12;
	s15 =	sshrl.u32 @!p0 s11, $0x3  }
0x24: {  	s16 =	sand.u32 @!p0 $0x7, s11;
	s15 =	sadd.s32 @!p0 s3, s15;
	s14 =	sshra.s32 @!p0 s14, $0x2  }
0x25: {  	[tilespmem:s14], [sflag:$0x2] =	stream.linear.gather @!p0 [hbm4b:s15+s16], $0x190, $0x38;
	[tilespmem:$0x640] =	vst v63  }
0x26: {  	p0 =	sge.u32 s31, s7  }
.Ltmp2:
0x27: {  	_ = 	snop;
	(pc) =	sbr.rel @p0 .LBB2_5-.Ltmp2, $1  }
0x28: {  	_ =	sdelay $0x3  }
0x29: {  	s14 =	sand.u32 $0x1, s12  }
0x2a: {  	_ =	swait.ge [sflag:s6], $0x190;
	p0 =	seq.s32 s14, $0x1;
	s14 =	simm.s32 $0x190  }
0x2b: {  	[sflag:s6] =	ssyncset.done $0x0;
	s14 =	simm.s32 @!p0 $0x0  }
0x2c: {  	[sflag:s6] =	ssyncadd.s32 $0xFFFFFE70;
	(ifvalue) =	ssetifvalue $0x7FFFFFFF;
	v0 =	vld.msk [tilespmem:s14+$0x0 ss:$0x1], $0xffff;
	_ =	sdelay $0x4  }
0x2d: {  	s15 =	sadd.s32 $0x10, s14;
	vm1 =	vgt.s32 v0, $0x0  }
0x2e: {  	v2 =	vld.msk [tilespmem:s15+$0x0 ss:$0x1], $0xffff;
	v1 =	vnsel vm1, $0x0, v0  }
0x2f: {  	v1 =	vmin.u32 v1, $0x270F;
	_ =	sdelay $0x2  }
0x30: {  	s17 =	simm.s32 $0x20;
	s14 =	sadd.s32 $0x320, s14;
	s16 =	sadd.s32 $0x10, s15  }
0x31: {  	s15 =	sadd.s32 $0x10, s14;
	s18 =	smov.u32 s14;
	v0 =	vld.msk [tilespmem:s16+$0x0 ss:$0x1], $0xffff;
	vm1 =	vgt.s32 v2, $0x0;
	(ifvalue) =	ssetifvalue $0x7FFFFFFF  }
.LBB2_3:
0x32: {  	[tilespmem:s18], [sflag:$0x1] =	stream.indirect_vreg.gather [hbm4b:s2+s10], $0x1, v1, vm0, $0x4038;
	[tilespmem:$0x640] =	vst v63  }
0x33: {  	s17 =	sadd.s32 $0x10, s17  }
0x34: {  	v2 =	vnsel vm1, $0x0, v2;
	p0 =	slt.u32 s17, $0x180  }
.Ltmp3:
0x35: {  	s18 =	smov.u32 s15;
	v1 =	vmin.u32 v2, $0x270F;
	(pc) =	sbr.rel @p0 .LBB2_3-.Ltmp3, $3  }
0x36: {  	_ =	sdelay $0x1  }
0x37: {  	s16 =	sadd.s32 $0x10, s16  }
0x38: {  	vm1 =	vgt.s32 v0, $0x0;
	s15 =	sadd.s32 $0x10, s15;
	v2 =	vmov v0;
	(ifvalue) =	ssetifvalue $0x7FFFFFFF;
	v0 =	vld.msk [tilespmem:s16+$0x0 ss:$0x1], $0xffff  }
.Ltmp4:
0x39: {  	_ = 	snop;
	(pc) =	sbr.rel .LBB2_4-.Ltmp4, $1  }
0x3a: {  	_ =	sdelay $0x3  }
.LBB2_6:
0x3b: {  	_ =	sfence.sel $0x180000  }
0x3c: {  	s2 =	simm.s32 $0x2;
	[bflag:$0x0] =	sbarrier.arrive $0xFFFF  }
0x3d: {  	s30 =	simm.s32 $0x3;
	[sflag:s2] =	ssyncpa.u1 $0x1  }
0x3e: {  	s31 =	simm.s32 $0x1;
	[sflag:s30] =	ssyncpa.u1 $0x1  }
0x3f: {  	[sflag:s31] =	ssyncpa.u1 $0x1  }
0x40: {  	p0 =	sne.s32 s1, $0x0;
	_ =	strace $0x90000056  }
0x41: {  	s0 =	sadd.s32 @!p0 $0x100000, s0;
	[bflag:$0x2] =	sbarrier.arrive $0xFFFF  }
0x42: {  	[sflag:s0] =	ssyncadd.tile.s32 @!p0 $0x1;
	_ =	shalt  }
.Lfunc_end2:
_tile_overlayer_lowered:
.L_overlay_start_2:
0x43: {  	(tag) =	ssettag $0x2  }
0x44: {  	s0 =	rddreg [dreg:$0x0];
	s2 =	stileid.u32  }
0x45: {  	s1 =	rddreg [dreg:$0x1];
	p0 =	sne.s32 s2, $0x0  }
0x46: {  	s3 =	rddreg [dreg:$0x2];
	[bflag:$0x3] =	sbarrier.arrive $0xFFFF;
	s2 =	simm.s32 @!p0 $0x1C01  }
0x47: {  	[timem:s3], [sflag:s2] =	dma.local @!p0 [hbm:s0], s1  }
0x48: {  	s0 =	simm.s32 @!p0 $0x1  }
0x49: {  	_ =	swait.ge @!p0 [sflag:s0], s1  }
0x4a: {  	s1 =	ssub.s32 @!p0 $0x0, s1;
	[sflag:s0] =	ssyncset.done @!p0 $0x0  }
0x4b: {  	[sflag:s0] =	ssyncadd.s32 @!p0 s1  }
0x4c: {  	[bflag:$0x3] =	sbarrier.arrive $0xFFFF  }
0x4d: {  	_ =	shalt  }

// kernel: gather_offload_async_start.2
scs
__scs_entry_jumppad:
0x0: {  	(pc) =	sbr.rel $0x88, $3  }
0x1: {  	(tag) =	ssettag $0x0;
	lr =	simm.s32 $0x1  }
0x2: {  	[smem:$0x3F8E] =	sst lr;
	_ =	strace $0xD0000000  }
0x3: {  	_ = 	snop  }
0x4: {  	_ = 	snop  }
0x5: {  	_ = 	snop  }
0x6: {  	_ = 	snop  }
0x7: {  	_ = 	snop  }
__scs_overlays_trampoline_lowered:
0x8: {  	[smem:$0x3F9D] =	sst s0  }
0x9: {  	[smem:$0x3F9E] =	sst s1  }
0xa: {  	[smem:$0x3F9F] =	sst s2  }
0xb: {  	[smem:$0x3FA0] =	sst s3  }
0xc: {  	[smem:$0x3FA1] =	sst s4  }
0xd: {  	[smem:$0x3FA2] =	sst s5  }
0xe: {  	[smem:$0x3FA3] =	sst s6  }
0xf: {  	[smem:$0x3FA4] =	sst s7  }
0x10: {  	[smem:$0x3FA5] =	sst s8  }
0x11: {  	[smem:$0x3FA6] =	sst s9;
	s0 =	simm.s32 @!p0 $0x0  }
0x12: {  	s1 =	sld [smem:$0x3F8C];
	s0 =	simm.s32 @p0 $0x1  }
0x13: {  	[smem:$0x3FA7] =	sst s0;
	s0 =	simm.s32 @!p1 $0x0  }
0x14: {  	s2 =	sld [smem:$0x3F8B];
	s0 =	simm.s32 @p1 $0x1  }
0x15: {  	[smem:$0x3FA8] =	sst s0;
	s0 =	simm.s32 @!p2 $0x0  }
0x16: {  	s3 =	sld [smem:$0x3FDB];
	s0 =	simm.s32 @p2 $0x1  }
0x17: {  	s4 =	simm.s32 $0x1BF5;
	[smem:$0x3FAA] =	sst s0  }
0x18: {  	s0 =	sld [smem:$0x3F8D];
	_ =	swait.ge [sflag:s4], $0x0  }
0x19: {  	s7 =	sld [smem:$0x3F8E]  }
0x1a: {  	s8 =	sadd.s32 $0xFFFFE003, lr  }
0x1b: {  	s9 =	sadd.s32 $0xFFFFFEF7, lr;
	s5 =	simm.s32 $0xFFFFFFFF;
	p2 =	slt.u32 s8, $0xFFFFF086  }
0x1c: {  	p1 =	slt.u32 s9, $0xF7A;
	s5 =	simm.s32 @!p2 $0x0  }
0x1d: {  	s5 =	simm.s32 @p1 $0x1;
	p0 =	seq.s32 s7, s2  }
0x1e: {  	s7 =	smul.u32 @!p0 $0xF7A, s2;
	p2 =	seq.s32 @!p0 s5, $0x0  }
0x1f: {  	s9 =	smul.u32 $0xF7A, s1;
	s8 =	simm.s32 @!p0 $0x1BF5;
	p2 =	por !p2, p0  }
0x20: {  	[sflag:s8] =	ssyncset.s32 @!p0 $0xFFFFF086;
	s6 =	sadd.s32 @!p0 s3, s7;
	s7 =	simm.s32 @!p0 $0x108  }
0x21: {  	s3 =	sadd.s32 s3, s9;
	s6 =	sadd.s32 @!p0 $0x88, s6;
	s7 =	simm.s32 @p2 $0x1082  }
0x22: {  	[simem:s7], [sflag:s8] =	dma.local @!p0 [hbm:s6], $0xF7A  }
0x23: {  	s9 =	sor.u32 $0xD0000000, s2;
	s6 =	simm.s32 $0x108;
	_ =	swait.ge @!p0 [sflag:s8], $0x0  }
0x24: {  	s3 =	sadd.s32 $0x88, s3;
	s6 =	simm.s32 @!p1 $0x1082;
	[sflag:s4] =	ssyncset.s32 $0xFFFFF086  }
0x25: {  	[simem:s6], [sflag:s4] =	dma.local [hbm:s3], $0xF7A  }
0x26: {  	[smem:$0x3F8E] =	sst s1;
	(tag) =	ssettag s2;
	_ =	strace s9  }
0x27: {  	s1 =	sld [smem:$0x3F9E]  }
0x28: {  	s2 =	sld [smem:$0x3F9F]  }
0x29: {  	s4 =	sld [smem:$0x3FA1]  }
0x2a: {  	p0 =	seq.s32 s5, $0x0;
	s5 =	sld [smem:$0x3FA2]  }
0x2b: {  	s6 =	sld [smem:$0x3FA3]  }
0x2c: {  	s7 =	sld [smem:$0x3FA4]  }
0x2d: {  	s3 =	simm.s32 $0x108;
	s8 =	sld [smem:$0x3FA5]  }
0x2e: {  	s3 =	simm.s32 @!p0 $0x1082;
	s9 =	sld [smem:$0x3FA6]  }
0x2f: {  	lr =	sadd.s32 s0, s3;
	s0 =	sld [smem:$0x3F9D]  }
0x30: {  	s3 =	sld [smem:$0x3FA0]  }
0x31: {  	[smem:$0x3FA9] =	sst s10  }
0x32: {  	s10 =	sld [smem:$0x3FA7];
	_ =	sdelay $0x3  }
0x33: {  	p0 =	seq.s32 s10, $0x1;
	s10 =	sld [smem:$0x3FA9];
	_ =	sdelay $0x3  }
0x34: {  	[smem:$0x3FA9] =	sst s10  }
0x35: {  	s10 =	sld [smem:$0x3FA8];
	_ =	sdelay $0x3  }
0x36: {  	p1 =	seq.s32 s10, $0x1;
	s10 =	sld [smem:$0x3FA9];
	_ =	sdelay $0x3  }
0x37: {  	[smem:$0x3FA9] =	sst s10  }
0x38: {  	s10 =	sld [smem:$0x3FAA]  }
0x39: {  	_ = 	snop;
	(pc) =	sbr.ind lr, $3  }
0x3a: {  	_ = 	snop  }
0x3b: {  	_ = 	snop  }
0x3c: {  	p2 =	seq.s32 s10, $0x1;
	s10 =	sld [smem:$0x3FA9]  }
0x3d: {  	_ =	shalt  }
0x3e: {  	_ =	shalt  }
0x3f: {  	_ =	shalt  }
0x40: {  	_ =	shalt  }
0x41: {  	_ =	shalt  }
0x42: {  	_ =	shalt  }
0x43: {  	_ =	shalt  }
0x44: {  	_ =	shalt  }
0x45: {  	_ =	shalt  }
0x46: {  	_ =	shalt  }
0x47: {  	_ =	shalt  }
0x48: {  	_ =	shalt  }
0x49: {  	_ =	shalt  }
0x4a: {  	_ =	shalt  }
0x4b: {  	_ =	shalt  }
0x4c: {  	_ =	shalt  }
0x4d: {  	_ =	shalt  }
0x4e: {  	_ =	shalt  }
0x4f: {  	_ =	shalt  }
0x50: {  	_ =	shalt  }
0x51: {  	_ =	shalt  }
0x52: {  	_ =	shalt  }
0x53: {  	_ =	shalt  }
0x54: {  	_ =	shalt  }
0x55: {  	_ =	shalt  }
0x56: {  	_ =	shalt  }
0x57: {  	_ =	shalt  }
0x58: {  	_ =	shalt  }
0x59: {  	_ =	shalt  }
0x5a: {  	_ =	shalt  }
0x5b: {  	_ =	shalt  }
0x5c: {  	_ =	shalt  }
0x5d: {  	_ =	shalt  }
0x5e: {  	_ =	shalt  }
0x5f: {  	_ =	shalt  }
0x60: {  	_ =	shalt  }
0x61: {  	_ =	shalt  }
0x62: {  	_ =	shalt  }
0x63: {  	_ =	shalt  }
0x64: {  	_ =	shalt  }
0x65: {  	_ =	shalt  }
0x66: {  	_ =	shalt  }
0x67: {  	_ =	shalt  }
0x68: {  	_ =	shalt  }
0x69: {  	_ =	shalt  }
0x6a: {  	_ =	shalt  }
0x6b: {  	_ =	shalt  }
0x6c: {  	_ =	shalt  }
0x6d: {  	_ =	shalt  }
0x6e: {  	_ =	shalt  }
0x6f: {  	_ =	shalt  }
0x70: {  	_ =	shalt  }
0x71: {  	_ =	shalt  }
0x72: {  	_ =	shalt  }
0x73: {  	_ =	shalt  }
0x74: {  	_ =	shalt  }
0x75: {  	_ =	shalt  }
0x76: {  	_ =	shalt  }
0x77: {  	_ =	shalt  }
0x78: {  	_ =	shalt  }
0x79: {  	_ =	shalt  }
0x7a: {  	_ =	shalt  }
0x7b: {  	_ =	shalt  }
0x7c: {  	_ =	shalt  }
0x7d: {  	_ =	shalt  }
0x7e: {  	_ =	shalt  }
0x7f: {  	_ =	shalt  }
0x80: {  	_ =	shalt  }
0x81: {  	_ =	shalt  }
0x82: {  	_ =	shalt  }
0x83: {  	_ =	shalt  }
0x84: {  	_ =	shalt  }
0x85: {  	_ =	shalt  }
0x86: {  	_ =	shalt  }
0x87: {  	_ =	shalt  }
.Lfunc_end0:
.L_simem_size_0:
called_computation.5_lowered:
.L_overlay_start_0:
0x88: {  	s0 =	sld [smem:$0x3FD9]  }
0x89: {  	s1 =	sld [smem:$0x3FFE];
	_ =	sdelay $0x3  }
0x8a: {  	s0 =	sadd.s32 s1, s0  }
0x8b: {  	[smem:$0x3FB5] =	sst s0  }
0x8c: {  	_ = 	snop  }
0x8d: {  	s0 =	sld [smem:$0x3FC7];
	(tm) =	ssettm $0x1  }
0x8e: {  	s16 =	sld [smem:$0x3FFB];
	_ =	sdelay $0x3  }
0x8f: {  	_ =	strace s16  }
0x90: {  	s1 =	sld [smem:$0x3FFC];
	_ =	sdelay $0x3  }
0x91: {  	_ =	strace s1  }
0x92: {  	s1 =	sld [smem:$0x3FFD];
	_ =	sdelay $0x3  }
0x93: {  	_ =	strace s1  }
0x94: {  	_ =	strace $0x8FFFFFFF  }
0x95: {  	s17 =	sld [smem:$0x3FDB];
	_ =	sdelay $0x1  }
0x96: {  	s2 =	simm.s32 $_scs_section_size  }
0x97: {  	s3 =	simm.s32 $_size__tile_overlayer_lowered;
	s4 =	simm.s32 $_tile_overlayer_lowered  }
0x98: {  	s20 =	simm.s32 $0x1BFF;
	s19 =	sshll.u32 s4, $0x1;
	s1 =	sadd.s32 s2, s17  }
0x99: {  	s5 =	simm.s32 $0x0;
	s18 =	sshll.u32 s3, $0x1;
	s3 =	sadd.s32 s19, s1  }
0x9a: {  	[timem:s5], [sflag:s20] =	dma.local [hbm:s3], s18  }
0x9b: {  	_ =	swait.ge [sflag:s20], s18  }
0x9c: {  	s2 =	ssub.s32 $0x0, s18;
	[sflag:s20] =	ssyncset.done $0x0  }
0x9d: {  	[sflag:s20] =	ssyncadd.s32 s2;
	_ =	sdelay $0x1  }
0x9e: {  	s21 =	simm.s32 $0x1B8B  }
0x9f: {  	_ =	swait.ge [sflag:s21], $0x1  }
0xa0: {  	[sflag:s21] =	ssyncset.done $0x0  }
0xa1: {  	s23 =	simm.s32 $0x1B8E;
	s22 =	sld [smem:$0x3FFE];
	[sflag:s21] =	ssyncadd.s32 $0xFFFFFFFF  }
0xa2: {  	s24 =	simm.s32 $execute0_lowered;
	[smem:$0x3FD2] =	sst s23  }
0xa3: {  	s3 =	sshll.u32 s24, $0x1;
	_ =	strace $0x8000004F;
	[dreg:$0x1] =	wrdreg $0xFFFFFFFF  }
0xa4: {  	s25 =	simm.s32 $_size_execute0_lowered;
	s1 =	sadd.s32 s1, s3;
	[dreg:$0x0] =	wrdreg $0x0  }
0xa5: {  	s3 =	sshll.u32 s25, $0x1;
	[dreg:$0x2] =	wrdreg s1  }
0xa6: {  	[dreg:$0x3] =	wrdreg s3  }
0xa7: {  	[dreg:$0x4] =	wrdreg $0xC0  }
0xa8: {  	_ =	task [dreg:s5], $0x5FFFF  }
0xa9: {  	[dreg:$0x1] =	wrdreg $0xFFFFFFFF  }
0xaa: {  	[dreg:$0x0] =	wrdreg $0x60  }
0xab: {  	[dreg:$0x2] =	wrdreg s0  }
0xac: {  	[dreg:$0x3] =	wrdreg s22  }
0xad: {  	[dreg:$0x4] =	wrdreg $0xB  }
0xae: {  	_ =	task.clear_ibuf [dreg:s5], $0x5FFFF;
	_ =	strace $0x9000004F  }
0xaf: {  	s26 =	simm.s32 $0xB;
	_ =	strace $0x80000051  }
0xb0: {  	_ =	swait.ge [sflag:s26], $0x1  }
0xb1: {  	[sflag:s26] =	ssyncadd.s32 $0xFFFFFFFF  }
0xb2: {  	_ =	strace $0x90000051  }
0xb3: {  	_ =	sfence  }
0xb4: {  	s28 =	sld [smem:$0x0];
	_ =	sdelay $0x1  }
0xb5: {  	s29 =	srdreg.scid  }
0xb6: {  	s30 =	sshll.u32 s29, $0xD;
	s31 =	sshrl.u32 s29, $0x2  }
0xb7: {  	s2 =	sand.u32 $0x4000, s30;
	s1 =	sand.u32 $0x1, s29;
	s0 =	sadd.s32 s31, s28  }
0xb8: {  	s1 =	sor.u32 s2, s1;
	s0 =	sshll.u32 s0, $0x11  }
0xb9: {  	s0 =	sor.u32 s0, s1  }
0xba: {  	s0 =	sadd.s32 $0x8F2B, s0  }
0xbb: {  	[sflag:s0] =	ssyncadd.remote.s32 $0x1  }
0xbc: {  	_ =	sfence.sel $0xFFFF  }
0xbd: {  	[dreg:$0x0] =	wrdreg $0xFFFFFFFF;
	(pc) =	sbr.abs _section_cstart, $3  }
0xbe: {  	[dreg:$0x1] =	wrdreg $0xFFFFFFFF  }
0xbf: {  	_ =	task.clear_ibuf [dreg:s5], $0x2FFFF;
	_ =	strace $0x9FFFFFFF  }
0xc0: {  	(tm) =	ssettm $0x7FFFFFFF  }
0xc1: {  	_ =	shalt  }
tec
execute0_lowered:
.L_overlay_start_1:
0x0: {  	(tag) =	ssettag $0x1  }
0x1: {  	s2 =	rddreg [dreg:$0x0]  }
0x2: {  	s8 =	rddreg [dreg:$0x1]  }
0x3: {  	s0 =	rddreg [dreg:$0x2]  }
0x4: {  	_ =	strace $0x80000050;
	s4 =	simm.s32 $0x1;
	s1 =	stileid.u32  }
0x5: {  	s7 =	simm.s32 $0x1;
	s9 =	simm.s32 $0x1;
	s6 =	simm.s32 $0x2  }
0x6: {  	s10 =	simm.s32 $0x3;
	s13 =	simm.s32 $0x0;
	s12 =	simm.s32 $0x0  }
.Ltmp0:
0x7: {  	s3 =	sadd.s32 $0x66200, s8;
	p0 =	slt.u32 s1, $0xA;
	(pc) =	sbr.rel .LBB2_1-.Ltmp0, $4  }
0x8: {  	[sflag:s4] =	ssyncpa.u1 $0x0;
	s7 =	simm.s32 @!p0 $0x0;
	p0 =	sne.s32 s1, $0x9  }
0x9: {  	s5 =	smul.u32 $0x190, s1;
	[sflag:s6] =	ssyncpa.u1 $0x0;
	s9 =	simm.s32 @!p0 $0x0  }
0xa: {  	s8 =	sadd.s32 $0x66800, s8;
	[sflag:s10] =	ssyncpa.u1 $0x0;
	s7 =	sadd.s32 s9, s7  }
0xb: {  	vm0 =	vmmov $0xffff;
	s10 =	simm.s32 $0x0;
	s11 =	smov.u32 s5;
	s9 =	sadd.s32 $0x1, s7  }
.LBB2_4:
0xc: {  	v2 =	vnsel vm1, $0x0, v2  }
0xd: {  	vm1 =	vgt.s32 v0, $0x0;
	v2 =	vmin.u32 v2, $0x270F  }
0xe: {  	v0 =	vnsel vm1, $0x0, v0  }
0xf: {  	v0 =	vmin.u32 v0, $0x270F  }
0x10: {  	[tilespmem:s18], [sflag:$0x1] =	stream.indirect_vreg.gather [hbm4b:s2+s10], $0x1, v1, vm0, $0x4038;
	[tilespmem:$0x640] =	vst v63  }
0x11: {  	(ifvalue) =	ssetifvalue $0x7FFFFFFF  }
0x12: {  	[tilespmem:s15], [sflag:$0x1] =	stream.indirect_vreg.gather [hbm4b:s2+s10], $0x1, v2, vm0, $0x4038;
	[tilespmem:$0x640] =	vst v63  }
0x13: {  	s29 =	sadd.s32 $0x10, s15;
	(ifvalue) =	ssetifvalue $0x7FFFFFFF  }
0x14: {  	[tilespmem:s29], [sflag:$0x1] =	stream.indirect_vreg.gather [hbm4b:s2+s10], $0x1, v0, vm0, $0x4038;
	[tilespmem:$0x640] =	vst v63  }
0x15: {  	_ =	swait.ge [sflag:s4], $0x190  }
0x16: {  	s30 =	sshrl.u32 s13, $0x3;
	[sflag:s4] =	ssyncset.done $0x0  }
0x17: {  	s31 =	sand.u32 $0x7, s13;
	s15 =	sadd.s32 s8, s30;
	[sflag:s4] =	ssyncadd.s32 $0xFFFFFE70  }
0x18: {  	[hbm4b:s15+s31] =	stream.linear.scatter [tilespmem:s14], [sflag:$0x3], $0x190, $0x38;
	[tilespmem:$0x640] =	vst v63  }
.LBB2_5:
0x19: {  	s15 =	sadd.s32 $0x1900, s11  }
0x1a: {  	p1 =	sgt.s32 s15, $0x270F  }
0x1b: {  	s15 =	smov.u32 @p1 s5;
	p1 =	sne.s32 s12, s9  }
.Ltmp1:
0x1c: {  	p0 =	slt.u32 s12, $0x2;
	(pc) =	sbr.rel @!p1 .LBB2_6-.Ltmp1, $4  }
0x1d: {  	s14 =	simm.s32 @!p0 $0x3  }
0x1e: {  	_ =	swait.ge @!p0 [sflag:s14], $0x190  }
0x1f: {  	s16 =	sadd.s32 $0x1, s12;
	s13 =	smov.u32 s11;
	[sflag:s14] =	ssyncset.done @!p0 $0x0  }
0x20: {  	s12 =	smov.u32 s16;
	s11 =	smov.u32 s15;
	[sflag:s14] =	ssyncadd.s32 @!p0 $0xFFFFFE70  }
.LBB2_1:
0x21: {  	p0 =	sge.u32 s12, s7  }
0x22: {  	s14 =	sxor.u32 @!p0 $0x1, s12  }
0x23: {  	s14 =	smul.u32 @!p0 $0x640, s14  }
0x24: {  	s31 =	sadd.s32 $0xFFFFFFFF, s12;
	s15 =	sshrl.u32 @!p0 s11, $0x3  }
0x25: {  	s16 =	sand.u32 @!p0 $0x7, s11;
	s15 =	sadd.s32 @!p0 s3, s15;
	s14 =	sshra.s32 @!p0 s14, $0x2  }
0x26: {  	[tilespmem:s14], [sflag:$0x2] =	stream.linear.gather @!p0 [hbm4b:s15+s16], $0x190, $0x38;
	[tilespmem:$0x640] =	vst v63  }
0x27: {  	p0 =	sge.u32 s31, s7  }
.Ltmp2:
0x28: {  	_ = 	snop;
	(pc) =	sbr.rel @p0 .LBB2_5-.Ltmp2, $1  }
0x29: {  	_ =	sdelay $0x3  }
0x2a: {  	s14 =	sand.u32 $0x1, s12  }
0x2b: {  	_ =	swait.ge [sflag:s6], $0x190;
	p0 =	seq.s32 s14, $0x1;
	s14 =	simm.s32 $0x190  }
0x2c: {  	[sflag:s6] =	ssyncset.done $0x0;
	s14 =	simm.s32 @!p0 $0x0  }
0x2d: {  	[sflag:s6] =	ssyncadd.s32 $0xFFFFFE70;
	(ifvalue) =	ssetifvalue $0x7FFFFFFF;
	v0 =	vld.msk [tilespmem:s14+$0x0 ss:$0x1], $0xffff;
	_ =	sdelay $0x4  }
0x2e: {  	s15 =	sadd.s32 $0x10, s14;
	vm1 =	vgt.s32 v0, $0x0  }
0x2f: {  	v2 =	vld.msk [tilespmem:s15+$0x0 ss:$0x1], $0xffff;
	v1 =	vnsel vm1, $0x0, v0  }
0x30: {  	v1 =	vmin.u32 v1, $0x270F;
	_ =	sdelay $0x2  }
0x31: {  	s17 =	simm.s32 $0x20;
	s14 =	sadd.s32 $0x320, s14;
	s16 =	sadd.s32 $0x10, s15  }
0x32: {  	s15 =	sadd.s32 $0x10, s14;
	s18 =	smov.u32 s14;
	v0 =	vld.msk [tilespmem:s16+$0x0 ss:$0x1], $0xffff;
	vm1 =	vgt.s32 v2, $0x0;
	(ifvalue) =	ssetifvalue $0x7FFFFFFF  }
.LBB2_3:
0x33: {  	[tilespmem:s18], [sflag:$0x1] =	stream.indirect_vreg.gather [hbm4b:s2+s10], $0x1, v1, vm0, $0x4038;
	[tilespmem:$0x640] =	vst v63  }
0x34: {  	s17 =	sadd.s32 $0x10, s17  }
0x35: {  	v2 =	vnsel vm1, $0x0, v2;
	p0 =	slt.u32 s17, $0x180  }
.Ltmp3:
0x36: {  	s18 =	smov.u32 s15;
	v1 =	vmin.u32 v2, $0x270F;
	(pc) =	sbr.rel @p0 .LBB2_3-.Ltmp3, $3  }
0x37: {  	_ =	sdelay $0x1  }
0x38: {  	s16 =	sadd.s32 $0x10, s16  }
0x39: {  	vm1 =	vgt.s32 v0, $0x0;
	s15 =	sadd.s32 $0x10, s15;
	v2 =	vmov v0;
	(ifvalue) =	ssetifvalue $0x7FFFFFFF;
	v0 =	vld.msk [tilespmem:s16+$0x0 ss:$0x1], $0xffff  }
.Ltmp4:
0x3a: {  	_ = 	snop;
	(pc) =	sbr.rel .LBB2_4-.Ltmp4, $1  }
0x3b: {  	_ =	sdelay $0x3  }
.LBB2_6:
0x3c: {  	_ =	sfence.sel $0x180000  }
0x3d: {  	s2 =	simm.s32 $0x2;
	[bflag:$0x0] =	sbarrier.arrive $0xFFFF  }
0x3e: {  	s30 =	simm.s32 $0x3;
	[sflag:s2] =	ssyncpa.u1 $0x1  }
0x3f: {  	s31 =	simm.s32 $0x1;
	[sflag:s30] =	ssyncpa.u1 $0x1  }
0x40: {  	[sflag:s31] =	ssyncpa.u1 $0x1  }
0x41: {  	p0 =	sne.s32 s1, $0x0;
	_ =	strace $0x90000050  }
0x42: {  	s0 =	sadd.s32 @!p0 $0x100000, s0;
	[bflag:$0x2] =	sbarrier.arrive $0xFFFF  }
0x43: {  	[sflag:s0] =	ssyncadd.tile.s32 @!p0 $0x1;
	_ =	shalt  }
.Lfunc_end2:
_tile_overlayer_lowered:
.L_overlay_start_2:
0x44: {  	(tag) =	ssettag $0x2  }
0x45: {  	s0 =	rddreg [dreg:$0x0];
	s2 =	stileid.u32  }
0x46: {  	s1 =	rddreg [dreg:$0x1];
	p0 =	sne.s32 s2, $0x0  }
0x47: {  	s3 =	rddreg [dreg:$0x2];
	[bflag:$0x3] =	sbarrier.arrive $0xFFFF;
	s2 =	simm.s32 @!p0 $0x1C01  }
0x48: {  	[timem:s3], [sflag:s2] =	dma.local @!p0 [hbm:s0], s1  }
0x49: {  	s0 =	simm.s32 @!p0 $0x1  }
0x4a: {  	_ =	swait.ge @!p0 [sflag:s0], s1  }
0x4b: {  	s1 =	ssub.s32 @!p0 $0x0, s1;
	[sflag:s0] =	ssyncset.done @!p0 $0x0  }
0x4c: {  	[sflag:s0] =	ssyncadd.s32 @!p0 s1  }
0x4d: {  	[bflag:$0x3] =	sbarrier.arrive $0xFFFF  }
0x4e: {  	_ =	shalt  }

// kernel: gather_offload_async_start
scs
__scs_entry_jumppad:
0x0: {  	(pc) =	sbr.rel $0x88, $3  }
0x1: {  	(tag) =	ssettag $0x0;
	lr =	simm.s32 $0x1  }
0x2: {  	[smem:$0x3F8E] =	sst lr;
	_ =	strace $0xD0000000  }
0x3: {  	_ = 	snop  }
0x4: {  	_ = 	snop  }
0x5: {  	_ = 	snop  }
0x6: {  	_ = 	snop  }
0x7: {  	_ = 	snop  }
__scs_overlays_trampoline_lowered:
0x8: {  	[smem:$0x3F9D] =	sst s0  }
0x9: {  	[smem:$0x3F9E] =	sst s1  }
0xa: {  	[smem:$0x3F9F] =	sst s2  }
0xb: {  	[smem:$0x3FA0] =	sst s3  }
0xc: {  	[smem:$0x3FA1] =	sst s4  }
0xd: {  	[smem:$0x3FA2] =	sst s5  }
0xe: {  	[smem:$0x3FA3] =	sst s6  }
0xf: {  	[smem:$0x3FA4] =	sst s7  }
0x10: {  	[smem:$0x3FA5] =	sst s8  }
0x11: {  	[smem:$0x3FA6] =	sst s9;
	s0 =	simm.s32 @!p0 $0x0  }
0x12: {  	s1 =	sld [smem:$0x3F8C];
	s0 =	simm.s32 @p0 $0x1  }
0x13: {  	[smem:$0x3FA7] =	sst s0;
	s0 =	simm.s32 @!p1 $0x0  }
0x14: {  	s2 =	sld [smem:$0x3F8B];
	s0 =	simm.s32 @p1 $0x1  }
0x15: {  	[smem:$0x3FA8] =	sst s0;
	s0 =	simm.s32 @!p2 $0x0  }
0x16: {  	s3 =	sld [smem:$0x3FDB];
	s0 =	simm.s32 @p2 $0x1  }
0x17: {  	s4 =	simm.s32 $0x1BF5;
	[smem:$0x3FAA] =	sst s0  }
0x18: {  	s0 =	sld [smem:$0x3F8D];
	_ =	swait.ge [sflag:s4], $0x0  }
0x19: {  	s7 =	sld [smem:$0x3F8E]  }
0x1a: {  	s8 =	sadd.s32 $0xFFFFE003, lr  }
0x1b: {  	s9 =	sadd.s32 $0xFFFFFEF7, lr;
	s5 =	simm.s32 $0xFFFFFFFF;
	p2 =	slt.u32 s8, $0xFFFFF086  }
0x1c: {  	p1 =	slt.u32 s9, $0xF7A;
	s5 =	simm.s32 @!p2 $0x0  }
0x1d: {  	s5 =	simm.s32 @p1 $0x1;
	p0 =	seq.s32 s7, s2  }
0x1e: {  	s7 =	smul.u32 @!p0 $0xF7A, s2;
	p2 =	seq.s32 @!p0 s5, $0x0  }
0x1f: {  	s9 =	smul.u32 $0xF7A, s1;
	s8 =	simm.s32 @!p0 $0x1BF5;
	p2 =	por !p2, p0  }
0x20: {  	[sflag:s8] =	ssyncset.s32 @!p0 $0xFFFFF086;
	s6 =	sadd.s32 @!p0 s3, s7;
	s7 =	simm.s32 @!p0 $0x108  }
0x21: {  	s3 =	sadd.s32 s3, s9;
	s6 =	sadd.s32 @!p0 $0x88, s6;
	s7 =	simm.s32 @p2 $0x1082  }
0x22: {  	[simem:s7], [sflag:s8] =	dma.local @!p0 [hbm:s6], $0xF7A  }
0x23: {  	s9 =	sor.u32 $0xD0000000, s2;
	s6 =	simm.s32 $0x108;
	_ =	swait.ge @!p0 [sflag:s8], $0x0  }
0x24: {  	s3 =	sadd.s32 $0x88, s3;
	s6 =	simm.s32 @!p1 $0x1082;
	[sflag:s4] =	ssyncset.s32 $0xFFFFF086  }
0x25: {  	[simem:s6], [sflag:s4] =	dma.local [hbm:s3], $0xF7A  }
0x26: {  	[smem:$0x3F8E] =	sst s1;
	(tag) =	ssettag s2;
	_ =	strace s9  }
0x27: {  	s1 =	sld [smem:$0x3F9E]  }
0x28: {  	s2 =	sld [smem:$0x3F9F]  }
0x29: {  	s4 =	sld [smem:$0x3FA1]  }
0x2a: {  	p0 =	seq.s32 s5, $0x0;
	s5 =	sld [smem:$0x3FA2]  }
0x2b: {  	s6 =	sld [smem:$0x3FA3]  }
0x2c: {  	s7 =	sld [smem:$0x3FA4]  }
0x2d: {  	s3 =	simm.s32 $0x108;
	s8 =	sld [smem:$0x3FA5]  }
0x2e: {  	s3 =	simm.s32 @!p0 $0x1082;
	s9 =	sld [smem:$0x3FA6]  }
0x2f: {  	lr =	sadd.s32 s0, s3;
	s0 =	sld [smem:$0x3F9D]  }
0x30: {  	s3 =	sld [smem:$0x3FA0]  }
0x31: {  	[smem:$0x3FA9] =	sst s10  }
0x32: {  	s10 =	sld [smem:$0x3FA7];
	_ =	sdelay $0x3  }
0x33: {  	p0 =	seq.s32 s10, $0x1;
	s10 =	sld [smem:$0x3FA9];
	_ =	sdelay $0x3  }
0x34: {  	[smem:$0x3FA9] =	sst s10  }
0x35: {  	s10 =	sld [smem:$0x3FA8];
	_ =	sdelay $0x3  }
0x36: {  	p1 =	seq.s32 s10, $0x1;
	s10 =	sld [smem:$0x3FA9];
	_ =	sdelay $0x3  }
0x37: {  	[smem:$0x3FA9] =	sst s10  }
0x38: {  	s10 =	sld [smem:$0x3FAA]  }
0x39: {  	_ = 	snop;
	(pc) =	sbr.ind lr, $3  }
0x3a: {  	_ = 	snop  }
0x3b: {  	_ = 	snop  }
0x3c: {  	p2 =	seq.s32 s10, $0x1;
	s10 =	sld [smem:$0x3FA9]  }
0x3d: {  	_ =	shalt  }
0x3e: {  	_ =	shalt  }
0x3f: {  	_ =	shalt  }
0x40: {  	_ =	shalt  }
0x41: {  	_ =	shalt  }
0x42: {  	_ =	shalt  }
0x43: {  	_ =	shalt  }
0x44: {  	_ =	shalt  }
0x45: {  	_ =	shalt  }
0x46: {  	_ =	shalt  }
0x47: {  	_ =	shalt  }
0x48: {  	_ =	shalt  }
0x49: {  	_ =	shalt  }
0x4a: {  	_ =	shalt  }
0x4b: {  	_ =	shalt  }
0x4c: {  	_ =	shalt  }
0x4d: {  	_ =	shalt  }
0x4e: {  	_ =	shalt  }
0x4f: {  	_ =	shalt  }
0x50: {  	_ =	shalt  }
0x51: {  	_ =	shalt  }
0x52: {  	_ =	shalt  }
0x53: {  	_ =	shalt  }
0x54: {  	_ =	shalt  }
0x55: {  	_ =	shalt  }
0x56: {  	_ =	shalt  }
0x57: {  	_ =	shalt  }
0x58: {  	_ =	shalt  }
0x59: {  	_ =	shalt  }
0x5a: {  	_ =	shalt  }
0x5b: {  	_ =	shalt  }
0x5c: {  	_ =	shalt  }
0x5d: {  	_ =	shalt  }
0x5e: {  	_ =	shalt  }
0x5f: {  	_ =	shalt  }
0x60: {  	_ =	shalt  }
0x61: {  	_ =	shalt  }
0x62: {  	_ =	shalt  }
0x63: {  	_ =	shalt  }
0x64: {  	_ =	shalt  }
0x65: {  	_ =	shalt  }
0x66: {  	_ =	shalt  }
0x67: {  	_ =	shalt  }
0x68: {  	_ =	shalt  }
0x69: {  	_ =	shalt  }
0x6a: {  	_ =	shalt  }
0x6b: {  	_ =	shalt  }
0x6c: {  	_ =	shalt  }
0x6d: {  	_ =	shalt  }
0x6e: {  	_ =	shalt  }
0x6f: {  	_ =	shalt  }
0x70: {  	_ =	shalt  }
0x71: {  	_ =	shalt  }
0x72: {  	_ =	shalt  }
0x73: {  	_ =	shalt  }
0x74: {  	_ =	shalt  }
0x75: {  	_ =	shalt  }
0x76: {  	_ =	shalt  }
0x77: {  	_ =	shalt  }
0x78: {  	_ =	shalt  }
0x79: {  	_ =	shalt  }
0x7a: {  	_ =	shalt  }
0x7b: {  	_ =	shalt  }
0x7c: {  	_ =	shalt  }
0x7d: {  	_ =	shalt  }
0x7e: {  	_ =	shalt  }
0x7f: {  	_ =	shalt  }
0x80: {  	_ =	shalt  }
0x81: {  	_ =	shalt  }
0x82: {  	_ =	shalt  }
0x83: {  	_ =	shalt  }
0x84: {  	_ =	shalt  }
0x85: {  	_ =	shalt  }
0x86: {  	_ =	shalt  }
0x87: {  	_ =	shalt  }
.Lfunc_end0:
.L_simem_size_0:
called_computation.3_lowered:
.L_overlay_start_0:
0x88: {  	s0 =	sld [smem:$0x3FD9]  }
0x89: {  	s1 =	sld [smem:$0x3FFE];
	_ =	sdelay $0x3  }
0x8a: {  	s0 =	sadd.s32 s1, s0  }
0x8b: {  	[smem:$0x3FB5] =	sst s0  }
0x8c: {  	_ = 	snop  }
0x8d: {  	(tm) =	ssettm $0x1  }
0x8e: {  	s15 =	sld [smem:$0x3FFB];
	_ =	sdelay $0x3  }
0x8f: {  	_ =	strace s15  }
0x90: {  	s0 =	sld [smem:$0x3FFC];
	_ =	sdelay $0x3  }
0x91: {  	_ =	strace s0  }
0x92: {  	s0 =	sld [smem:$0x3FFD];
	_ =	sdelay $0x3  }
0x93: {  	_ =	strace s0  }
0x94: {  	_ =	strace $0x8FFFFFFF  }
0x95: {  	s16 =	sld [smem:$0x3FDB];
	_ =	sdelay $0x1  }
0x96: {  	s17 =	simm.s32 $_scs_section_size  }
0x97: {  	s2 =	simm.s32 $_size__tile_overlayer_lowered;
	s3 =	simm.s32 $_tile_overlayer_lowered  }
0x98: {  	s20 =	simm.s32 $0x1BFF;
	s19 =	sshll.u32 s3, $0x1;
	s0 =	sadd.s32 s17, s16  }
0x99: {  	s4 =	simm.s32 $0x0;
	s18 =	sshll.u32 s2, $0x1;
	s2 =	sadd.s32 s19, s0  }
0x9a: {  	[timem:s4], [sflag:s20] =	dma.local [hbm:s2], s18  }
0x9b: {  	_ =	swait.ge [sflag:s20], s18  }
0x9c: {  	s1 =	ssub.s32 $0x0, s18;
	[sflag:s20] =	ssyncset.done $0x0  }
0x9d: {  	[sflag:s20] =	ssyncadd.s32 s1;
	_ =	sdelay $0x1  }
0x9e: {  	s21 =	simm.s32 $0x1B8B  }
0x9f: {  	_ =	swait.ge [sflag:s21], $0x1  }
0xa0: {  	[sflag:s21] =	ssyncset.done $0x0  }
0xa1: {  	s23 =	simm.s32 $0x1B8E;
	s22 =	sld [smem:$0x3FFE];
	[sflag:s21] =	ssyncadd.s32 $0xFFFFFFFF  }
0xa2: {  	s24 =	simm.s32 $execute0_lowered;
	[smem:$0x3FD2] =	sst s23  }
0xa3: {  	s2 =	sshll.u32 s24, $0x1;
	_ =	strace $0x80000058;
	[dreg:$0x1] =	wrdreg $0xFFFFFFFF  }
0xa4: {  	s25 =	simm.s32 $_size_execute0_lowered;
	s0 =	sadd.s32 s0, s2;
	[dreg:$0x0] =	wrdreg $0x0  }
0xa5: {  	s2 =	sshll.u32 s25, $0x1;
	[dreg:$0x2] =	wrdreg s0  }
0xa6: {  	[dreg:$0x3] =	wrdreg s2  }
0xa7: {  	[dreg:$0x4] =	wrdreg $0xC0  }
0xa8: {  	_ =	task [dreg:s4], $0x5FFFF  }
0xa9: {  	[dreg:$0x1] =	wrdreg $0xFFFFFFFF  }
0xaa: {  	[dreg:$0x0] =	wrdreg $0x60  }
0xab: {  	[dreg:$0x2] =	wrdreg s22  }
0xac: {  	[dreg:$0x3] =	wrdreg $0x9  }
0xad: {  	_ =	task.clear_ibuf [dreg:s4], $0x4FFFF;
	_ =	strace $0x90000058  }
0xae: {  	s26 =	simm.s32 $0x9;
	_ =	strace $0x8000005A  }
0xaf: {  	_ =	swait.ge [sflag:s26], $0x1  }
0xb0: {  	[sflag:s26] =	ssyncadd.s32 $0xFFFFFFFF  }
0xb1: {  	_ =	strace $0x9000005A  }
0xb2: {  	_ =	sfence  }
0xb3: {  	s28 =	sld [smem:$0x0];
	_ =	sdelay $0x1  }
0xb4: {  	s29 =	srdreg.scid  }
0xb5: {  	s30 =	sshll.u32 s29, $0xD;
	s31 =	sshrl.u32 s29, $0x2  }
0xb6: {  	s1 =	sand.u32 $0x1, s29;
	s2 =	sand.u32 $0x4000, s30;
	s0 =	sadd.s32 s31, s28  }
0xb7: {  	s1 =	sor.u32 s2, s1;
	s0 =	sshll.u32 s0, $0x11  }
0xb8: {  	s0 =	sor.u32 s0, s1  }
0xb9: {  	s0 =	sadd.s32 $0x8F2B, s0  }
0xba: {  	[sflag:s0] =	ssyncadd.remote.s32 $0x1  }
0xbb: {  	_ =	sfence.sel $0xFFFF  }
0xbc: {  	[dreg:$0x0] =	wrdreg $0xFFFFFFFF;
	(pc) =	sbr.abs _section_cstart, $3  }
0xbd: {  	[dreg:$0x1] =	wrdreg $0xFFFFFFFF  }
0xbe: {  	_ =	task.clear_ibuf [dreg:s4], $0x2FFFF;
	_ =	strace $0x9FFFFFFF  }
0xbf: {  	(tm) =	ssettm $0x7FFFFFFF  }
tec
execute0_lowered:
.L_overlay_start_1:
0x0: {  	(tag) =	ssettag $0x1  }
0x1: {  	s0 =	stileid.u32  }
0x2: {  	s1 =	smul.u32 $0x3, s0  }
0x3: {  	s2 =	smin.u32 s0, $0x2  }
0x4: {  	s1 =	sadd.s32 s2, s1  }
0x5: {  	p0 =	slt.u32 s0, $0x2;
	s2 =	simm.s32 $0x320;
	s1 =	smul.u32 $0xC8, s1  }
0x6: {  	s2 =	simm.s32 @!p0 $0x258  }
0x7: {  	s2 =	sadd.s32 s2, s1  }
0x8: {  	s3 =	smin.u32 s2, $0x2710  }
0x9: {  	s7 =	ssub.s32 s3, s1  }
0xa: {  	p0 =	sgt.s32 s7, $0x0  }
0xb: {  	s7 =	simm.s32 @!p0 $0x0  }
0xc: {  	s31 =	sand.u32 $0xFFF8, s7  }
0xd: {  	s2 =	sshrl.u32 s31, $0x3  }
0xe: {  	s2 =	smul.u32 $0x147B, s2  }
0xf: {  	s9 =	rddreg [dreg:$0x0];
	s6 =	simm.s32 $0x1;
	s11 =	simm.s32 $0x3  }
0x10: {  	s13 =	simm.s32 $0x0;
	s12 =	simm.s32 $0x0;
	s8 =	sshrl.u32 s2, $0x11  }
0x11: {  	s4 =	sadd.s32 $0x17A00, s9;
	s5 =	sadd.s32 $0x66200, s9;
	s10 =	smul.u32 $0xC8, s8  }
.Ltmp0:
0x12: {  	s9 =	sadd.s32 $0x68A00, s9;
	s2 =	rddreg [dreg:$0x1];
	(pc) =	sbr.rel .LBB2_1-.Ltmp0, $4  }
0x13: {  	_ =	strace $0x80000059;
	p0 =	sne.s32 s7, s10;
	s10 =	simm.s32 $0x1  }
0x14: {  	[sflag:s6] =	ssyncpa.u1 $0x0;
	s7 =	simm.s32 $0x2;
	s10 =	simm.s32 @!p0 $0x0  }
0x15: {  	[sflag:s7] =	ssyncpa.u1 $0x0;
	p0 =	por $0x0, $0x0;
	s8 =	sadd.s32 s8, s10  }
0x16: {  	vm0 =	vmmov $0xff;
	vm1 =	vcmask $0x3F20;
	[sflag:s11] =	ssyncpa.u1 $0x0;
	s11 =	smov.u32 s1;
	s10 =	sadd.s32 $0x1, s8  }
.LBB2_10:
0x17: {  	[hbm:s17] =	stream.linear.scatter [tilespmem:s14], [sflag:$0x3], $0x800, $0x38;
	[tilespmem:$0x19190] =	vst v63  }
.LBB2_11:
0x18: {  	s13 =	sadd.s32 $0xC8, s11  }
0x19: {  	s15 =	smov.u32 s1;
	p2 =	slt.s32 s13, s3  }
0x1a: {  	s15 =	smov.u32 @p2 s13;
	p2 =	sne.s32 s12, s10  }
.Ltmp1:
0x1b: {  	p1 =	slt.u32 s12, $0x2;
	(pc) =	sbr.rel @!p2 .LBB2_12-.Ltmp1, $4  }
0x1c: {  	s14 =	simm.s32 @!p1 $0x3  }
0x1d: {  	s16 =	sadd.s32 $0x1, s12;
	_ =	swait.ge @!p1 [sflag:s14], $0xC800  }
0x1e: {  	p0 =	por !p0, !p0;
	s13 =	smov.u32 s11;
	[sflag:s14] =	ssyncset.done @!p1 $0x0  }
0x1f: {  	s12 =	smov.u32 s16;
	s11 =	smov.u32 s15;
	[sflag:s14] =	ssyncadd.s32 @!p1 $0xFFFF3800  }
.LBB2_1:
0x20: {  	p1 =	sge.u32 s12, s8  }
0x21: {  	s14 =	sxor.u32 @!p1 $0xFFFFFFFF, s12  }
0x22: {  	s14 =	sand.u32 @!p1 $0x1, s14  }
0x23: {  	s14 =	smul.u32 @!p1 $0x320, s14  }
0x24: {  	s31 =	sadd.s32 $0xFFFFFFFF, s12;
	s15 =	sshrl.u32 @!p1 s11, $0x3  }
0x25: {  	s16 =	sand.u32 @!p1 $0x7, s11;
	s15 =	sadd.s32 @!p1 s5, s15;
	s14 =	sshrl.u32 @!p1 s14, $0x2  }
0x26: {  	[tilespmem:s14], [sflag:$0x2] =	stream.linear.gather @!p1 [hbm4b:s15+s16], $0xC8, $0x38;
	[tilespmem:$0x19190] =	vst v63  }
0x27: {  	p1 =	sge.u32 s31, s8  }
.Ltmp2:
0x28: {  	_ = 	snop;
	(pc) =	sbr.rel @p1 .LBB2_11-.Ltmp2, $1  }
0x29: {  	_ =	sdelay $0x3  }
0x2a: {  	s15 =	sand.u32 $0x1, s12  }
0x2b: {  	s14 =	simm.s32 $0x1;
	s16 =	smul.u32 $0x32000, s15  }
0x2c: {  	_ =	swait.ge [sflag:s7], $0xC8;
	s14 =	simm.s32 @!p0 $0x0;
	s15 =	smul.u32 $0x320, s15  }
0x2d: {  	[sflag:s7] =	ssyncset.done $0x0;
	s14 =	smul.u32 $0x32000, s14  }
0x2e: {  	[sflag:s7] =	ssyncadd.s32 $0xFFFFFF38  }
0x2f: {  	s17 =	sshrl.u32 s16, $0x2;
	s16 =	sshrl.u32 s15, $0x2;
	s14 =	sshrl.u32 s14, $0x2  }
0x30: {  	s15 =	sor.u32 $0x190, s17;
	s17 =	simm.s32 $0x0;
	s14 =	sor.u32 $0x190, s14  }
.LBB2_3:
0x31: {  	s18 =	sshll.u32 s17, $0x4  }
0x32: {  	s18 =	sand.u32 $0x3FFFFFF0, s18  }
0x33: {  	s18 =	sadd.s32 s18, s16  }
0x34: {  	v0 =	vld.msk [tilespmem:s18+$0x0 ss:$0x1], $0xffff;
	_ =	sdelay $0x4  }
0x35: {  	vm2 =	vgt.s32 v0, $0x0  }
0x36: {  	v0 =	vnsel vm2, $0x0, v0  }
0x37: {  	v0 =	vmin.u32 v0, $0x270F  }
0x38: {  	s31 =	sshll.u32 s17, $0xC;
	v1 =	vshll.u32 v0, $0x5;
	v0 =	vshll.u32 v0, $0x4  }
0x39: {  	s18 =	sand.u32 $0x3FFFF000, s31;
	v1 =	vand.u32 $0x7FF00, v1;
	v0 =	vand.u32 $0x70, v0  }
0x3a: {  	p1 =	por $0x1, $0x1;
	s19 =	simm.s32 $0x0;
	s18 =	sadd.s32 s18, s15;
	v0 =	vor.u32 v0, v1  }
.LBB2_4:
0x3b: {  	_ =	sdelay $0x1  }
0x3c: {  	s19 =	sshra.s32 s19, $0x2;
	p2 =	por p1, p1  }
.Ltmp3:
0x3d: {  	s19 =	sadd.s32 s19, s18;
	(pc) =	sbr.rel @p2 .LBB2_4-.Ltmp3, $4  }
0x3e: {  	[tilespmem:s19], [sflag:$0x1] =	stream.indirect_vreg.gather [hbm:s4], $0x80, v0, vm0, $0x38;
	[tilespmem:$0x19190] =	vst v63  }
0x3f: {  	s19 =	sadd.s32 $0x800, s19  }
0x40: {  	[tilespmem:s19], [sflag:$0x1] =	stream.indirect_vreg.gather [hbm:s4], $0x80, v0, vm1, $0x38;
	[tilespmem:$0x19190] =	vst v63  }
0x41: {  	p1 =	por $0x0, $0x0;
	v0 =	vadd.s32 $0x80, v0;
	s19 =	simm.s32 $0x1000  }
0x42: {  	s17 =	sadd.s32 $0x1, s17  }
0x43: {  	p1 =	sne.s32 s17, $0xC  }
.Ltmp4:
0x44: {  	_ = 	snop;
	(pc) =	sbr.rel @p1 .LBB2_3-.Ltmp4, $1  }
0x45: {  	_ =	sdelay $0x3  }
0x46: {  	v0 =	vld.msk [tilespmem:s16+$0xC0 ss:$0x1], $0xff;
	_ =	sdelay $0x4  }
0x47: {  	vm2 =	vgt.s32 v0, $0x0  }
0x48: {  	v0 =	vnsel vm2, $0x0, v0  }
0x49: {  	v0 =	vmin.u32 v0, $0x270F  }
0x4a: {  	v1 =	vshll.u32 v0, $0x5;
	v0 =	vshll.u32 v0, $0x4  }
0x4b: {  	v1 =	vand.u32 $0x7FF00, v1;
	v0 =	vand.u32 $0x70, v0  }
0x4c: {  	s16 =	simm.s32 $0x0;
	p1 =	por $0x1, $0x1;
	v0 =	vor.u32 v0, v1  }
.LBB2_7:
0x4d: {  	p2 =	por p1, p1  }
.Ltmp5:
0x4e: {  	s16 =	sshra.s32 s16, $0x2;
	(pc) =	sbr.rel @p2 .LBB2_7-.Ltmp5, $4  }
0x4f: {  	s16 =	sadd.s32 s16, s15  }
0x50: {  	s16 =	sadd.s32 $0xC000, s16  }
0x51: {  	[tilespmem:s16], [sflag:$0x1] =	stream.indirect_vreg.gather [hbm:s4], $0x80, v0, vm0, $0x38;
	[tilespmem:$0x19190] =	vst v63  }
0x52: {  	p1 =	por $0x0, $0x0;
	v0 =	vadd.s32 $0x80, v0;
	s16 =	simm.s32 $0x1000  }
0x53: {  	s15 =	sshll.u32 s13, $0x5  }
0x54: {  	s31 =	sshll.u32 s13, $0x4;
	s15 =	sand.u32 $0xFFFFFF00, s15  }
0x55: {  	_ =	swait.ge [sflag:s6], $0xC800;
	s13 =	sand.u32 $0x70, s31;
	s15 =	sadd.s32 s15, s9  }
0x56: {  	s16 =	sadd.s32 $0x800, s14;
	[sflag:s6] =	ssyncset.done $0x0;
	s13 =	sadd.s32 s13, s15  }
0x57: {  	[sflag:s6] =	ssyncadd.s32 $0xFFFF3800;
	s15 =	simm.s32 $0x100;
	s17 =	sadd.s32 $0x0, s13  }
.LBB2_9:
0x58: {  	[hbm:s17] =	stream.linear.scatter [tilespmem:s14], [sflag:$0x3], $0x800, $0x38;
	[tilespmem:$0x19190] =	vst v63  }
0x59: {  	s17 =	smov.u32 s15;
	s14 =	smov.u32 s16;
	p1 =	sne.s32 s15, $0x1800  }
.Ltmp6:
0x5a: {  	s15 =	sadd.s32 $0x100, s15;
	(pc) =	sbr.rel @p1 .LBB2_9-.Ltmp6, $2  }
0x5b: {  	_ =	sdelay $0x2  }
0x5c: {  	s16 =	sadd.s32 $0x800, s16;
	s17 =	sadd.s32 s17, s13  }
.Ltmp7:
0x5d: {  	_ = 	snop;
	(pc) =	sbr.rel .LBB2_10-.Ltmp7, $1  }
0x5e: {  	_ =	sdelay $0x3  }
.LBB2_12:
0x5f: {  	_ =	sfence.sel $0x180000  }
0x60: {  	s1 =	simm.s32 $0x2;
	[bflag:$0x0] =	sbarrier.arrive $0xFFFF  }
0x61: {  	s30 =	simm.s32 $0x3;
	[sflag:s1] =	ssyncpa.u1 $0x1  }
0x62: {  	s31 =	simm.s32 $0x1;
	[sflag:s30] =	ssyncpa.u1 $0x1  }
0x63: {  	[sflag:s31] =	ssyncpa.u1 $0x1  }
0x64: {  	p0 =	sne.s32 s0, $0x0;
	_ =	strace $0x90000059  }
0x65: {  	s0 =	sadd.s32 @!p0 $0x100000, s2;
	[bflag:$0x2] =	sbarrier.arrive $0xFFFF  }
0x66: {  	[sflag:s0] =	ssyncadd.tile.s32 @!p0 $0x1;
	_ =	shalt  }
.Lfunc_end2:
_tile_overlayer_lowered:
.L_overlay_start_2:
0x67: {  	(tag) =	ssettag $0x2  }
0x68: {  	s0 =	rddreg [dreg:$0x0];
	s2 =	stileid.u32  }
0x69: {  	s1 =	rddreg [dreg:$0x1];
	p0 =	sne.s32 s2, $0x0  }
0x6a: {  	s3 =	rddreg [dreg:$0x2];
	[bflag:$0x3] =	sbarrier.arrive $0xFFFF;
	s2 =	simm.s32 @!p0 $0x1C01  }
0x6b: {  	[timem:s3], [sflag:s2] =	dma.local @!p0 [hbm:s0], s1  }
0x6c: {  	s0 =	simm.s32 @!p0 $0x1  }
0x6d: {  	_ =	swait.ge @!p0 [sflag:s0], s1  }
0x6e: {  	s1 =	ssub.s32 @!p0 $0x0, s1;
	[sflag:s0] =	ssyncset.done @!p0 $0x0  }
0x6f: {  	[sflag:s0] =	ssyncadd.s32 @!p0 s1  }
0x70: {  	[bflag:$0x3] =	sbarrier.arrive $0xFFFF  }
0x71: {  	_ =	shalt  }

// kernel: kernel.11.cloned.1.call-start
scs
__scs_entry_jumppad:
0x0: {  	(pc) =	sbr.rel $0x88, $3  }
0x1: {  	(tag) =	ssettag $0x0;
	lr =	simm.s32 $0x1  }
0x2: {  	[smem:$0x3F8E] =	sst lr;
	_ =	strace $0xD0000000  }
0x3: {  	_ = 	snop  }
0x4: {  	_ = 	snop  }
0x5: {  	_ = 	snop  }
0x6: {  	_ = 	snop  }
0x7: {  	_ = 	snop  }
__scs_overlays_trampoline_lowered:
0x8: {  	[smem:$0x3F9D] =	sst s0  }
0x9: {  	[smem:$0x3F9E] =	sst s1  }
0xa: {  	[smem:$0x3F9F] =	sst s2  }
0xb: {  	[smem:$0x3FA0] =	sst s3  }
0xc: {  	[smem:$0x3FA1] =	sst s4  }
0xd: {  	[smem:$0x3FA2] =	sst s5  }
0xe: {  	[smem:$0x3FA3] =	sst s6  }
0xf: {  	[smem:$0x3FA4] =	sst s7  }
0x10: {  	[smem:$0x3FA5] =	sst s8  }
0x11: {  	[smem:$0x3FA6] =	sst s9;
	s0 =	simm.s32 @!p0 $0x0  }
0x12: {  	s1 =	sld [smem:$0x3F8C];
	s0 =	simm.s32 @p0 $0x1  }
0x13: {  	[smem:$0x3FA7] =	sst s0;
	s0 =	simm.s32 @!p1 $0x0  }
0x14: {  	s2 =	sld [smem:$0x3F8B];
	s0 =	simm.s32 @p1 $0x1  }
0x15: {  	[smem:$0x3FA8] =	sst s0;
	s0 =	simm.s32 @!p2 $0x0  }
0x16: {  	s3 =	sld [smem:$0x3FDB];
	s0 =	simm.s32 @p2 $0x1  }
0x17: {  	s4 =	simm.s32 $0x1BF5;
	[smem:$0x3FAA] =	sst s0  }
0x18: {  	s0 =	sld [smem:$0x3F8D];
	_ =	swait.ge [sflag:s4], $0x0  }
0x19: {  	s7 =	sld [smem:$0x3F8E]  }
0x1a: {  	s8 =	sadd.s32 $0xFFFFE003, lr  }
0x1b: {  	s9 =	sadd.s32 $0xFFFFFEF7, lr;
	s5 =	simm.s32 $0xFFFFFFFF;
	p2 =	slt.u32 s8, $0xFFFFF086  }
0x1c: {  	p1 =	slt.u32 s9, $0xF7A;
	s5 =	simm.s32 @!p2 $0x0  }
0x1d: {  	s5 =	simm.s32 @p1 $0x1;
	p0 =	seq.s32 s7, s2  }
0x1e: {  	s7 =	smul.u32 @!p0 $0xF7A, s2;
	p2 =	seq.s32 @!p0 s5, $0x0  }
0x1f: {  	s9 =	smul.u32 $0xF7A, s1;
	s8 =	simm.s32 @!p0 $0x1BF5;
	p2 =	por !p2, p0  }
0x20: {  	[sflag:s8] =	ssyncset.s32 @!p0 $0xFFFFF086;
	s6 =	sadd.s32 @!p0 s3, s7;
	s7 =	simm.s32 @!p0 $0x108  }
0x21: {  	s3 =	sadd.s32 s3, s9;
	s6 =	sadd.s32 @!p0 $0x88, s6;
	s7 =	simm.s32 @p2 $0x1082  }
0x22: {  	[simem:s7], [sflag:s8] =	dma.local @!p0 [hbm:s6], $0xF7A  }
0x23: {  	s9 =	sor.u32 $0xD0000000, s2;
	s6 =	simm.s32 $0x108;
	_ =	swait.ge @!p0 [sflag:s8], $0x0  }
0x24: {  	s3 =	sadd.s32 $0x88, s3;
	s6 =	simm.s32 @!p1 $0x1082;
	[sflag:s4] =	ssyncset.s32 $0xFFFFF086  }
0x25: {  	[simem:s6], [sflag:s4] =	dma.local [hbm:s3], $0xF7A  }
0x26: {  	[smem:$0x3F8E] =	sst s1;
	(tag) =	ssettag s2;
	_ =	strace s9  }
0x27: {  	s1 =	sld [smem:$0x3F9E]  }
0x28: {  	s2 =	sld [smem:$0x3F9F]  }
0x29: {  	s4 =	sld [smem:$0x3FA1]  }
0x2a: {  	p0 =	seq.s32 s5, $0x0;
	s5 =	sld [smem:$0x3FA2]  }
0x2b: {  	s6 =	sld [smem:$0x3FA3]  }
0x2c: {  	s7 =	sld [smem:$0x3FA4]  }
0x2d: {  	s3 =	simm.s32 $0x108;
	s8 =	sld [smem:$0x3FA5]  }
0x2e: {  	s3 =	simm.s32 @!p0 $0x1082;
	s9 =	sld [smem:$0x3FA6]  }
0x2f: {  	lr =	sadd.s32 s0, s3;
	s0 =	sld [smem:$0x3F9D]  }
0x30: {  	s3 =	sld [smem:$0x3FA0]  }
0x31: {  	[smem:$0x3FA9] =	sst s10  }
0x32: {  	s10 =	sld [smem:$0x3FA7];
	_ =	sdelay $0x3  }
0x33: {  	p0 =	seq.s32 s10, $0x1;
	s10 =	sld [smem:$0x3FA9];
	_ =	sdelay $0x3  }
0x34: {  	[smem:$0x3FA9] =	sst s10  }
0x35: {  	s10 =	sld [smem:$0x3FA8];
	_ =	sdelay $0x3  }
0x36: {  	p1 =	seq.s32 s10, $0x1;
	s10 =	sld [smem:$0x3FA9];
	_ =	sdelay $0x3  }
0x37: {  	[smem:$0x3FA9] =	sst s10  }
0x38: {  	s10 =	sld [smem:$0x3FAA]  }
0x39: {  	_ = 	snop;
	(pc) =	sbr.ind lr, $3  }
0x3a: {  	_ = 	snop  }
0x3b: {  	_ = 	snop  }
0x3c: {  	p2 =	seq.s32 s10, $0x1;
	s10 =	sld [smem:$0x3FA9]  }
0x3d: {  	_ =	shalt  }
0x3e: {  	_ =	shalt  }
0x3f: {  	_ =	shalt  }
0x40: {  	_ =	shalt  }
0x41: {  	_ =	shalt  }
0x42: {  	_ =	shalt  }
0x43: {  	_ =	shalt  }
0x44: {  	_ =	shalt  }
0x45: {  	_ =	shalt  }
0x46: {  	_ =	shalt  }
0x47: {  	_ =	shalt  }
0x48: {  	_ =	shalt  }
0x49: {  	_ =	shalt  }
0x4a: {  	_ =	shalt  }
0x4b: {  	_ =	shalt  }
0x4c: {  	_ =	shalt  }
0x4d: {  	_ =	shalt  }
0x4e: {  	_ =	shalt  }
0x4f: {  	_ =	shalt  }
0x50: {  	_ =	shalt  }
0x51: {  	_ =	shalt  }
0x52: {  	_ =	shalt  }
0x53: {  	_ =	shalt  }
0x54: {  	_ =	shalt  }
0x55: {  	_ =	shalt  }
0x56: {  	_ =	shalt  }
0x57: {  	_ =	shalt  }
0x58: {  	_ =	shalt  }
0x59: {  	_ =	shalt  }
0x5a: {  	_ =	shalt  }
0x5b: {  	_ =	shalt  }
0x5c: {  	_ =	shalt  }
0x5d: {  	_ =	shalt  }
0x5e: {  	_ =	shalt  }
0x5f: {  	_ =	shalt  }
0x60: {  	_ =	shalt  }
0x61: {  	_ =	shalt  }
0x62: {  	_ =	shalt  }
0x63: {  	_ =	shalt  }
0x64: {  	_ =	shalt  }
0x65: {  	_ =	shalt  }
0x66: {  	_ =	shalt  }
0x67: {  	_ =	shalt  }
0x68: {  	_ =	shalt  }
0x69: {  	_ =	shalt  }
0x6a: {  	_ =	shalt  }
0x6b: {  	_ =	shalt  }
0x6c: {  	_ =	shalt  }
0x6d: {  	_ =	shalt  }
0x6e: {  	_ =	shalt  }
0x6f: {  	_ =	shalt  }
0x70: {  	_ =	shalt  }
0x71: {  	_ =	shalt  }
0x72: {  	_ =	shalt  }
0x73: {  	_ =	shalt  }
0x74: {  	_ =	shalt  }
0x75: {  	_ =	shalt  }
0x76: {  	_ =	shalt  }
0x77: {  	_ =	shalt  }
0x78: {  	_ =	shalt  }
0x79: {  	_ =	shalt  }
0x7a: {  	_ =	shalt  }
0x7b: {  	_ =	shalt  }
0x7c: {  	_ =	shalt  }
0x7d: {  	_ =	shalt  }
0x7e: {  	_ =	shalt  }
0x7f: {  	_ =	shalt  }
0x80: {  	_ =	shalt  }
0x81: {  	_ =	shalt  }
0x82: {  	_ =	shalt  }
0x83: {  	_ =	shalt  }
0x84: {  	_ =	shalt  }
0x85: {  	_ =	shalt  }
0x86: {  	_ =	shalt  }
0x87: {  	_ =	shalt  }
.Lfunc_end0:
.L_simem_size_0:
called_computation.7_lowered:
.L_overlay_start_0:
0x88: {  	s2 =	sld [smem:$0x3FD9]  }
0x89: {  	s3 =	sld [smem:$0x3FFE];
	_ =	sdelay $0x1  }
0x8a: {  	s1 =	srdreg.scid  }
0x8b: {  	s0 =	sand.u32 $0x1, s1  }
0x8c: {  	s16 =	sshll.u32 s0, $0xA;
	s2 =	sadd.s32 s3, s2  }
0x8d: {  	s2 =	sadd.s32 s2, s16  }
0x8e: {  	[smem:$0x3FB5] =	sst s2  }
0x8f: {  	_ = 	snop  }
0x90: {  	(tm) =	ssettm $0x1  }
0x91: {  	s17 =	sld [smem:$0x3FFB];
	_ =	sdelay $0x3  }
0x92: {  	_ =	strace s17  }
0x93: {  	s2 =	sld [smem:$0x3FFC];
	_ =	sdelay $0x3  }
0x94: {  	_ =	strace s2  }
0x95: {  	s2 =	sld [smem:$0x3FFD];
	_ =	sdelay $0x3  }
0x96: {  	_ =	strace s2  }
0x97: {  	_ =	strace $0x8FFFFFFF  }
0x98: {  	s18 =	sld [smem:$0x3FDB];
	_ =	sdelay $0x1  }
0x99: {  	s19 =	simm.s32 $_scs_section_size  }
0x9a: {  	s4 =	simm.s32 $_size__tile_overlayer_lowered;
	s5 =	simm.s32 $_tile_overlayer_lowered  }
0x9b: {  	s22 =	simm.s32 $0x1BFF;
	s21 =	sshll.u32 s5, $0x1;
	s2 =	sadd.s32 s19, s18  }
0x9c: {  	s6 =	simm.s32 $0x0;
	s20 =	sshll.u32 s4, $0x1;
	s4 =	sadd.s32 s21, s2  }
0x9d: {  	[timem:s6], [sflag:s22] =	dma.local [hbm:s4], s20  }
0x9e: {  	_ =	swait.ge [sflag:s22], s20  }
0x9f: {  	s3 =	ssub.s32 $0x0, s20;
	[sflag:s22] =	ssyncset.done $0x0  }
0xa0: {  	[sflag:s22] =	ssyncadd.s32 s3;
	_ =	sdelay $0x1  }
0xa1: {  	s23 =	simm.s32 $0x1B8B  }
0xa2: {  	_ =	swait.ge [sflag:s23], $0x1  }
0xa3: {  	[sflag:s23] =	ssyncset.done $0x0  }
0xa4: {  	s25 =	simm.s32 $0x1B8E;
	s24 =	sld [smem:$0x3FFE];
	[sflag:s23] =	ssyncadd.s32 $0xFFFFFFFF  }
0xa5: {  	s26 =	simm.s32 $execute0_lowered;
	[smem:$0x3FD2] =	sst s25  }
0xa6: {  	s4 =	sshll.u32 s26, $0x1;
	_ =	strace $0x80000049;
	[dreg:$0x1] =	wrdreg $0xFFFFFFFF  }
0xa7: {  	s28 =	simm.s32 $_size_execute0_lowered;
	s2 =	sadd.s32 s2, s4;
	[dreg:$0x0] =	wrdreg $0x0  }
0xa8: {  	s4 =	sshll.u32 s28, $0x1;
	[dreg:$0x2] =	wrdreg s2  }
0xa9: {  	[dreg:$0x3] =	wrdreg s4  }
0xaa: {  	[dreg:$0x4] =	wrdreg $0xC0  }
0xab: {  	_ =	task [dreg:s6], $0x5FFFF  }
0xac: {  	[dreg:$0x1] =	wrdreg $0xFFFFFFFF  }
0xad: {  	[dreg:$0x0] =	wrdreg $0x60  }
0xae: {  	[dreg:$0x2] =	wrdreg s24  }
0xaf: {  	[dreg:$0x3] =	wrdreg $0x83000  }
0xb0: {  	[dreg:$0x4] =	wrdreg $0x9  }
0xb1: {  	_ =	task.clear_ibuf [dreg:s6], $0x5FFFF;
	_ =	strace $0x90000049  }
0xb2: {  	s29 =	simm.s32 $0x9;
	_ =	strace $0x8000004B  }
0xb3: {  	_ =	swait.ge [sflag:s29], $0x1  }
0xb4: {  	[sflag:s29] =	ssyncadd.s32 $0xFFFFFFFF  }
0xb5: {  	_ =	strace $0x9000004B  }
0xb6: {  	_ =	sfence  }
0xb7: {  	s30 =	sld [smem:$0x0];
	_ =	sdelay $0x2  }
0xb8: {  	s31 =	sshll.u32 s1, $0xD;
	s1 =	sshrl.u32 s1, $0x2  }
0xb9: {  	s3 =	sand.u32 $0x4000, s31;
	s1 =	sadd.s32 s1, s30  }
0xba: {  	s0 =	sor.u32 s3, s0;
	s1 =	sshll.u32 s1, $0x11  }
0xbb: {  	s0 =	sor.u32 s1, s0  }
0xbc: {  	s0 =	sadd.s32 $0x8F2B, s0  }
0xbd: {  	[sflag:s0] =	ssyncadd.remote.s32 $0x1  }
0xbe: {  	_ =	sfence.sel $0xFFFF  }
0xbf: {  	[dreg:$0x0] =	wrdreg $0xFFFFFFFF;
	(pc) =	sbr.abs _section_cstart, $3  }
0xc0: {  	[dreg:$0x1] =	wrdreg $0xFFFFFFFF  }
0xc1: {  	_ =	task.clear_ibuf [dreg:s6], $0x2FFFF;
	_ =	strace $0x9FFFFFFF  }
0xc2: {  	(tm) =	ssettm $0x7FFFFFFF  }
0xc3: {  	_ =	shalt  }
tec
execute0_lowered:
.L_overlay_start_1:
0x0: {  	(tag) =	ssettag $0x1  }
0x1: {  	s10 =	rddreg [dreg:$0x0]  }
0x2: {  	s1 =	rddreg [dreg:$0x1]  }
0x3: {  	s0 =	rddreg [dreg:$0x2];
	s3 =	simm.s32 $0x0  }
0x4: {  	s4 =	srdreg.scid;
	s2 =	stileid.u32;
	s17 =	simm.s32 $0x200  }
0x5: {  	s18 =	simm.s32 $0x100;
	s20 =	simm.s32 $0x1;
	s21 =	simm.s32 $0x0  }
0x6: {  	[smem:$0x7FF] =	sst s3;
	s8 =	sand.u32 $0x1, s4;
	s4 =	sadd.s32 $0x17A00, s10  }
0x7: {  	s7 =	smul.u32 $0x4E000, s2;
	s5 =	sadd.s32 $0x14C00, s10;
	s9 =	sadd.s32 $0x67A00, s10  }
0x8: {  	s12 =	smul.u32 $0x2700, s2;
	s29 =	sshll.u32 s2, $0x6;
	s15 =	sadd.s32 $0x138000, s1  }
0x9: {  	s31 =	sshll.u32 s2, $0x5;
	p0 =	sne.s32 s2, $0xF;
	s14 =	smul.u32 $0x140000, s8  }
0xa: {  	_ =	strace $0x8000004A;
	s6 =	ssub.s32 $0x2, s8;
	s16 =	smul.u32 $0x28000, s8  }
0xb: {  	s19 =	smul.u32 $0x2800, s8;
	s15 =	sshrl.u32 @!p0 s15, $0x3;
	s11 =	sshrl.u32 s6, $0x1  }
0xc: {  	s28 =	sshrl.u32 s7, $0x2;
	s7 =	sadd.s32 $0x17300, s10;
	s10 =	sadd.s32 s31, s10  }
.Ltmp0:
0xd: {  	s11 =	ssub.s32 s6, s11;
	s13 =	sadd.s32 s28, s1;
	(pc) =	sbr.rel .LBB2_1-.Ltmp0, $4  }
0xe: {  	s6 =	sor.u32 $0x1C02, s29;
	s30 =	sshrl.u32 s14, $0x3;
	s12 =	sadd.s32 s12, s16  }
0xf: {  	s16 =	simm.s32 $0x3;
	v0 =	vmov s19;
	s19 =	simm.s32 $0x300;
	s14 =	sadd.s32 s9, s30  }
0x10: {  	s8 =	sadd.s32 s9, s12;
	s11 =	smax.u32 s11, $0x1;
	s12 =	sadd.s32 $0x9E00, s10  }
0x11: {  	s13 =	sshrl.u32 s13, $0x3;
	s9 =	sadd.s32 $0x27000, s14;
	s14 =	simm.s32 $0x2  }
.LBB2_5:
0x12: {  	[bflag:$0x0] =	sbarrier.arrive $0xFFFF  }
0x13: {  	[hbm:s8], [sflag:s6] =	dma.local [spmem:s13], $0x2700  }
0x14: {  	s21 =	sadd.s32 $0x1, s21;
	_ =	swait.ge [sflag:s14], $0x2700  }
0x15: {  	p1 =	sne.s32 s21, s11;
	[sflag:s14] =	ssyncset.done $0x0  }
.Ltmp1:
0x16: {  	s22 =	simm.s32 @!p0 $0x2;
	[sflag:s14] =	ssyncadd.s32 $0xFFFFD900;
	(pc) =	sbr.rel @!p1 .LBB2_6-.Ltmp1, $4  }
0x17: {  	[hbm:s9], [sflag:s6] =	dma.local @!p0 [spmem:s15], $0x100  }
0x18: {  	_ =	swait.ge @!p0 [sflag:s22], $0x100  }
0x19: {  	[sflag:s22] =	ssyncset.done @!p0 $0x0  }
0x1a: {  	[sflag:s22] =	ssyncadd.s32 @!p0 $0xFFFFFF00  }
.LBB2_1:
0x1b: {  	[spmem:s13], [sflag:s6] =	dma.local [hbm:s5], $0x2700  }
0x1c: {  	_ =	swait.ge [sflag:s14], $0x2700  }
0x1d: {  	[sflag:s14] =	ssyncset.done $0x0  }
0x1e: {  	s22 =	simm.s32 @!p0 $0x2;
	[sflag:s14] =	ssyncadd.s32 $0xFFFFD900  }
0x1f: {  	[spmem:s15], [sflag:s6] =	dma.local @!p0 [hbm:s7], $0x100  }
.Ltmp2:
0x20: {  	_ =	swait.ge @!p0 [sflag:s22], $0x100;
	(pc) =	sbr.rel .LBB2_2-.Ltmp2, $4  }
0x21: {  	[sflag:s22] =	ssyncset.done @!p0 $0x0  }
0x22: {  	[sflag:s22] =	ssyncadd.s32 @!p0 $0xFFFFFF00  }
0x23: {  	[bflag:$0x0] =	sbarrier.arrive $0xFFFF  }
0x24: {  	s23 =	simm.s32 $0x0;
	s22 =	stileid.u32  }
.LBB2_4:
0x25: {  	s23 =	sadd.s32 $0x200, s23  }
0x26: {  	p1 =	sne.s32 s23, $0x9E00  }
.Ltmp3:
0x27: {  	_ = 	snop;
	(pc) =	sbr.rel @!p1 .LBB2_5-.Ltmp3, $2  }
0x28: {  	_ =	sdelay $0x2  }
0x29: {  	s22 =	sadd.s32 $0x10, s22  }
.LBB2_2:
0x2a: {  	p1 =	sgt.u32 s22, $0x4E1  }
.Ltmp4:
0x2b: {  	_ = 	snop;
	(pc) =	sbr.rel @p1 .LBB2_4-.Ltmp4, $1  }
0x2c: {  	_ =	sdelay $0x3  }
0x2d: {  	s24 =	sadd.s32 s23, s12  }
0x2e: {  	[tilespmem:s3], [sflag:$0x3] =	stream.linear.gather [hbm4b:s24+s3], $0x100, $0x38;
	[tilespmem:$0x1BB80] =	vst v63  }
0x2f: {  	_ =	swait.ge [sflag:s16], $0x100  }
0x30: {  	[sflag:s16] =	ssyncset.done $0x0  }
0x31: {  	s31 =	sadd.s32 s23, s10;
	[sflag:s16] =	ssyncadd.s32 $0xFFFFFF00  }
0x32: {  	[tilespmem:s17], [sflag:$0x3] =	stream.linear.gather [hbm4b:s31+s3], $0x100, $0x38;
	[tilespmem:$0x1BB80] =	vst v63  }
0x33: {  	_ =	swait.ge [sflag:s16], $0x100  }
0x34: {  	[sflag:s16] =	ssyncset.done $0x0  }
0x35: {  	[sflag:s16] =	ssyncadd.s32 $0xFFFFFF00  }
0x36: {  	v1 =	vld [tilespmem:$0x0]  }
0x37: {  	v2 =	vld [tilespmem:$0x10]  }
0x38: {  	v3 =	vld [tilespmem:$0x20]  }
0x39: {  	v4 =	vld [tilespmem:$0x30]  }
0x3a: {  	v5 =	vld [tilespmem:$0x40]  }
0x3b: {  	v6 =	vld [tilespmem:$0x50];
	v1 =	vadd.s32 v0, v1  }
0x3c: {  	[tilespmem:$0x100] =	vst v1;
	v1 =	vadd.s32 v0, v2;
	v2 =	vld [tilespmem:$0x60]  }
0x3d: {  	[tilespmem:$0x110] =	vst v1;
	v1 =	vadd.s32 v0, v3;
	v3 =	vld [tilespmem:$0x70]  }
0x3e: {  	v58 =	vld [tilespmem:$0x80];
	[tilespmem:$0x120] =	vst v1;
	v1 =	vadd.s32 v0, v4  }
0x3f: {  	v59 =	vld [tilespmem:$0x90];
	[tilespmem:$0x130] =	vst v1;
	v1 =	vadd.s32 v0, v5  }
0x40: {  	v60 =	vld [tilespmem:$0xA0];
	[tilespmem:$0x140] =	vst v1;
	v1 =	vadd.s32 v0, v6  }
0x41: {  	[tilespmem:$0x150] =	vst v1;
	v1 =	vadd.s32 v0, v2;
	v2 =	vld [tilespmem:$0xB0]  }
0x42: {  	[tilespmem:$0x160] =	vst v1;
	v1 =	vadd.s32 v0, v3;
	v3 =	vld [tilespmem:$0xC0]  }
0x43: {  	v61 =	vld [tilespmem:$0xD0];
	[tilespmem:$0x170] =	vst v1;
	v1 =	vadd.s32 v0, v58  }
0x44: {  	v62 =	vld [tilespmem:$0xE0];
	[tilespmem:$0x180] =	vst v1;
	v1 =	vadd.s32 v0, v59  }
0x45: {  	v63 =	vld [tilespmem:$0xF0];
	[tilespmem:$0x190] =	vst v1;
	v1 =	vadd.s32 v0, v60  }
0x46: {  	[tilespmem:$0x1A0] =	vst v1;
	v1 =	vadd.s32 v0, v2  }
0x47: {  	[tilespmem:$0x1B0] =	vst v1;
	v1 =	vadd.s32 v0, v3  }
0x48: {  	[tilespmem:$0x1C0] =	vst v1;
	v1 =	vadd.s32 v0, v61  }
0x49: {  	[tilespmem:$0x1D0] =	vst v1;
	v1 =	vadd.s32 v0, v62  }
0x4a: {  	[tilespmem:$0x1E0] =	vst v1;
	v1 =	vadd.s32 v0, v63  }
0x4b: {  	[tilespmem:$0x1F0] =	vst v1  }
0x4c: {  	[tilespmem:s19], [sflag:$0x1] =	stream.indirect.gather [hbm4b:s4+s18], $0x80, s18, s18, $0xb8;
	[tilespmem:$0x1BB80] =	vst v63  }
0x4d: {  	_ =	swait.ge [sflag:s20], $0x8000  }
0x4e: {  	[sflag:s20] =	ssyncset.done $0x0  }
.Ltmp5:
0x4f: {  	[sflag:s20] =	ssyncadd.s32 $0xFFFF8000;
	(pc) =	sbr.rel .LBB2_4-.Ltmp5, $4  }
0x50: {  	[spmem:s1] =	stream.indirect.scatter.add.f32 [tilespmem:s19], [sflag:$0x2], $0x80, s17, s18, $0xb8;
	[tilespmem:$0x1BB80] =	vst v63  }
0x51: {  	_ =	swait.ge [sflag:s14], $0x8000  }
0x52: {  	[sflag:s14] =	ssyncset.done $0x0  }
0x53: {  	[sflag:s14] =	ssyncadd.s32 $0xFFFF8000  }
.LBB2_6:
0x54: {  	_ =	sfence.sel $0x180000  }
0x55: {  	[bflag:$0x0] =	sbarrier.arrive $0xFFFF  }
0x56: {  	p0 =	sne.s32 s2, $0x0;
	_ =	strace $0x9000004A  }
0x57: {  	s0 =	sadd.s32 @!p0 $0x100000, s0;
	[bflag:$0x2] =	sbarrier.arrive $0xFFFF  }
0x58: {  	[sflag:s0] =	ssyncadd.tile.s32 @!p0 $0x1;
	_ =	shalt  }
.Lfunc_end2:
_tile_overlayer_lowered:
.L_overlay_start_2:
0x59: {  	(tag) =	ssettag $0x2  }
0x5a: {  	s0 =	rddreg [dreg:$0x0];
	s2 =	stileid.u32  }
0x5b: {  	s1 =	rddreg [dreg:$0x1];
	p0 =	sne.s32 s2, $0x0  }
0x5c: {  	s3 =	rddreg [dreg:$0x2];
	[bflag:$0x3] =	sbarrier.arrive $0xFFFF;
	s2 =	simm.s32 @!p0 $0x1C02  }
0x5d: {  	[timem:s3], [sflag:s2] =	dma.local @!p0 [hbm:s0], s1  }
0x5e: {  	s0 =	simm.s32 @!p0 $0x2  }
0x5f: {  	_ =	swait.ge @!p0 [sflag:s0], s1  }
0x60: {  	s1 =	ssub.s32 @!p0 $0x0, s1;
	[sflag:s0] =	ssyncset.done @!p0 $0x0  }
0x61: {  	[sflag:s0] =	ssyncadd.s32 @!p0 s1  }
0x62: {  	[bflag:$0x3] =	sbarrier.arrive $0xFFFF  }
0x63: {  	_ =	shalt  }

// kernel: kernel.14.cloned.1.call-start
scs
__scs_entry_jumppad:
0x0: {  	(pc) =	sbr.rel $0x88, $3  }
0x1: {  	(tag) =	ssettag $0x0;
	lr =	simm.s32 $0x1  }
0x2: {  	[smem:$0x3F8E] =	sst lr;
	_ =	strace $0xD0000000  }
0x3: {  	_ = 	snop  }
0x4: {  	_ = 	snop  }
0x5: {  	_ = 	snop  }
0x6: {  	_ = 	snop  }
0x7: {  	_ = 	snop  }
__scs_overlays_trampoline_lowered:
0x8: {  	[smem:$0x3F9D] =	sst s0  }
0x9: {  	[smem:$0x3F9E] =	sst s1  }
0xa: {  	[smem:$0x3F9F] =	sst s2  }
0xb: {  	[smem:$0x3FA0] =	sst s3  }
0xc: {  	[smem:$0x3FA1] =	sst s4  }
0xd: {  	[smem:$0x3FA2] =	sst s5  }
0xe: {  	[smem:$0x3FA3] =	sst s6  }
0xf: {  	[smem:$0x3FA4] =	sst s7  }
0x10: {  	[smem:$0x3FA5] =	sst s8  }
0x11: {  	[smem:$0x3FA6] =	sst s9;
	s0 =	simm.s32 @!p0 $0x0  }
0x12: {  	s1 =	sld [smem:$0x3F8C];
	s0 =	simm.s32 @p0 $0x1  }
0x13: {  	[smem:$0x3FA7] =	sst s0;
	s0 =	simm.s32 @!p1 $0x0  }
0x14: {  	s2 =	sld [smem:$0x3F8B];
	s0 =	simm.s32 @p1 $0x1  }
0x15: {  	[smem:$0x3FA8] =	sst s0;
	s0 =	simm.s32 @!p2 $0x0  }
0x16: {  	s3 =	sld [smem:$0x3FDB];
	s0 =	simm.s32 @p2 $0x1  }
0x17: {  	s4 =	simm.s32 $0x1BF5;
	[smem:$0x3FAA] =	sst s0  }
0x18: {  	s0 =	sld [smem:$0x3F8D];
	_ =	swait.ge [sflag:s4], $0x0  }
0x19: {  	s7 =	sld [smem:$0x3F8E]  }
0x1a: {  	s8 =	sadd.s32 $0xFFFFE003, lr  }
0x1b: {  	s9 =	sadd.s32 $0xFFFFFEF7, lr;
	s5 =	simm.s32 $0xFFFFFFFF;
	p2 =	slt.u32 s8, $0xFFFFF086  }
0x1c: {  	p1 =	slt.u32 s9, $0xF7A;
	s5 =	simm.s32 @!p2 $0x0  }
0x1d: {  	s5 =	simm.s32 @p1 $0x1;
	p0 =	seq.s32 s7, s2  }
0x1e: {  	s7 =	smul.u32 @!p0 $0xF7A, s2;
	p2 =	seq.s32 @!p0 s5, $0x0  }
0x1f: {  	s9 =	smul.u32 $0xF7A, s1;
	s8 =	simm.s32 @!p0 $0x1BF5;
	p2 =	por !p2, p0  }
0x20: {  	[sflag:s8] =	ssyncset.s32 @!p0 $0xFFFFF086;
	s6 =	sadd.s32 @!p0 s3, s7;
	s7 =	simm.s32 @!p0 $0x108  }
0x21: {  	s3 =	sadd.s32 s3, s9;
	s6 =	sadd.s32 @!p0 $0x88, s6;
	s7 =	simm.s32 @p2 $0x1082  }
0x22: {  	[simem:s7], [sflag:s8] =	dma.local @!p0 [hbm:s6], $0xF7A  }
0x23: {  	s9 =	sor.u32 $0xD0000000, s2;
	s6 =	simm.s32 $0x108;
	_ =	swait.ge @!p0 [sflag:s8], $0x0  }
0x24: {  	s3 =	sadd.s32 $0x88, s3;
	s6 =	simm.s32 @!p1 $0x1082;
	[sflag:s4] =	ssyncset.s32 $0xFFFFF086  }
0x25: {  	[simem:s6], [sflag:s4] =	dma.local [hbm:s3], $0xF7A  }
0x26: {  	[smem:$0x3F8E] =	sst s1;
	(tag) =	ssettag s2;
	_ =	strace s9  }
0x27: {  	s1 =	sld [smem:$0x3F9E]  }
0x28: {  	s2 =	sld [smem:$0x3F9F]  }
0x29: {  	s4 =	sld [smem:$0x3FA1]  }
0x2a: {  	p0 =	seq.s32 s5, $0x0;
	s5 =	sld [smem:$0x3FA2]  }
0x2b: {  	s6 =	sld [smem:$0x3FA3]  }
0x2c: {  	s7 =	sld [smem:$0x3FA4]  }
0x2d: {  	s3 =	simm.s32 $0x108;
	s8 =	sld [smem:$0x3FA5]  }
0x2e: {  	s3 =	simm.s32 @!p0 $0x1082;
	s9 =	sld [smem:$0x3FA6]  }
0x2f: {  	lr =	sadd.s32 s0, s3;
	s0 =	sld [smem:$0x3F9D]  }
0x30: {  	s3 =	sld [smem:$0x3FA0]  }
0x31: {  	[smem:$0x3FA9] =	sst s10  }
0x32: {  	s10 =	sld [smem:$0x3FA7];
	_ =	sdelay $0x3  }
0x33: {  	p0 =	seq.s32 s10, $0x1;
	s10 =	sld [smem:$0x3FA9];
	_ =	sdelay $0x3  }
0x34: {  	[smem:$0x3FA9] =	sst s10  }
0x35: {  	s10 =	sld [smem:$0x3FA8];
	_ =	sdelay $0x3  }
0x36: {  	p1 =	seq.s32 s10, $0x1;
	s10 =	sld [smem:$0x3FA9];
	_ =	sdelay $0x3  }
0x37: {  	[smem:$0x3FA9] =	sst s10  }
0x38: {  	s10 =	sld [smem:$0x3FAA]  }
0x39: {  	_ = 	snop;
	(pc) =	sbr.ind lr, $3  }
0x3a: {  	_ = 	snop  }
0x3b: {  	_ = 	snop  }
0x3c: {  	p2 =	seq.s32 s10, $0x1;
	s10 =	sld [smem:$0x3FA9]  }
0x3d: {  	_ =	shalt  }
0x3e: {  	_ =	shalt  }
0x3f: {  	_ =	shalt  }
0x40: {  	_ =	shalt  }
0x41: {  	_ =	shalt  }
0x42: {  	_ =	shalt  }
0x43: {  	_ =	shalt  }
0x44: {  	_ =	shalt  }
0x45: {  	_ =	shalt  }
0x46: {  	_ =	shalt  }
0x47: {  	_ =	shalt  }
0x48: {  	_ =	shalt  }
0x49: {  	_ =	shalt  }
0x4a: {  	_ =	shalt  }
0x4b: {  	_ =	shalt  }
0x4c: {  	_ =	shalt  }
0x4d: {  	_ =	shalt  }
0x4e: {  	_ =	shalt  }
0x4f: {  	_ =	shalt  }
0x50: {  	_ =	shalt  }
0x51: {  	_ =	shalt  }
0x52: {  	_ =	shalt  }
0x53: {  	_ =	shalt  }
0x54: {  	_ =	shalt  }
0x55: {  	_ =	shalt  }
0x56: {  	_ =	shalt  }
0x57: {  	_ =	shalt  }
0x58: {  	_ =	shalt  }
0x59: {  	_ =	shalt  }
0x5a: {  	_ =	shalt  }
0x5b: {  	_ =	shalt  }
0x5c: {  	_ =	shalt  }
0x5d: {  	_ =	shalt  }
0x5e: {  	_ =	shalt  }
0x5f: {  	_ =	shalt  }
0x60: {  	_ =	shalt  }
0x61: {  	_ =	shalt  }
0x62: {  	_ =	shalt  }
0x63: {  	_ =	shalt  }
0x64: {  	_ =	shalt  }
0x65: {  	_ =	shalt  }
0x66: {  	_ =	shalt  }
0x67: {  	_ =	shalt  }
0x68: {  	_ =	shalt  }
0x69: {  	_ =	shalt  }
0x6a: {  	_ =	shalt  }
0x6b: {  	_ =	shalt  }
0x6c: {  	_ =	shalt  }
0x6d: {  	_ =	shalt  }
0x6e: {  	_ =	shalt  }
0x6f: {  	_ =	shalt  }
0x70: {  	_ =	shalt  }
0x71: {  	_ =	shalt  }
0x72: {  	_ =	shalt  }
0x73: {  	_ =	shalt  }
0x74: {  	_ =	shalt  }
0x75: {  	_ =	shalt  }
0x76: {  	_ =	shalt  }
0x77: {  	_ =	shalt  }
0x78: {  	_ =	shalt  }
0x79: {  	_ =	shalt  }
0x7a: {  	_ =	shalt  }
0x7b: {  	_ =	shalt  }
0x7c: {  	_ =	shalt  }
0x7d: {  	_ =	shalt  }
0x7e: {  	_ =	shalt  }
0x7f: {  	_ =	shalt  }
0x80: {  	_ =	shalt  }
0x81: {  	_ =	shalt  }
0x82: {  	_ =	shalt  }
0x83: {  	_ =	shalt  }
0x84: {  	_ =	shalt  }
0x85: {  	_ =	shalt  }
0x86: {  	_ =	shalt  }
0x87: {  	_ =	shalt  }
.Lfunc_end0:
.L_simem_size_0:
called_computation.8_lowered:
.L_overlay_start_0:
0x88: {  	s2 =	sld [smem:$0x3FD9]  }
0x89: {  	s3 =	sld [smem:$0x3FFE];
	_ =	sdelay $0x1  }
0x8a: {  	s1 =	srdreg.scid  }
0x8b: {  	s0 =	sand.u32 $0x1, s1  }
0x8c: {  	s16 =	sshll.u32 s0, $0xA;
	s2 =	sadd.s32 s3, s2  }
0x8d: {  	s2 =	sadd.s32 s2, s16  }
0x8e: {  	[smem:$0x3FB5] =	sst s2  }
0x8f: {  	_ = 	snop  }
0x90: {  	(tm) =	ssettm $0x1  }
0x91: {  	s17 =	sld [smem:$0x3FFB];
	_ =	sdelay $0x3  }
0x92: {  	_ =	strace s17  }
0x93: {  	s2 =	sld [smem:$0x3FFC];
	_ =	sdelay $0x3  }
0x94: {  	_ =	strace s2  }
0x95: {  	s2 =	sld [smem:$0x3FFD];
	_ =	sdelay $0x3  }
0x96: {  	_ =	strace s2  }
0x97: {  	_ =	strace $0x8FFFFFFF  }
0x98: {  	s18 =	sld [smem:$0x3FDB];
	_ =	sdelay $0x1  }
0x99: {  	s19 =	simm.s32 $_scs_section_size  }
0x9a: {  	s4 =	simm.s32 $_size__tile_overlayer_lowered;
	s5 =	simm.s32 $_tile_overlayer_lowered  }
0x9b: {  	s22 =	simm.s32 $0x1BFF;
	s21 =	sshll.u32 s5, $0x1;
	s2 =	sadd.s32 s19, s18  }
0x9c: {  	s6 =	simm.s32 $0x0;
	s20 =	sshll.u32 s4, $0x1;
	s4 =	sadd.s32 s21, s2  }
0x9d: {  	[timem:s6], [sflag:s22] =	dma.local [hbm:s4], s20  }
0x9e: {  	_ =	swait.ge [sflag:s22], s20  }
0x9f: {  	s3 =	ssub.s32 $0x0, s20;
	[sflag:s22] =	ssyncset.done $0x0  }
0xa0: {  	[sflag:s22] =	ssyncadd.s32 s3;
	_ =	sdelay $0x1  }
0xa1: {  	s23 =	simm.s32 $0x1B8B  }
0xa2: {  	_ =	swait.ge [sflag:s23], $0x1  }
0xa3: {  	[sflag:s23] =	ssyncset.done $0x0  }
0xa4: {  	s25 =	simm.s32 $0x1B8E;
	s24 =	sld [smem:$0x3FFE];
	[sflag:s23] =	ssyncadd.s32 $0xFFFFFFFF  }
0xa5: {  	s26 =	simm.s32 $execute0_lowered;
	[smem:$0x3FD2] =	sst s25  }
0xa6: {  	s4 =	sshll.u32 s26, $0x1;
	_ =	strace $0x8000004C;
	[dreg:$0x1] =	wrdreg $0xFFFFFFFF  }
0xa7: {  	s28 =	simm.s32 $_size_execute0_lowered;
	s2 =	sadd.s32 s2, s4;
	[dreg:$0x0] =	wrdreg $0x0  }
0xa8: {  	s4 =	sshll.u32 s28, $0x1;
	[dreg:$0x2] =	wrdreg s2  }
0xa9: {  	[dreg:$0x3] =	wrdreg s4  }
0xaa: {  	[dreg:$0x4] =	wrdreg $0xC0  }
0xab: {  	_ =	task [dreg:s6], $0x5FFFF  }
0xac: {  	[dreg:$0x1] =	wrdreg $0xFFFFFFFF  }
0xad: {  	[dreg:$0x0] =	wrdreg $0x60  }
0xae: {  	[dreg:$0x2] =	wrdreg s24  }
0xaf: {  	[dreg:$0x3] =	wrdreg $0x83000  }
0xb0: {  	[dreg:$0x4] =	wrdreg $0x9  }
0xb1: {  	_ =	task.clear_ibuf [dreg:s6], $0x5FFFF;
	_ =	strace $0x9000004C  }
0xb2: {  	s29 =	simm.s32 $0x9;
	_ =	strace $0x8000004E  }
0xb3: {  	_ =	swait.ge [sflag:s29], $0x1  }
0xb4: {  	[sflag:s29] =	ssyncadd.s32 $0xFFFFFFFF  }
0xb5: {  	_ =	strace $0x9000004E  }
0xb6: {  	_ =	sfence  }
0xb7: {  	s30 =	sld [smem:$0x0];
	_ =	sdelay $0x2  }
0xb8: {  	s31 =	sshll.u32 s1, $0xD;
	s1 =	sshrl.u32 s1, $0x2  }
0xb9: {  	s3 =	sand.u32 $0x4000, s31;
	s1 =	sadd.s32 s1, s30  }
0xba: {  	s0 =	sor.u32 s3, s0;
	s1 =	sshll.u32 s1, $0x11  }
0xbb: {  	s0 =	sor.u32 s1, s0  }
0xbc: {  	s0 =	sadd.s32 $0x8F2B, s0  }
0xbd: {  	[sflag:s0] =	ssyncadd.remote.s32 $0x1  }
0xbe: {  	_ =	sfence.sel $0xFFFF  }
0xbf: {  	[dreg:$0x0] =	wrdreg $0xFFFFFFFF;
	(pc) =	sbr.abs _section_cstart, $3  }
0xc0: {  	[dreg:$0x1] =	wrdreg $0xFFFFFFFF  }
0xc1: {  	_ =	task.clear_ibuf [dreg:s6], $0x2FFFF;
	_ =	strace $0x9FFFFFFF  }
0xc2: {  	(tm) =	ssettm $0x7FFFFFFF  }
0xc3: {  	_ =	shalt  }
tec
execute0_lowered:
.L_overlay_start_1:
0x0: {  	(tag) =	ssettag $0x1  }
0x1: {  	s10 =	rddreg [dreg:$0x0]  }
0x2: {  	s1 =	rddreg [dreg:$0x1]  }
0x3: {  	s0 =	rddreg [dreg:$0x2];
	s3 =	simm.s32 $0x0  }
0x4: {  	s4 =	srdreg.scid;
	s2 =	stileid.u32;
	s17 =	simm.s32 $0x200  }
0x5: {  	s18 =	simm.s32 $0x100;
	s20 =	simm.s32 $0x1;
	s21 =	simm.s32 $0x0  }
0x6: {  	[smem:$0x7FF] =	sst s3;
	s8 =	sand.u32 $0x1, s4;
	s4 =	sadd.s32 $0x17A00, s10  }
0x7: {  	s7 =	smul.u32 $0x4E000, s2;
	s5 =	sadd.s32 $0x14C00, s10;
	s9 =	sadd.s32 $0x68A00, s10  }
0x8: {  	s12 =	smul.u32 $0x2700, s2;
	s29 =	sshll.u32 s2, $0x6;
	s15 =	sadd.s32 $0x138000, s1  }
0x9: {  	s31 =	sshll.u32 s2, $0x5;
	p0 =	sne.s32 s2, $0xF;
	s14 =	smul.u32 $0x140000, s8  }
0xa: {  	_ =	strace $0x8000004D;
	s6 =	ssub.s32 $0x2, s8;
	s16 =	smul.u32 $0x28000, s8  }
0xb: {  	s19 =	smul.u32 $0x2800, s8;
	s15 =	sshrl.u32 @!p0 s15, $0x3;
	s11 =	sshrl.u32 s6, $0x1  }
0xc: {  	s28 =	sshrl.u32 s7, $0x2;
	s7 =	sadd.s32 $0x17300, s10;
	s10 =	sadd.s32 s31, s10  }
.Ltmp0:
0xd: {  	s11 =	ssub.s32 s6, s11;
	s13 =	sadd.s32 s28, s1;
	(pc) =	sbr.rel .LBB2_1-.Ltmp0, $4  }
0xe: {  	s6 =	sor.u32 $0x1C02, s29;
	s30 =	sshrl.u32 s14, $0x3;
	s12 =	sadd.s32 s12, s16  }
0xf: {  	s16 =	simm.s32 $0x3;
	v0 =	vmov s19;
	s19 =	simm.s32 $0x300;
	s14 =	sadd.s32 s9, s30  }
0x10: {  	s8 =	sadd.s32 s9, s12;
	s11 =	smax.u32 s11, $0x1;
	s12 =	sadd.s32 $0x9E00, s10  }
0x11: {  	s13 =	sshrl.u32 s13, $0x3;
	s9 =	sadd.s32 $0x27000, s14;
	s14 =	simm.s32 $0x2  }
.LBB2_5:
0x12: {  	[bflag:$0x0] =	sbarrier.arrive $0xFFFF  }
0x13: {  	[hbm:s8], [sflag:s6] =	dma.local [spmem:s13], $0x2700  }
0x14: {  	s21 =	sadd.s32 $0x1, s21;
	_ =	swait.ge [sflag:s14], $0x2700  }
0x15: {  	p1 =	sne.s32 s21, s11;
	[sflag:s14] =	ssyncset.done $0x0  }
.Ltmp1:
0x16: {  	s22 =	simm.s32 @!p0 $0x2;
	[sflag:s14] =	ssyncadd.s32 $0xFFFFD900;
	(pc) =	sbr.rel @!p1 .LBB2_6-.Ltmp1, $4  }
0x17: {  	[hbm:s9], [sflag:s6] =	dma.local @!p0 [spmem:s15], $0x100  }
0x18: {  	_ =	swait.ge @!p0 [sflag:s22], $0x100  }
0x19: {  	[sflag:s22] =	ssyncset.done @!p0 $0x0  }
0x1a: {  	[sflag:s22] =	ssyncadd.s32 @!p0 $0xFFFFFF00  }
.LBB2_1:
0x1b: {  	[spmem:s13], [sflag:s6] =	dma.local [hbm:s5], $0x2700  }
0x1c: {  	_ =	swait.ge [sflag:s14], $0x2700  }
0x1d: {  	[sflag:s14] =	ssyncset.done $0x0  }
0x1e: {  	s22 =	simm.s32 @!p0 $0x2;
	[sflag:s14] =	ssyncadd.s32 $0xFFFFD900  }
0x1f: {  	[spmem:s15], [sflag:s6] =	dma.local @!p0 [hbm:s7], $0x100  }
.Ltmp2:
0x20: {  	_ =	swait.ge @!p0 [sflag:s22], $0x100;
	(pc) =	sbr.rel .LBB2_2-.Ltmp2, $4  }
0x21: {  	[sflag:s22] =	ssyncset.done @!p0 $0x0  }
0x22: {  	[sflag:s22] =	ssyncadd.s32 @!p0 $0xFFFFFF00  }
0x23: {  	[bflag:$0x0] =	sbarrier.arrive $0xFFFF  }
0x24: {  	s23 =	simm.s32 $0x0;
	s22 =	stileid.u32  }
.LBB2_4:
0x25: {  	s23 =	sadd.s32 $0x200, s23  }
0x26: {  	p1 =	sne.s32 s23, $0x9E00  }
.Ltmp3:
0x27: {  	_ = 	snop;
	(pc) =	sbr.rel @!p1 .LBB2_5-.Ltmp3, $2  }
0x28: {  	_ =	sdelay $0x2  }
0x29: {  	s22 =	sadd.s32 $0x10, s22  }
.LBB2_2:
0x2a: {  	p1 =	sgt.u32 s22, $0x4E1  }
.Ltmp4:
0x2b: {  	_ = 	snop;
	(pc) =	sbr.rel @p1 .LBB2_4-.Ltmp4, $1  }
0x2c: {  	_ =	sdelay $0x3  }
0x2d: {  	s24 =	sadd.s32 s23, s12  }
0x2e: {  	[tilespmem:s3], [sflag:$0x3] =	stream.linear.gather [hbm4b:s24+s3], $0x100, $0x38;
	[tilespmem:$0x1BB80] =	vst v63  }
0x2f: {  	_ =	swait.ge [sflag:s16], $0x100  }
0x30: {  	[sflag:s16] =	ssyncset.done $0x0  }
0x31: {  	s31 =	sadd.s32 s23, s10;
	[sflag:s16] =	ssyncadd.s32 $0xFFFFFF00  }
0x32: {  	[tilespmem:s17], [sflag:$0x3] =	stream.linear.gather [hbm4b:s31+s3], $0x100, $0x38;
	[tilespmem:$0x1BB80] =	vst v63  }
0x33: {  	_ =	swait.ge [sflag:s16], $0x100  }
0x34: {  	[sflag:s16] =	ssyncset.done $0x0  }
0x35: {  	[sflag:s16] =	ssyncadd.s32 $0xFFFFFF00  }
0x36: {  	v1 =	vld [tilespmem:$0x0]  }
0x37: {  	v2 =	vld [tilespmem:$0x10]  }
0x38: {  	v3 =	vld [tilespmem:$0x20]  }
0x39: {  	v4 =	vld [tilespmem:$0x30]  }
0x3a: {  	v5 =	vld [tilespmem:$0x40]  }
0x3b: {  	v6 =	vld [tilespmem:$0x50];
	v1 =	vadd.s32 v0, v1  }
0x3c: {  	[tilespmem:$0x100] =	vst v1;
	v1 =	vadd.s32 v0, v2;
	v2 =	vld [tilespmem:$0x60]  }
0x3d: {  	[tilespmem:$0x110] =	vst v1;
	v1 =	vadd.s32 v0, v3;
	v3 =	vld [tilespmem:$0x70]  }
0x3e: {  	v58 =	vld [tilespmem:$0x80];
	[tilespmem:$0x120] =	vst v1;
	v1 =	vadd.s32 v0, v4  }
0x3f: {  	v59 =	vld [tilespmem:$0x90];
	[tilespmem:$0x130] =	vst v1;
	v1 =	vadd.s32 v0, v5  }
0x40: {  	v60 =	vld [tilespmem:$0xA0];
	[tilespmem:$0x140] =	vst v1;
	v1 =	vadd.s32 v0, v6  }
0x41: {  	[tilespmem:$0x150] =	vst v1;
	v1 =	vadd.s32 v0, v2;
	v2 =	vld [tilespmem:$0xB0]  }
0x42: {  	[tilespmem:$0x160] =	vst v1;
	v1 =	vadd.s32 v0, v3;
	v3 =	vld [tilespmem:$0xC0]  }
0x43: {  	v61 =	vld [tilespmem:$0xD0];
	[tilespmem:$0x170] =	vst v1;
	v1 =	vadd.s32 v0, v58  }
0x44: {  	v62 =	vld [tilespmem:$0xE0];
	[tilespmem:$0x180] =	vst v1;
	v1 =	vadd.s32 v0, v59  }
0x45: {  	v63 =	vld [tilespmem:$0xF0];
	[tilespmem:$0x190] =	vst v1;
	v1 =	vadd.s32 v0, v60  }
0x46: {  	[tilespmem:$0x1A0] =	vst v1;
	v1 =	vadd.s32 v0, v2  }
0x47: {  	[tilespmem:$0x1B0] =	vst v1;
	v1 =	vadd.s32 v0, v3  }
0x48: {  	[tilespmem:$0x1C0] =	vst v1;
	v1 =	vadd.s32 v0, v61  }
0x49: {  	[tilespmem:$0x1D0] =	vst v1;
	v1 =	vadd.s32 v0, v62  }
0x4a: {  	[tilespmem:$0x1E0] =	vst v1;
	v1 =	vadd.s32 v0, v63  }
0x4b: {  	[tilespmem:$0x1F0] =	vst v1  }
0x4c: {  	[tilespmem:s19], [sflag:$0x1] =	stream.indirect.gather [hbm4b:s4+s18], $0x80, s18, s18, $0xb8;
	[tilespmem:$0x1BB80] =	vst v63  }
0x4d: {  	_ =	swait.ge [sflag:s20], $0x8000  }
0x4e: {  	[sflag:s20] =	ssyncset.done $0x0  }
.Ltmp5:
0x4f: {  	[sflag:s20] =	ssyncadd.s32 $0xFFFF8000;
	(pc) =	sbr.rel .LBB2_4-.Ltmp5, $4  }
0x50: {  	[spmem:s1] =	stream.indirect.scatter.add.f32 [tilespmem:s19], [sflag:$0x2], $0x80, s17, s18, $0xb8;
	[tilespmem:$0x1BB80] =	vst v63  }
0x51: {  	_ =	swait.ge [sflag:s14], $0x8000  }
0x52: {  	[sflag:s14] =	ssyncset.done $0x0  }
0x53: {  	[sflag:s14] =	ssyncadd.s32 $0xFFFF8000  }
.LBB2_6:
0x54: {  	_ =	sfence.sel $0x180000  }
0x55: {  	[bflag:$0x0] =	sbarrier.arrive $0xFFFF  }
0x56: {  	p0 =	sne.s32 s2, $0x0;
	_ =	strace $0x9000004D  }
0x57: {  	s0 =	sadd.s32 @!p0 $0x100000, s0;
	[bflag:$0x2] =	sbarrier.arrive $0xFFFF  }
0x58: {  	[sflag:s0] =	ssyncadd.tile.s32 @!p0 $0x1;
	_ =	shalt  }
.Lfunc_end2:
_tile_overlayer_lowered:
.L_overlay_start_2:
0x59: {  	(tag) =	ssettag $0x2  }
0x5a: {  	s0 =	rddreg [dreg:$0x0];
	s2 =	stileid.u32  }
0x5b: {  	s1 =	rddreg [dreg:$0x1];
	p0 =	sne.s32 s2, $0x0  }
0x5c: {  	s3 =	rddreg [dreg:$0x2];
	[bflag:$0x3] =	sbarrier.arrive $0xFFFF;
	s2 =	simm.s32 @!p0 $0x1C02  }
0x5d: {  	[timem:s3], [sflag:s2] =	dma.local @!p0 [hbm:s0], s1  }
0x5e: {  	s0 =	simm.s32 @!p0 $0x2  }
0x5f: {  	_ =	swait.ge @!p0 [sflag:s0], s1  }
0x60: {  	s1 =	ssub.s32 @!p0 $0x0, s1;
	[sflag:s0] =	ssyncset.done @!p0 $0x0  }
0x61: {  	[sflag:s0] =	ssyncadd.s32 @!p0 s1  }
0x62: {  	[bflag:$0x3] =	sbarrier.arrive $0xFFFF  }
0x63: {  	_ =	shalt  }

// kernel: kernel.8.cloned.1.call-start
scs
__scs_entry_jumppad:
0x0: {  	(pc) =	sbr.rel $0x88, $3  }
0x1: {  	(tag) =	ssettag $0x0;
	lr =	simm.s32 $0x1  }
0x2: {  	[smem:$0x3F8E] =	sst lr;
	_ =	strace $0xD0000000  }
0x3: {  	_ = 	snop  }
0x4: {  	_ = 	snop  }
0x5: {  	_ = 	snop  }
0x6: {  	_ = 	snop  }
0x7: {  	_ = 	snop  }
__scs_overlays_trampoline_lowered:
0x8: {  	[smem:$0x3F9D] =	sst s0  }
0x9: {  	[smem:$0x3F9E] =	sst s1  }
0xa: {  	[smem:$0x3F9F] =	sst s2  }
0xb: {  	[smem:$0x3FA0] =	sst s3  }
0xc: {  	[smem:$0x3FA1] =	sst s4  }
0xd: {  	[smem:$0x3FA2] =	sst s5  }
0xe: {  	[smem:$0x3FA3] =	sst s6  }
0xf: {  	[smem:$0x3FA4] =	sst s7  }
0x10: {  	[smem:$0x3FA5] =	sst s8  }
0x11: {  	[smem:$0x3FA6] =	sst s9;
	s0 =	simm.s32 @!p0 $0x0  }
0x12: {  	s1 =	sld [smem:$0x3F8C];
	s0 =	simm.s32 @p0 $0x1  }
0x13: {  	[smem:$0x3FA7] =	sst s0;
	s0 =	simm.s32 @!p1 $0x0  }
0x14: {  	s2 =	sld [smem:$0x3F8B];
	s0 =	simm.s32 @p1 $0x1  }
0x15: {  	[smem:$0x3FA8] =	sst s0;
	s0 =	simm.s32 @!p2 $0x0  }
0x16: {  	s3 =	sld [smem:$0x3FDB];
	s0 =	simm.s32 @p2 $0x1  }
0x17: {  	s4 =	simm.s32 $0x1BF5;
	[smem:$0x3FAA] =	sst s0  }
0x18: {  	s0 =	sld [smem:$0x3F8D];
	_ =	swait.ge [sflag:s4], $0x0  }
0x19: {  	s7 =	sld [smem:$0x3F8E]  }
0x1a: {  	s8 =	sadd.s32 $0xFFFFE003, lr  }
0x1b: {  	s9 =	sadd.s32 $0xFFFFFEF7, lr;
	s5 =	simm.s32 $0xFFFFFFFF;
	p2 =	slt.u32 s8, $0xFFFFF086  }
0x1c: {  	p1 =	slt.u32 s9, $0xF7A;
	s5 =	simm.s32 @!p2 $0x0  }
0x1d: {  	s5 =	simm.s32 @p1 $0x1;
	p0 =	seq.s32 s7, s2  }
0x1e: {  	s7 =	smul.u32 @!p0 $0xF7A, s2;
	p2 =	seq.s32 @!p0 s5, $0x0  }
0x1f: {  	s9 =	smul.u32 $0xF7A, s1;
	s8 =	simm.s32 @!p0 $0x1BF5;
	p2 =	por !p2, p0  }
0x20: {  	[sflag:s8] =	ssyncset.s32 @!p0 $0xFFFFF086;
	s6 =	sadd.s32 @!p0 s3, s7;
	s7 =	simm.s32 @!p0 $0x108  }
0x21: {  	s3 =	sadd.s32 s3, s9;
	s6 =	sadd.s32 @!p0 $0x88, s6;
	s7 =	simm.s32 @p2 $0x1082  }
0x22: {  	[simem:s7], [sflag:s8] =	dma.local @!p0 [hbm:s6], $0xF7A  }
0x23: {  	s9 =	sor.u32 $0xD0000000, s2;
	s6 =	simm.s32 $0x108;
	_ =	swait.ge @!p0 [sflag:s8], $0x0  }
0x24: {  	s3 =	sadd.s32 $0x88, s3;
	s6 =	simm.s32 @!p1 $0x1082;
	[sflag:s4] =	ssyncset.s32 $0xFFFFF086  }
0x25: {  	[simem:s6], [sflag:s4] =	dma.local [hbm:s3], $0xF7A  }
0x26: {  	[smem:$0x3F8E] =	sst s1;
	(tag) =	ssettag s2;
	_ =	strace s9  }
0x27: {  	s1 =	sld [smem:$0x3F9E]  }
0x28: {  	s2 =	sld [smem:$0x3F9F]  }
0x29: {  	s4 =	sld [smem:$0x3FA1]  }
0x2a: {  	p0 =	seq.s32 s5, $0x0;
	s5 =	sld [smem:$0x3FA2]  }
0x2b: {  	s6 =	sld [smem:$0x3FA3]  }
0x2c: {  	s7 =	sld [smem:$0x3FA4]  }
0x2d: {  	s3 =	simm.s32 $0x108;
	s8 =	sld [smem:$0x3FA5]  }
0x2e: {  	s3 =	simm.s32 @!p0 $0x1082;
	s9 =	sld [smem:$0x3FA6]  }
0x2f: {  	lr =	sadd.s32 s0, s3;
	s0 =	sld [smem:$0x3F9D]  }
0x30: {  	s3 =	sld [smem:$0x3FA0]  }
0x31: {  	[smem:$0x3FA9] =	sst s10  }
0x32: {  	s10 =	sld [smem:$0x3FA7];
	_ =	sdelay $0x3  }
0x33: {  	p0 =	seq.s32 s10, $0x1;
	s10 =	sld [smem:$0x3FA9];
	_ =	sdelay $0x3  }
0x34: {  	[smem:$0x3FA9] =	sst s10  }
0x35: {  	s10 =	sld [smem:$0x3FA8];
	_ =	sdelay $0x3  }
0x36: {  	p1 =	seq.s32 s10, $0x1;
	s10 =	sld [smem:$0x3FA9];
	_ =	sdelay $0x3  }
0x37: {  	[smem:$0x3FA9] =	sst s10  }
0x38: {  	s10 =	sld [smem:$0x3FAA]  }
0x39: {  	_ = 	snop;
	(pc) =	sbr.ind lr, $3  }
0x3a: {  	_ = 	snop  }
0x3b: {  	_ = 	snop  }
0x3c: {  	p2 =	seq.s32 s10, $0x1;
	s10 =	sld [smem:$0x3FA9]  }
0x3d: {  	_ =	shalt  }
0x3e: {  	_ =	shalt  }
0x3f: {  	_ =	shalt  }
0x40: {  	_ =	shalt  }
0x41: {  	_ =	shalt  }
0x42: {  	_ =	shalt  }
0x43: {  	_ =	shalt  }
0x44: {  	_ =	shalt  }
0x45: {  	_ =	shalt  }
0x46: {  	_ =	shalt  }
0x47: {  	_ =	shalt  }
0x48: {  	_ =	shalt  }
0x49: {  	_ =	shalt  }
0x4a: {  	_ =	shalt  }
0x4b: {  	_ =	shalt  }
0x4c: {  	_ =	shalt  }
0x4d: {  	_ =	shalt  }
0x4e: {  	_ =	shalt  }
0x4f: {  	_ =	shalt  }
0x50: {  	_ =	shalt  }
0x51: {  	_ =	shalt  }
0x52: {  	_ =	shalt  }
0x53: {  	_ =	shalt  }
0x54: {  	_ =	shalt  }
0x55: {  	_ =	shalt  }
0x56: {  	_ =	shalt  }
0x57: {  	_ =	shalt  }
0x58: {  	_ =	shalt  }
0x59: {  	_ =	shalt  }
0x5a: {  	_ =	shalt  }
0x5b: {  	_ =	shalt  }
0x5c: {  	_ =	shalt  }
0x5d: {  	_ =	shalt  }
0x5e: {  	_ =	shalt  }
0x5f: {  	_ =	shalt  }
0x60: {  	_ =	shalt  }
0x61: {  	_ =	shalt  }
0x62: {  	_ =	shalt  }
0x63: {  	_ =	shalt  }
0x64: {  	_ =	shalt  }
0x65: {  	_ =	shalt  }
0x66: {  	_ =	shalt  }
0x67: {  	_ =	shalt  }
0x68: {  	_ =	shalt  }
0x69: {  	_ =	shalt  }
0x6a: {  	_ =	shalt  }
0x6b: {  	_ =	shalt  }
0x6c: {  	_ =	shalt  }
0x6d: {  	_ =	shalt  }
0x6e: {  	_ =	shalt  }
0x6f: {  	_ =	shalt  }
0x70: {  	_ =	shalt  }
0x71: {  	_ =	shalt  }
0x72: {  	_ =	shalt  }
0x73: {  	_ =	shalt  }
0x74: {  	_ =	shalt  }
0x75: {  	_ =	shalt  }
0x76: {  	_ =	shalt  }
0x77: {  	_ =	shalt  }
0x78: {  	_ =	shalt  }
0x79: {  	_ =	shalt  }
0x7a: {  	_ =	shalt  }
0x7b: {  	_ =	shalt  }
0x7c: {  	_ =	shalt  }
0x7d: {  	_ =	shalt  }
0x7e: {  	_ =	shalt  }
0x7f: {  	_ =	shalt  }
0x80: {  	_ =	shalt  }
0x81: {  	_ =	shalt  }
0x82: {  	_ =	shalt  }
0x83: {  	_ =	shalt  }
0x84: {  	_ =	shalt  }
0x85: {  	_ =	shalt  }
0x86: {  	_ =	shalt  }
0x87: {  	_ =	shalt  }
.Lfunc_end0:
.L_simem_size_0:
called_computation.6_lowered:
.L_overlay_start_0:
0x88: {  	s2 =	sld [smem:$0x3FD9]  }
0x89: {  	s3 =	sld [smem:$0x3FFE];
	_ =	sdelay $0x1  }
0x8a: {  	s1 =	srdreg.scid  }
0x8b: {  	s0 =	sand.u32 $0x1, s1  }
0x8c: {  	s16 =	sshll.u32 s0, $0xA;
	s2 =	sadd.s32 s3, s2  }
0x8d: {  	s2 =	sadd.s32 s2, s16  }
0x8e: {  	[smem:$0x3FB5] =	sst s2  }
0x8f: {  	_ = 	snop  }
0x90: {  	(tm) =	ssettm $0x1  }
0x91: {  	s17 =	sld [smem:$0x3FFB];
	_ =	sdelay $0x3  }
0x92: {  	_ =	strace s17  }
0x93: {  	s2 =	sld [smem:$0x3FFC];
	_ =	sdelay $0x3  }
0x94: {  	_ =	strace s2  }
0x95: {  	s2 =	sld [smem:$0x3FFD];
	_ =	sdelay $0x3  }
0x96: {  	_ =	strace s2  }
0x97: {  	_ =	strace $0x8FFFFFFF  }
0x98: {  	s18 =	sld [smem:$0x3FDB];
	_ =	sdelay $0x1  }
0x99: {  	s19 =	simm.s32 $_scs_section_size  }
0x9a: {  	s4 =	simm.s32 $_size__tile_overlayer_lowered;
	s5 =	simm.s32 $_tile_overlayer_lowered  }
0x9b: {  	s22 =	simm.s32 $0x1BFF;
	s21 =	sshll.u32 s5, $0x1;
	s2 =	sadd.s32 s19, s18  }
0x9c: {  	s6 =	simm.s32 $0x0;
	s20 =	sshll.u32 s4, $0x1;
	s4 =	sadd.s32 s21, s2  }
0x9d: {  	[timem:s6], [sflag:s22] =	dma.local [hbm:s4], s20  }
0x9e: {  	_ =	swait.ge [sflag:s22], s20  }
0x9f: {  	s3 =	ssub.s32 $0x0, s20;
	[sflag:s22] =	ssyncset.done $0x0  }
0xa0: {  	[sflag:s22] =	ssyncadd.s32 s3;
	_ =	sdelay $0x1  }
0xa1: {  	s23 =	simm.s32 $0x1B8B  }
0xa2: {  	_ =	swait.ge [sflag:s23], $0x1  }
0xa3: {  	[sflag:s23] =	ssyncset.done $0x0  }
0xa4: {  	s25 =	simm.s32 $0x1B8E;
	s24 =	sld [smem:$0x3FFE];
	[sflag:s23] =	ssyncadd.s32 $0xFFFFFFFF  }
0xa5: {  	s26 =	simm.s32 $execute0_lowered;
	[smem:$0x3FD2] =	sst s25  }
0xa6: {  	s4 =	sshll.u32 s26, $0x1;
	_ =	strace $0x80000046;
	[dreg:$0x1] =	wrdreg $0xFFFFFFFF  }
0xa7: {  	s28 =	simm.s32 $_size_execute0_lowered;
	s2 =	sadd.s32 s2, s4;
	[dreg:$0x0] =	wrdreg $0x0  }
0xa8: {  	s4 =	sshll.u32 s28, $0x1;
	[dreg:$0x2] =	wrdreg s2  }
0xa9: {  	[dreg:$0x3] =	wrdreg s4  }
0xaa: {  	[dreg:$0x4] =	wrdreg $0xC0  }
0xab: {  	_ =	task [dreg:s6], $0x5FFFF  }
0xac: {  	[dreg:$0x1] =	wrdreg $0xFFFFFFFF  }
0xad: {  	[dreg:$0x0] =	wrdreg $0x60  }
0xae: {  	[dreg:$0x2] =	wrdreg s24  }
0xaf: {  	[dreg:$0x3] =	wrdreg $0x11000  }
0xb0: {  	[dreg:$0x4] =	wrdreg $0x9  }
0xb1: {  	_ =	task.clear_ibuf [dreg:s6], $0x5FFFF;
	_ =	strace $0x90000046  }
0xb2: {  	s29 =	simm.s32 $0x9;
	_ =	strace $0x80000048  }
0xb3: {  	_ =	swait.ge [sflag:s29], $0x1  }
0xb4: {  	[sflag:s29] =	ssyncadd.s32 $0xFFFFFFFF  }
0xb5: {  	_ =	strace $0x90000048  }
0xb6: {  	_ =	sfence  }
0xb7: {  	s30 =	sld [smem:$0x0];
	_ =	sdelay $0x2  }
0xb8: {  	s31 =	sshll.u32 s1, $0xD;
	s1 =	sshrl.u32 s1, $0x2  }
0xb9: {  	s3 =	sand.u32 $0x4000, s31;
	s1 =	sadd.s32 s1, s30  }
0xba: {  	s0 =	sor.u32 s3, s0;
	s1 =	sshll.u32 s1, $0x11  }
0xbb: {  	s0 =	sor.u32 s1, s0  }
0xbc: {  	s0 =	sadd.s32 $0x8F2B, s0  }
0xbd: {  	[sflag:s0] =	ssyncadd.remote.s32 $0x1  }
0xbe: {  	_ =	sfence.sel $0xFFFF  }
0xbf: {  	[dreg:$0x0] =	wrdreg $0xFFFFFFFF;
	(pc) =	sbr.abs _section_cstart, $3  }
0xc0: {  	[dreg:$0x1] =	wrdreg $0xFFFFFFFF  }
0xc1: {  	_ =	task.clear_ibuf [dreg:s6], $0x2FFFF;
	_ =	strace $0x9FFFFFFF  }
0xc2: {  	(tm) =	ssettm $0x7FFFFFFF  }
0xc3: {  	_ =	shalt  }
tec
execute0_lowered:
.L_overlay_start_1:
0x0: {  	(tag) =	ssettag $0x1  }
0x1: {  	s7 =	rddreg [dreg:$0x0]  }
0x2: {  	s1 =	rddreg [dreg:$0x1]  }
0x3: {  	s3 =	simm.s32 $0x0;
	s0 =	srdreg.scid;
	s2 =	stileid.u32  }
0x4: {  	s14 =	simm.s32 $0x3;
	s15 =	simm.s32 $0x80;
	s16 =	simm.s32 $0x100  }
0x5: {  	s17 =	simm.s32 $0x500;
	s18 =	simm.s32 $0x180;
	s19 =	simm.s32 $0x580  }
0x6: {  	s20 =	simm.s32 $0x200;
	s21 =	simm.s32 $0x600;
	s22 =	simm.s32 $0x280  }
0x7: {  	s23 =	simm.s32 $0x680;
	s24 =	simm.s32 $0x1;
	s25 =	simm.s32 $0x300  }
0x8: {  	s26 =	simm.s32 $0x380;
	s28 =	simm.s32 $0x400;
	s29 =	simm.s32 $0x480  }
0x9: {  	s30 =	simm.s32 $0x0;
	[smem:$0x7FF] =	sst s3;
	s8 =	sand.u32 $0x1, s0  }
0xa: {  	s9 =	smul.u32 $0x9C0, s2;
	s4 =	sadd.s32 $0x13C00, s7;
	s11 =	sadd.s32 $0x15000, s7  }
0xb: {  	s6 =	sadd.s32 $0x9C00, s1;
	s13 =	sshll.u32 s2, $0x5;
	p0 =	sne.s32 s2, $0xF  }
0xc: {  	p1 =	sgt.u32 s2, $0x1;
	_ =	strace $0x80000047;
	s0 =	ssub.s32 $0x2, s8  }
0xd: {  	s10 =	smul.u32 $0x9C40, s8;
	s7 =	sadd.s32 s13, s7;
	s5 =	sshrl.u32 s0, $0x1  }
.Ltmp0:
0xe: {  	s31 =	sshll.u32 s8, $0x4;
	s12 =	ssub.s32 s0, s5;
	(pc) =	sbr.rel .LBB2_1-.Ltmp0, $4  }
0xf: {  	s5 =	sadd.s32 s9, s1;
	s9 =	sadd.s32 s9, s10;
	s10 =	sshrl.u32 s10, $0x3  }
0x10: {  	s13 =	simm.s32 $0x700;
	s9 =	sshrl.u32 s9, $0x3;
	s10 =	sadd.s32 s11, s10  }
0x11: {  	s8 =	sadd.s32 s11, s9;
	s9 =	sadd.s32 $0x1380, s10;
	s10 =	sadd.s32 s31, s7  }
0x12: {  	v0 =	vimm.f32 $0.0e+00;
	s0 =	sshll.u32 s2, $0x1;
	s11 =	smax.u32 s12, $0x1;
	s12 =	sadd.s32 $0x9E00, s10  }
.LBB2_7:
0x13: {  	s2 =	simm.s32 @!p1 $0x2  }
0x14: {  	_ =	swait.ge @!p1 [sflag:s2], $0x80  }
0x15: {  	[sflag:s2] =	ssyncset.done @!p1 $0x0  }
0x16: {  	[sflag:s2] =	ssyncadd.s32 @!p1 $0xFFFFFF80  }
0x17: {  	_ =	swait.ge @!p1 [sflag:s2], $0x80  }
0x18: {  	[sflag:s2] =	ssyncset.done @!p1 $0x0  }
0x19: {  	[sflag:s2] =	ssyncadd.s32 @!p1 $0xFFFFFF80  }
0x1a: {  	_ =	swait.ge @!p1 [sflag:s2], $0x80  }
0x1b: {  	[sflag:s2] =	ssyncset.done @!p1 $0x0  }
0x1c: {  	[sflag:s2] =	ssyncadd.s32 @!p1 $0xFFFFFF80  }
0x1d: {  	_ =	swait.ge @!p1 [sflag:s2], $0x80  }
0x1e: {  	[sflag:s2] =	ssyncset.done @!p1 $0x0  }
0x1f: {  	[sflag:s2] =	ssyncadd.s32 @!p1 $0xFFFFFF80  }
0x20: {  	[bflag:$0x0] =	sbarrier.arrive $0xFFFF  }
0x21: {  	[tilespmem:s13], [sflag:$0x3] =	stream.linear.gather [spmem:s5], $0x9C0, $0x38;
	[tilespmem:$0x1AC8] =	vst v63  }
0x22: {  	_ =	swait.ge [sflag:s14], $0x9C0  }
0x23: {  	[sflag:s14] =	ssyncset.done $0x0  }
0x24: {  	[sflag:s14] =	ssyncadd.s32 $0xFFFFF640  }
0x25: {  	[hbm4b:s8+s3] =	stream.linear.scatter [tilespmem:s13], [sflag:$0x3], $0x9C0, $0x38;
	[tilespmem:$0x1AC8] =	vst v63  }
0x26: {  	_ =	swait.ge [sflag:s14], $0x9C0  }
0x27: {  	[sflag:s14] =	ssyncset.done $0x0  }
0x28: {  	s7 =	simm.s32 @!p0 $0x3;
	s2 =	simm.s32 @!p0 $0x700;
	[sflag:s14] =	ssyncadd.s32 $0xFFFFF640  }
0x29: {  	[tilespmem:s2], [sflag:$0x3] =	stream.linear.gather @!p0 [spmem:s6], $0x40, $0x38;
	[tilespmem:$0x1AC8] =	vst v63  }
0x2a: {  	s30 =	sadd.s32 $0x1, s30;
	_ =	swait.ge @!p0 [sflag:s7], $0x40  }
0x2b: {  	p2 =	sne.s32 s30, s11;
	[sflag:s7] =	ssyncset.done @!p0 $0x0  }
.Ltmp1:
0x2c: {  	s31 =	simm.s32 @!p0 $0x0;
	[sflag:s7] =	ssyncadd.s32 @!p0 $0xFFFFFFC0;
	(pc) =	sbr.rel @!p2 .LBB2_8-.Ltmp1, $4  }
0x2d: {  	[hbm4b:s9+s31] =	stream.linear.scatter @!p0 [tilespmem:s2], [sflag:$0x3], $0x40, $0x38;
	[tilespmem:$0x1AC8] =	vst v63  }
0x2e: {  	_ =	swait.ge @!p0 [sflag:s7], $0x40  }
0x2f: {  	[sflag:s7] =	ssyncset.done @!p0 $0x0  }
0x30: {  	[sflag:s7] =	ssyncadd.s32 @!p0 $0xFFFFFFC0  }
.LBB2_1:
0x31: {  	s7 =	simm.s32 $0x40;
	s31 =	simm.s32 $0x0  }
.LBB2_2:
0x32: {  	p2 =	sne.s32 s7, $0x26C0;
	[tilespmem:s31+$0x700] =	vst v0;
	s31 =	smov.u32 s7;
	s7 =	sadd.s32 $0x40, s7  }
.Ltmp2:
0x33: {  	(pc) =	sbr.rel @p2 .LBB2_2-.Ltmp2, $2  }
0x34: {  	_ =	sdelay $0x2  }
0x35: {  	s31 =	sshra.s32 s31, $0x2  }
0x36: {  	[tilespmem:s31+$0x700] =	vst v0  }
0x37: {  	[spmem:s5] =	stream.linear.scatter [tilespmem:s13], [sflag:$0x3], $0x9C0, $0x38;
	[tilespmem:$0x1AC8] =	vst v63  }
0x38: {  	_ =	swait.ge [sflag:s14], $0x9C0  }
0x39: {  	[sflag:s14] =	ssyncset.done $0x0  }
0x3a: {  	s7 =	simm.s32 @!p0 $0x700;
	[sflag:s14] =	ssyncadd.s32 $0xFFFFF640  }
0x3b: {  	[spmem:s6] =	stream.linear.scatter @!p0 [tilespmem:s7], [sflag:$0x3], $0x40, $0x38;
	[tilespmem:$0x1AC8] =	vst v63  }
0x3c: {  	s7 =	simm.s32 @!p0 $0x3  }
.Ltmp3:
0x3d: {  	_ =	swait.ge @!p0 [sflag:s7], $0x40;
	(pc) =	sbr.rel .LBB2_4-.Ltmp3, $4  }
0x3e: {  	[sflag:s7] =	ssyncset.done @!p0 $0x0  }
0x3f: {  	[sflag:s7] =	ssyncadd.s32 @!p0 $0xFFFFFFC0  }
0x40: {  	[bflag:$0x0] =	sbarrier.arrive $0xFFFF  }
0x41: {  	s31 =	simm.s32 $0x0;
	s7 =	smov.u32 s0  }
.LBB2_6:
0x42: {  	s31 =	sadd.s32 $0x200, s31  }
0x43: {  	p2 =	sne.s32 s31, $0x9E00  }
.Ltmp4:
0x44: {  	_ = 	snop;
	(pc) =	sbr.rel @!p2 .LBB2_7-.Ltmp4, $2  }
0x45: {  	_ =	sdelay $0x2  }
0x46: {  	s7 =	sadd.s32 $0x20, s7  }
.LBB2_4:
0x47: {  	p2 =	seq.s32 s31, $0x0  }
0x48: {  	s2 =	simm.s32 @!p2 $0x2  }
0x49: {  	_ =	swait.ge @!p2 [sflag:s2], $0x80  }
0x4a: {  	[sflag:s2] =	ssyncset.done @!p2 $0x0  }
0x4b: {  	[sflag:s2] =	ssyncadd.s32 @!p2 $0xFFFFFF80  }
0x4c: {  	_ =	swait.ge @!p2 [sflag:s2], $0x80  }
0x4d: {  	[sflag:s2] =	ssyncset.done @!p2 $0x0  }
0x4e: {  	[sflag:s2] =	ssyncadd.s32 @!p2 $0xFFFFFF80  }
0x4f: {  	p3 =	sgt.u32 s7, $0x9C3;
	_ =	swait.ge @!p2 [sflag:s2], $0x80  }
.Ltmp5:
0x50: {  	[sflag:s2] =	ssyncset.done @!p2 $0x0;
	(pc) =	sbr.rel @p3 .LBB2_6-.Ltmp5, $4  }
0x51: {  	[sflag:s2] =	ssyncadd.s32 @!p2 $0xFFFFFF80  }
0x52: {  	_ =	swait.ge @!p2 [sflag:s2], $0x80  }
0x53: {  	[sflag:s2] =	ssyncset.done @!p2 $0x0  }
0x54: {  	[sflag:s2] =	ssyncadd.s32 @!p2 $0xFFFFFF80  }
0x55: {  	s2 =	sadd.s32 s31, s12  }
0x56: {  	[tilespmem:s3], [sflag:$0x3] =	stream.linear.gather [hbm4b:s2+s3], $0x80, $0x38;
	[tilespmem:$0x1AC8] =	vst v63  }
0x57: {  	_ =	swait.ge [sflag:s14], $0x80  }
0x58: {  	[sflag:s14] =	ssyncset.done $0x0  }
0x59: {  	s2 =	sadd.s32 s31, s10;
	[sflag:s14] =	ssyncadd.s32 $0xFFFFFF80  }
0x5a: {  	[tilespmem:s15], [sflag:$0x3] =	stream.linear.gather [hbm4b:s2+s3], $0x80, $0x38;
	[tilespmem:$0x1AC8] =	vst v63  }
0x5b: {  	_ =	swait.ge [sflag:s14], $0x80  }
0x5c: {  	[sflag:s14] =	ssyncset.done $0x0  }
0x5d: {  	[sflag:s14] =	ssyncadd.s32 $0xFFFFFF80  }
0x5e: {  	v1 =	vld [tilespmem:$0x0]  }
0x5f: {  	v2 =	vld [tilespmem:$0x80]  }
0x60: {  	v3 =	vld [tilespmem:$0x10]  }
0x61: {  	v4 =	vld [tilespmem:$0x90]  }
0x62: {  	v5 =	vld [tilespmem:$0x20]  }
0x63: {  	v6 =	vld [tilespmem:$0xA0];
	v1 =	vshll.u32 v1, $0x2  }
0x64: {  	[tilespmem:$0x100] =	vst v1;
	v1 =	vshll.u32 v2, $0x2;
	v2 =	vld [tilespmem:$0x30]  }
0x65: {  	[tilespmem:$0x300] =	vst v1;
	v1 =	vshll.u32 v3, $0x2;
	v3 =	vld [tilespmem:$0xB0]  }
0x66: {  	v26 =	vld [tilespmem:$0x40];
	[tilespmem:$0x110] =	vst v1;
	v1 =	vshll.u32 v4, $0x2  }
0x67: {  	v27 =	vld [tilespmem:$0xC0];
	[tilespmem:$0x310] =	vst v1;
	v1 =	vshll.u32 v5, $0x2  }
0x68: {  	v28 =	vld [tilespmem:$0x50];
	[tilespmem:$0x120] =	vst v1;
	v1 =	vshll.u32 v6, $0x2  }
0x69: {  	[tilespmem:$0x320] =	vst v1;
	v1 =	vshll.u32 v2, $0x2;
	v2 =	vld [tilespmem:$0xD0]  }
0x6a: {  	[tilespmem:$0x130] =	vst v1;
	v1 =	vshll.u32 v3, $0x2;
	v3 =	vld [tilespmem:$0x60]  }
0x6b: {  	v29 =	vld [tilespmem:$0xE0];
	[tilespmem:$0x330] =	vst v1;
	v1 =	vshll.u32 v26, $0x2  }
0x6c: {  	v30 =	vld [tilespmem:$0x70];
	[tilespmem:$0x140] =	vst v1;
	v1 =	vshll.u32 v27, $0x2  }
0x6d: {  	v31 =	vld [tilespmem:$0xF0];
	[tilespmem:$0x340] =	vst v1;
	v1 =	vshll.u32 v28, $0x2  }
0x6e: {  	[tilespmem:$0x150] =	vst v1;
	v1 =	vshll.u32 v2, $0x2  }
0x6f: {  	[tilespmem:$0x350] =	vst v1;
	v1 =	vshll.u32 v3, $0x2  }
0x70: {  	[tilespmem:$0x160] =	vst v1;
	v1 =	vshll.u32 v29, $0x2  }
0x71: {  	[tilespmem:$0x360] =	vst v1;
	v1 =	vshll.u32 v30, $0x2  }
0x72: {  	[tilespmem:$0x170] =	vst v1;
	v1 =	vshll.u32 v31, $0x2  }
0x73: {  	[tilespmem:$0x370] =	vst v1  }
0x74: {  	[tilespmem:s17], [sflag:$0x1] =	stream.indirect.gather [hbm4b:s4+s15], $0x1, s16, s15, $0xb8;
	[tilespmem:$0x1AC8] =	vst v63  }
0x75: {  	v1 =	vld [tilespmem:$0x0]  }
0x76: {  	v2 =	vld [tilespmem:$0x80]  }
0x77: {  	v3 =	vld [tilespmem:$0x10]  }
0x78: {  	v32 =	vld [tilespmem:$0x90]  }
0x79: {  	v33 =	vld [tilespmem:$0x20]  }
0x7a: {  	v34 =	vld [tilespmem:$0xA0];
	v1 =	vshll.u32 v1, $0x2  }
0x7b: {  	v7 =	vld [tilespmem:$0x30];
	v2 =	vshll.u32 v2, $0x2;
	v1 =	vor.u32 $0x1, v1  }
0x7c: {  	[tilespmem:$0x180] =	vst v1;
	v1 =	vor.u32 $0x1, v2;
	v2 =	vshll.u32 v3, $0x2;
	v3 =	vld [tilespmem:$0xB0]  }
0x7d: {  	v35 =	vld [tilespmem:$0x40];
	[tilespmem:$0x380] =	vst v1;
	v1 =	vor.u32 $0x1, v2;
	v2 =	vshll.u32 v32, $0x2  }
0x7e: {  	v36 =	vld [tilespmem:$0xC0];
	[tilespmem:$0x190] =	vst v1;
	v1 =	vor.u32 $0x1, v2;
	v2 =	vshll.u32 v33, $0x2  }
0x7f: {  	v37 =	vld [tilespmem:$0x50];
	[tilespmem:$0x390] =	vst v1;
	v1 =	vor.u32 $0x1, v2;
	v2 =	vshll.u32 v34, $0x2  }
0x80: {  	v38 =	vld [tilespmem:$0xD0];
	[tilespmem:$0x1A0] =	vst v1;
	v1 =	vor.u32 $0x1, v2;
	v2 =	vshll.u32 v7, $0x2  }
0x81: {  	[tilespmem:$0x3A0] =	vst v1;
	v1 =	vor.u32 $0x1, v2;
	v2 =	vshll.u32 v3, $0x2;
	v3 =	vld [tilespmem:$0x60]  }
0x82: {  	v39 =	vld [tilespmem:$0xE0];
	[tilespmem:$0x1B0] =	vst v1;
	v1 =	vor.u32 $0x1, v2;
	v2 =	vshll.u32 v35, $0x2  }
0x83: {  	v40 =	vld [tilespmem:$0x70];
	[tilespmem:$0x3B0] =	vst v1;
	v1 =	vor.u32 $0x1, v2;
	v2 =	vshll.u32 v36, $0x2  }
0x84: {  	v41 =	vld [tilespmem:$0xF0];
	[tilespmem:$0x1C0] =	vst v1;
	v1 =	vor.u32 $0x1, v2;
	v2 =	vshll.u32 v37, $0x2  }
0x85: {  	[tilespmem:$0x3C0] =	vst v1;
	v1 =	vor.u32 $0x1, v2;
	v2 =	vshll.u32 v38, $0x2  }
0x86: {  	[tilespmem:$0x1D0] =	vst v1;
	v1 =	vor.u32 $0x1, v2;
	v2 =	vshll.u32 v3, $0x2  }
0x87: {  	[tilespmem:$0x3D0] =	vst v1;
	v1 =	vor.u32 $0x1, v2;
	v2 =	vshll.u32 v39, $0x2  }
0x88: {  	[tilespmem:$0x1E0] =	vst v1;
	v1 =	vor.u32 $0x1, v2;
	v2 =	vshll.u32 v40, $0x2  }
0x89: {  	[tilespmem:$0x3E0] =	vst v1;
	v1 =	vor.u32 $0x1, v2;
	v2 =	vshll.u32 v41, $0x2  }
0x8a: {  	[tilespmem:$0x1F0] =	vst v1;
	v1 =	vor.u32 $0x1, v2  }
0x8b: {  	[tilespmem:$0x3F0] =	vst v1  }
0x8c: {  	[tilespmem:s19], [sflag:$0x1] =	stream.indirect.gather [hbm4b:s4+s15], $0x1, s18, s15, $0xb8;
	[tilespmem:$0x1AC8] =	vst v63  }
0x8d: {  	v1 =	vld [tilespmem:$0x0]  }
0x8e: {  	v2 =	vld [tilespmem:$0x80]  }
0x8f: {  	v3 =	vld [tilespmem:$0x10]  }
0x90: {  	v42 =	vld [tilespmem:$0x90]  }
0x91: {  	v43 =	vld [tilespmem:$0x20]  }
0x92: {  	v44 =	vld [tilespmem:$0xA0];
	v1 =	vshll.u32 v1, $0x2  }
0x93: {  	v45 =	vld [tilespmem:$0x30];
	v2 =	vshll.u32 v2, $0x2;
	v1 =	vor.u32 $0x2, v1  }
0x94: {  	[tilespmem:$0x200] =	vst v1;
	v1 =	vor.u32 $0x2, v2;
	v2 =	vshll.u32 v3, $0x2;
	v3 =	vld [tilespmem:$0xB0]  }
0x95: {  	v46 =	vld [tilespmem:$0x40];
	[tilespmem:$0x400] =	vst v1;
	v1 =	vor.u32 $0x2, v2;
	v2 =	vshll.u32 v42, $0x2  }
0x96: {  	v47 =	vld [tilespmem:$0xC0];
	[tilespmem:$0x210] =	vst v1;
	v1 =	vor.u32 $0x2, v2;
	v2 =	vshll.u32 v43, $0x2  }
0x97: {  	v48 =	vld [tilespmem:$0x50];
	[tilespmem:$0x410] =	vst v1;
	v1 =	vor.u32 $0x2, v2;
	v2 =	vshll.u32 v44, $0x2  }
0x98: {  	v49 =	vld [tilespmem:$0xD0];
	[tilespmem:$0x220] =	vst v1;
	v1 =	vor.u32 $0x2, v2;
	v2 =	vshll.u32 v45, $0x2  }
0x99: {  	[tilespmem:$0x420] =	vst v1;
	v1 =	vor.u32 $0x2, v2;
	v2 =	vshll.u32 v3, $0x2;
	v3 =	vld [tilespmem:$0x60]  }
0x9a: {  	v50 =	vld [tilespmem:$0xE0];
	[tilespmem:$0x230] =	vst v1;
	v1 =	vor.u32 $0x2, v2;
	v2 =	vshll.u32 v46, $0x2  }
0x9b: {  	v51 =	vld [tilespmem:$0x70];
	[tilespmem:$0x430] =	vst v1;
	v1 =	vor.u32 $0x2, v2;
	v2 =	vshll.u32 v47, $0x2  }
0x9c: {  	v52 =	vld [tilespmem:$0xF0];
	[tilespmem:$0x240] =	vst v1;
	v1 =	vor.u32 $0x2, v2;
	v2 =	vshll.u32 v48, $0x2  }
0x9d: {  	[tilespmem:$0x440] =	vst v1;
	v1 =	vor.u32 $0x2, v2;
	v2 =	vshll.u32 v49, $0x2  }
0x9e: {  	[tilespmem:$0x250] =	vst v1;
	v1 =	vor.u32 $0x2, v2;
	v2 =	vshll.u32 v3, $0x2  }
0x9f: {  	[tilespmem:$0x450] =	vst v1;
	v1 =	vor.u32 $0x2, v2;
	v2 =	vshll.u32 v50, $0x2  }
0xa0: {  	[tilespmem:$0x260] =	vst v1;
	v1 =	vor.u32 $0x2, v2;
	v2 =	vshll.u32 v51, $0x2  }
0xa1: {  	[tilespmem:$0x460] =	vst v1;
	v1 =	vor.u32 $0x2, v2;
	v2 =	vshll.u32 v52, $0x2  }
0xa2: {  	[tilespmem:$0x270] =	vst v1;
	v1 =	vor.u32 $0x2, v2  }
0xa3: {  	[tilespmem:$0x470] =	vst v1  }
0xa4: {  	[tilespmem:s21], [sflag:$0x1] =	stream.indirect.gather [hbm4b:s4+s15], $0x1, s20, s15, $0xb8;
	[tilespmem:$0x1AC8] =	vst v63  }
0xa5: {  	v1 =	vld [tilespmem:$0x0]  }
0xa6: {  	v2 =	vld [tilespmem:$0x80]  }
0xa7: {  	v3 =	vld [tilespmem:$0x10]  }
0xa8: {  	v53 =	vld [tilespmem:$0x90]  }
0xa9: {  	v54 =	vld [tilespmem:$0x20]  }
0xaa: {  	v55 =	vld [tilespmem:$0xA0];
	v1 =	vshll.u32 v1, $0x2  }
0xab: {  	v56 =	vld [tilespmem:$0x30];
	v2 =	vshll.u32 v2, $0x2;
	v1 =	vor.u32 $0x3, v1  }
0xac: {  	[tilespmem:$0x280] =	vst v1;
	v1 =	vor.u32 $0x3, v2;
	v2 =	vshll.u32 v3, $0x2;
	v3 =	vld [tilespmem:$0xB0]  }
0xad: {  	v57 =	vld [tilespmem:$0x40];
	[tilespmem:$0x480] =	vst v1;
	v1 =	vor.u32 $0x3, v2;
	v2 =	vshll.u32 v53, $0x2  }
0xae: {  	v58 =	vld [tilespmem:$0xC0];
	[tilespmem:$0x290] =	vst v1;
	v1 =	vor.u32 $0x3, v2;
	v2 =	vshll.u32 v54, $0x2  }
0xaf: {  	v59 =	vld [tilespmem:$0x50];
	[tilespmem:$0x490] =	vst v1;
	v1 =	vor.u32 $0x3, v2;
	v2 =	vshll.u32 v55, $0x2  }
0xb0: {  	v60 =	vld [tilespmem:$0xD0];
	[tilespmem:$0x2A0] =	vst v1;
	v1 =	vor.u32 $0x3, v2;
	v2 =	vshll.u32 v56, $0x2  }
0xb1: {  	[tilespmem:$0x4A0] =	vst v1;
	v1 =	vor.u32 $0x3, v2;
	v2 =	vshll.u32 v3, $0x2;
	v3 =	vld [tilespmem:$0x60]  }
0xb2: {  	v61 =	vld [tilespmem:$0xE0];
	[tilespmem:$0x2B0] =	vst v1;
	v1 =	vor.u32 $0x3, v2;
	v2 =	vshll.u32 v57, $0x2  }
0xb3: {  	v62 =	vld [tilespmem:$0x70];
	[tilespmem:$0x4B0] =	vst v1;
	v1 =	vor.u32 $0x3, v2;
	v2 =	vshll.u32 v58, $0x2  }
0xb4: {  	v63 =	vld [tilespmem:$0xF0];
	[tilespmem:$0x2C0] =	vst v1;
	v1 =	vor.u32 $0x3, v2;
	v2 =	vshll.u32 v59, $0x2  }
0xb5: {  	[tilespmem:$0x4C0] =	vst v1;
	v1 =	vor.u32 $0x3, v2;
	v2 =	vshll.u32 v60, $0x2  }
0xb6: {  	[tilespmem:$0x2D0] =	vst v1;
	v1 =	vor.u32 $0x3, v2;
	v2 =	vshll.u32 v3, $0x2  }
0xb7: {  	[tilespmem:$0x4D0] =	vst v1;
	v1 =	vor.u32 $0x3, v2;
	v2 =	vshll.u32 v61, $0x2  }
0xb8: {  	[tilespmem:$0x2E0] =	vst v1;
	v1 =	vor.u32 $0x3, v2;
	v2 =	vshll.u32 v62, $0x2  }
0xb9: {  	[tilespmem:$0x4E0] =	vst v1;
	v1 =	vor.u32 $0x3, v2;
	v2 =	vshll.u32 v63, $0x2  }
0xba: {  	[tilespmem:$0x2F0] =	vst v1;
	v1 =	vor.u32 $0x3, v2  }
0xbb: {  	[tilespmem:$0x4F0] =	vst v1  }
0xbc: {  	[tilespmem:s23], [sflag:$0x1] =	stream.indirect.gather [hbm4b:s4+s15], $0x1, s22, s15, $0xb8;
	[tilespmem:$0x1AC8] =	vst v63  }
0xbd: {  	_ =	swait.ge [sflag:s24], $0x80  }
0xbe: {  	[sflag:s24] =	ssyncset.done $0x0  }
0xbf: {  	[sflag:s24] =	ssyncadd.s32 $0xFFFFFF80  }
0xc0: {  	_ =	swait.ge [sflag:s24], $0x80  }
0xc1: {  	[sflag:s24] =	ssyncset.done $0x0  }
0xc2: {  	[sflag:s24] =	ssyncadd.s32 $0xFFFFFF80  }
0xc3: {  	_ =	swait.ge [sflag:s24], $0x80  }
0xc4: {  	[sflag:s24] =	ssyncset.done $0x0  }
0xc5: {  	[sflag:s24] =	ssyncadd.s32 $0xFFFFFF80  }
0xc6: {  	_ =	swait.ge [sflag:s24], $0x80  }
0xc7: {  	[sflag:s24] =	ssyncset.done $0x0  }
0xc8: {  	[sflag:s24] =	ssyncadd.s32 $0xFFFFFF80  }
0xc9: {  	[spmem:s1] =	stream.indirect.scatter.add.f32 [tilespmem:s17], [sflag:$0x2], $0x1, s25, s15, $0xb8;
	[tilespmem:$0x1AC8] =	vst v63  }
0xca: {  	_ = 	snop  }
0xcb: {  	[spmem:s1] =	stream.indirect.scatter.add.f32 [tilespmem:s19], [sflag:$0x2], $0x1, s26, s15, $0xb8;
	[tilespmem:$0x1AC8] =	vst v63  }
.Ltmp6:
0xcc: {  	_ = 	snop;
	(pc) =	sbr.rel .LBB2_6-.Ltmp6, $4  }
0xcd: {  	_ = 	snop  }
0xce: {  	[spmem:s1] =	stream.indirect.scatter.add.f32 [tilespmem:s21], [sflag:$0x2], $0x1, s28, s15, $0xb8;
	[tilespmem:$0x1AC8] =	vst v63  }
0xcf: {  	_ = 	snop  }
0xd0: {  	[spmem:s1] =	stream.indirect.scatter.add.f32 [tilespmem:s23], [sflag:$0x2], $0x1, s29, s15, $0xb8;
	[tilespmem:$0x1AC8] =	vst v63  }
.LBB2_8:
0xd1: {  	_ =	sfence.sel $0x180000  }
0xd2: {  	[bflag:$0x0] =	sbarrier.arrive $0xFFFF  }
0xd3: {  	_ =	strace $0x90000047  }
0xd4: {  	s0 =	stileid.u32;
	[bflag:$0x2] =	sbarrier.arrive $0xFFFF  }
0xd5: {  	p0 =	sne.s32 s0, $0x0;
	s0 =	rddreg [dreg:$0x2]  }
0xd6: {  	s0 =	sadd.s32 @!p0 $0x100000, s0  }
0xd7: {  	[sflag:s0] =	ssyncadd.tile.s32 @!p0 $0x1;
	_ =	shalt  }
.Lfunc_end2:
_tile_overlayer_lowered:
.L_overlay_start_2:
0xd8: {  	(tag) =	ssettag $0x2  }
0xd9: {  	s0 =	rddreg [dreg:$0x0];
	s2 =	stileid.u32  }
0xda: {  	s1 =	rddreg [dreg:$0x1];
	p0 =	sne.s32 s2, $0x0  }
0xdb: {  	s3 =	rddreg [dreg:$0x2];
	[bflag:$0x3] =	sbarrier.arrive $0xFFFF;
	s2 =	simm.s32 @!p0 $0x1C03  }
0xdc: {  	[timem:s3], [sflag:s2] =	dma.local @!p0 [hbm:s0], s1  }
0xdd: {  	s0 =	simm.s32 @!p0 $0x3  }
0xde: {  	_ =	swait.ge @!p0 [sflag:s0], s1  }
0xdf: {  	s1 =	ssub.s32 @!p0 $0x0, s1;
	[sflag:s0] =	ssyncset.done @!p0 $0x0  }
0xe0: {  	[sflag:s0] =	ssyncadd.s32 @!p0 s1  }
0xe1: {  	[bflag:$0x3] =	sbarrier.arrive $0xFFFF  }
0xe2: {  	_ =	shalt  }

// kernel: scatter_offload_async_start.1
scs
__scs_entry_jumppad:
0x0: {  	(pc) =	sbr.rel $0x88, $3  }
0x1: {  	(tag) =	ssettag $0x0;
	lr =	simm.s32 $0x1  }
0x2: {  	[smem:$0x3F8E] =	sst lr;
	_ =	strace $0xD0000000  }
0x3: {  	_ = 	snop  }
0x4: {  	_ = 	snop  }
0x5: {  	_ = 	snop  }
0x6: {  	_ = 	snop  }
0x7: {  	_ = 	snop  }
__scs_overlays_trampoline_lowered:
0x8: {  	[smem:$0x3F9D] =	sst s0  }
0x9: {  	[smem:$0x3F9E] =	sst s1  }
0xa: {  	[smem:$0x3F9F] =	sst s2  }
0xb: {  	[smem:$0x3FA0] =	sst s3  }
0xc: {  	[smem:$0x3FA1] =	sst s4  }
0xd: {  	[smem:$0x3FA2] =	sst s5  }
0xe: {  	[smem:$0x3FA3] =	sst s6  }
0xf: {  	[smem:$0x3FA4] =	sst s7  }
0x10: {  	[smem:$0x3FA5] =	sst s8  }
0x11: {  	[smem:$0x3FA6] =	sst s9;
	s0 =	simm.s32 @!p0 $0x0  }
0x12: {  	s1 =	sld [smem:$0x3F8C];
	s0 =	simm.s32 @p0 $0x1  }
0x13: {  	[smem:$0x3FA7] =	sst s0;
	s0 =	simm.s32 @!p1 $0x0  }
0x14: {  	s2 =	sld [smem:$0x3F8B];
	s0 =	simm.s32 @p1 $0x1  }
0x15: {  	[smem:$0x3FA8] =	sst s0;
	s0 =	simm.s32 @!p2 $0x0  }
0x16: {  	s3 =	sld [smem:$0x3FDB];
	s0 =	simm.s32 @p2 $0x1  }
0x17: {  	s4 =	simm.s32 $0x1BF5;
	[smem:$0x3FAA] =	sst s0  }
0x18: {  	s0 =	sld [smem:$0x3F8D];
	_ =	swait.ge [sflag:s4], $0x0  }
0x19: {  	s7 =	sld [smem:$0x3F8E]  }
0x1a: {  	s8 =	sadd.s32 $0xFFFFE003, lr  }
0x1b: {  	s9 =	sadd.s32 $0xFFFFFEF7, lr;
	s5 =	simm.s32 $0xFFFFFFFF;
	p2 =	slt.u32 s8, $0xFFFFF086  }
0x1c: {  	p1 =	slt.u32 s9, $0xF7A;
	s5 =	simm.s32 @!p2 $0x0  }
0x1d: {  	s5 =	simm.s32 @p1 $0x1;
	p0 =	seq.s32 s7, s2  }
0x1e: {  	s7 =	smul.u32 @!p0 $0xF7A, s2;
	p2 =	seq.s32 @!p0 s5, $0x0  }
0x1f: {  	s9 =	smul.u32 $0xF7A, s1;
	s8 =	simm.s32 @!p0 $0x1BF5;
	p2 =	por !p2, p0  }
0x20: {  	[sflag:s8] =	ssyncset.s32 @!p0 $0xFFFFF086;
	s6 =	sadd.s32 @!p0 s3, s7;
	s7 =	simm.s32 @!p0 $0x108  }
0x21: {  	s3 =	sadd.s32 s3, s9;
	s6 =	sadd.s32 @!p0 $0x88, s6;
	s7 =	simm.s32 @p2 $0x1082  }
0x22: {  	[simem:s7], [sflag:s8] =	dma.local @!p0 [hbm:s6], $0xF7A  }
0x23: {  	s9 =	sor.u32 $0xD0000000, s2;
	s6 =	simm.s32 $0x108;
	_ =	swait.ge @!p0 [sflag:s8], $0x0  }
0x24: {  	s3 =	sadd.s32 $0x88, s3;
	s6 =	simm.s32 @!p1 $0x1082;
	[sflag:s4] =	ssyncset.s32 $0xFFFFF086  }
0x25: {  	[simem:s6], [sflag:s4] =	dma.local [hbm:s3], $0xF7A  }
0x26: {  	[smem:$0x3F8E] =	sst s1;
	(tag) =	ssettag s2;
	_ =	strace s9  }
0x27: {  	s1 =	sld [smem:$0x3F9E]  }
0x28: {  	s2 =	sld [smem:$0x3F9F]  }
0x29: {  	s4 =	sld [smem:$0x3FA1]  }
0x2a: {  	p0 =	seq.s32 s5, $0x0;
	s5 =	sld [smem:$0x3FA2]  }
0x2b: {  	s6 =	sld [smem:$0x3FA3]  }
0x2c: {  	s7 =	sld [smem:$0x3FA4]  }
0x2d: {  	s3 =	simm.s32 $0x108;
	s8 =	sld [smem:$0x3FA5]  }
0x2e: {  	s3 =	simm.s32 @!p0 $0x1082;
	s9 =	sld [smem:$0x3FA6]  }
0x2f: {  	lr =	sadd.s32 s0, s3;
	s0 =	sld [smem:$0x3F9D]  }
0x30: {  	s3 =	sld [smem:$0x3FA0]  }
0x31: {  	[smem:$0x3FA9] =	sst s10  }
0x32: {  	s10 =	sld [smem:$0x3FA7];
	_ =	sdelay $0x3  }
0x33: {  	p0 =	seq.s32 s10, $0x1;
	s10 =	sld [smem:$0x3FA9];
	_ =	sdelay $0x3  }
0x34: {  	[smem:$0x3FA9] =	sst s10  }
0x35: {  	s10 =	sld [smem:$0x3FA8];
	_ =	sdelay $0x3  }
0x36: {  	p1 =	seq.s32 s10, $0x1;
	s10 =	sld [smem:$0x3FA9];
	_ =	sdelay $0x3  }
0x37: {  	[smem:$0x3FA9] =	sst s10  }
0x38: {  	s10 =	sld [smem:$0x3FAA]  }
0x39: {  	_ = 	snop;
	(pc) =	sbr.ind lr, $3  }
0x3a: {  	_ = 	snop  }
0x3b: {  	_ = 	snop  }
0x3c: {  	p2 =	seq.s32 s10, $0x1;
	s10 =	sld [smem:$0x3FA9]  }
0x3d: {  	_ =	shalt  }
0x3e: {  	_ =	shalt  }
0x3f: {  	_ =	shalt  }
0x40: {  	_ =	shalt  }
0x41: {  	_ =	shalt  }
0x42: {  	_ =	shalt  }
0x43: {  	_ =	shalt  }
0x44: {  	_ =	shalt  }
0x45: {  	_ =	shalt  }
0x46: {  	_ =	shalt  }
0x47: {  	_ =	shalt  }
0x48: {  	_ =	shalt  }
0x49: {  	_ =	shalt  }
0x4a: {  	_ =	shalt  }
0x4b: {  	_ =	shalt  }
0x4c: {  	_ =	shalt  }
0x4d: {  	_ =	shalt  }
0x4e: {  	_ =	shalt  }
0x4f: {  	_ =	shalt  }
0x50: {  	_ =	shalt  }
0x51: {  	_ =	shalt  }
0x52: {  	_ =	shalt  }
0x53: {  	_ =	shalt  }
0x54: {  	_ =	shalt  }
0x55: {  	_ =	shalt  }
0x56: {  	_ =	shalt  }
0x57: {  	_ =	shalt  }
0x58: {  	_ =	shalt  }
0x59: {  	_ =	shalt  }
0x5a: {  	_ =	shalt  }
0x5b: {  	_ =	shalt  }
0x5c: {  	_ =	shalt  }
0x5d: {  	_ =	shalt  }
0x5e: {  	_ =	shalt  }
0x5f: {  	_ =	shalt  }
0x60: {  	_ =	shalt  }
0x61: {  	_ =	shalt  }
0x62: {  	_ =	shalt  }
0x63: {  	_ =	shalt  }
0x64: {  	_ =	shalt  }
0x65: {  	_ =	shalt  }
0x66: {  	_ =	shalt  }
0x67: {  	_ =	shalt  }
0x68: {  	_ =	shalt  }
0x69: {  	_ =	shalt  }
0x6a: {  	_ =	shalt  }
0x6b: {  	_ =	shalt  }
0x6c: {  	_ =	shalt  }
0x6d: {  	_ =	shalt  }
0x6e: {  	_ =	shalt  }
0x6f: {  	_ =	shalt  }
0x70: {  	_ =	shalt  }
0x71: {  	_ =	shalt  }
0x72: {  	_ =	shalt  }
0x73: {  	_ =	shalt  }
0x74: {  	_ =	shalt  }
0x75: {  	_ =	shalt  }
0x76: {  	_ =	shalt  }
0x77: {  	_ =	shalt  }
0x78: {  	_ =	shalt  }
0x79: {  	_ =	shalt  }
0x7a: {  	_ =	shalt  }
0x7b: {  	_ =	shalt  }
0x7c: {  	_ =	shalt  }
0x7d: {  	_ =	shalt  }
0x7e: {  	_ =	shalt  }
0x7f: {  	_ =	shalt  }
0x80: {  	_ =	shalt  }
0x81: {  	_ =	shalt  }
0x82: {  	_ =	shalt  }
0x83: {  	_ =	shalt  }
0x84: {  	_ =	shalt  }
0x85: {  	_ =	shalt  }
0x86: {  	_ =	shalt  }
0x87: {  	_ =	shalt  }
.Lfunc_end0:
.L_simem_size_0:
called_computation.1_lowered:
.L_overlay_start_0:
0x88: {  	s0 =	sld [smem:$0x3FD9]  }
0x89: {  	s1 =	sld [smem:$0x3FFE];
	_ =	sdelay $0x3  }
0x8a: {  	s0 =	sadd.s32 s1, s0  }
0x8b: {  	[smem:$0x3FB5] =	sst s0  }
0x8c: {  	_ = 	snop  }
0x8d: {  	(tm) =	ssettm $0x1  }
0x8e: {  	s15 =	sld [smem:$0x3FFB];
	_ =	sdelay $0x3  }
0x8f: {  	_ =	strace s15  }
0x90: {  	s0 =	sld [smem:$0x3FFC];
	_ =	sdelay $0x3  }
0x91: {  	_ =	strace s0  }
0x92: {  	s0 =	sld [smem:$0x3FFD];
	_ =	sdelay $0x3  }
0x93: {  	_ =	strace s0  }
0x94: {  	_ =	strace $0x8FFFFFFF  }
0x95: {  	s16 =	sld [smem:$0x3FDB];
	_ =	sdelay $0x1  }
0x96: {  	s17 =	simm.s32 $_scs_section_size  }
0x97: {  	s2 =	simm.s32 $_size__tile_overlayer_lowered;
	s3 =	simm.s32 $_tile_overlayer_lowered  }
0x98: {  	s20 =	simm.s32 $0x1BFF;
	s19 =	sshll.u32 s3, $0x1;
	s0 =	sadd.s32 s17, s16  }
0x99: {  	s4 =	simm.s32 $0x0;
	s18 =	sshll.u32 s2, $0x1;
	s2 =	sadd.s32 s19, s0  }
0x9a: {  	[timem:s4], [sflag:s20] =	dma.local [hbm:s2], s18  }
0x9b: {  	_ =	swait.ge [sflag:s20], s18  }
0x9c: {  	s1 =	ssub.s32 $0x0, s18;
	[sflag:s20] =	ssyncset.done $0x0  }
0x9d: {  	[sflag:s20] =	ssyncadd.s32 s1;
	_ =	sdelay $0x1  }
0x9e: {  	s21 =	simm.s32 $0x1B8B  }
0x9f: {  	_ =	swait.ge [sflag:s21], $0x1  }
0xa0: {  	[sflag:s21] =	ssyncset.done $0x0  }
0xa1: {  	s23 =	simm.s32 $0x1B8E;
	s22 =	sld [smem:$0x3FFE];
	[sflag:s21] =	ssyncadd.s32 $0xFFFFFFFF  }
0xa2: {  	s24 =	simm.s32 $execute0_lowered;
	[smem:$0x3FD2] =	sst s23  }
0xa3: {  	s2 =	sshll.u32 s24, $0x1;
	_ =	strace $0x8000005B;
	[dreg:$0x1] =	wrdreg $0xFFFFFFFF  }
0xa4: {  	s25 =	simm.s32 $_size_execute0_lowered;
	s0 =	sadd.s32 s0, s2;
	[dreg:$0x0] =	wrdreg $0x0  }
0xa5: {  	s2 =	sshll.u32 s25, $0x1;
	[dreg:$0x2] =	wrdreg s0  }
0xa6: {  	[dreg:$0x3] =	wrdreg s2  }
0xa7: {  	[dreg:$0x4] =	wrdreg $0xC0  }
0xa8: {  	_ =	task [dreg:s4], $0x5FFFF  }
0xa9: {  	[dreg:$0x1] =	wrdreg $0xFFFFFFFF  }
0xaa: {  	[dreg:$0x0] =	wrdreg $0x60  }
0xab: {  	[dreg:$0x2] =	wrdreg s22  }
0xac: {  	[dreg:$0x3] =	wrdreg $0xA  }
0xad: {  	_ =	task.clear_ibuf [dreg:s4], $0x4FFFF;
	_ =	strace $0x9000005B  }
0xae: {  	s26 =	simm.s32 $0xA;
	_ =	strace $0x8000005D  }
0xaf: {  	_ =	swait.ge [sflag:s26], $0x1  }
0xb0: {  	[sflag:s26] =	ssyncadd.s32 $0xFFFFFFFF  }
0xb1: {  	_ =	strace $0x9000005D  }
0xb2: {  	_ =	sfence  }
0xb3: {  	s28 =	sld [smem:$0x0];
	_ =	sdelay $0x1  }
0xb4: {  	s29 =	srdreg.scid  }
0xb5: {  	s30 =	sshll.u32 s29, $0xD;
	s31 =	sshrl.u32 s29, $0x2  }
0xb6: {  	s1 =	sand.u32 $0x1, s29;
	s2 =	sand.u32 $0x4000, s30;
	s0 =	sadd.s32 s31, s28  }
0xb7: {  	s1 =	sor.u32 s2, s1;
	s0 =	sshll.u32 s0, $0x11  }
0xb8: {  	s0 =	sor.u32 s0, s1  }
0xb9: {  	s0 =	sadd.s32 $0x8F2B, s0  }
0xba: {  	[sflag:s0] =	ssyncadd.remote.s32 $0x1  }
0xbb: {  	_ =	sfence.sel $0xFFFF  }
0xbc: {  	[dreg:$0x0] =	wrdreg $0xFFFFFFFF;
	(pc) =	sbr.abs _section_cstart, $3  }
0xbd: {  	[dreg:$0x1] =	wrdreg $0xFFFFFFFF  }
0xbe: {  	_ =	task.clear_ibuf [dreg:s4], $0x2FFFF;
	_ =	strace $0x9FFFFFFF  }
0xbf: {  	(tm) =	ssettm $0x7FFFFFFF  }
tec
execute0_lowered:
.L_overlay_start_1:
0x0: {  	(tag) =	ssettag $0x1  }
0x1: {  	s0 =	rddreg [dreg:$0x0];
	_ =	strace $0x8000005C;
	s1 =	simm.s32 $0x1  }
0x2: {  	s8 =	simm.s32 $0x208;
	v0 =	vimm.s32 $0x0;
	[sflag:s1] =	ssyncpa.u1 $0x0  }
0x3: {  	[tilespmem:s8+$0x70] =	vst v0  }
0x4: {  	[tilespmem:s8+$0x60] =	vst v0  }
0x5: {  	[tilespmem:s8+$0x50] =	vst v0  }
0x6: {  	[tilespmem:s8+$0x40] =	vst v0  }
0x7: {  	[tilespmem:s8+$0x30] =	vst v0  }
0x8: {  	s1 =	sadd.s32 $0x64000, s0;
	s10 =	sadd.s32 $0x67400, s0;
	[tilespmem:s8+$0x20] =	vst v0  }
0x9: {  	s4 =	sadd.s32 $0x15E00, s0;
	s5 =	sadd.s32 $0x14C00, s0;
	s0 =	simm.s32 $0x40;
	[tilespmem:s8+$0x10] =	vst v0  }
.LBB2_1:
0xa: {  	s0 =	sadd.s32 $0x40, s0;
	[tilespmem:s8+$0x0] =	vst v0;
	s8 =	sadd.s32 $0x80, s8  }
0xb: {  	p0 =	slt.u32 s0, $0x3880;
	[tilespmem:s8+$0x70] =	vst v0  }
0xc: {  	[tilespmem:s8+$0x60] =	vst v0  }
.Ltmp0:
0xd: {  	[tilespmem:s8+$0x50] =	vst v0;
	(pc) =	sbr.rel @p0 .LBB2_1-.Ltmp0, $4  }
0xe: {  	[tilespmem:s8+$0x40] =	vst v0  }
0xf: {  	[tilespmem:s8+$0x30] =	vst v0  }
0x10: {  	[tilespmem:s8+$0x20] =	vst v0  }
0x11: {  	[tilespmem:s8+$0x10] =	vst v0  }
0x12: {  	s3 =	stileid.u32  }
0x13: {  	s0 =	smul.u32 $0x5, s3  }
0x14: {  	s2 =	smin.u32 s3, $0xA  }
0x15: {  	s0 =	sadd.s32 s2, s0  }
0x16: {  	p0 =	slt.u32 s3, $0xA;
	s6 =	smul.u32 $0x70, s0;
	s0 =	simm.s32 $0x2A0  }
0x17: {  	s0 =	simm.s32 @!p0 $0x230  }
0x18: {  	s0 =	sadd.s32 s0, s6  }
0x19: {  	s7 =	smin.u32 s0, $0x2710  }
0x1a: {  	s0 =	ssub.s32 s7, s6  }
0x1b: {  	p0 =	sgt.s32 s0, $0x0  }
0x1c: {  	s0 =	simm.s32 @!p0 $0x0  }
0x1d: {  	s26 =	sand.u32 $0xFFF0, s0  }
0x1e: {  	s28 =	simm.s32 $0x2;
	s2 =	sshrl.u32 s26, $0x4  }
0x1f: {  	s29 =	simm.s32 $0x7;
	s30 =	simm.s32 $0x8;
	s2 =	smul.u32 $0x2493, s2  }
0x20: {  	s31 =	simm.s32 $0x9;
	s11 =	simm.s32 $0x1;
	s21 =	simm.s32 $0x0  }
0x21: {  	p1 =	por $0x0, $0x0;
	s15 =	simm.s32 $0x80;
	s2 =	sshrl.u32 s2, $0x10  }
0x22: {  	s16 =	simm.s32 $0x400;
	s17 =	simm.s32 $0xA;
	s9 =	smul.u32 $0x70, s2  }
.Ltmp1:
0x23: {  	[tilespmem:s8+$0x0] =	vst v0;
	v0 =	vimm.s32 $0xFFFFFFFF;
	s18 =	simm.s32 $0x0;
	[sflag:s28] =	ssyncpa.u1 $0x0;
	(pc) =	sbr.rel .LBB2_3-.Ltmp1, $4  }
0x24: {  	[tilespmem:$0xE408] =	vst v0;
	[sflag:s29] =	ssyncpa.u1 $0x0;
	p0 =	sne.s32 s0, s9;
	s0 =	simm.s32 $0x1  }
0x25: {  	s20 =	simm.s32 $0x0;
	[sflag:s30] =	ssyncpa.u1 $0x0;
	s0 =	simm.s32 @!p0 $0x0  }
0x26: {  	s13 =	sshll.u32 s3, $0x9;
	[sflag:s31] =	ssyncpa.u1 $0x0;
	s12 =	sadd.s32 s2, s0  }
0x27: {  	v0 =	vlaneseq.u32;
	s19 =	smov.u32 s6;
	p0 =	por $0x1, $0x1;
	s14 =	sadd.s32 $0x1, s12  }
.LBB2_24:
0x28: {  	s0 =	sshrl.u32 s30, $0x2  }
.LBB2_26:
0x29: {  	_ =	swait.ge [sflag:s17], s0  }
0x2a: {  	s31 =	ssub.s32 $0x0, s0;
	v1 =	vmov s23;
	vm0 =	veq.s32 v0, $0x0;
	[sflag:s17] =	ssyncset.done $0x0  }
0x2b: {  	vm15 =	veq.s32 v0, $0x2;
	v1 =	vsel vm0, s29, v1;
	[sflag:s17] =	ssyncadd.s32 s31  }
0x2c: {  	v1 =	vsel vm15, s21, v1;
	[sflag:s17] =	ssyncpa.u1 $0x1  }
0x2d: {  	[tilespmem:$0xE408] =	vst v1  }
.LBB2_27:
0x2e: {  	s0 =	sadd.s32 $0x70, s19  }
0x2f: {  	s2 =	smov.u32 s6;
	p2 =	slt.s32 s0, s7  }
0x30: {  	s2 =	smov.u32 @p2 s0;
	p2 =	sne.s32 s20, s14  }
.Ltmp2:
0x31: {  	_ = 	snop;
	(pc) =	sbr.rel @!p2 .LBB2_28-.Ltmp2, $4  }
0x32: {  	_ = 	snop  }
0x33: {  	s21 =	smov.u32 s18  }
0x34: {  	s31 =	sadd.s32 $0x1, s20;
	s18 =	smov.u32 s19;
	p0 =	por !p0, !p0  }
0x35: {  	p1 =	por !p1, !p1;
	s20 =	smov.u32 s31;
	s19 =	smov.u32 s2  }
.LBB2_3:
0x36: {  	p2 =	sge.u32 s20, s12  }
0x37: {  	s0 =	smulhi.u32 @!p2 $0xAAAAAAAB, s20  }
0x38: {  	s2 =	smov.u32 s19;
	p3 =	sgt.s32 @!p2 s19, $0x26A0  }
0x39: {  	s8 =	sshra.s32 @!p2 s19, $0x1F;
	p3 =	por !p3, p2;
	s0 =	sshrl.u32 @!p2 s0, $0x1  }
0x3a: {  	s8 =	sand.u32 @!p2 s8, s19;
	s2 =	simm.s32 @p3 $0x26A0;
	s0 =	smul.u32 @!p2 $0x3, s0  }
0x3b: {  	s2 =	ssub.s32 @!p2 s2, s8  }
0x3c: {  	s2 =	sadd.s32 @!p2 $0xFFFFD960, s2;
	s0 =	ssub.s32 @!p2 s20, s0  }
0x3d: {  	s8 =	sshll.u32 @!p2 s2, $0x2;
	p3 =	sgt.s32 @!p2 s2, $0x6F;
	s0 =	smul.u32 @!p2 $0x1C0, s0  }
0x3e: {  	s9 =	sand.u32 @!p2 $0x7, s19;
	s2 =	ssub.s32 @!p2 $0x1C0, s8;
	p3 =	por !p3, p2  }
0x3f: {  	s8 =	sshrl.u32 @!p2 s19, $0x3;
	s2 =	sshrl.u32 @!p2 s2, $0x2;
	s0 =	sshrl.u32 @!p2 s0, $0x2  }
0x40: {  	s8 =	sadd.s32 @!p2 s5, s8;
	s2 =	simm.s32 @!p3 $0x0;
	s0 =	sadd.s32 @!p2 $0x10438, s0  }
0x41: {  	[tilespmem:s0], [sflag:$0x8] =	stream.linear.gather @!p2 [hbm4b:s8+s9], s2, $0x38;
	[tilespmem:$0x1E668] =	vst v63  }
0x42: {  	s0 =	sadd.s32 $0xFFFFFFFF, s20  }
0x43: {  	p2 =	sge.u32 s0, s12  }
0x44: {  	p3 =	sgt.s32 @!p2 s18, $0x26A0  }
0x45: {  	s2 =	smov.u32 s18;
	s8 =	sshra.s32 @!p2 s18, $0x1F;
	p3 =	por !p3, p2  }
0x46: {  	s8 =	sand.u32 @!p2 s8, s18;
	s2 =	simm.s32 @p3 $0x26A0  }
0x47: {  	s2 =	ssub.s32 @!p2 s2, s8  }
0x48: {  	s2 =	sadd.s32 @!p2 $0xFFFFD960, s2  }
0x49: {  	s8 =	sshll.u32 @!p2 s2, $0x2  }
0x4a: {  	p3 =	sgt.s32 @!p2 s2, $0x6F;
	s2 =	ssub.s32 @!p2 $0x1C0, s8  }
0x4b: {  	p3 =	por !p3, p2;
	s2 =	sshrl.u32 @!p2 s2, $0x2  }
0x4c: {  	s9 =	simm.s32 @!p2 $0x8;
	s8 =	sand.u32 @!p2 $0x1, s0;
	s2 =	simm.s32 @!p3 $0x0  }
0x4d: {  	s8 =	smul.u32 @!p2 $0x1C0, s8;
	_ =	swait.ge @!p2 [sflag:s9], s2  }
0x4e: {  	s22 =	ssub.s32 @!p2 $0x0, s2;
	[sflag:s9] =	ssyncset.done @!p2 $0x0  }
0x4f: {  	s8 =	sshrl.u32 @!p2 s8, $0x2;
	[sflag:s9] =	ssyncadd.s32 @!p2 s22;
	s9 =	sshrl.u32 @!p2 s18, $0x3  }
0x50: {  	s8 =	sor.u32 @!p2 $0x10588, s8;
	s22 =	sand.u32 @!p2 $0x7, s18;
	s9 =	sadd.s32 @!p2 s10, s9  }
0x51: {  	[tilespmem:s8], [sflag:$0x9] =	stream.linear.gather @!p2 [hbm4b:s9+s22], s2, $0x38;
	[tilespmem:$0x1E668] =	vst v63  }
0x52: {  	s22 =	ssub.s32 @!p2 $0x2710, s18  }
0x53: {  	p3 =	slt.s32 @!p2 s22, $0x1  }
0x54: {  	p3 =	por p2, p3  }
.Ltmp3:
0x55: {  	_ = 	snop;
	(pc) =	sbr.rel @p3 .LBB2_9-.Ltmp3, $1  }
0x56: {  	_ =	sdelay $0x3  }
0x57: {  	s2 =	smulhi.u32 $0xAAAAAAAB, s0;
	_ =	sdelay $0x1  }
0x58: {  	s2 =	sshrl.u32 s2, $0x1  }
0x59: {  	s2 =	smul.u32 $0x3, s2;
	_ =	sdelay $0x1  }
0x5a: {  	s29 =	ssub.s32 s0, s2  }
0x5b: {  	s8 =	simm.s32 $0x1;
	s0 =	smul.u32 $0x1C0, s29  }
.Ltmp4:
0x5c: {  	s8 =	simm.s32 @!p0 $0x0;
	(pc) =	sbr.rel .LBB2_6-.Ltmp4, $4  }
0x5d: {  	s30 =	smul.u32 $0x1C000, s8  }
0x5e: {  	p3 =	slt.s32 @!p2 s22, $0x70;
	s0 =	sshrl.u32 s0, $0x2  }
0x5f: {  	p2 =	por !p3, p2;
	s2 =	sshrl.u32 s30, $0x2;
	s31 =	sadd.s32 $0x10438, s0  }
0x60: {  	s22 =	simm.s32 @p2 $0x70;
	s23 =	sor.u32 $0x10668, s2;
	s0 =	simm.s32 $0x0;
	v1 =	vmov s31  }
.LBB2_5:
0x61: {  	p2 =	sge.s32 s0, s22  }
.Ltmp5:
0x62: {  	_ = 	snop;
	(pc) =	sbr.rel @p2 .LBB2_9-.Ltmp5, $2  }
0x63: {  	_ =	sdelay $0x2  }
0x64: {  	s23 =	sadd.s32 $0x1000, s23  }
.LBB2_6:
0x65: {  	p2 =	sle.s32 s22, s0  }
.Ltmp6:
0x66: {  	_ = 	snop;
	(pc) =	sbr.rel @p2 .LBB2_5-.Ltmp6, $2  }
0x67: {  	_ =	sdelay $0x2  }
0x68: {  	s24 =	smov.u32 s0;
	s0 =	sadd.s32 $0x10, s0  }
0x69: {  	s2 =	ssub.s32 s22, s24  }
0x6a: {  	p2 =	slt.s32 s2, $0x10  }
0x6b: {  	s2 =	simm.s32 @!p2 $0x10  }
0x6c: {  	v2 =	vmov s2  }
0x6d: {  	vm0 =	vgt.s32 v2, v0;
	_ =	sdelay $0x5  }
0x6e: {  	v2 =	vld.idx.msk [tilespmem:v1+s24+$0x0 ss:$0x1], vm0;
	_ =	sdelay $0x2  }
0x6f: {  	p2 =	slt.s32 s0, s22;
	s2 =	smov.u32 s22  }
0x70: {  	s8 =	smov.u32 s23;
	s25 =	simm.s32 $0x0;
	s2 =	smov.u32 @p2 s0  }
.LBB2_8:
0x71: {  	(v2sf) =	vpush v2, s25;
	_ =	sdelay $0xe  }
0x72: {  	s25 =	sadd.s32 $0x1, s25;
	s9 =	spop (v2sf)  }
0x73: {  	s31 =	sadd.s32 s25, s24;
	s26 =	sshll.u32 s9, $0x8;
	s9 =	sshll.u32 s9, $0x7  }
0x74: {  	p2 =	slt.s32 s31, s2;
	s26 =	sand.u32 $0xFFFFF800, s26;
	s9 =	sand.u32 $0x380, s9  }
.Ltmp7:
0x75: {  	s9 =	sor.u32 s9, s26;
	(pc) =	sbr.rel @p2 .LBB2_8-.Ltmp7, $4  }
0x76: {  	s9 =	sshrl.u32 s9, $0x3  }
0x77: {  	s9 =	sadd.s32 s4, s9  }
0x78: {  	[tilespmem:s8], [sflag:$0x7] =	stream.strided.gather [hbm4b:s9+s15], $0x100, s16, s15, $0x38;
	[tilespmem:$0x1E668] =	vst v63  }
0x79: {  	s8 =	sadd.s32 $0x100, s8  }
.Ltmp8:
0x7a: {  	_ = 	snop;
	(pc) =	sbr.rel .LBB2_5-.Ltmp8, $1  }
0x7b: {  	_ =	sdelay $0x3  }
.LBB2_9:
0x7c: {  	p2 =	slt.u32 s20, $0x2  }
.Ltmp9:
0x7d: {  	_ = 	snop;
	(pc) =	sbr.rel @p2 .LBB2_27-.Ltmp9, $1  }
0x7e: {  	_ =	sdelay $0x3  }
0x7f: {  	p2 =	sgt.s32 s21, $0x26A0;
	s0 =	smov.u32 s21  }
0x80: {  	s2 =	sshra.s32 s21, $0x1F;
	s8 =	ssub.s32 $0x2710, s21;
	s0 =	simm.s32 @!p2 $0x26A0  }
0x81: {  	s2 =	sand.u32 s2, s21;
	p2 =	slt.s32 s8, $0x70;
	s9 =	smov.u32 s8  }
0x82: {  	s0 =	ssub.s32 s0, s2;
	s9 =	simm.s32 @!p2 $0x70  }
0x83: {  	s0 =	sadd.s32 $0xFFFFD960, s0;
	s25 =	sshll.u32 s9, $0x8  }
0x84: {  	s3 =	simm.s32 $0x7;
	s26 =	sshll.u32 s0, $0x2;
	s2 =	sand.u32 $0x3FFFFF00, s25  }
0x85: {  	p2 =	sgt.s32 s0, $0x6F;
	s28 =	ssub.s32 $0x1C0, s26;
	_ =	swait.ge [sflag:s3], s2  }
0x86: {  	s2 =	ssub.s32 $0x0, s2;
	[sflag:s3] =	ssyncset.done $0x0;
	s0 =	sshrl.u32 s28, $0x2  }
0x87: {  	s30 =	simm.s32 $0x9;
	[sflag:s3] =	ssyncadd.s32 s2;
	s0 =	simm.s32 @p2 $0x0  }
0x88: {  	_ =	swait.ge [sflag:s30], s0  }
0x89: {  	s0 =	ssub.s32 $0x0, s0;
	[sflag:s30] =	ssyncset.done $0x0  }
0x8a: {  	[sflag:s30] =	ssyncadd.s32 s0  }
0x8b: {  	v1 =	vld [tilespmem:$0xE408];
	_ =	sdelay $0x4  }
0x8c: {  	(v2sf) =	vpush v1, $0x0  }
0x8d: {  	(v2sf) =	vpush v1, $0x1  }
0x8e: {  	(v2sf) =	vpush v1, $0x2;
	_ =	sdelay $0x3  }
0x8f: {  	s0 =	sadd.s32 $0x70, s21  }
0x90: {  	p2 =	slt.s32 s7, s0  }
0x91: {  	s0 =	smov.u32 @p2 s7;
	p2 =	sgt.s32 s8, $0x0  }
0x92: {  	s25 =	ssub.s32 s0, s21;
	s8 =	simm.s32 @!p2 $0x0  }
0x93: {  	p2 =	slt.s32 s8, s25  }
0x94: {  	s25 =	smov.u32 @p2 s8  }
0x95: {  	s24 =	simm.s32 $0x1;
	p2 =	slt.s32 s25, $0x1  }
.Ltmp10:
0x96: {  	s24 =	simm.s32 @!p1 $0x0;
	(pc) =	sbr.rel @p2 .LBB2_14-.Ltmp10, $4  }
0x97: {  	s31 =	smul.u32 $0x1C0, s24  }
0x98: {  	s26 =	spop (v2sf)  }
0x99: {  	s0 =	sshrl.u32 s31, $0x2;
	s29 =	spop (v2sf)  }
0x9a: {  	s22 =	sor.u32 $0x10588, s0;
	s21 =	spop (v2sf)  }
0x9b: {  	s0 =	smin.u32 s25, $0x10  }
0x9c: {  	v1 =	vmov s0  }
0x9d: {  	vm1 =	vgt.u32 v1, v0  }
0x9e: {  	p3 =	sgt.s32 s25, $0x10  }
.Ltmp11:
0x9f: {  	_ = 	snop;
	(pc) =	sbr.rel @!p3 .LBB2_13-.Ltmp11, $2  }
0xa0: {  	_ =	sdelay $0x2  }
0xa1: {  	s23 =	simm.s32 $0x10;
	s28 =	sadd.s32 $0xFFFFFFF0, s25;
	s0 =	smov.u32 s22;
	vm0 =	vmmov vm1;
	v1 =	vld.msk [tilespmem:s22+$0x0 ss:$0x1], vm1  }
.LBB2_12:
0xa2: {  	s2 =	smin.u32 s28, $0x10;
	s23 =	sadd.s32 $0x10, s23  }
0xa3: {  	v2 =	vmov s2;
	p3 =	slt.s32 s23, s25  }
0xa4: {  	vm1 =	vgt.u32 v2, v0;
	_ =	sdelay $0x1  }
0xa5: {  	v2 =	vshll.u32 v1, $0x5;
	v1 =	vshll.u32 v1, $0x4  }
.Ltmp12:
0xa6: {  	v2 =	vand.u32 $0xFFFFFF00, v2;
	v1 =	vand.u32 $0x70, v1;
	(pc) =	sbr.rel @p3 .LBB2_12-.Ltmp12, $4  }
0xa7: {  	v1 =	vor.u32 v1, v2  }
0xa8: {  	[tilespmem:s0+$0x0] =	vst.msk vm0, v1;
	s0 =	sadd.s32 $0x10, s0;
	vm0 =	vmmov vm1  }
0xa9: {  	v1 =	vld.msk [tilespmem:s0+$0x0 ss:$0x1], vm1  }
0xaa: {  	s28 =	sadd.s32 $0xFFFFFFF0, s28  }
.LBB2_13:
0xab: {  	_ =	sdelay $0x3  }
0xac: {  	v2 =	vshll.u32 v1, $0x5;
	v1 =	vshll.u32 v1, $0x4  }
0xad: {  	v2 =	vand.u32 $0xFFFFFF00, v2;
	v1 =	vand.u32 $0x70, v1  }
0xae: {  	v1 =	vor.u32 v1, v2  }
0xaf: {  	[tilespmem:s0+$0x0] =	vst.msk vm0, v1  }
.LBB2_14:
0xb0: {  	s0 =	sand.u32 $0x1, s20  }
0xb1: {  	s0 =	smul.u32 $0x70, s0  }
0xb2: {  	p3 =	sne.s32 s29, $0xFFFFFFFF  }
0xb3: {  	v1 =	vld.msk @!p3 [tilespmem:s0+$0x10588], $0x1;
	_ =	sdelay $0x4  }
0xb4: {  	(v2sf) =	vpush @!p3 v1, $0x0;
	_ =	sdelay $0xc  }
.Ltmp13:
0xb5: {  	_ = 	snop;
	(pc) =	sbr.rel @p2 .LBB2_25-.Ltmp13, $4  }
0xb6: {  	_ = 	snop  }
0xb7: {  	s28 =	spop @!p3 (v2sf)  }
0xb8: {  	s21 =	simm.s32 @!p3 $0x0;
	s23 =	smov.u32 s28  }
0xb9: {  	[sflag:s17] =	ssyncpa.u1 $0x0;
	s28 =	smov.u32 @p3 s26;
	s23 =	smov.u32 @p3 s29  }
0xba: {  	v1 =	vld.msk [tilespmem:s22+$0x0], $0x1;
	_ =	sdelay $0x4  }
0xbb: {  	(v2sf) =	vpush v1, $0x0;
	_ =	sdelay $0xd  }
0xbc: {  	s17 =	smov.u32 s6  }
0xbd: {  	s6 =	smov.u32 s14;
	s14 =	smov.u32 s5;
	s30 =	spop (v2sf)  }
0xbe: {  	s5 =	smov.u32 s10;
	s0 =	smul.u32 $0x1C000, s24;
	p2 =	seq.s32 s28, s30  }
0xbf: {  	s2 =	smov.u32 s28;
	s25 =	ssub.s32 $0x0, s25;
	p3 =	sgt.s32 @!p2 s28, $0x0  }
0xc0: {  	s26 =	simm.s32 $0x0;
	s0 =	sshrl.u32 s0, $0x2;
	p3 =	por !p3, p2  }
0xc1: {  	s29 =	sadd.s32 $0x1, s25;
	s24 =	sor.u32 $0x106E8, s0;
	s2 =	simm.s32 @p3 $0x0  }
0xc2: {  	s0 =	simm.s32 @!p2 $0x1;
	p3 =	seq.s32 s29, $0x0;
	s2 =	smin.u32 @!p2 s2, $0x770  }
.Ltmp14:
0xc3: {  	s9 =	simm.s32 @!p2 $0x7308;
	s8 =	sand.u32 @!p2 $0x7F8, s2;
	(pc) =	sbr.rel @p3 .LBB2_17-.Ltmp14, $4  }
0xc4: {  	s31 =	sadd.s32 @!p2 $0x80, s2;
	s10 =	sadd.s32 @!p2 s1, s8;
	s8 =	sand.u32 @!p2 $0x7, s2  }
0xc5: {  	[tilespmem:s9], [sflag:$0x2] =	stream.linear.gather @!p2 [hbm4b:s10+s8], $0x80, $0x38;
	[tilespmem:$0x1E668] =	vst v63  }
0xc6: {  	s0 =	smov.u32 @p2 s26;
	s9 =	sand.u32 @!p2 $0xFF8, s31  }
0xc7: {  	s2 =	simm.s32 @!p2 $0x7388;
	s31 =	sadd.s32 $0x1, s22;
	s9 =	sadd.s32 @!p2 s1, s9  }
.LBB2_16:
0xc8: {  	s10 =	smov.u32 s0  }
0xc9: {  	[tilespmem:s2], [sflag:$0x2] =	stream.linear.gather @!p2 [hbm4b:s9+s8], $0x80, $0x38;
	[tilespmem:$0x1E668] =	vst v63  }
0xca: {  	s29 =	sadd.s32 $0x1, s29;
	s8 =	smov.u32 s30;
	v1 =	vld.msk [tilespmem:s31+$0x0], $0x1  }
0xcb: {  	p3 =	seq.s32 s29, $0x0;
	_ =	sdelay $0x3  }
0xcc: {  	(v2sf) =	vpush v1, $0x0;
	_ =	sdelay $0xe  }
0xcd: {  	s30 =	spop (v2sf)  }
0xce: {  	p2 =	seq.s32 s8, s30  }
0xcf: {  	p4 =	sgt.s32 @!p2 s8, $0x0;
	s2 =	sshll.u32 @!p2 s0, $0xA;
	s0 =	sadd.s32 @!p2 $0x1, s0  }
0xd0: {  	p4 =	por !p4, p2;
	s2 =	sshra.s32 @!p2 s2, $0x2;
	s0 =	smov.u32 @p2 s10  }
0xd1: {  	s8 =	simm.s32 @p4 $0x0;
	s9 =	sadd.s32 @!p2 $0x7308, s2;
	s2 =	sadd.s32 @!p2 $0x7388, s2  }
.Ltmp15:
0xd2: {  	s8 =	smin.u32 @!p2 s8, $0x770;
	(pc) =	sbr.rel @!p3 .LBB2_16-.Ltmp15, $4  }
0xd3: {  	s10 =	sand.u32 @!p2 $0x7F8, s8;
	s3 =	sadd.s32 @!p2 $0x80, s8  }
0xd4: {  	s8 =	sand.u32 @!p2 $0x7, s8;
	s10 =	sadd.s32 @!p2 s1, s10;
	s3 =	sand.u32 @!p2 $0xFF8, s3  }
0xd5: {  	[tilespmem:s9], [sflag:$0x2] =	stream.linear.gather @!p2 [hbm4b:s10+s8], $0x80, $0x38;
	[tilespmem:$0x1E668] =	vst v63  }
0xd6: {  	s31 =	sadd.s32 $0x1, s31;
	s9 =	sadd.s32 @!p2 s1, s3  }
.LBB2_17:
0xd7: {  	[tilespmem:s2], [sflag:$0x2] =	stream.linear.gather @!p2 [hbm4b:s9+s8], $0x80, $0x38;
	[tilespmem:$0x1E668] =	vst v63  }
.Ltmp16:
0xd8: {  	s0 =	sshll.u32 s0, $0x8;
	(pc) =	sbr.rel .LBB2_18-.Ltmp16, $4  }
0xd9: {  	s31 =	simm.s32 $0x2;
	s30 =	simm.s32 $0x0;
	s0 =	sand.u32 $0x3FFFFF00, s0  }
0xda: {  	s10 =	smov.u32 s5;
	s5 =	smov.u32 s14;
	_ =	swait.ge [sflag:s31], s0  }
0xdb: {  	s14 =	smov.u32 s6;
	s0 =	ssub.s32 $0x0, s0;
	[sflag:s31] =	ssyncset.done $0x0  }
0xdc: {  	s6 =	smov.u32 s17;
	s17 =	simm.s32 $0xA;
	[sflag:s31] =	ssyncadd.s32 s0  }
.LBB2_19:
0xdd: {  	v1 =	vld [tilespmem:s24+$0xFFFFFF80];
	_ =	sdelay $0x4  }
0xde: {  	[tilespmem:s31+$0x208] =	vst.add.f32.msk $0xffff, v1  }
0xdf: {  	v1 =	vld [tilespmem:s24+$0xFFFFFF90];
	_ =	sdelay $0x4  }
0xe0: {  	[tilespmem:s31+$0x218] =	vst.add.f32.msk $0xffff, v1  }
0xe1: {  	v1 =	vld [tilespmem:s24+$0xFFFFFFA0];
	_ =	sdelay $0x4  }
0xe2: {  	[tilespmem:s31+$0x228] =	vst.add.f32.msk $0xffff, v1  }
0xe3: {  	v1 =	vld [tilespmem:s24+$0xFFFFFFB0];
	_ =	sdelay $0x4  }
0xe4: {  	[tilespmem:s31+$0x238] =	vst.add.f32.msk $0xffff, v1  }
0xe5: {  	v1 =	vld [tilespmem:s24+$0xFFFFFFC0];
	_ =	sdelay $0x4  }
0xe6: {  	[tilespmem:s31+$0x248] =	vst.add.f32.msk $0xffff, v1  }
0xe7: {  	v1 =	vld [tilespmem:s24+$0xFFFFFFD0];
	_ =	sdelay $0x4  }
0xe8: {  	[tilespmem:s31+$0x258] =	vst.add.f32.msk $0xffff, v1  }
0xe9: {  	v1 =	vld [tilespmem:s24+$0xFFFFFFE0];
	_ =	sdelay $0x4  }
0xea: {  	[tilespmem:s31+$0x268] =	vst.add.f32.msk $0xffff, v1  }
0xeb: {  	v1 =	vld [tilespmem:s24+$0xFFFFFFF0];
	_ =	sdelay $0x4  }
0xec: {  	[tilespmem:s31+$0x278] =	vst.add.f32.msk $0xffff, v1  }
0xed: {  	v1 =	vld [tilespmem:s24+$0x0];
	_ =	sdelay $0x4  }
0xee: {  	[tilespmem:s31+$0x288] =	vst.add.f32.msk $0xffff, v1  }
0xef: {  	v1 =	vld [tilespmem:s24+$0x10];
	_ =	sdelay $0x4  }
0xf0: {  	[tilespmem:s31+$0x298] =	vst.add.f32.msk $0xffff, v1  }
0xf1: {  	v1 =	vld [tilespmem:s24+$0x20];
	_ =	sdelay $0x4  }
0xf2: {  	[tilespmem:s31+$0x2A8] =	vst.add.f32.msk $0xffff, v1  }
0xf3: {  	v1 =	vld [tilespmem:s24+$0x30];
	_ =	sdelay $0x4  }
0xf4: {  	[tilespmem:s31+$0x2B8] =	vst.add.f32.msk $0xffff, v1  }
0xf5: {  	v1 =	vld [tilespmem:s24+$0x40];
	_ =	sdelay $0x4  }
0xf6: {  	[tilespmem:s31+$0x2C8] =	vst.add.f32.msk $0xffff, v1  }
0xf7: {  	v1 =	vld [tilespmem:s24+$0x50];
	_ =	sdelay $0x4  }
0xf8: {  	[tilespmem:s31+$0x2D8] =	vst.add.f32.msk $0xffff, v1  }
0xf9: {  	v1 =	vld [tilespmem:s24+$0x60];
	_ =	sdelay $0x4  }
0xfa: {  	[tilespmem:s31+$0x2E8] =	vst.add.f32.msk $0xffff, v1  }
0xfb: {  	v1 =	vld [tilespmem:s24+$0x70];
	_ =	sdelay $0x4  }
0xfc: {  	[tilespmem:s31+$0x2F8] =	vst.add.f32.msk $0xffff, v1  }
.LBB2_23:
0xfd: {  	s25 =	sadd.s32 $0x1, s25  }
0xfe: {  	p2 =	seq.s32 s25, $0x0  }
.Ltmp17:
0xff: {  	_ = 	snop;
	(pc) =	sbr.rel @p2 .LBB2_24-.Ltmp17, $2  }
0x100: {  	_ =	sdelay $0x2  }
0x101: {  	s22 =	sadd.s32 $0x1, s22;
	s24 =	sadd.s32 $0x100, s24;
	s28 =	smov.u32 s29  }
.LBB2_18:
0x102: {  	v1 =	vld.msk [tilespmem:s22+$0x0], $0x1;
	_ =	sdelay $0x4  }
0x103: {  	(v2sf) =	vpush v1, $0x0;
	_ =	sdelay $0xe  }
0x104: {  	s29 =	spop (v2sf)  }
0x105: {  	p2 =	sne.s32 s28, s29  }
.Ltmp18:
0x106: {  	_ = 	snop;
	(pc) =	sbr.rel @!p2 .LBB2_19-.Ltmp18, $3  }
0x107: {  	_ =	sdelay $0x1  }
0x108: {  	s0 =	sshll.u32 s21, $0xA  }
0x109: {  	s31 =	sshra.s32 s0, $0x2  }
0x10a: {  	p2 =	seq.s32 s28, s23  }
.Ltmp19:
0x10b: {  	_ = 	snop;
	(pc) =	sbr.rel @!p2 .LBB2_21-.Ltmp19, $1  }
0x10c: {  	_ =	sdelay $0x3  }
.Ltmp20:
0x10d: {  	s0 =	sadd.s32 $0x208, s31;
	(pc) =	sbr.rel .LBB2_22-.Ltmp20, $4  }
0x10e: {  	[spmem:s13] =	stream.linear.scatter [tilespmem:s0], [sflag:$0x1], $0x100, $0x38;
	[tilespmem:$0x1E668] =	vst v63  }
0x10f: {  	_ =	swait.ge [sflag:s11], $0x100  }
0x110: {  	[sflag:s11] =	ssyncset.done $0x0  }
0x111: {  	[sflag:s11] =	ssyncadd.s32 $0xFFFFFF00  }
.LBB2_21:
0x112: {  	s0 =	sshll.u32 s26, $0xA  }
0x113: {  	s0 =	sshra.s32 s0, $0x2  }
0x114: {  	v1 =	vld [tilespmem:s0+$0x7308];
	_ =	sdelay $0x4  }
0x115: {  	[tilespmem:s31+$0x208] =	vst.add.f32.msk $0xffff, v1  }
0x116: {  	v1 =	vld [tilespmem:s0+$0x7318];
	_ =	sdelay $0x4  }
0x117: {  	[tilespmem:s31+$0x218] =	vst.add.f32.msk $0xffff, v1  }
0x118: {  	v1 =	vld [tilespmem:s0+$0x7328];
	_ =	sdelay $0x4  }
0x119: {  	[tilespmem:s31+$0x228] =	vst.add.f32.msk $0xffff, v1  }
0x11a: {  	v1 =	vld [tilespmem:s0+$0x7338];
	_ =	sdelay $0x4  }
0x11b: {  	[tilespmem:s31+$0x238] =	vst.add.f32.msk $0xffff, v1  }
0x11c: {  	v1 =	vld [tilespmem:s0+$0x7348];
	_ =	sdelay $0x4  }
0x11d: {  	[tilespmem:s31+$0x248] =	vst.add.f32.msk $0xffff, v1  }
0x11e: {  	v1 =	vld [tilespmem:s0+$0x7358];
	_ =	sdelay $0x4  }
0x11f: {  	[tilespmem:s31+$0x258] =	vst.add.f32.msk $0xffff, v1  }
0x120: {  	v1 =	vld [tilespmem:s0+$0x7368];
	_ =	sdelay $0x4  }
0x121: {  	[tilespmem:s31+$0x268] =	vst.add.f32.msk $0xffff, v1  }
0x122: {  	v1 =	vld [tilespmem:s0+$0x7378];
	_ =	sdelay $0x4  }
0x123: {  	[tilespmem:s31+$0x278] =	vst.add.f32.msk $0xffff, v1  }
0x124: {  	v1 =	vld [tilespmem:s0+$0x7388];
	_ =	sdelay $0x4  }
0x125: {  	[tilespmem:s31+$0x288] =	vst.add.f32.msk $0xffff, v1  }
0x126: {  	v1 =	vld [tilespmem:s0+$0x7398];
	_ =	sdelay $0x4  }
0x127: {  	[tilespmem:s31+$0x298] =	vst.add.f32.msk $0xffff, v1  }
0x128: {  	v1 =	vld [tilespmem:s0+$0x73A8];
	_ =	sdelay $0x4  }
0x129: {  	[tilespmem:s31+$0x2A8] =	vst.add.f32.msk $0xffff, v1  }
0x12a: {  	v1 =	vld [tilespmem:s0+$0x73B8];
	_ =	sdelay $0x4  }
0x12b: {  	[tilespmem:s31+$0x2B8] =	vst.add.f32.msk $0xffff, v1  }
0x12c: {  	v1 =	vld [tilespmem:s0+$0x73C8];
	_ =	sdelay $0x4  }
0x12d: {  	[tilespmem:s31+$0x2C8] =	vst.add.f32.msk $0xffff, v1  }
0x12e: {  	v1 =	vld [tilespmem:s0+$0x73D8];
	_ =	sdelay $0x4  }
0x12f: {  	[tilespmem:s31+$0x2D8] =	vst.add.f32.msk $0xffff, v1  }
0x130: {  	v1 =	vld [tilespmem:s0+$0x73E8];
	_ =	sdelay $0x4  }
0x131: {  	[tilespmem:s31+$0x2E8] =	vst.add.f32.msk $0xffff, v1  }
0x132: {  	v1 =	vld [tilespmem:s0+$0x73F8];
	_ =	sdelay $0x2  }
0x133: {  	p2 =	sgt.u32 s28, $0x770  }
0x134: {  	s0 =	sand.u32 @!p2 $0x7F8, s28  }
0x135: {  	s2 =	sadd.s32 $0x208, s31;
	s3 =	sand.u32 @!p2 $0x7, s28;
	s0 =	sadd.s32 @!p2 s1, s0;
	[tilespmem:s31+$0x2F8] =	vst.add.f32.msk $0xffff, v1  }
0x136: {  	[hbm4b:s0+s3] =	stream.linear.scatter @!p2 [tilespmem:s2], [sflag:$0xA], $0x80, $0x38;
	[tilespmem:$0x1E668] =	vst v63  }
0x137: {  	s0 =	sadd.s32 @!p2 $0x80, s28  }
0x138: {  	s0 =	sand.u32 @!p2 $0xFF8, s0  }
0x139: {  	s2 =	sadd.s32 $0x288, s31;
	s0 =	sadd.s32 @!p2 s1, s0  }
0x13a: {  	[hbm4b:s0+s3] =	stream.linear.scatter @!p2 [tilespmem:s2], [sflag:$0xA], $0x80, $0x38;
	[tilespmem:$0x1E668] =	vst v63  }
0x13b: {  	s0 =	simm.s32 $0x0  }
0x13c: {  	s0 =	simm.s32 @!p2 $0x400  }
0x13d: {  	s30 =	sadd.s32 s0, s30  }
.LBB2_22:
0x13e: {  	s0 =	sadd.s32 $0x1, s21  }
0x13f: {  	s2 =	sshrl.u32 s0, $0x4  }
0x140: {  	s2 =	smulhi.u32 $0x24924925, s2  }
0x141: {  	v1 =	vld [tilespmem:s24+$0xFFFFFF80]  }
0x142: {  	s2 =	smul.u32 $0x70, s2;
	_ =	sdelay $0x1  }
0x143: {  	s21 =	ssub.s32 s0, s2  }
0x144: {  	s0 =	sshll.u32 s21, $0x8  }
0x145: {  	[tilespmem:s0+$0x208] =	vst v1  }
0x146: {  	v1 =	vld [tilespmem:s24+$0xFFFFFF90];
	_ =	sdelay $0x4  }
0x147: {  	[tilespmem:s0+$0x218] =	vst v1  }
0x148: {  	v1 =	vld [tilespmem:s24+$0xFFFFFFA0];
	_ =	sdelay $0x4  }
0x149: {  	[tilespmem:s0+$0x228] =	vst v1  }
0x14a: {  	v1 =	vld [tilespmem:s24+$0xFFFFFFB0];
	_ =	sdelay $0x4  }
0x14b: {  	[tilespmem:s0+$0x238] =	vst v1  }
0x14c: {  	v1 =	vld [tilespmem:s24+$0xFFFFFFC0];
	_ =	sdelay $0x4  }
0x14d: {  	[tilespmem:s0+$0x248] =	vst v1  }
0x14e: {  	v1 =	vld [tilespmem:s24+$0xFFFFFFD0];
	_ =	sdelay $0x4  }
0x14f: {  	[tilespmem:s0+$0x258] =	vst v1  }
0x150: {  	v1 =	vld [tilespmem:s24+$0xFFFFFFE0];
	_ =	sdelay $0x4  }
0x151: {  	[tilespmem:s0+$0x268] =	vst v1  }
0x152: {  	v1 =	vld [tilespmem:s24+$0xFFFFFFF0];
	_ =	sdelay $0x4  }
0x153: {  	[tilespmem:s0+$0x278] =	vst v1  }
0x154: {  	v1 =	vld [tilespmem:s24+$0x0];
	_ =	sdelay $0x4  }
0x155: {  	[tilespmem:s0+$0x288] =	vst v1  }
0x156: {  	v1 =	vld [tilespmem:s24+$0x10];
	_ =	sdelay $0x4  }
0x157: {  	[tilespmem:s0+$0x298] =	vst v1  }
0x158: {  	v1 =	vld [tilespmem:s24+$0x20];
	_ =	sdelay $0x4  }
0x159: {  	[tilespmem:s0+$0x2A8] =	vst v1  }
0x15a: {  	v1 =	vld [tilespmem:s24+$0x30];
	_ =	sdelay $0x4  }
0x15b: {  	[tilespmem:s0+$0x2B8] =	vst v1  }
0x15c: {  	v1 =	vld [tilespmem:s24+$0x40];
	_ =	sdelay $0x4  }
0x15d: {  	[tilespmem:s0+$0x2C8] =	vst v1  }
0x15e: {  	v1 =	vld [tilespmem:s24+$0x50];
	_ =	sdelay $0x4  }
0x15f: {  	[tilespmem:s0+$0x2D8] =	vst v1  }
0x160: {  	v1 =	vld [tilespmem:s24+$0x60];
	_ =	sdelay $0x4  }
0x161: {  	[tilespmem:s0+$0x2E8] =	vst v1  }
0x162: {  	v1 =	vld [tilespmem:s24+$0x70]  }
.Ltmp21:
0x163: {  	_ = 	snop;
	(pc) =	sbr.rel .LBB2_23-.Ltmp21, $2  }
0x164: {  	_ =	sdelay $0x2  }
0x165: {  	s26 =	sadd.s32 $0x1, s26;
	[tilespmem:s0+$0x2F8] =	vst v1  }
.LBB2_25:
.Ltmp22:
0x166: {  	(pc) =	sbr.rel .LBB2_26-.Ltmp22, $4  }
0x167: {  	_ = 	snop  }
0x168: {  	s0 =	simm.s32 $0x2  }
0x169: {  	_ =	swait.ge [sflag:s0], $0x0  }
0x16a: {  	s29 =	smov.u32 s28;
	[sflag:s0] =	ssyncset.done $0x0;
	s0 =	simm.s32 $0x0  }
.LBB2_28:
0x16b: {  	_ =	sfence.sel $0x180000  }
0x16c: {  	s0 =	simm.s32 $0x7;
	[bflag:$0x0] =	sbarrier.arrive $0xFFFF  }
0x16d: {  	s25 =	simm.s32 $0x8;
	[sflag:s0] =	ssyncpa.u1 $0x1  }
0x16e: {  	s26 =	simm.s32 $0x9;
	[sflag:s25] =	ssyncpa.u1 $0x1  }
0x16f: {  	s28 =	simm.s32 $0x2;
	[sflag:s26] =	ssyncpa.u1 $0x1  }
0x170: {  	[sflag:s28] =	ssyncpa.u1 $0x1  }
0x171: {  	v0 =	vld [tilespmem:$0xE408];
	_ =	sdelay $0x4  }
0x172: {  	(v2sf) =	vpush v0, $0x0  }
0x173: {  	(v2sf) =	vpush v0, $0x1;
	_ =	sdelay $0x1  }
0x174: {  	(v2sf) =	vpush v0, $0x2;
	_ =	sdelay $0xb  }
0x175: {  	s0 =	spop (v2sf)  }
0x176: {  	s2 =	spop (v2sf)  }
0x177: {  	s3 =	smov.u32 s0;
	p0 =	sne.s32 s0, s2  }
0x178: {  	s4 =	spop (v2sf);
	s3 =	simm.s32 @!p0 $0xFFFFFFFF  }
0x179: {  	v2 =	vimm.s32 $0x1;
	v3 =	vlaneseq.u32;
	p0 =	seq.s32 s4, $0xFFFFFFFF;
	v1 =	vmov s3  }
0x17a: {  	s7 =	stileid.u32;
	v0 =	vperm.xlane v0, v2;
	p1 =	sne.s32 @!p0 s0, s2;
	v1 =	vperm.xlane v1, v3  }
0x17b: {  	vm0 =	vcmask $0x3F04;
	s6 =	simm.s32 $0xE408;
	s0 =	simm.s32 @!p0 $0x1;
	p1 =	por !p1, p0  }
0x17c: {  	s3 =	sshll.u32 s7, $0x1;
	s2 =	sshll.u32 @!p0 s4, $0xA;
	s0 =	simm.s32 @p1 $0x0;
	v0 =	vsel vm0, v1, v0  }
0x17d: {  	s5 =	sor.u32 $0x2000, s3;
	s2 =	sshra.s32 @!p0 s2, $0x2;
	s0 =	sor.u32 @!p0 s0, s3;
	[tilespmem:$0xE408] =	vst v0  }
0x17e: {  	[spmem:s5] =	stream.linear.scatter [tilespmem:s6], [sflag:$0x1], $0x2, $0x38;
	[tilespmem:$0x1E668] =	vst v63  }
0x17f: {  	s2 =	sadd.s32 @!p0 $0x208, s2;
	s0 =	sshll.u32 @!p0 s0, $0x8  }
0x180: {  	[spmem:s0] =	stream.linear.scatter @!p0 [tilespmem:s2], [sflag:$0x1], $0x100, $0x38;
	[tilespmem:$0x1E668] =	vst v63  }
0x181: {  	s2 =	simm.s32 @!p0 $0x102  }
0x182: {  	s0 =	simm.s32 $0x1;
	s2 =	simm.s32 @p0 $0x2  }
0x183: {  	_ =	swait.ge [sflag:s0], s2  }
0x184: {  	s2 =	ssub.s32 $0x0, s2;
	[sflag:s0] =	ssyncset.done $0x0  }
0x185: {  	[sflag:s0] =	ssyncadd.s32 s2  }
0x186: {  	_ =	sfence.stream.spmem  }
0x187: {  	s29 =	simm.s32 $0x3;
	[bflag:$0x0] =	sbarrier.arrive $0xFFFF  }
0x188: {  	s30 =	simm.s32 $0x4;
	[sflag:s29] =	ssyncpa.u1 $0x1  }
0x189: {  	s31 =	simm.s32 $0x3C;
	[sflag:s30] =	ssyncpa.u1 $0x1  }
0x18a: {  	p0 =	sne.s32 s7, $0x0;
	[sflag:s31] =	ssyncpa.u1 $0x1  }
0x18b: {  	_ =	sfence @p0  }
0x18c: {  	[sflag:s0] =	ssyncpa.u1 @p0 $0x1  }
0x18d: {  	_ =	strace @p0 $0x9000005C  }
0x18e: {  	[bflag:$0x2] =	sbarrier.arrive @p0 $0xFFFF  }
0x18f: {  	_ =	shalt @p0  }
.LBB2_29:
0x190: {  	_ =	sfence.stream.spmem;
	s0 =	simm.s32 $0x5  }
0x191: {  	s2 =	simm.s32 $0x2000;
	s3 =	simm.s32 $0xE418;
	[sflag:s0] =	ssyncpa.u1 $0x0  }
0x192: {  	[tilespmem:s3], [sflag:$0x5] =	stream.linear.gather [spmem:s2], $0x20, $0x38;
	[tilespmem:$0x1E668] =	vst v63  }
0x193: {  	s30 =	simm.s32 $0xE438;
	s2 =	simm.s32 $0x0  }
0x194: {  	[tilespmem:s30], [sflag:$0x5] =	stream.linear.gather [spmem:s2], $0x2000, $0x38;
	[tilespmem:$0x1E668] =	vst v63  }
.Ltmp23:
0x195: {  	_ = 	snop;
	(pc) =	sbr.rel .LBB2_30-.Ltmp23, $4  }
0x196: {  	_ =	swait.ge [sflag:s0], $0x2020  }
0x197: {  	[sflag:s0] =	ssyncset.done $0x0  }
0x198: {  	s31 =	simm.s32 $0x6;
	[sflag:s0] =	ssyncadd.s32 $0xFFFFDFE0  }
0x199: {  	s3 =	simm.s32 $0x0;
	[sflag:s31] =	ssyncpa.u1 $0x0  }
.LBB2_36:
0x19a: {  	p0 =	slt.u32 s4, $0x771  }
0x19b: {  	s0 =	sand.u32 @p0 $0x7F8, s4  }
0x19c: {  	s5 =	sand.u32 @p0 $0x7, s4;
	s6 =	simm.s32 @p0 $0xE308;
	s0 =	sadd.s32 @p0 s1, s0  }
0x19d: {  	[tilespmem:s6], [sflag:$0x6] =	stream.linear.gather @p0 [hbm4b:s0+s5], $0x80, $0x38;
	[tilespmem:$0x1E668] =	vst v63  }
0x19e: {  	s0 =	sadd.s32 @p0 $0x80, s4  }
0x19f: {  	s0 =	sand.u32 @p0 $0xFF8, s0  }
0x1a0: {  	s4 =	simm.s32 @p0 $0xE388;
	s0 =	sadd.s32 @p0 s1, s0  }
0x1a1: {  	[tilespmem:s4], [sflag:$0x6] =	stream.linear.gather @p0 [hbm4b:s0+s5], $0x80, $0x38;
	[tilespmem:$0x1E668] =	vst v63  }
0x1a2: {  	s0 =	simm.s32 @p0 $0x6  }
0x1a3: {  	_ =	swait.ge @p0 [sflag:s0], $0x100  }
0x1a4: {  	[sflag:s0] =	ssyncset.done @p0 $0x0  }
0x1a5: {  	[sflag:s0] =	ssyncadd.s32 @p0 $0xFFFFFF00  }
0x1a6: {  	v1 =	vld @p0 [tilespmem:$0xE308];
	_ =	sdelay $0x2  }
0x1a7: {  	s0 =	sshll.u32 @p0 s3, $0xA  }
0x1a8: {  	s4 =	sshrl.u32 @p0 s0, $0x2  }
0x1a9: {  	[tilespmem:s4+$0xE438] =	vst.add.f32.msk @p0 $0xffff, v1  }
0x1aa: {  	v1 =	vld @p0 [tilespmem:$0xE318];
	_ =	sdelay $0x4  }
0x1ab: {  	[tilespmem:s4+$0xE448] =	vst.add.f32.msk @p0 $0xffff, v1  }
0x1ac: {  	v1 =	vld @p0 [tilespmem:$0xE328];
	_ =	sdelay $0x4  }
0x1ad: {  	[tilespmem:s4+$0xE458] =	vst.add.f32.msk @p0 $0xffff, v1  }
0x1ae: {  	v1 =	vld @p0 [tilespmem:$0xE338];
	_ =	sdelay $0x4  }
0x1af: {  	[tilespmem:s4+$0xE468] =	vst.add.f32.msk @p0 $0xffff, v1  }
0x1b0: {  	v1 =	vld @p0 [tilespmem:$0xE348];
	_ =	sdelay $0x4  }
0x1b1: {  	[tilespmem:s4+$0xE478] =	vst.add.f32.msk @p0 $0xffff, v1  }
0x1b2: {  	v1 =	vld @p0 [tilespmem:$0xE358];
	_ =	sdelay $0x4  }
0x1b3: {  	[tilespmem:s4+$0xE488] =	vst.add.f32.msk @p0 $0xffff, v1  }
0x1b4: {  	v1 =	vld @p0 [tilespmem:$0xE368];
	_ =	sdelay $0x4  }
0x1b5: {  	[tilespmem:s4+$0xE498] =	vst.add.f32.msk @p0 $0xffff, v1  }
0x1b6: {  	v1 =	vld @p0 [tilespmem:$0xE378];
	_ =	sdelay $0x4  }
0x1b7: {  	[tilespmem:s4+$0xE4A8] =	vst.add.f32.msk @p0 $0xffff, v1  }
0x1b8: {  	v1 =	vld @p0 [tilespmem:$0xE388];
	_ =	sdelay $0x4  }
0x1b9: {  	[tilespmem:s4+$0xE4B8] =	vst.add.f32.msk @p0 $0xffff, v1  }
0x1ba: {  	v1 =	vld @p0 [tilespmem:$0xE398];
	_ =	sdelay $0x4  }
0x1bb: {  	[tilespmem:s4+$0xE4C8] =	vst.add.f32.msk @p0 $0xffff, v1  }
0x1bc: {  	v1 =	vld @p0 [tilespmem:$0xE3A8];
	_ =	sdelay $0x4  }
0x1bd: {  	[tilespmem:s4+$0xE4D8] =	vst.add.f32.msk @p0 $0xffff, v1  }
0x1be: {  	v1 =	vld @p0 [tilespmem:$0xE3B8];
	_ =	sdelay $0x4  }
0x1bf: {  	[tilespmem:s4+$0xE4E8] =	vst.add.f32.msk @p0 $0xffff, v1  }
0x1c0: {  	v1 =	vld @p0 [tilespmem:$0xE3C8];
	_ =	sdelay $0x4  }
0x1c1: {  	[tilespmem:s4+$0xE4F8] =	vst.add.f32.msk @p0 $0xffff, v1  }
0x1c2: {  	v1 =	vld @p0 [tilespmem:$0xE3D8];
	_ =	sdelay $0x4  }
0x1c3: {  	[tilespmem:s4+$0xE508] =	vst.add.f32.msk @p0 $0xffff, v1  }
0x1c4: {  	v1 =	vld @p0 [tilespmem:$0xE3E8];
	_ =	sdelay $0x4  }
0x1c5: {  	[tilespmem:s4+$0xE518] =	vst.add.f32.msk @p0 $0xffff, v1  }
0x1c6: {  	v1 =	vld @p0 [tilespmem:$0xE3F8];
	_ =	sdelay $0x3  }
0x1c7: {  	s5 =	sshll.u32 @!p0 s3, $0xA  }
0x1c8: {  	s5 =	smov.u32 @p0 s0;
	[tilespmem:s4+$0xE528] =	vst.add.f32.msk @p0 $0xffff, v1  }
0x1c9: {  	s0 =	sshrl.u32 s5, $0x2;
	[tilespmem:s2+$0xE418] =	vst.msk $0x1, v0  }
0x1ca: {  	v0 =	vld [tilespmem:s0+$0xE438];
	_ =	sdelay $0x2  }
0x1cb: {  	s31 =	sshll.u32 s2, $0xA  }
0x1cc: {  	s4 =	sshra.s32 s31, $0x2  }
0x1cd: {  	[tilespmem:s4+$0xE438] =	vst v0  }
0x1ce: {  	v0 =	vld [tilespmem:s0+$0xE448];
	_ =	sdelay $0x4  }
0x1cf: {  	[tilespmem:s4+$0xE448] =	vst v0  }
0x1d0: {  	v0 =	vld [tilespmem:s0+$0xE458];
	_ =	sdelay $0x4  }
0x1d1: {  	[tilespmem:s4+$0xE458] =	vst v0  }
0x1d2: {  	v0 =	vld [tilespmem:s0+$0xE468];
	_ =	sdelay $0x4  }
0x1d3: {  	[tilespmem:s4+$0xE468] =	vst v0  }
0x1d4: {  	v0 =	vld [tilespmem:s0+$0xE478];
	_ =	sdelay $0x4  }
0x1d5: {  	[tilespmem:s4+$0xE478] =	vst v0  }
0x1d6: {  	v0 =	vld [tilespmem:s0+$0xE488];
	_ =	sdelay $0x4  }
0x1d7: {  	[tilespmem:s4+$0xE488] =	vst v0  }
0x1d8: {  	v0 =	vld [tilespmem:s0+$0xE498];
	_ =	sdelay $0x4  }
0x1d9: {  	[tilespmem:s4+$0xE498] =	vst v0  }
0x1da: {  	v0 =	vld [tilespmem:s0+$0xE4A8];
	_ =	sdelay $0x4  }
0x1db: {  	[tilespmem:s4+$0xE4A8] =	vst v0  }
0x1dc: {  	v0 =	vld [tilespmem:s0+$0xE4B8];
	_ =	sdelay $0x4  }
0x1dd: {  	[tilespmem:s4+$0xE4B8] =	vst v0  }
0x1de: {  	v0 =	vld [tilespmem:s0+$0xE4C8];
	_ =	sdelay $0x4  }
0x1df: {  	[tilespmem:s4+$0xE4C8] =	vst v0  }
0x1e0: {  	v0 =	vld [tilespmem:s0+$0xE4D8];
	_ =	sdelay $0x4  }
0x1e1: {  	[tilespmem:s4+$0xE4D8] =	vst v0  }
0x1e2: {  	v0 =	vld [tilespmem:s0+$0xE4E8];
	_ =	sdelay $0x4  }
0x1e3: {  	[tilespmem:s4+$0xE4E8] =	vst v0  }
0x1e4: {  	v0 =	vld [tilespmem:s0+$0xE4F8];
	_ =	sdelay $0x4  }
0x1e5: {  	[tilespmem:s4+$0xE4F8] =	vst v0  }
0x1e6: {  	v0 =	vld [tilespmem:s0+$0xE508];
	_ =	sdelay $0x4  }
0x1e7: {  	[tilespmem:s4+$0xE508] =	vst v0  }
0x1e8: {  	v0 =	vld [tilespmem:s0+$0xE518];
	_ =	sdelay $0x4  }
0x1e9: {  	[tilespmem:s4+$0xE518] =	vst v0  }
0x1ea: {  	v0 =	vld [tilespmem:s0+$0xE528];
	_ =	sdelay $0x4  }
0x1eb: {  	s2 =	sadd.s32 $0x1, s2;
	[tilespmem:s4+$0xE528] =	vst v0  }
.LBB2_37:
0x1ec: {  	s3 =	sadd.s32 $0x1, s3  }
0x1ed: {  	p0 =	sne.s32 s3, $0x20  }
.Ltmp24:
0x1ee: {  	_ = 	snop;
	(pc) =	sbr.rel @!p0 .LBB2_38-.Ltmp24, $1  }
0x1ef: {  	_ =	sdelay $0x3  }
.LBB2_30:
0x1f0: {  	v0 =	vld.msk [tilespmem:s3+$0xE418], $0x1;
	_ =	sdelay $0x4  }
0x1f1: {  	(v2sf) =	vpush v0, $0x0;
	_ =	sdelay $0xe  }
0x1f2: {  	s4 =	spop (v2sf)  }
0x1f3: {  	p0 =	seq.s32 s4, $0xFFFFFFFF  }
.Ltmp25:
0x1f4: {  	_ = 	snop;
	(pc) =	sbr.rel @p0 .LBB2_37-.Ltmp25, $1  }
0x1f5: {  	_ =	sdelay $0x3  }
0x1f6: {  	p0 =	slt.s32 s2, $0x1  }
.Ltmp26:
0x1f7: {  	_ = 	snop;
	(pc) =	sbr.rel @p0 .LBB2_36-.Ltmp26, $1  }
0x1f8: {  	_ =	sdelay $0x3  }
0x1f9: {  	s5 =	simm.s32 $0xE418;
	p0 =	por $0x0, $0x0  }
0x1fa: {  	v1 =	vld.msk @!p0 [tilespmem:s5+$0x0], $0x1;
	_ =	sdelay $0x4  }
0x1fb: {  	(v2sf) =	vpush @!p0 v1, $0x0;
	_ =	sdelay $0xd  }
0x1fc: {  	p2 =	sne.s32 s2, $0x1  }
.Ltmp27:
0x1fd: {  	s0 =	spop @!p0 (v2sf);
	(pc) =	sbr.rel @!p2 .LBB2_34-.Ltmp27, $4  }
0x1fe: {  	p1 =	seq.s32 @!p0 s4, s0  }
0x1ff: {  	s6 =	simm.s32 $0x0;
	p1 =	por !p1, p0  }
0x200: {  	s0 =	simm.s32 $0xFFFFFFFF;
	s6 =	simm.s32 @p1 $0xFFFFFFFF  }
0x201: {  	s7 =	simm.s32 $0x1;
	s6 =	smov.u32 @p0 s0  }
.LBB2_33:
0x202: {  	s0 =	smov.u32 s6;
	p0 =	sne.s32 s6, $0xFFFFFFFF  }
0x203: {  	s5 =	sadd.s32 $0x1, s5;
	s6 =	smov.u32 s7;
	s7 =	sadd.s32 $0x1, s7  }
0x204: {  	p1 =	sne.s32 s2, s7;
	v1 =	vld.msk @!p0 [tilespmem:s5+$0x0], $0x1;
	_ =	sdelay $0x4  }
0x205: {  	(v2sf) =	vpush @!p0 v1, $0x0;
	_ =	sdelay $0xe  }
.Ltmp28:
0x206: {  	s8 =	spop @!p0 (v2sf);
	(pc) =	sbr.rel @p1 .LBB2_33-.Ltmp28, $4  }
0x207: {  	p2 =	seq.s32 @!p0 s4, s8  }
0x208: {  	p2 =	por !p2, p0  }
0x209: {  	s6 =	simm.s32 @p2 $0xFFFFFFFF  }
0x20a: {  	s6 =	smov.u32 @p0 s0  }
.LBB2_34:
0x20b: {  	p0 =	seq.s32 s6, $0xFFFFFFFF  }
.Ltmp29:
0x20c: {  	_ = 	snop;
	(pc) =	sbr.rel @p0 .LBB2_36-.Ltmp29, $1  }
0x20d: {  	_ =	sdelay $0x3  }
0x20e: {  	s0 =	sshll.u32 s3, $0x8  }
0x20f: {  	s0 =	sand.u32 $0x3FFFFF00, s0  }
0x210: {  	v0 =	vld [tilespmem:s0+$0xE438];
	_ =	sdelay $0x2  }
0x211: {  	s4 =	sshll.u32 s6, $0xA  }
0x212: {  	s4 =	sshra.s32 s4, $0x2  }
0x213: {  	[tilespmem:s4+$0xE438] =	vst.add.f32.msk $0xffff, v0  }
0x214: {  	v0 =	vld [tilespmem:s0+$0xE448];
	_ =	sdelay $0x4  }
0x215: {  	[tilespmem:s4+$0xE448] =	vst.add.f32.msk $0xffff, v0  }
0x216: {  	v0 =	vld [tilespmem:s0+$0xE458];
	_ =	sdelay $0x4  }
0x217: {  	[tilespmem:s4+$0xE458] =	vst.add.f32.msk $0xffff, v0  }
0x218: {  	v0 =	vld [tilespmem:s0+$0xE468];
	_ =	sdelay $0x4  }
0x219: {  	[tilespmem:s4+$0xE468] =	vst.add.f32.msk $0xffff, v0  }
0x21a: {  	v0 =	vld [tilespmem:s0+$0xE478];
	_ =	sdelay $0x4  }
0x21b: {  	[tilespmem:s4+$0xE478] =	vst.add.f32.msk $0xffff, v0  }
0x21c: {  	v0 =	vld [tilespmem:s0+$0xE488];
	_ =	sdelay $0x4  }
0x21d: {  	[tilespmem:s4+$0xE488] =	vst.add.f32.msk $0xffff, v0  }
0x21e: {  	v0 =	vld [tilespmem:s0+$0xE498];
	_ =	sdelay $0x4  }
0x21f: {  	[tilespmem:s4+$0xE498] =	vst.add.f32.msk $0xffff, v0  }
0x220: {  	v0 =	vld [tilespmem:s0+$0xE4A8];
	_ =	sdelay $0x4  }
0x221: {  	[tilespmem:s4+$0xE4A8] =	vst.add.f32.msk $0xffff, v0  }
0x222: {  	v0 =	vld [tilespmem:s0+$0xE4B8];
	_ =	sdelay $0x4  }
0x223: {  	[tilespmem:s4+$0xE4B8] =	vst.add.f32.msk $0xffff, v0  }
0x224: {  	v0 =	vld [tilespmem:s0+$0xE4C8];
	_ =	sdelay $0x4  }
0x225: {  	[tilespmem:s4+$0xE4C8] =	vst.add.f32.msk $0xffff, v0  }
0x226: {  	v0 =	vld [tilespmem:s0+$0xE4D8];
	_ =	sdelay $0x4  }
0x227: {  	[tilespmem:s4+$0xE4D8] =	vst.add.f32.msk $0xffff, v0  }
0x228: {  	v0 =	vld [tilespmem:s0+$0xE4E8];
	_ =	sdelay $0x4  }
0x229: {  	[tilespmem:s4+$0xE4E8] =	vst.add.f32.msk $0xffff, v0  }
0x22a: {  	v0 =	vld [tilespmem:s0+$0xE4F8];
	_ =	sdelay $0x4  }
0x22b: {  	[tilespmem:s4+$0xE4F8] =	vst.add.f32.msk $0xffff, v0  }
0x22c: {  	v0 =	vld [tilespmem:s0+$0xE508];
	_ =	sdelay $0x4  }
0x22d: {  	[tilespmem:s4+$0xE508] =	vst.add.f32.msk $0xffff, v0  }
0x22e: {  	v0 =	vld [tilespmem:s0+$0xE518];
	_ =	sdelay $0x4  }
0x22f: {  	[tilespmem:s4+$0xE518] =	vst.add.f32.msk $0xffff, v0  }
0x230: {  	v0 =	vld [tilespmem:s0+$0xE528]  }
.Ltmp30:
0x231: {  	_ = 	snop;
	(pc) =	sbr.rel .LBB2_37-.Ltmp30, $2  }
0x232: {  	_ =	sdelay $0x2  }
0x233: {  	[tilespmem:s4+$0xE528] =	vst.add.f32.msk $0xffff, v0  }
.LBB2_38:
0x234: {  	p0 =	slt.s32 s2, $0x1  }
.Ltmp31:
0x235: {  	_ = 	snop;
	(pc) =	sbr.rel @p0 .LBB2_42-.Ltmp31, $3  }
0x236: {  	_ =	sdelay $0x1  }
0x237: {  	s0 =	simm.s32 $0x6  }
0x238: {  	[sflag:s0] =	ssyncpa.u1 $0x1;
	s0 =	simm.s32 $0x0  }
0x239: {  	s3 =	simm.s32 $0xE418  }
0x23a: {  	v0 =	vld.msk [tilespmem:s3+$0x0], $0x1;
	_ =	sdelay $0x4  }
0x23b: {  	(v2sf) =	vpush v0, $0x0;
	_ =	sdelay $0xe  }
0x23c: {  	s2 =	sadd.s32 $0xFFFFFFFF, s2;
	s4 =	spop (v2sf)  }
0x23d: {  	s5 =	simm.s32 $0xE438;
	p0 =	sne.s32 s2, $0x0;
	p1 =	sgt.u32 s4, $0x770  }
.Ltmp32:
0x23e: {  	s3 =	simm.s32 $0xE538;
	s6 =	sand.u32 @!p1 $0x7F8, s4;
	(pc) =	sbr.rel @!p0 .LBB2_41-.Ltmp32, $4  }
0x23f: {  	s7 =	sadd.s32 @!p1 $0x80, s4;
	s8 =	sadd.s32 @!p1 s1, s6;
	s6 =	sand.u32 @!p1 $0x7, s4  }
0x240: {  	[hbm4b:s8+s6] =	stream.linear.scatter @!p1 [tilespmem:s5], [sflag:$0x5], $0x80, $0x38;
	[tilespmem:$0x1E668] =	vst v63  }
0x241: {  	s0 =	simm.s32 @!p1 $0x400;
	s4 =	simm.s32 $0xE419;
	s5 =	sand.u32 @!p1 $0xFF8, s7  }
0x242: {  	s7 =	simm.s32 @!p1 $0xE4B8;
	s8 =	sadd.s32 @!p1 s1, s5;
	s5 =	sadd.s32 $0x0, s0  }
.LBB2_40:
0x243: {  	[hbm4b:s8+s6] =	stream.linear.scatter @!p1 [tilespmem:s7], [sflag:$0x5], $0x80, $0x38;
	[tilespmem:$0x1E668] =	vst v63  }
0x244: {  	s2 =	sadd.s32 $0xFFFFFFFF, s2;
	s0 =	smov.u32 s3;
	v0 =	vld.msk [tilespmem:s4+$0x0], $0x1  }
0x245: {  	p0 =	sne.s32 s2, $0x0;
	_ =	sdelay $0x3  }
0x246: {  	(v2sf) =	vpush v0, $0x0;
	_ =	sdelay $0xe  }
0x247: {  	s3 =	sadd.s32 $0x100, s3;
	s9 =	simm.s32 $0x0;
	s6 =	spop (v2sf)  }
.Ltmp33:
0x248: {  	s4 =	sadd.s32 $0x1, s4;
	p1 =	sgt.u32 s6, $0x770;
	(pc) =	sbr.rel @p0 .LBB2_40-.Ltmp33, $4  }
0x249: {  	s9 =	simm.s32 @!p1 $0x400;
	s7 =	sand.u32 @!p1 $0x7F8, s6;
	s8 =	sadd.s32 @!p1 $0x80, s6  }
0x24a: {  	s6 =	sand.u32 @!p1 $0x7, s6;
	s7 =	sadd.s32 @!p1 s1, s7;
	s8 =	sand.u32 @!p1 $0xFF8, s8  }
0x24b: {  	[hbm4b:s7+s6] =	stream.linear.scatter @!p1 [tilespmem:s0], [sflag:$0x5], $0x80, $0x38;
	[tilespmem:$0x1E668] =	vst v63  }
0x24c: {  	s5 =	sadd.s32 s5, s9;
	s7 =	sadd.s32 @!p1 $0x80, s0;
	s8 =	sadd.s32 @!p1 s1, s8  }
.LBB2_41:
0x24d: {  	[hbm4b:s8+s6] =	stream.linear.scatter @!p1 [tilespmem:s7], [sflag:$0x5], $0x80, $0x38;
	[tilespmem:$0x1E668] =	vst v63  }
0x24e: {  	s0 =	sshrl.u32 s5, $0x2  }
.LBB2_42:
0x24f: {  	s1 =	simm.s32 $0x5  }
0x250: {  	_ =	swait.ge [sflag:s1], s0  }
0x251: {  	s29 =	ssub.s32 $0x0, s0;
	[sflag:s1] =	ssyncset.done $0x0  }
0x252: {  	[sflag:s1] =	ssyncadd.s32 s29  }
0x253: {  	[sflag:s1] =	ssyncpa.u1 $0x1  }
0x254: {  	s30 =	simm.s32 $0x1;
	_ =	sfence  }
0x255: {  	[sflag:s30] =	ssyncpa.u1 $0x1  }
0x256: {  	_ =	strace $0x9000005C  }
0x257: {  	[bflag:$0x2] =	sbarrier.arrive $0xFFFF  }
0x258: {  	s31 =	rddreg [dreg:$0x1]  }
0x259: {  	s0 =	sadd.s32 $0x100000, s31  }
0x25a: {  	[sflag:s0] =	ssyncadd.tile.s32 $0x1;
	_ =	shalt  }
.Lfunc_end2:
_tile_overlayer_lowered:
.L_overlay_start_2:
0x25b: {  	(tag) =	ssettag $0x2  }
0x25c: {  	s0 =	rddreg [dreg:$0x0];
	s2 =	stileid.u32  }
0x25d: {  	s1 =	rddreg [dreg:$0x1];
	p0 =	sne.s32 s2, $0x0  }
0x25e: {  	s3 =	rddreg [dreg:$0x2];
	[bflag:$0x3] =	sbarrier.arrive $0xFFFF;
	s2 =	simm.s32 @!p0 $0x1C01  }
0x25f: {  	[timem:s3], [sflag:s2] =	dma.local @!p0 [hbm:s0], s1  }
0x260: {  	s0 =	simm.s32 @!p0 $0x1  }
0x261: {  	_ =	swait.ge @!p0 [sflag:s0], s1  }
0x262: {  	s1 =	ssub.s32 @!p0 $0x0, s1;
	[sflag:s0] =	ssyncset.done @!p0 $0x0  }
0x263: {  	[sflag:s0] =	ssyncadd.s32 @!p0 s1  }
0x264: {  	[bflag:$0x3] =	sbarrier.arrive $0xFFFF  }
0x265: {  	_ =	shalt  }

// kernel: scatter_offload_async_start.2
scs
__scs_entry_jumppad:
0x0: {  	(pc) =	sbr.rel $0x88, $3  }
0x1: {  	(tag) =	ssettag $0x0;
	lr =	simm.s32 $0x1  }
0x2: {  	[smem:$0x3F8E] =	sst lr;
	_ =	strace $0xD0000000  }
0x3: {  	_ = 	snop  }
0x4: {  	_ = 	snop  }
0x5: {  	_ = 	snop  }
0x6: {  	_ = 	snop  }
0x7: {  	_ = 	snop  }
__scs_overlays_trampoline_lowered:
0x8: {  	[smem:$0x3F9D] =	sst s0  }
0x9: {  	[smem:$0x3F9E] =	sst s1  }
0xa: {  	[smem:$0x3F9F] =	sst s2  }
0xb: {  	[smem:$0x3FA0] =	sst s3  }
0xc: {  	[smem:$0x3FA1] =	sst s4  }
0xd: {  	[smem:$0x3FA2] =	sst s5  }
0xe: {  	[smem:$0x3FA3] =	sst s6  }
0xf: {  	[smem:$0x3FA4] =	sst s7  }
0x10: {  	[smem:$0x3FA5] =	sst s8  }
0x11: {  	[smem:$0x3FA6] =	sst s9;
	s0 =	simm.s32 @!p0 $0x0  }
0x12: {  	s1 =	sld [smem:$0x3F8C];
	s0 =	simm.s32 @p0 $0x1  }
0x13: {  	[smem:$0x3FA7] =	sst s0;
	s0 =	simm.s32 @!p1 $0x0  }
0x14: {  	s2 =	sld [smem:$0x3F8B];
	s0 =	simm.s32 @p1 $0x1  }
0x15: {  	[smem:$0x3FA8] =	sst s0;
	s0 =	simm.s32 @!p2 $0x0  }
0x16: {  	s3 =	sld [smem:$0x3FDB];
	s0 =	simm.s32 @p2 $0x1  }
0x17: {  	s4 =	simm.s32 $0x1BF5;
	[smem:$0x3FAA] =	sst s0  }
0x18: {  	s0 =	sld [smem:$0x3F8D];
	_ =	swait.ge [sflag:s4], $0x0  }
0x19: {  	s7 =	sld [smem:$0x3F8E]  }
0x1a: {  	s8 =	sadd.s32 $0xFFFFE003, lr  }
0x1b: {  	s9 =	sadd.s32 $0xFFFFFEF7, lr;
	s5 =	simm.s32 $0xFFFFFFFF;
	p2 =	slt.u32 s8, $0xFFFFF086  }
0x1c: {  	p1 =	slt.u32 s9, $0xF7A;
	s5 =	simm.s32 @!p2 $0x0  }
0x1d: {  	s5 =	simm.s32 @p1 $0x1;
	p0 =	seq.s32 s7, s2  }
0x1e: {  	s7 =	smul.u32 @!p0 $0xF7A, s2;
	p2 =	seq.s32 @!p0 s5, $0x0  }
0x1f: {  	s9 =	smul.u32 $0xF7A, s1;
	s8 =	simm.s32 @!p0 $0x1BF5;
	p2 =	por !p2, p0  }
0x20: {  	[sflag:s8] =	ssyncset.s32 @!p0 $0xFFFFF086;
	s6 =	sadd.s32 @!p0 s3, s7;
	s7 =	simm.s32 @!p0 $0x108  }
0x21: {  	s3 =	sadd.s32 s3, s9;
	s6 =	sadd.s32 @!p0 $0x88, s6;
	s7 =	simm.s32 @p2 $0x1082  }
0x22: {  	[simem:s7], [sflag:s8] =	dma.local @!p0 [hbm:s6], $0xF7A  }
0x23: {  	s9 =	sor.u32 $0xD0000000, s2;
	s6 =	simm.s32 $0x108;
	_ =	swait.ge @!p0 [sflag:s8], $0x0  }
0x24: {  	s3 =	sadd.s32 $0x88, s3;
	s6 =	simm.s32 @!p1 $0x1082;
	[sflag:s4] =	ssyncset.s32 $0xFFFFF086  }
0x25: {  	[simem:s6], [sflag:s4] =	dma.local [hbm:s3], $0xF7A  }
0x26: {  	[smem:$0x3F8E] =	sst s1;
	(tag) =	ssettag s2;
	_ =	strace s9  }
0x27: {  	s1 =	sld [smem:$0x3F9E]  }
0x28: {  	s2 =	sld [smem:$0x3F9F]  }
0x29: {  	s4 =	sld [smem:$0x3FA1]  }
0x2a: {  	p0 =	seq.s32 s5, $0x0;
	s5 =	sld [smem:$0x3FA2]  }
0x2b: {  	s6 =	sld [smem:$0x3FA3]  }
0x2c: {  	s7 =	sld [smem:$0x3FA4]  }
0x2d: {  	s3 =	simm.s32 $0x108;
	s8 =	sld [smem:$0x3FA5]  }
0x2e: {  	s3 =	simm.s32 @!p0 $0x1082;
	s9 =	sld [smem:$0x3FA6]  }
0x2f: {  	lr =	sadd.s32 s0, s3;
	s0 =	sld [smem:$0x3F9D]  }
0x30: {  	s3 =	sld [smem:$0x3FA0]  }
0x31: {  	[smem:$0x3FA9] =	sst s10  }
0x32: {  	s10 =	sld [smem:$0x3FA7];
	_ =	sdelay $0x3  }
0x33: {  	p0 =	seq.s32 s10, $0x1;
	s10 =	sld [smem:$0x3FA9];
	_ =	sdelay $0x3  }
0x34: {  	[smem:$0x3FA9] =	sst s10  }
0x35: {  	s10 =	sld [smem:$0x3FA8];
	_ =	sdelay $0x3  }
0x36: {  	p1 =	seq.s32 s10, $0x1;
	s10 =	sld [smem:$0x3FA9];
	_ =	sdelay $0x3  }
0x37: {  	[smem:$0x3FA9] =	sst s10  }
0x38: {  	s10 =	sld [smem:$0x3FAA]  }
0x39: {  	_ = 	snop;
	(pc) =	sbr.ind lr, $3  }
0x3a: {  	_ = 	snop  }
0x3b: {  	_ = 	snop  }
0x3c: {  	p2 =	seq.s32 s10, $0x1;
	s10 =	sld [smem:$0x3FA9]  }
0x3d: {  	_ =	shalt  }
0x3e: {  	_ =	shalt  }
0x3f: {  	_ =	shalt  }
0x40: {  	_ =	shalt  }
0x41: {  	_ =	shalt  }
0x42: {  	_ =	shalt  }
0x43: {  	_ =	shalt  }
0x44: {  	_ =	shalt  }
0x45: {  	_ =	shalt  }
0x46: {  	_ =	shalt  }
0x47: {  	_ =	shalt  }
0x48: {  	_ =	shalt  }
0x49: {  	_ =	shalt  }
0x4a: {  	_ =	shalt  }
0x4b: {  	_ =	shalt  }
0x4c: {  	_ =	shalt  }
0x4d: {  	_ =	shalt  }
0x4e: {  	_ =	shalt  }
0x4f: {  	_ =	shalt  }
0x50: {  	_ =	shalt  }
0x51: {  	_ =	shalt  }
0x52: {  	_ =	shalt  }
0x53: {  	_ =	shalt  }
0x54: {  	_ =	shalt  }
0x55: {  	_ =	shalt  }
0x56: {  	_ =	shalt  }
0x57: {  	_ =	shalt  }
0x58: {  	_ =	shalt  }
0x59: {  	_ =	shalt  }
0x5a: {  	_ =	shalt  }
0x5b: {  	_ =	shalt  }
0x5c: {  	_ =	shalt  }
0x5d: {  	_ =	shalt  }
0x5e: {  	_ =	shalt  }
0x5f: {  	_ =	shalt  }
0x60: {  	_ =	shalt  }
0x61: {  	_ =	shalt  }
0x62: {  	_ =	shalt  }
0x63: {  	_ =	shalt  }
0x64: {  	_ =	shalt  }
0x65: {  	_ =	shalt  }
0x66: {  	_ =	shalt  }
0x67: {  	_ =	shalt  }
0x68: {  	_ =	shalt  }
0x69: {  	_ =	shalt  }
0x6a: {  	_ =	shalt  }
0x6b: {  	_ =	shalt  }
0x6c: {  	_ =	shalt  }
0x6d: {  	_ =	shalt  }
0x6e: {  	_ =	shalt  }
0x6f: {  	_ =	shalt  }
0x70: {  	_ =	shalt  }
0x71: {  	_ =	shalt  }
0x72: {  	_ =	shalt  }
0x73: {  	_ =	shalt  }
0x74: {  	_ =	shalt  }
0x75: {  	_ =	shalt  }
0x76: {  	_ =	shalt  }
0x77: {  	_ =	shalt  }
0x78: {  	_ =	shalt  }
0x79: {  	_ =	shalt  }
0x7a: {  	_ =	shalt  }
0x7b: {  	_ =	shalt  }
0x7c: {  	_ =	shalt  }
0x7d: {  	_ =	shalt  }
0x7e: {  	_ =	shalt  }
0x7f: {  	_ =	shalt  }
0x80: {  	_ =	shalt  }
0x81: {  	_ =	shalt  }
0x82: {  	_ =	shalt  }
0x83: {  	_ =	shalt  }
0x84: {  	_ =	shalt  }
0x85: {  	_ =	shalt  }
0x86: {  	_ =	shalt  }
0x87: {  	_ =	shalt  }
.Lfunc_end0:
.L_simem_size_0:
called_computation.2_lowered:
.L_overlay_start_0:
0x88: {  	s0 =	sld [smem:$0x3FD9]  }
0x89: {  	s1 =	sld [smem:$0x3FFE];
	_ =	sdelay $0x3  }
0x8a: {  	s0 =	sadd.s32 s1, s0  }
0x8b: {  	[smem:$0x3FB5] =	sst s0  }
0x8c: {  	_ = 	snop  }
0x8d: {  	s0 =	sld [smem:$0x3FD0];
	(tm) =	ssettm $0x1  }
0x8e: {  	s16 =	sld [smem:$0x3FFB];
	_ =	sdelay $0x3  }
0x8f: {  	_ =	strace s16  }
0x90: {  	s1 =	sld [smem:$0x3FFC];
	_ =	sdelay $0x3  }
0x91: {  	_ =	strace s1  }
0x92: {  	s1 =	sld [smem:$0x3FFD];
	_ =	sdelay $0x3  }
0x93: {  	_ =	strace s1  }
0x94: {  	_ =	strace $0x8FFFFFFF  }
0x95: {  	s17 =	sld [smem:$0x3FDB];
	_ =	sdelay $0x1  }
0x96: {  	s2 =	simm.s32 $_scs_section_size  }
0x97: {  	s3 =	simm.s32 $_size__tile_overlayer_lowered;
	s4 =	simm.s32 $_tile_overlayer_lowered  }
0x98: {  	s20 =	simm.s32 $0x1BFF;
	s19 =	sshll.u32 s4, $0x1;
	s1 =	sadd.s32 s2, s17  }
0x99: {  	s5 =	simm.s32 $0x0;
	s18 =	sshll.u32 s3, $0x1;
	s3 =	sadd.s32 s19, s1  }
0x9a: {  	[timem:s5], [sflag:s20] =	dma.local [hbm:s3], s18  }
0x9b: {  	_ =	swait.ge [sflag:s20], s18  }
0x9c: {  	s2 =	ssub.s32 $0x0, s18;
	[sflag:s20] =	ssyncset.done $0x0  }
0x9d: {  	[sflag:s20] =	ssyncadd.s32 s2;
	_ =	sdelay $0x1  }
0x9e: {  	s21 =	simm.s32 $0x1B8B  }
0x9f: {  	_ =	swait.ge [sflag:s21], $0x1  }
0xa0: {  	[sflag:s21] =	ssyncset.done $0x0  }
0xa1: {  	s23 =	simm.s32 $0x1B8E;
	s22 =	sld [smem:$0x3FFE];
	[sflag:s21] =	ssyncadd.s32 $0xFFFFFFFF  }
0xa2: {  	s24 =	simm.s32 $execute0_lowered;
	[smem:$0x3FD2] =	sst s23  }
0xa3: {  	s3 =	sshll.u32 s24, $0x1;
	_ =	strace $0x80000052;
	[dreg:$0x1] =	wrdreg $0xFFFFFFFF  }
0xa4: {  	s25 =	simm.s32 $_size_execute0_lowered;
	s1 =	sadd.s32 s1, s3;
	[dreg:$0x0] =	wrdreg $0x0  }
0xa5: {  	s3 =	sshll.u32 s25, $0x1;
	[dreg:$0x2] =	wrdreg s1  }
0xa6: {  	[dreg:$0x3] =	wrdreg s3  }
0xa7: {  	[dreg:$0x4] =	wrdreg $0xC0  }
0xa8: {  	_ =	task [dreg:s5], $0x5FFFF  }
0xa9: {  	[dreg:$0x1] =	wrdreg $0xFFFFFFFF  }
0xaa: {  	[dreg:$0x0] =	wrdreg $0x60  }
0xab: {  	[dreg:$0x2] =	wrdreg s0  }
0xac: {  	[dreg:$0x3] =	wrdreg s22  }
0xad: {  	[dreg:$0x4] =	wrdreg $0xB  }
0xae: {  	_ =	task.clear_ibuf [dreg:s5], $0x5FFFF;
	_ =	strace $0x90000052  }
0xaf: {  	s26 =	simm.s32 $0xB;
	_ =	strace $0x80000054  }
0xb0: {  	_ =	swait.ge [sflag:s26], $0x1  }
0xb1: {  	[sflag:s26] =	ssyncadd.s32 $0xFFFFFFFF  }
0xb2: {  	_ =	strace $0x90000054  }
0xb3: {  	_ =	sfence  }
0xb4: {  	s28 =	sld [smem:$0x0];
	_ =	sdelay $0x1  }
0xb5: {  	s29 =	srdreg.scid  }
0xb6: {  	s30 =	sshll.u32 s29, $0xD;
	s31 =	sshrl.u32 s29, $0x2  }
0xb7: {  	s2 =	sand.u32 $0x4000, s30;
	s1 =	sand.u32 $0x1, s29;
	s0 =	sadd.s32 s31, s28  }
0xb8: {  	s1 =	sor.u32 s2, s1;
	s0 =	sshll.u32 s0, $0x11  }
0xb9: {  	s0 =	sor.u32 s0, s1  }
0xba: {  	s0 =	sadd.s32 $0x8F2B, s0  }
0xbb: {  	[sflag:s0] =	ssyncadd.remote.s32 $0x1  }
0xbc: {  	_ =	sfence.sel $0xFFFF  }
0xbd: {  	[dreg:$0x0] =	wrdreg $0xFFFFFFFF;
	(pc) =	sbr.abs _section_cstart, $3  }
0xbe: {  	[dreg:$0x1] =	wrdreg $0xFFFFFFFF  }
0xbf: {  	_ =	task.clear_ibuf [dreg:s5], $0x2FFFF;
	_ =	strace $0x9FFFFFFF  }
0xc0: {  	(tm) =	ssettm $0x7FFFFFFF  }
0xc1: {  	_ =	shalt  }
tec
execute0_lowered:
.L_overlay_start_1:
0x0: {  	(tag) =	ssettag $0x1  }
0x1: {  	s1 =	rddreg [dreg:$0x0];
	s6 =	stileid.u32  }
0x2: {  	s0 =	rddreg [dreg:$0x1];
	_ =	strace $0x80000053;
	s2 =	smin.u32 s6, $0x9  }
0x3: {  	s9 =	simm.s32 $0x1;
	p0 =	slt.u32 s6, $0x9;
	s2 =	sadd.s32 s6, s2  }
0x4: {  	v1 =	vimm.s32 $0xFFFFFFFF;
	[sflag:s9] =	ssyncpa.u1 $0x0;
	s3 =	smul.u32 $0x190, s2;
	s2 =	simm.s32 $0x320  }
0x5: {  	[tilespmem:$0x10] =	vst v1;
	s2 =	simm.s32 @!p0 $0x190  }
0x6: {  	v0 =	vimm.f32 $0.0e+00;
	[tilespmem:$0x20] =	vst v1;
	s2 =	sadd.s32 s2, s3  }
0x7: {  	[tilespmem:$0x30] =	vst v0;
	s4 =	smin.u32 s2, $0x2710  }
0x8: {  	[tilespmem:$0x40] =	vst v0;
	s2 =	ssub.s32 s4, s3  }
0x9: {  	[tilespmem:$0x50] =	vst v0;
	p0 =	sgt.s32 s2, $0x0  }
0xa: {  	[tilespmem:$0x60] =	vst v1;
	s2 =	simm.s32 @!p0 $0x0  }
0xb: {  	s7 =	simm.s32 $0x2;
	s8 =	simm.s32 $0x8;
	[tilespmem:$0x70] =	vst v1;
	s5 =	sand.u32 $0xFFF0, s2  }
0xc: {  	s31 =	simm.s32 $0x9;
	s16 =	simm.s32 $0x0;
	[tilespmem:$0x80] =	vst v1;
	s5 =	sshrl.u32 s5, $0x4  }
0xd: {  	s17 =	simm.s32 $0xF0;
	s18 =	simm.s32 $0xFFFFFFFF;
	v1 =	vimm.s32 $0x0;
	[tilespmem:$0xB0] =	vst v0;
	s5 =	smul.u32 $0xA3E, s5  }
0xe: {  	s19 =	simm.s32 $0xFFFFFDE0;
	s20 =	simm.s32 $0xFFFFFFFE;
	s21 =	simm.s32 $0xF;
	[tilespmem:$0x90] =	vst v1  }
0xf: {  	[tilespmem:$0xA0] =	vst v1;
	[sflag:s7] =	ssyncpa.u1 $0x0;
	s7 =	simm.s32 $0x7;
	s10 =	sshrl.u32 s5, $0x10  }
0x10: {  	s25 =	simm.s32 $0x0;
	[sflag:s7] =	ssyncpa.u1 $0x0;
	s11 =	smul.u32 $0x190, s10  }
0x11: {  	s24 =	simm.s32 $0x0;
	s14 =	sshllo.u32 s6, $0x1;
	[sflag:s8] =	ssyncpa.u1 $0x0  }
.Ltmp0:
0x12: {  	s23 =	smov.u32 s3;
	p0 =	sne.s32 s2, s11;
	(pc) =	sbr.rel .LBB2_1-.Ltmp0, $4  }
0x13: {  	s5 =	sadd.s32 $0x15200, s0;
	s0 =	sadd.s32 $0x15800, s0;
	s9 =	simm.s32 @!p0 $0x0  }
0x14: {  	[sflag:s31] =	ssyncpa.u1 $0x0;
	[dreg:$0x3] =	wrdreg s0;
	s9 =	sadd.s32 s10, s9  }
0x15: {  	vm0 =	vmmov $0xffff;
	v2 =	vlaneseq.u32;
	p0 =	por $0x0, $0x0;
	s10 =	sshll.u32 s6, $0x1;
	s11 =	sadd.s32 $0x1, s9  }
0x16: {  	vm1 =	vmxor vm1, vm1;
	vm2 =	vmmov $0x1;
	vm3 =	vcmask $0x3F3C;
	s12 =	sadd.s32 $0x2, s9;
	s13 =	sor.u32 $0x81, s10;
	s15 =	sor.u32 $0x80, s10  }
.LBB2_9:
0x17: {  	p1 =	slt.u32 s24, $0x3  }
0x18: {  	s0 =	simm.s32 @!p1 $0x2  }
0x19: {  	_ =	swait.ge @!p1 [sflag:s0], $0x190  }
0x1a: {  	[sflag:s0] =	ssyncset.done @!p1 $0x0  }
0x1b: {  	[sflag:s0] =	ssyncadd.s32 @!p1 $0xFFFFFE70;
	s0 =	simm.s32 @!p1 $0x9  }
0x1c: {  	_ =	swait.ge @!p1 [sflag:s0], $0x10  }
0x1d: {  	[sflag:s0] =	ssyncset.done @!p1 $0x0  }
0x1e: {  	[sflag:s0] =	ssyncadd.s32 @!p1 $0xFFFFFFF0;
	p1 =	sne.s32 s24, s12  }
.Ltmp1:
0x1f: {  	s2 =	sadd.s32 $0x190, s23;
	(pc) =	sbr.rel @!p1 .LBB2_10-.Ltmp1, $4  }
0x20: {  	s6 =	smov.u32 s3;
	s31 =	sadd.s32 $0x1, s24;
	s17 =	sadd.s32 $0x190, s17  }
0x21: {  	s18 =	sadd.s32 $0x1, s18;
	s25 =	smov.u32 s23;
	p2 =	slt.s32 s2, s4  }
0x22: {  	p0 =	por !p0, !p0;
	s19 =	sadd.s32 $0x190, s19;
	s6 =	smov.u32 @p2 s2  }
0x23: {  	s20 =	sadd.s32 $0x1, s20;
	s23 =	smov.u32 s6;
	s24 =	smov.u32 s31  }
.LBB2_1:
0x24: {  	p1 =	sge.u32 s24, s9  }
0x25: {  	s0 =	smulhi.u32 @!p1 $0xAAAAAAAB, s24;
	_ =	sdelay $0x1  }
0x26: {  	s0 =	sshrl.u32 @!p1 s0, $0x1  }
0x27: {  	s0 =	smul.u32 @!p1 $0x3, s0;
	_ =	sdelay $0x1  }
0x28: {  	s0 =	ssub.s32 @!p1 s24, s0  }
0x29: {  	s0 =	smul.u32 @!p1 $0x640, s0;
	_ =	sdelay $0x1  }
0x2a: {  	s2 =	sshrl.u32 @!p1 s23, $0x3;
	s0 =	sshrl.u32 @!p1 s0, $0x2  }
0x2b: {  	s22 =	sand.u32 @!p1 $0x7, s23;
	s2 =	sadd.s32 @!p1 s5, s2;
	s0 =	sadd.s32 @!p1 $0x100, s0  }
0x2c: {  	[tilespmem:s0], [sflag:$0x7] =	stream.linear.gather @!p1 [hbm4b:s2+s22], $0x190, $0x38;
	[tilespmem:$0xF30] =	vst v63  }
0x2d: {  	s0 =	sadd.s32 $0xFFFFFFFF, s24  }
0x2e: {  	p1 =	sge.u32 s0, s9  }
.Ltmp2:
0x2f: {  	_ = 	snop;
	(pc) =	sbr.rel @p1 .LBB2_5-.Ltmp2, $1  }
0x30: {  	_ =	sdelay $0x3  }
0x31: {  	s2 =	smulhi.u32 $0xAAAAAAAB, s0;
	_ =	sdelay $0x1  }
0x32: {  	s2 =	sshrl.u32 s2, $0x1  }
0x33: {  	s2 =	smul.u32 $0x3, s2;
	_ =	sdelay $0x1  }
0x34: {  	s2 =	ssub.s32 s0, s2  }
0x35: {  	s2 =	smul.u32 $0x640, s2  }
0x36: {  	_ =	swait.ge [sflag:s7], $0x190  }
0x37: {  	[sflag:s7] =	ssyncset.done $0x0;
	s2 =	sshrl.u32 s2, $0x2  }
0x38: {  	[sflag:s7] =	ssyncadd.s32 $0xFFFFFE70;
	(ifvalue) =	ssetifvalue $0xFFFFFFFF;
	v3 =	vld.msk [tilespmem:s2+$0x100 ss:$0x1], $0xffff;
	_ =	sdelay $0x2  }
0x39: {  	s30 =	smulhi.u32 $0xAAAAAAAB, s18;
	p1 =	sne.s32 s24, $0x1  }
0x3a: {  	v4 =	vimm.s32 @!p1 $0x0  }
0x3b: {  	s2 =	sshrl.u32 s30, $0x1;
	v4 =	vperm.xlane @!p1 v3, v4  }
0x3c: {  	s22 =	sshll.u32 s24, $0x4;
	s2 =	smul.u32 $0xFFFFED40, s2;
	vm4 =	vlt.u32 v3, $0x80  }
0x3d: {  	s22 =	sand.u32 $0x10, s22;
	v3 =	vnsel vm4, $0xFFFFFFFE, v3;
	vm4 =	vlt.u32 @!p1 v4, $0x80  }
0x3e: {  	s2 =	sshra.s32 s2, $0x2;
	[tilespmem:s22+$0x60] =	vst v3;
	v3 =	vnsel @!p1 vm4, $0xFFFFFFFE, v4  }
0x3f: {  	s28 =	sadd.s32 s2, s17;
	[tilespmem:$0x80] =	vst @!p1 v3  }
0x40: {  	v3 =	vld.msk [tilespmem:s28+$0x0 ss:$0x1], $0xffff;
	_ =	sdelay $0x4  }
0x41: {  	(xrf1) =	vunique.msk.u32 $0xffff, v3;
	_ =	sdelay $0xd  }
0x42: {  	v4 =	vimm.s32 $0xFFFFFFFF;
	v5, _, _ =	vpop (xrf1)  }
0x43: {  	vm5 =	vne.s32 v3, v4;
	vm4 =	veq.s32 v5, v2  }
0x44: {  	vm6 =	vlt.u32 v3, $0x80;
	vm4 =	vmand vm5, vm4  }
0x45: {  	vm4 =	vmand vm6, vm4  }
0x46: {  	v4 =	vnsel vm4, $0xFFFFFFFF, v3  }
0x47: {  	s31 =	sand.u32 $0x1, s0  }
0x48: {  	s0 =	simm.s32 $0x190;
	p1 =	seq.s32 s31, $0x1  }
0x49: {  	s0 =	simm.s32 @!p1 $0x0  }
0x4a: {  	s26 =	sadd.s32 $0x730, s0;
	(ifvalue) =	ssetifvalue $0xFFFFFFFF  }
0x4b: {  	v3 =	vperm.xlane v3, v1;
	[tilespmem:s26], [sflag:$0x8] =	stream.indirect_vreg.gather [hbm4b:s1+s16], $0x1, v4, vm0, $0x4038;
	v4 =	vnsel vm6, $0xFFFFFFFE, v4;
	[tilespmem:$0xF30] =	vst v63  }
0x4c: {  	s2 =	simm.s32 $0x0;
	s22 =	sadd.s32 $0xFFFFFFF0, s28;
	[tilespmem:s28+$0x0] =	vst v4  }
.LBB2_3:
0x4d: {  	v4 =	vld.msk [tilespmem:s22+$0x0 ss:$0x1], $0xffff;
	s2 =	sadd.s32 $0x10, s2;
	v5 =	vmov v3;
	s28 =	smov.u32 s22  }
0x4e: {  	p1 =	slt.u32 s2, $0x180;
	_ =	sdelay $0x4  }
0x4f: {  	v3 =	vperm.xlane v4, v1;
	(xrf1) =	vunique.msk.u32 $0xffff, v4;
	_ =	sdelay $0xd  }
0x50: {  	v6, _, _ =	vpop (xrf1)  }
0x51: {  	vm5 =	vne.s32 v4, v5;
	vm4 =	veq.s32 v6, v2  }
0x52: {  	vm6 =	vlt.u32 v4, $0x80;
	vm4 =	vmand vm5, vm4  }
0x53: {  	vm4 =	vmand vm6, vm4  }
0x54: {  	v4 =	vnsel vm4, $0xFFFFFFFF, v4  }
.Ltmp3:
0x55: {  	v5 =	vnsel vm6, $0xFFFFFFFE, v4;
	(pc) =	sbr.rel @p1 .LBB2_3-.Ltmp3, $3  }
0x56: {  	_ =	sdelay $0x1  }
0x57: {  	s22 =	sadd.s32 $0xFFFFFFF0, s22;
	s26 =	sadd.s32 $0xFFFFFFF0, s26;
	(ifvalue) =	ssetifvalue $0xFFFFFFFF  }
0x58: {  	[tilespmem:s26], [sflag:$0x8] =	stream.indirect_vreg.gather [hbm4b:s1+s16], $0x1, v4, vm0, $0x4038;
	[tilespmem:s28+$0x0] =	vst v5  }
0x59: {  	s2 =	sshrl.u32 s25, $0x3;
	s6 =	rddreg [dreg:$0x3]  }
0x5a: {  	s0 =	sadd.s32 $0x8D0, s0;
	s2 =	sadd.s32 s6, s2  }
0x5b: {  	[tilespmem:s0], [sflag:$0x8] =	stream.linear.gather [hbm:s2], $0x190, $0x38;
	[tilespmem:$0xF30] =	vst v63  }
.LBB2_5:
0x5c: {  	p1 =	slt.u32 s24, $0x2  }
0x5d: {  	p2 =	sge.u32 @!p1 s24, s12  }
0x5e: {  	p1 =	por p1, p2  }
.Ltmp4:
0x5f: {  	_ = 	snop;
	(pc) =	sbr.rel @p1 .LBB2_9-.Ltmp4, $1  }
0x60: {  	_ =	sdelay $0x3  }
0x61: {  	s0 =	sadd.s32 $0xFFFFFFFE, s24  }
0x62: {  	s2 =	smulhi.u32 $0xAAAAAAAB, s0;
	_ =	sdelay $0x1  }
0x63: {  	s2 =	sshrl.u32 s2, $0x1  }
0x64: {  	s2 =	smul.u32 $0x3, s2;
	_ =	sdelay $0x1  }
0x65: {  	s0 =	ssub.s32 s0, s2  }
0x66: {  	_ =	swait.ge [sflag:s8], $0x320;
	s0 =	smul.u32 $0x190, s0  }
0x67: {  	p1 =	sne.s32 s24, s11;
	[sflag:s8] =	ssyncset.done $0x0  }
0x68: {  	[sflag:s8] =	ssyncadd.s32 $0xFFFFFCE0;
	s2 =	sadd.s32 @!p1 $0x28F, s0  }
0x69: {  	[spmem:s13] =	stream.linear.scatter @!p1 [tilespmem:s2], [sflag:$0x1], $0x1, $0x38;
	[tilespmem:$0xF30] =	vst v63  }
0x6a: {  	s2 =	simm.s32 @!p1 $0x1  }
0x6b: {  	_ =	swait.ge @!p1 [sflag:s2], $0x1  }
0x6c: {  	s22 =	sshll.u32 s24, $0x4;
	[sflag:s2] =	ssyncset.done @!p1 $0x0  }
0x6d: {  	s25 =	sand.u32 $0x10, s22;
	[sflag:s2] =	ssyncadd.s32 @!p1 $0xFFFFFFFF  }
0x6e: {  	s2 =	sxor.u32 $0x10, s25;
	v4 =	vld [tilespmem:s25+$0x10]  }
0x6f: {  	v5 =	vld [tilespmem:s2+$0x60]  }
0x70: {  	v3 =	vld [tilespmem:$0x80];
	_ =	sdelay $0x2  }
0x71: {  	(v2sf) =	vpush v4, $0x0  }
0x72: {  	(v2sf) =	vpush v5, $0x0  }
0x73: {  	(v2sf) =	vpush v3, $0x0;
	_ =	sdelay $0xc  }
0x74: {  	s6 =	spop (v2sf)  }
0x75: {  	s28 =	spop (v2sf)  }
0x76: {  	s26 =	spop (v2sf)  }
0x77: {  	p2 =	seq.s32 s6, s28;
	p3 =	seq.s32 s26, s6  }
0x78: {  	p3 =	por p2, p3  }
0x79: {  	s6 =	sand.u32 $0x1, s24;
	v4 =	vpsel p3, $0xFFFFFFFF, v4  }
0x7a: {  	s28 =	smul.u32 $0x190, s6;
	[tilespmem:s25+$0x10] =	vst.msk $0x1, v4  }
0x7b: {  	v4 =	vld [tilespmem:$0x30]  }
0x7c: {  	v5 =	vld [tilespmem:s28+$0x8D0]  }
0x7d: {  	v6 =	vld [tilespmem:s25+$0x40];
	_ =	sdelay $0x3  }
0x7e: {  	vm4 =	vmmov vm1;
	v5 =	vadd.f32 v5, v4  }
0x7f: {  	vm5 =	vmmov vm2;
	vm4 =	vmmov @p2 vm2;
	v4 =	vadd.f32 v6, v4  }
0x80: {  	s22 =	sshll.u32 s6, $0x4;
	vm5 =	vmmov @p3 vm1;
	[tilespmem:s28+$0x8D0] =	vst.msk vm4, v5  }
0x81: {  	[tilespmem:s22+$0xF10] =	vst.msk vm5, v4  }
0x82: {  	v4 =	vld [tilespmem:s28+$0x730];
	_ =	sdelay $0x3  }
0x83: {  	v5 =	vimm.f32 $0.0e+00  }
0x84: {  	v4 =	vshift.insert v4, v5, s21  }
0x85: {  	s29 =	sor.u32 $0x40, s2  }
0x86: {  	[tilespmem:s29+$0x0] =	vst.msk $0x1, v4  }
0x87: {  	[tilespmem:s28+$0x73F] =	vst.msk $0x1, v5  }
0x88: {  	v4 =	vld [tilespmem:s0+$0x280];
	_ =	sdelay $0x1  }
0x89: {  	s29 =	smulhi.u32 $0xAAAAAAAB, s20;
	s0 =	simm.s32 $0x1  }
0x8a: {  	s0 =	simm.s32 @!p0 $0x0  }
0x8b: {  	s29 =	sshrl.u32 s29, $0x1;
	s0 =	smul.u32 $0x640, s0  }
0x8c: {  	s29 =	smul.u32 $0xFFFFED40, s29;
	v4 =	vshift.insert v4, v1, s21  }
0x8d: {  	s0 =	sshrl.u32 s0, $0x2  }
0x8e: {  	s29 =	sshra.s32 s29, $0x2;
	s30 =	sadd.s32 $0x8D0, s0;
	[tilespmem:s2+$0x10] =	vst.msk $0x1, v4  }
0x8f: {  	s6 =	sadd.s32 s29, s19;
	v6 =	vld [tilespmem:s30+$0x0]  }
0x90: {  	v7 =	vld [tilespmem:s6+$0x0];
	_ =	sdelay $0x3  }
0x91: {  	v5 =	vadd.f32 v6, v5  }
0x92: {  	vm4 =	vne.s32 v7, $0xFFFFFFFF  }
0x93: {  	(xrf2) =	vadd.seg.scan.f32 vm4, v5;
	_ =	sdelay $0x3  }
0x94: {  	s31 =	sadd.s32 $0x5B0, s0;
	v5 =	vperm.xlane v4, v1  }
0x95: {  	v6 =	vld [tilespmem:s31+$0x0]  }
0x96: {  	vm5 =	veq.s32 v7, v3;
	vm6 =	veq.s32 v7, v5  }
0x97: {  	vm7 =	vgt.u32 v7, $0xFFFFFFFD;
	vm6 =	vmor vm6, vm5  }
0x98: {  	vm6 =	vmor vm6, vm7  }
0x99: {  	v9 =	vld [tilespmem:$0xA0];
	v7 =	vsel vm6, $0xFFFFFFFF, v7  }
0x9a: {  	v10 =	vld [tilespmem:$0x90];
	v6 =	vsel vm5, $0x0, v6;
	v8, _, _ =	vpop (xrf2)  }
0x9b: {  	v6 =	vadd.f32 v8, v6  }
0x9c: {  	s0 =	sadd.s32 $0xBF0, s0  }
0x9d: {  	vm4 =	vmand vm4, vm3;
	[tilespmem:s0+$0x0] =	vst v6;
	(ifvalue) =	ssetifvalue $0xFFFFFFFF  }
0x9e: {  	vm6 =	veq.s32 v9, $0x1;
	[hbm4b:s1+s16] =	stream.indirect_vreg.scatter [tilespmem:s0], [sflag:$0x2], $0x1, v7, vm0, $0x4038;
	v7 =	vsel vm4, $0x0, v8;
	[tilespmem:$0xF30] =	vst v63  }
0x9f: {  	s29 =	sadd.s32 $0xF10, s22;
	s22 =	sadd.s32 $0x10, s6;
	s2 =	simm.s32 $0x0;
	vm4 =	vmor vm6, vm5;
	v6 =	vsel vm5, v8, v10;
	v7 =	vshift.insert v7, v0, s21  }
.LBB2_7:
0xa0: {  	v8 =	vld [tilespmem:s22+$0x0];
	s30 =	sadd.s32 $0x10, s30  }
0xa1: {  	s31 =	sadd.s32 $0x10, s31;
	v9 =	vld [tilespmem:s30+$0x0]  }
0xa2: {  	s2 =	sadd.s32 $0x10, s2;
	v10 =	vld [tilespmem:s31+$0x0]  }
0xa3: {  	p2 =	slt.u32 s2, $0x180;
	_ =	sdelay $0x2  }
0xa4: {  	v7 =	vadd.f32 v9, v7  }
0xa5: {  	vm5 =	vne.s32 v8, $0xFFFFFFFF  }
0xa6: {  	vm6 =	vmand vm5, vm3;
	(xrf2) =	vadd.seg.scan.f32 vm5, v7;
	_ =	sdelay $0x5  }
0xa7: {  	vm7 =	veq.s32 v8, v5;
	vm5 =	veq.s32 v8, v3  }
0xa8: {  	vm8 =	vgt.u32 v8, $0xFFFFFFFD;
	vm4 =	vmor vm4, vm5;
	vm7 =	vmor vm7, vm5  }
0xa9: {  	vm7 =	vmor vm7, vm8  }
0xaa: {  	v8 =	vsel vm7, $0xFFFFFFFF, v8  }
.Ltmp5:
0xab: {  	v7 =	vsel vm5, $0x0, v10;
	v9, _, _ =	vpop (xrf2);
	(pc) =	sbr.rel @p2 .LBB2_7-.Ltmp5, $4  }
0xac: {  	v6 =	vsel vm5, v9, v6;
	v10 =	vadd.f32 v9, v7;
	v7 =	vsel vm6, $0x0, v9  }
0xad: {  	s0 =	sadd.s32 $0x10, s0;
	v7 =	vshift.insert v7, v0, s21  }
0xae: {  	s22 =	sadd.s32 $0x10, s22;
	[tilespmem:s0+$0x0] =	vst v10;
	(ifvalue) =	ssetifvalue $0xFFFFFFFF  }
0xaf: {  	[hbm4b:s1+s16] =	stream.indirect_vreg.scatter [tilespmem:s0], [sflag:$0x2], $0x1, v8, vm0, $0x4038;
	[tilespmem:$0xF30] =	vst v63  }
0xb0: {  	v3 =	vld [tilespmem:s28+$0xD70];
	_ =	sdelay $0x4  }
0xb1: {  	v3 =	vshift.insert v3, v0, s21  }
0xb2: {  	s0 =	simm.s32 $0x30  }
0xb3: {  	[tilespmem:s0+$0x0] =	vst.msk $0x1, v3  }
0xb4: {  	v3 =	vsel vm4, $0x1, v1;
	[tilespmem:$0x90] =	vst v6  }
0xb5: {  	s0 =	sadd.s32 @!p1 $0xD7F, s28;
	[tilespmem:$0xA0] =	vst v3  }
0xb6: {  	[spmem:s14] =	stream.linear.scatter @!p1 [tilespmem:s0], [sflag:$0x1], $0x1, $0x38;
	[tilespmem:$0xF30] =	vst v63  }
0xb7: {  	s0 =	simm.s32 @!p1 $0x1  }
0xb8: {  	v3 =	vmctz.xlane @!p1 vm4;
	_ =	swait.ge @!p1 [sflag:s0], $0x1  }
0xb9: {  	(v2sf) =	vpush @!p1 v4, $0x0  }
0xba: {  	(v2sf) =	vpush @!p1 v3, $0x0;
	_ =	sdelay $0xd  }
0xbb: {  	s2 =	spop @!p1 (v2sf)  }
0xbc: {  	s6 =	spop @!p1 (v2sf)  }
0xbd: {  	p2 =	sne.s32 @!p1 s26, s2;
	p3 =	slt.s32 @!p1 s6, $0xF  }
0xbe: {  	[sflag:s0] =	ssyncset.done @!p1 $0x0;
	p2 =	por p2, p1;
	p3 =	por !p3, p1  }
0xbf: {  	[sflag:s0] =	ssyncadd.s32 @!p1 $0xFFFFFFFF;
	v3 =	vimm.s32 @!p2 $0xFFFFFFFF;
	s6 =	simm.s32 @p3 $0xF  }
0xc0: {  	[tilespmem:$0x80] =	vst @!p2 v3;
	s2 =	sadd.s32 @!p1 $0x90, s6  }
0xc1: {  	[spmem:s10] =	stream.linear.scatter @!p1 [tilespmem:s2], [sflag:$0x1], $0x1, $0x38;
	[tilespmem:$0xF30] =	vst v63  }
0xc2: {  	_ =	swait.ge @!p1 [sflag:s0], $0x1  }
0xc3: {  	[sflag:s0] =	ssyncset.done @!p1 $0x0  }
0xc4: {  	s2 =	simm.s32 @!p1 $0x80;
	[sflag:s0] =	ssyncadd.s32 @!p1 $0xFFFFFFFF  }
0xc5: {  	[spmem:s15] =	stream.linear.scatter @!p1 [tilespmem:s2], [sflag:$0x1], $0x1, $0x38;
	[tilespmem:$0xF30] =	vst v63  }
0xc6: {  	_ =	swait.ge @!p1 [sflag:s0], $0x1  }
0xc7: {  	[sflag:s0] =	ssyncset.done @!p1 $0x0  }
0xc8: {  	[sflag:s0] =	ssyncadd.s32 @!p1 $0xFFFFFFFF;
	(ifvalue) =	ssetifvalue $0xFFFFFFFF;
	v3 =	vld [tilespmem:s25+$0x10];
	_ =	sdelay $0x3  }
.Ltmp6:
0xc9: {  	_ = 	snop;
	(pc) =	sbr.rel .LBB2_9-.Ltmp6, $3  }
0xca: {  	_ =	sdelay $0x1  }
0xcb: {  	(ifvalue) =	ssetifvalue $0xFFFFFFFF  }
0xcc: {  	[hbm4b:s1+s16] =	stream.indirect_vreg.scatter [tilespmem:s29], [sflag:$0x9], $0x1, v3, vm0, $0x4038;
	[tilespmem:$0xF30] =	vst v63  }
.LBB2_10:
0xcd: {  	_ =	sfence.sel $0x180000  }
0xce: {  	s0 =	simm.s32 $0x7;
	[bflag:$0x0] =	sbarrier.arrive $0xFFFF  }
0xcf: {  	s26 =	simm.s32 $0x8;
	[sflag:s0] =	ssyncpa.u1 $0x1  }
0xd0: {  	s28 =	simm.s32 $0x9;
	[sflag:s26] =	ssyncpa.u1 $0x1  }
0xd1: {  	[sflag:s28] =	ssyncpa.u1 $0x1  }
0xd2: {  	_ =	sfence.stream.spmem  }
0xd3: {  	s29 =	simm.s32 $0x3;
	[bflag:$0x0] =	sbarrier.arrive $0xFFFF  }
0xd4: {  	s30 =	simm.s32 $0x4;
	[sflag:s29] =	ssyncpa.u1 $0x1  }
0xd5: {  	s31 =	simm.s32 $0x3C;
	s2 =	stileid.u32;
	[sflag:s30] =	ssyncpa.u1 $0x1  }
0xd6: {  	p0 =	sne.s32 s2, $0x0;
	[sflag:s31] =	ssyncpa.u1 $0x1  }
0xd7: {  	s0 =	simm.s32 @p0 $0x1;
	_ =	sfence @p0  }
0xd8: {  	[sflag:s0] =	ssyncpa.u1 @p0 $0x1;
	s0 =	simm.s32 @p0 $0x2  }
0xd9: {  	[sflag:s0] =	ssyncpa.u1 @p0 $0x1  }
0xda: {  	_ =	strace @p0 $0x90000053  }
0xdb: {  	[bflag:$0x2] =	sbarrier.arrive @p0 $0xFFFF  }
0xdc: {  	_ =	shalt @p0  }
.LBB2_11:
0xdd: {  	_ =	sfence.stream.spmem;
	s0 =	simm.s32 $0x5  }
0xde: {  	s2 =	simm.s32 $0x80;
	s3 =	simm.s32 $0xC0;
	[sflag:s0] =	ssyncpa.u1 $0x0  }
0xdf: {  	[tilespmem:s3], [sflag:$0x5] =	stream.linear.gather [spmem:s2], $0x20, $0x38;
	[tilespmem:$0xF30] =	vst v63  }
0xe0: {  	s2 =	simm.s32 $0x0;
	s3 =	simm.s32 $0xE0  }
0xe1: {  	[tilespmem:s3], [sflag:$0x5] =	stream.linear.gather [spmem:s2], $0x20, $0x38;
	[tilespmem:$0xF30] =	vst v63  }
.Ltmp7:
0xe2: {  	_ = 	snop;
	(pc) =	sbr.rel .LBB2_12-.Ltmp7, $4  }
0xe3: {  	_ =	swait.ge [sflag:s0], $0x40  }
0xe4: {  	[sflag:s0] =	ssyncset.done $0x0  }
0xe5: {  	s31 =	simm.s32 $0x6;
	[sflag:s0] =	ssyncadd.s32 $0xFFFFFFC0  }
0xe6: {  	s4 =	simm.s32 $0x0;
	[sflag:s31] =	ssyncpa.u1 $0x0  }
.LBB2_17:
0xe7: {  	p0 =	sgt.u32 s5, $0x7F  }
0xe8: {  	s0 =	sshrl.u32 @!p0 s5, $0x3  }
0xe9: {  	s5 =	sand.u32 @!p0 $0x7, s5;
	s6 =	simm.s32 @!p0 $0xB0;
	s0 =	sadd.s32 @!p0 s1, s0  }
0xea: {  	[tilespmem:s6], [sflag:$0x6] =	stream.linear.gather @!p0 [hbm4b:s0+s5], $0x1, $0x38;
	[tilespmem:$0xF30] =	vst v63  }
0xeb: {  	s0 =	simm.s32 @!p0 $0x6  }
0xec: {  	_ =	swait.ge @!p0 [sflag:s0], $0x1  }
0xed: {  	[sflag:s0] =	ssyncset.done @!p0 $0x0  }
0xee: {  	[sflag:s0] =	ssyncadd.s32 @!p0 $0xFFFFFFFF  }
0xef: {  	v2 =	vmov @!p0 s4;
	v1 =	vld.msk @!p0 [tilespmem:$0xB0], $0x1;
	_ =	sdelay $0x3  }
0xf0: {  	s0 =	simm.s32 @!p0 $0xE0  }
0xf1: {  	[tilespmem:v2+s0+$0x0], v1 =	vst.idx.ret.add.f32.msk @!p0 $0x1, v1  }
0xf2: {  	[tilespmem:s2+$0xC0] =	vst.msk $0x1, v0  }
0xf3: {  	v0 =	vld.msk [tilespmem:s4+$0xE0], $0x1;
	_ =	sdelay $0x4  }
0xf4: {  	[tilespmem:s2+$0xE0] =	vst.msk $0x1, v0;
	s2 =	sadd.s32 $0x1, s2  }
.LBB2_19:
0xf5: {  	s4 =	sadd.s32 $0x1, s4  }
0xf6: {  	p0 =	sne.s32 s4, $0x20  }
.Ltmp8:
0xf7: {  	_ = 	snop;
	(pc) =	sbr.rel @!p0 .LBB2_20-.Ltmp8, $1  }
0xf8: {  	_ =	sdelay $0x3  }
.LBB2_12:
0xf9: {  	v0 =	vld.msk [tilespmem:s4+$0xC0], $0x1;
	_ =	sdelay $0x4  }
0xfa: {  	(v2sf) =	vpush v0, $0x0;
	_ =	sdelay $0xe  }
0xfb: {  	s5 =	spop (v2sf)  }
0xfc: {  	p0 =	seq.s32 s5, $0xFFFFFFFF  }
.Ltmp9:
0xfd: {  	_ = 	snop;
	(pc) =	sbr.rel @p0 .LBB2_19-.Ltmp9, $1  }
0xfe: {  	_ =	sdelay $0x3  }
0xff: {  	p0 =	slt.s32 s2, $0x1  }
.Ltmp10:
0x100: {  	_ = 	snop;
	(pc) =	sbr.rel @p0 .LBB2_17-.Ltmp10, $1  }
0x101: {  	_ =	sdelay $0x3  }
0x102: {  	s0 =	simm.s32 $0xC0;
	p0 =	por $0x0, $0x0  }
0x103: {  	v1 =	vld.msk @!p0 [tilespmem:s0+$0x0], $0x1;
	_ =	sdelay $0x4  }
0x104: {  	(v2sf) =	vpush @!p0 v1, $0x0;
	_ =	sdelay $0xd  }
0x105: {  	p2 =	sne.s32 s2, $0x1  }
.Ltmp11:
0x106: {  	s6 =	spop @!p0 (v2sf);
	(pc) =	sbr.rel @!p2 .LBB2_16-.Ltmp11, $4  }
0x107: {  	p1 =	seq.s32 @!p0 s5, s6  }
0x108: {  	s6 =	simm.s32 $0x0;
	p1 =	por !p1, p0  }
0x109: {  	s8 =	simm.s32 $0xFFFFFFFF;
	s6 =	simm.s32 @p1 $0xFFFFFFFF  }
0x10a: {  	s7 =	simm.s32 $0x1;
	s6 =	smov.u32 @p0 s8  }
.LBB2_15:
0x10b: {  	s8 =	smov.u32 s6;
	p0 =	sne.s32 s6, $0xFFFFFFFF  }
0x10c: {  	s0 =	sadd.s32 $0x1, s0;
	s6 =	smov.u32 s7;
	s7 =	sadd.s32 $0x1, s7  }
0x10d: {  	p1 =	sne.s32 s2, s7;
	v1 =	vld.msk @!p0 [tilespmem:s0+$0x0], $0x1;
	_ =	sdelay $0x4  }
0x10e: {  	(v2sf) =	vpush @!p0 v1, $0x0;
	_ =	sdelay $0xe  }
.Ltmp12:
0x10f: {  	s9 =	spop @!p0 (v2sf);
	(pc) =	sbr.rel @p1 .LBB2_15-.Ltmp12, $4  }
0x110: {  	p2 =	seq.s32 @!p0 s5, s9  }
0x111: {  	p2 =	por !p2, p0  }
0x112: {  	s6 =	simm.s32 @p2 $0xFFFFFFFF  }
0x113: {  	s6 =	smov.u32 @p0 s8  }
.LBB2_16:
0x114: {  	p0 =	sne.s32 s6, $0xFFFFFFFF  }
.Ltmp13:
0x115: {  	_ = 	snop;
	(pc) =	sbr.rel @!p0 .LBB2_17-.Ltmp13, $1  }
0x116: {  	_ =	sdelay $0x3  }
0x117: {  	v0 =	vld.msk [tilespmem:s4+$0xE0], $0x1;
	v1 =	vmov s6  }
.Ltmp14:
0x118: {  	_ = 	snop;
	(pc) =	sbr.rel .LBB2_19-.Ltmp14, $2  }
0x119: {  	_ =	sdelay $0x2  }
0x11a: {  	[tilespmem:v1+s3+$0x0], v0 =	vst.idx.ret.add.f32.msk $0x1, v0  }
.LBB2_20:
0x11b: {  	p0 =	slt.s32 s2, $0x1  }
.Ltmp15:
0x11c: {  	_ = 	snop;
	(pc) =	sbr.rel @p0 .LBB2_24-.Ltmp15, $3  }
0x11d: {  	_ =	sdelay $0x1  }
0x11e: {  	s0 =	simm.s32 $0x6  }
0x11f: {  	s3 =	simm.s32 $0x0;
	[sflag:s0] =	ssyncpa.u1 $0x1  }
0x120: {  	s0 =	simm.s32 $0xC0  }
0x121: {  	v0 =	vld.msk [tilespmem:s0+$0x0], $0x1;
	_ =	sdelay $0x4  }
0x122: {  	(v2sf) =	vpush v0, $0x0;
	_ =	sdelay $0xe  }
0x123: {  	s2 =	sadd.s32 $0xFFFFFFFF, s2;
	s4 =	spop (v2sf)  }
0x124: {  	p1 =	sne.s32 s2, $0x0;
	p0 =	sgt.u32 s4, $0x7F  }
.Ltmp16:
0x125: {  	s5 =	sshrl.u32 @!p0 s4, $0x3;
	(pc) =	sbr.rel @!p1 .LBB2_23-.Ltmp16, $4  }
0x126: {  	s0 =	simm.s32 $0xE0;
	s4 =	sand.u32 @!p0 $0x7, s4;
	s5 =	sadd.s32 @!p0 s1, s5  }
0x127: {  	[hbm4b:s5+s4] =	stream.linear.scatter @!p0 [tilespmem:s0], [sflag:$0x5], $0x1, $0x38;
	[tilespmem:$0xF30] =	vst v63  }
0x128: {  	s5 =	simm.s32 $0x0  }
0x129: {  	s4 =	simm.s32 $0xC1;
	s5 =	simm.s32 @!p0 $0x4  }
.LBB2_22:
0x12a: {  	v0 =	vld.msk [tilespmem:s4+$0x0], $0x1;
	s2 =	sadd.s32 $0xFFFFFFFF, s2;
	s3 =	sadd.s32 s3, s5  }
0x12b: {  	p0 =	sne.s32 s2, $0x0;
	_ =	sdelay $0x3  }
0x12c: {  	(v2sf) =	vpush v0, $0x0;
	_ =	sdelay $0xe  }
.Ltmp17:
0x12d: {  	s6 =	spop (v2sf);
	(pc) =	sbr.rel @p0 .LBB2_22-.Ltmp17, $4  }
0x12e: {  	s5 =	simm.s32 $0x0;
	p1 =	sgt.u32 s6, $0x7F  }
0x12f: {  	s0 =	sadd.s32 $0x1, s0;
	s5 =	simm.s32 @!p1 $0x4;
	s7 =	sshrl.u32 @!p1 s6, $0x3  }
0x130: {  	s4 =	sadd.s32 $0x1, s4;
	s6 =	sand.u32 @!p1 $0x7, s6;
	s7 =	sadd.s32 @!p1 s1, s7  }
0x131: {  	[hbm4b:s7+s6] =	stream.linear.scatter @!p1 [tilespmem:s0], [sflag:$0x5], $0x1, $0x38;
	[tilespmem:$0xF30] =	vst v63  }
.LBB2_23:
0x132: {  	s0 =	sadd.s32 s3, s5  }
0x133: {  	s3 =	sshrl.u32 s0, $0x2  }
.LBB2_24:
0x134: {  	s0 =	simm.s32 $0x5  }
0x135: {  	_ =	swait.ge [sflag:s0], s3  }
0x136: {  	s1 =	ssub.s32 $0x0, s3;
	[sflag:s0] =	ssyncset.done $0x0  }
0x137: {  	[sflag:s0] =	ssyncadd.s32 s1  }
0x138: {  	[sflag:s0] =	ssyncpa.u1 $0x1  }
0x139: {  	s29 =	simm.s32 $0x1;
	_ =	sfence  }
0x13a: {  	s30 =	simm.s32 $0x2;
	[sflag:s29] =	ssyncpa.u1 $0x1  }
0x13b: {  	[sflag:s30] =	ssyncpa.u1 $0x1  }
0x13c: {  	_ =	strace $0x90000053  }
0x13d: {  	[bflag:$0x2] =	sbarrier.arrive $0xFFFF  }
0x13e: {  	s31 =	rddreg [dreg:$0x2]  }
0x13f: {  	s0 =	sadd.s32 $0x100000, s31  }
0x140: {  	[sflag:s0] =	ssyncadd.tile.s32 $0x1;
	_ =	shalt  }
.Lfunc_end2:
_tile_overlayer_lowered:
.L_overlay_start_2:
0x141: {  	(tag) =	ssettag $0x2  }
0x142: {  	s0 =	rddreg [dreg:$0x0];
	s2 =	stileid.u32  }
0x143: {  	s1 =	rddreg [dreg:$0x1];
	p0 =	sne.s32 s2, $0x0  }
0x144: {  	s3 =	rddreg [dreg:$0x2];
	[bflag:$0x3] =	sbarrier.arrive $0xFFFF;
	s2 =	simm.s32 @!p0 $0x1C01  }
0x145: {  	[timem:s3], [sflag:s2] =	dma.local @!p0 [hbm:s0], s1  }
0x146: {  	s0 =	simm.s32 @!p0 $0x1  }
0x147: {  	_ =	swait.ge @!p0 [sflag:s0], s1  }
0x148: {  	s1 =	ssub.s32 @!p0 $0x0, s1;
	[sflag:s0] =	ssyncset.done @!p0 $0x0  }
0x149: {  	[sflag:s0] =	ssyncadd.s32 @!p0 s1  }
0x14a: {  	[bflag:$0x3] =	sbarrier.arrive $0xFFFF  }
0x14b: {  	_ =	shalt  }

// kernel: scatter_offload_async_start
scs
__scs_entry_jumppad:
0x0: {  	(pc) =	sbr.rel $0x88, $3  }
0x1: {  	(tag) =	ssettag $0x0;
	lr =	simm.s32 $0x1  }
0x2: {  	[smem:$0x3F8E] =	sst lr;
	_ =	strace $0xD0000000  }
0x3: {  	_ = 	snop  }
0x4: {  	_ = 	snop  }
0x5: {  	_ = 	snop  }
0x6: {  	_ = 	snop  }
0x7: {  	_ = 	snop  }
__scs_overlays_trampoline_lowered:
0x8: {  	[smem:$0x3F9D] =	sst s0  }
0x9: {  	[smem:$0x3F9E] =	sst s1  }
0xa: {  	[smem:$0x3F9F] =	sst s2  }
0xb: {  	[smem:$0x3FA0] =	sst s3  }
0xc: {  	[smem:$0x3FA1] =	sst s4  }
0xd: {  	[smem:$0x3FA2] =	sst s5  }
0xe: {  	[smem:$0x3FA3] =	sst s6  }
0xf: {  	[smem:$0x3FA4] =	sst s7  }
0x10: {  	[smem:$0x3FA5] =	sst s8  }
0x11: {  	[smem:$0x3FA6] =	sst s9;
	s0 =	simm.s32 @!p0 $0x0  }
0x12: {  	s1 =	sld [smem:$0x3F8C];
	s0 =	simm.s32 @p0 $0x1  }
0x13: {  	[smem:$0x3FA7] =	sst s0;
	s0 =	simm.s32 @!p1 $0x0  }
0x14: {  	s2 =	sld [smem:$0x3F8B];
	s0 =	simm.s32 @p1 $0x1  }
0x15: {  	[smem:$0x3FA8] =	sst s0;
	s0 =	simm.s32 @!p2 $0x0  }
0x16: {  	s3 =	sld [smem:$0x3FDB];
	s0 =	simm.s32 @p2 $0x1  }
0x17: {  	s4 =	simm.s32 $0x1BF5;
	[smem:$0x3FAA] =	sst s0  }
0x18: {  	s0 =	sld [smem:$0x3F8D];
	_ =	swait.ge [sflag:s4], $0x0  }
0x19: {  	s7 =	sld [smem:$0x3F8E]  }
0x1a: {  	s8 =	sadd.s32 $0xFFFFE003, lr  }
0x1b: {  	s9 =	sadd.s32 $0xFFFFFEF7, lr;
	s5 =	simm.s32 $0xFFFFFFFF;
	p2 =	slt.u32 s8, $0xFFFFF086  }
0x1c: {  	p1 =	slt.u32 s9, $0xF7A;
	s5 =	simm.s32 @!p2 $0x0  }
0x1d: {  	s5 =	simm.s32 @p1 $0x1;
	p0 =	seq.s32 s7, s2  }
0x1e: {  	s7 =	smul.u32 @!p0 $0xF7A, s2;
	p2 =	seq.s32 @!p0 s5, $0x0  }
0x1f: {  	s9 =	smul.u32 $0xF7A, s1;
	s8 =	simm.s32 @!p0 $0x1BF5;
	p2 =	por !p2, p0  }
0x20: {  	[sflag:s8] =	ssyncset.s32 @!p0 $0xFFFFF086;
	s6 =	sadd.s32 @!p0 s3, s7;
	s7 =	simm.s32 @!p0 $0x108  }
0x21: {  	s3 =	sadd.s32 s3, s9;
	s6 =	sadd.s32 @!p0 $0x88, s6;
	s7 =	simm.s32 @p2 $0x1082  }
0x22: {  	[simem:s7], [sflag:s8] =	dma.local @!p0 [hbm:s6], $0xF7A  }
0x23: {  	s9 =	sor.u32 $0xD0000000, s2;
	s6 =	simm.s32 $0x108;
	_ =	swait.ge @!p0 [sflag:s8], $0x0  }
0x24: {  	s3 =	sadd.s32 $0x88, s3;
	s6 =	simm.s32 @!p1 $0x1082;
	[sflag:s4] =	ssyncset.s32 $0xFFFFF086  }
0x25: {  	[simem:s6], [sflag:s4] =	dma.local [hbm:s3], $0xF7A  }
0x26: {  	[smem:$0x3F8E] =	sst s1;
	(tag) =	ssettag s2;
	_ =	strace s9  }
0x27: {  	s1 =	sld [smem:$0x3F9E]  }
0x28: {  	s2 =	sld [smem:$0x3F9F]  }
0x29: {  	s4 =	sld [smem:$0x3FA1]  }
0x2a: {  	p0 =	seq.s32 s5, $0x0;
	s5 =	sld [smem:$0x3FA2]  }
0x2b: {  	s6 =	sld [smem:$0x3FA3]  }
0x2c: {  	s7 =	sld [smem:$0x3FA4]  }
0x2d: {  	s3 =	simm.s32 $0x108;
	s8 =	sld [smem:$0x3FA5]  }
0x2e: {  	s3 =	simm.s32 @!p0 $0x1082;
	s9 =	sld [smem:$0x3FA6]  }
0x2f: {  	lr =	sadd.s32 s0, s3;
	s0 =	sld [smem:$0x3F9D]  }
0x30: {  	s3 =	sld [smem:$0x3FA0]  }
0x31: {  	[smem:$0x3FA9] =	sst s10  }
0x32: {  	s10 =	sld [smem:$0x3FA7];
	_ =	sdelay $0x3  }
0x33: {  	p0 =	seq.s32 s10, $0x1;
	s10 =	sld [smem:$0x3FA9];
	_ =	sdelay $0x3  }
0x34: {  	[smem:$0x3FA9] =	sst s10  }
0x35: {  	s10 =	sld [smem:$0x3FA8];
	_ =	sdelay $0x3  }
0x36: {  	p1 =	seq.s32 s10, $0x1;
	s10 =	sld [smem:$0x3FA9];
	_ =	sdelay $0x3  }
0x37: {  	[smem:$0x3FA9] =	sst s10  }
0x38: {  	s10 =	sld [smem:$0x3FAA]  }
0x39: {  	_ = 	snop;
	(pc) =	sbr.ind lr, $3  }
0x3a: {  	_ = 	snop  }
0x3b: {  	_ = 	snop  }
0x3c: {  	p2 =	seq.s32 s10, $0x1;
	s10 =	sld [smem:$0x3FA9]  }
0x3d: {  	_ =	shalt  }
0x3e: {  	_ =	shalt  }
0x3f: {  	_ =	shalt  }
0x40: {  	_ =	shalt  }
0x41: {  	_ =	shalt  }
0x42: {  	_ =	shalt  }
0x43: {  	_ =	shalt  }
0x44: {  	_ =	shalt  }
0x45: {  	_ =	shalt  }
0x46: {  	_ =	shalt  }
0x47: {  	_ =	shalt  }
0x48: {  	_ =	shalt  }
0x49: {  	_ =	shalt  }
0x4a: {  	_ =	shalt  }
0x4b: {  	_ =	shalt  }
0x4c: {  	_ =	shalt  }
0x4d: {  	_ =	shalt  }
0x4e: {  	_ =	shalt  }
0x4f: {  	_ =	shalt  }
0x50: {  	_ =	shalt  }
0x51: {  	_ =	shalt  }
0x52: {  	_ =	shalt  }
0x53: {  	_ =	shalt  }
0x54: {  	_ =	shalt  }
0x55: {  	_ =	shalt  }
0x56: {  	_ =	shalt  }
0x57: {  	_ =	shalt  }
0x58: {  	_ =	shalt  }
0x59: {  	_ =	shalt  }
0x5a: {  	_ =	shalt  }
0x5b: {  	_ =	shalt  }
0x5c: {  	_ =	shalt  }
0x5d: {  	_ =	shalt  }
0x5e: {  	_ =	shalt  }
0x5f: {  	_ =	shalt  }
0x60: {  	_ =	shalt  }
0x61: {  	_ =	shalt  }
0x62: {  	_ =	shalt  }
0x63: {  	_ =	shalt  }
0x64: {  	_ =	shalt  }
0x65: {  	_ =	shalt  }
0x66: {  	_ =	shalt  }
0x67: {  	_ =	shalt  }
0x68: {  	_ =	shalt  }
0x69: {  	_ =	shalt  }
0x6a: {  	_ =	shalt  }
0x6b: {  	_ =	shalt  }
0x6c: {  	_ =	shalt  }
0x6d: {  	_ =	shalt  }
0x6e: {  	_ =	shalt  }
0x6f: {  	_ =	shalt  }
0x70: {  	_ =	shalt  }
0x71: {  	_ =	shalt  }
0x72: {  	_ =	shalt  }
0x73: {  	_ =	shalt  }
0x74: {  	_ =	shalt  }
0x75: {  	_ =	shalt  }
0x76: {  	_ =	shalt  }
0x77: {  	_ =	shalt  }
0x78: {  	_ =	shalt  }
0x79: {  	_ =	shalt  }
0x7a: {  	_ =	shalt  }
0x7b: {  	_ =	shalt  }
0x7c: {  	_ =	shalt  }
0x7d: {  	_ =	shalt  }
0x7e: {  	_ =	shalt  }
0x7f: {  	_ =	shalt  }
0x80: {  	_ =	shalt  }
0x81: {  	_ =	shalt  }
0x82: {  	_ =	shalt  }
0x83: {  	_ =	shalt  }
0x84: {  	_ =	shalt  }
0x85: {  	_ =	shalt  }
0x86: {  	_ =	shalt  }
0x87: {  	_ =	shalt  }
.Lfunc_end0:
.L_simem_size_0:
called_computation_lowered:
.L_overlay_start_0:
0x88: {  	s0 =	sld [smem:$0x3FD9]  }
0x89: {  	s1 =	sld [smem:$0x3FFE];
	_ =	sdelay $0x3  }
0x8a: {  	s0 =	sadd.s32 s1, s0  }
0x8b: {  	[smem:$0x3FB5] =	sst s0  }
0x8c: {  	_ = 	snop  }
0x8d: {  	(tm) =	ssettm $0x1  }
0x8e: {  	s15 =	sld [smem:$0x3FFB];
	_ =	sdelay $0x3  }
0x8f: {  	_ =	strace s15  }
0x90: {  	s0 =	sld [smem:$0x3FFC];
	_ =	sdelay $0x3  }
0x91: {  	_ =	strace s0  }
0x92: {  	s0 =	sld [smem:$0x3FFD];
	_ =	sdelay $0x3  }
0x93: {  	_ =	strace s0  }
0x94: {  	_ =	strace $0x8FFFFFFF  }
0x95: {  	s16 =	sld [smem:$0x3FDB];
	_ =	sdelay $0x1  }
0x96: {  	s17 =	simm.s32 $_scs_section_size  }
0x97: {  	s2 =	simm.s32 $_size__tile_overlayer_lowered;
	s3 =	simm.s32 $_tile_overlayer_lowered  }
0x98: {  	s20 =	simm.s32 $0x1BFF;
	s19 =	sshll.u32 s3, $0x1;
	s0 =	sadd.s32 s17, s16  }
0x99: {  	s4 =	simm.s32 $0x0;
	s18 =	sshll.u32 s2, $0x1;
	s2 =	sadd.s32 s19, s0  }
0x9a: {  	[timem:s4], [sflag:s20] =	dma.local [hbm:s2], s18  }
0x9b: {  	_ =	swait.ge [sflag:s20], s18  }
0x9c: {  	s1 =	ssub.s32 $0x0, s18;
	[sflag:s20] =	ssyncset.done $0x0  }
0x9d: {  	[sflag:s20] =	ssyncadd.s32 s1;
	_ =	sdelay $0x1  }
0x9e: {  	s21 =	simm.s32 $0x1B8B  }
0x9f: {  	_ =	swait.ge [sflag:s21], $0x1  }
0xa0: {  	[sflag:s21] =	ssyncset.done $0x0  }
0xa1: {  	s23 =	simm.s32 $0x1B8E;
	s22 =	sld [smem:$0x3FFE];
	[sflag:s21] =	ssyncadd.s32 $0xFFFFFFFF  }
0xa2: {  	s24 =	simm.s32 $execute0_lowered;
	[smem:$0x3FD2] =	sst s23  }
0xa3: {  	s2 =	sshll.u32 s24, $0x1;
	_ =	strace $0x8000005E;
	[dreg:$0x1] =	wrdreg $0xFFFFFFFF  }
0xa4: {  	s25 =	simm.s32 $_size_execute0_lowered;
	s0 =	sadd.s32 s0, s2;
	[dreg:$0x0] =	wrdreg $0x0  }
0xa5: {  	s2 =	sshll.u32 s25, $0x1;
	[dreg:$0x2] =	wrdreg s0  }
0xa6: {  	[dreg:$0x3] =	wrdreg s2  }
0xa7: {  	[dreg:$0x4] =	wrdreg $0xC0  }
0xa8: {  	_ =	task [dreg:s4], $0x5FFFF  }
0xa9: {  	[dreg:$0x1] =	wrdreg $0xFFFFFFFF  }
0xaa: {  	[dreg:$0x0] =	wrdreg $0x60  }
0xab: {  	[dreg:$0x2] =	wrdreg s22  }
0xac: {  	[dreg:$0x3] =	wrdreg $0x9  }
0xad: {  	_ =	task.clear_ibuf [dreg:s4], $0x4FFFF;
	_ =	strace $0x9000005E  }
0xae: {  	s26 =	simm.s32 $0x9;
	_ =	strace $0x80000060  }
0xaf: {  	_ =	swait.ge [sflag:s26], $0x1  }
0xb0: {  	[sflag:s26] =	ssyncadd.s32 $0xFFFFFFFF  }
0xb1: {  	_ =	strace $0x90000060  }
0xb2: {  	_ =	sfence  }
0xb3: {  	s28 =	sld [smem:$0x0];
	_ =	sdelay $0x1  }
0xb4: {  	s29 =	srdreg.scid  }
0xb5: {  	s30 =	sshll.u32 s29, $0xD;
	s31 =	sshrl.u32 s29, $0x2  }
0xb6: {  	s1 =	sand.u32 $0x1, s29;
	s2 =	sand.u32 $0x4000, s30;
	s0 =	sadd.s32 s31, s28  }
0xb7: {  	s1 =	sor.u32 s2, s1;
	s0 =	sshll.u32 s0, $0x11  }
0xb8: {  	s0 =	sor.u32 s0, s1  }
0xb9: {  	s0 =	sadd.s32 $0x8F2B, s0  }
0xba: {  	[sflag:s0] =	ssyncadd.remote.s32 $0x1  }
0xbb: {  	_ =	sfence.sel $0xFFFF  }
0xbc: {  	[dreg:$0x0] =	wrdreg $0xFFFFFFFF;
	(pc) =	sbr.abs _section_cstart, $3  }
0xbd: {  	[dreg:$0x1] =	wrdreg $0xFFFFFFFF  }
0xbe: {  	_ =	task.clear_ibuf [dreg:s4], $0x2FFFF;
	_ =	strace $0x9FFFFFFF  }
0xbf: {  	(tm) =	ssettm $0x7FFFFFFF  }
tec
execute0_lowered:
.L_overlay_start_1:
0x0: {  	(tag) =	ssettag $0x1  }
0x1: {  	s0 =	rddreg [dreg:$0x0];
	_ =	strace $0x8000005F;
	s1 =	simm.s32 $0x1  }
0x2: {  	s8 =	simm.s32 $0x208;
	v0 =	vimm.s32 $0x0;
	[sflag:s1] =	ssyncpa.u1 $0x0  }
0x3: {  	[tilespmem:s8+$0x70] =	vst v0  }
0x4: {  	[tilespmem:s8+$0x60] =	vst v0  }
0x5: {  	[tilespmem:s8+$0x50] =	vst v0  }
0x6: {  	[tilespmem:s8+$0x40] =	vst v0  }
0x7: {  	[tilespmem:s8+$0x30] =	vst v0  }
0x8: {  	s1 =	sadd.s32 $0x64800, s0;
	s10 =	sadd.s32 $0x67400, s0;
	[tilespmem:s8+$0x20] =	vst v0  }
0x9: {  	s4 =	sadd.s32 $0xB6C00, s0;
	s5 =	sadd.s32 $0x14C00, s0;
	s0 =	simm.s32 $0x40;
	[tilespmem:s8+$0x10] =	vst v0  }
.LBB2_1:
0xa: {  	s0 =	sadd.s32 $0x40, s0;
	[tilespmem:s8+$0x0] =	vst v0;
	s8 =	sadd.s32 $0x80, s8  }
0xb: {  	p0 =	slt.u32 s0, $0x3880;
	[tilespmem:s8+$0x70] =	vst v0  }
0xc: {  	[tilespmem:s8+$0x60] =	vst v0  }
.Ltmp0:
0xd: {  	[tilespmem:s8+$0x50] =	vst v0;
	(pc) =	sbr.rel @p0 .LBB2_1-.Ltmp0, $4  }
0xe: {  	[tilespmem:s8+$0x40] =	vst v0  }
0xf: {  	[tilespmem:s8+$0x30] =	vst v0  }
0x10: {  	[tilespmem:s8+$0x20] =	vst v0  }
0x11: {  	[tilespmem:s8+$0x10] =	vst v0  }
0x12: {  	s3 =	stileid.u32  }
0x13: {  	s0 =	smul.u32 $0x5, s3  }
0x14: {  	s2 =	smin.u32 s3, $0xA  }
0x15: {  	s0 =	sadd.s32 s2, s0  }
0x16: {  	p0 =	slt.u32 s3, $0xA;
	s6 =	smul.u32 $0x70, s0;
	s0 =	simm.s32 $0x2A0  }
0x17: {  	s0 =	simm.s32 @!p0 $0x230  }
0x18: {  	s0 =	sadd.s32 s0, s6  }
0x19: {  	s7 =	smin.u32 s0, $0x2710  }
0x1a: {  	s0 =	ssub.s32 s7, s6  }
0x1b: {  	p0 =	sgt.s32 s0, $0x0  }
0x1c: {  	s0 =	simm.s32 @!p0 $0x0  }
0x1d: {  	s26 =	sand.u32 $0xFFF0, s0  }
0x1e: {  	s28 =	simm.s32 $0x2;
	s2 =	sshrl.u32 s26, $0x4  }
0x1f: {  	s29 =	simm.s32 $0x7;
	s30 =	simm.s32 $0x8;
	s2 =	smul.u32 $0x2493, s2  }
0x20: {  	s31 =	simm.s32 $0x9;
	s11 =	simm.s32 $0x1;
	s21 =	simm.s32 $0x0  }
0x21: {  	p1 =	por $0x0, $0x0;
	s15 =	simm.s32 $0x80;
	s2 =	sshrl.u32 s2, $0x10  }
0x22: {  	s16 =	simm.s32 $0x400;
	s17 =	simm.s32 $0xA;
	s9 =	smul.u32 $0x70, s2  }
.Ltmp1:
0x23: {  	[tilespmem:s8+$0x0] =	vst v0;
	v0 =	vimm.s32 $0xFFFFFFFF;
	s18 =	simm.s32 $0x0;
	[sflag:s28] =	ssyncpa.u1 $0x0;
	(pc) =	sbr.rel .LBB2_3-.Ltmp1, $4  }
0x24: {  	[tilespmem:$0xE408] =	vst v0;
	[sflag:s29] =	ssyncpa.u1 $0x0;
	p0 =	sne.s32 s0, s9;
	s0 =	simm.s32 $0x1  }
0x25: {  	s20 =	simm.s32 $0x0;
	[sflag:s30] =	ssyncpa.u1 $0x0;
	s0 =	simm.s32 @!p0 $0x0  }
0x26: {  	s13 =	sshll.u32 s3, $0x9;
	[sflag:s31] =	ssyncpa.u1 $0x0;
	s12 =	sadd.s32 s2, s0  }
0x27: {  	v0 =	vlaneseq.u32;
	s19 =	smov.u32 s6;
	p0 =	por $0x1, $0x1;
	s14 =	sadd.s32 $0x1, s12  }
.LBB2_24:
0x28: {  	s0 =	sshrl.u32 s29, $0x2  }
.LBB2_26:
0x29: {  	_ =	swait.ge [sflag:s17], s0  }
0x2a: {  	s31 =	ssub.s32 $0x0, s0;
	v1 =	vmov s23;
	vm0 =	veq.s32 v0, $0x0;
	[sflag:s17] =	ssyncset.done $0x0  }
0x2b: {  	vm15 =	veq.s32 v0, $0x2;
	v1 =	vsel vm0, s28, v1;
	[sflag:s17] =	ssyncadd.s32 s31  }
0x2c: {  	v1 =	vsel vm15, s21, v1;
	[sflag:s17] =	ssyncpa.u1 $0x1  }
0x2d: {  	[tilespmem:$0xE408] =	vst v1  }
.LBB2_27:
0x2e: {  	s0 =	sadd.s32 $0x70, s19  }
0x2f: {  	s2 =	smov.u32 s6;
	p2 =	slt.s32 s0, s7  }
0x30: {  	s2 =	smov.u32 @p2 s0;
	p2 =	sne.s32 s20, s14  }
.Ltmp2:
0x31: {  	_ = 	snop;
	(pc) =	sbr.rel @!p2 .LBB2_28-.Ltmp2, $4  }
0x32: {  	_ = 	snop  }
0x33: {  	s21 =	smov.u32 s18  }
0x34: {  	s31 =	sadd.s32 $0x1, s20;
	s18 =	smov.u32 s19;
	p0 =	por !p0, !p0  }
0x35: {  	p1 =	por !p1, !p1;
	s20 =	smov.u32 s31;
	s19 =	smov.u32 s2  }
.LBB2_3:
0x36: {  	p2 =	sge.u32 s20, s12  }
0x37: {  	s0 =	smulhi.u32 @!p2 $0xAAAAAAAB, s20  }
0x38: {  	s2 =	smov.u32 s19;
	p3 =	sgt.s32 @!p2 s19, $0x26A0  }
0x39: {  	s8 =	sshra.s32 @!p2 s19, $0x1F;
	p3 =	por !p3, p2;
	s0 =	sshrl.u32 @!p2 s0, $0x1  }
0x3a: {  	s8 =	sand.u32 @!p2 s8, s19;
	s2 =	simm.s32 @p3 $0x26A0;
	s0 =	smul.u32 @!p2 $0x3, s0  }
0x3b: {  	s2 =	ssub.s32 @!p2 s2, s8  }
0x3c: {  	s2 =	sadd.s32 @!p2 $0xFFFFD960, s2;
	s0 =	ssub.s32 @!p2 s20, s0  }
0x3d: {  	s8 =	sshll.u32 @!p2 s2, $0x2;
	p3 =	sgt.s32 @!p2 s2, $0x6F;
	s0 =	smul.u32 @!p2 $0x1C0, s0  }
0x3e: {  	s9 =	sand.u32 @!p2 $0x7, s19;
	s2 =	ssub.s32 @!p2 $0x1C0, s8;
	p3 =	por !p3, p2  }
0x3f: {  	s8 =	sshrl.u32 @!p2 s19, $0x3;
	s2 =	sshrl.u32 @!p2 s2, $0x2;
	s0 =	sshrl.u32 @!p2 s0, $0x2  }
0x40: {  	s8 =	sadd.s32 @!p2 s5, s8;
	s2 =	simm.s32 @!p3 $0x0;
	s0 =	sadd.s32 @!p2 $0x10438, s0  }
0x41: {  	[tilespmem:s0], [sflag:$0x8] =	stream.linear.gather @!p2 [hbm4b:s8+s9], s2, $0x38;
	[tilespmem:$0x1E668] =	vst v63  }
0x42: {  	s0 =	sadd.s32 $0xFFFFFFFF, s20  }
0x43: {  	p2 =	sge.u32 s0, s12  }
0x44: {  	p3 =	sgt.s32 @!p2 s18, $0x26A0  }
0x45: {  	s2 =	smov.u32 s18;
	s8 =	sshra.s32 @!p2 s18, $0x1F;
	p3 =	por !p3, p2  }
0x46: {  	s8 =	sand.u32 @!p2 s8, s18;
	s2 =	simm.s32 @p3 $0x26A0  }
0x47: {  	s2 =	ssub.s32 @!p2 s2, s8  }
0x48: {  	s2 =	sadd.s32 @!p2 $0xFFFFD960, s2  }
0x49: {  	s8 =	sshll.u32 @!p2 s2, $0x2  }
0x4a: {  	p3 =	sgt.s32 @!p2 s2, $0x6F;
	s2 =	ssub.s32 @!p2 $0x1C0, s8  }
0x4b: {  	p3 =	por !p3, p2;
	s2 =	sshrl.u32 @!p2 s2, $0x2  }
0x4c: {  	s9 =	simm.s32 @!p2 $0x8;
	s8 =	sand.u32 @!p2 $0x1, s0;
	s2 =	simm.s32 @!p3 $0x0  }
0x4d: {  	s8 =	smul.u32 @!p2 $0x1C0, s8;
	_ =	swait.ge @!p2 [sflag:s9], s2  }
0x4e: {  	s22 =	ssub.s32 @!p2 $0x0, s2;
	[sflag:s9] =	ssyncset.done @!p2 $0x0  }
0x4f: {  	s8 =	sshrl.u32 @!p2 s8, $0x2;
	[sflag:s9] =	ssyncadd.s32 @!p2 s22;
	s9 =	sshrl.u32 @!p2 s18, $0x3  }
0x50: {  	s8 =	sor.u32 @!p2 $0x10588, s8;
	s22 =	sand.u32 @!p2 $0x7, s18;
	s9 =	sadd.s32 @!p2 s10, s9  }
0x51: {  	[tilespmem:s8], [sflag:$0x9] =	stream.linear.gather @!p2 [hbm4b:s9+s22], s2, $0x38;
	[tilespmem:$0x1E668] =	vst v63  }
0x52: {  	s22 =	ssub.s32 @!p2 $0x2710, s18  }
0x53: {  	p3 =	slt.s32 @!p2 s22, $0x1  }
0x54: {  	p3 =	por p2, p3  }
.Ltmp3:
0x55: {  	_ = 	snop;
	(pc) =	sbr.rel @p3 .LBB2_9-.Ltmp3, $1  }
0x56: {  	_ =	sdelay $0x3  }
0x57: {  	s2 =	smulhi.u32 $0xAAAAAAAB, s0;
	_ =	sdelay $0x1  }
0x58: {  	s2 =	sshrl.u32 s2, $0x1  }
0x59: {  	s2 =	smul.u32 $0x3, s2;
	_ =	sdelay $0x1  }
0x5a: {  	s29 =	ssub.s32 s0, s2  }
0x5b: {  	s8 =	simm.s32 $0x1;
	s0 =	smul.u32 $0x1C0, s29  }
.Ltmp4:
0x5c: {  	s8 =	simm.s32 @!p0 $0x0;
	(pc) =	sbr.rel .LBB2_6-.Ltmp4, $4  }
0x5d: {  	s30 =	smul.u32 $0x1C000, s8  }
0x5e: {  	p3 =	slt.s32 @!p2 s22, $0x70;
	s0 =	sshrl.u32 s0, $0x2  }
0x5f: {  	p2 =	por !p3, p2;
	s2 =	sshrl.u32 s30, $0x2;
	s31 =	sadd.s32 $0x10438, s0  }
0x60: {  	s22 =	simm.s32 @p2 $0x70;
	s23 =	sor.u32 $0x10668, s2;
	s0 =	simm.s32 $0x0;
	v1 =	vmov s31  }
.LBB2_5:
0x61: {  	p2 =	sge.s32 s0, s22  }
.Ltmp5:
0x62: {  	_ = 	snop;
	(pc) =	sbr.rel @p2 .LBB2_9-.Ltmp5, $2  }
0x63: {  	_ =	sdelay $0x2  }
0x64: {  	s23 =	sadd.s32 $0x1000, s23  }
.LBB2_6:
0x65: {  	p2 =	sle.s32 s22, s0  }
.Ltmp6:
0x66: {  	_ = 	snop;
	(pc) =	sbr.rel @p2 .LBB2_5-.Ltmp6, $2  }
0x67: {  	_ =	sdelay $0x2  }
0x68: {  	s24 =	smov.u32 s0;
	s0 =	sadd.s32 $0x10, s0  }
0x69: {  	s2 =	ssub.s32 s22, s24  }
0x6a: {  	p2 =	slt.s32 s2, $0x10  }
0x6b: {  	s2 =	simm.s32 @!p2 $0x10  }
0x6c: {  	v2 =	vmov s2  }
0x6d: {  	vm0 =	vgt.s32 v2, v0;
	_ =	sdelay $0x5  }
0x6e: {  	v2 =	vld.idx.msk [tilespmem:v1+s24+$0x0 ss:$0x1], vm0;
	_ =	sdelay $0x2  }
0x6f: {  	p2 =	slt.s32 s0, s22;
	s2 =	smov.u32 s22  }
0x70: {  	s8 =	smov.u32 s23;
	s25 =	simm.s32 $0x0;
	s2 =	smov.u32 @p2 s0  }
.LBB2_8:
0x71: {  	(v2sf) =	vpush v2, s25;
	_ =	sdelay $0xe  }
0x72: {  	s25 =	sadd.s32 $0x1, s25;
	s9 =	spop (v2sf)  }
0x73: {  	s31 =	sadd.s32 s25, s24;
	s26 =	sshll.u32 s9, $0x8;
	s9 =	sshll.u32 s9, $0x7  }
0x74: {  	p2 =	slt.s32 s31, s2;
	s26 =	sand.u32 $0xFFFFF800, s26;
	s9 =	sand.u32 $0x380, s9  }
.Ltmp7:
0x75: {  	s9 =	sor.u32 s9, s26;
	(pc) =	sbr.rel @p2 .LBB2_8-.Ltmp7, $4  }
0x76: {  	s9 =	sshrl.u32 s9, $0x3  }
0x77: {  	s9 =	sadd.s32 s4, s9  }
0x78: {  	[tilespmem:s8], [sflag:$0x7] =	stream.strided.gather [hbm4b:s9+s15], $0x100, s16, s15, $0x38;
	[tilespmem:$0x1E668] =	vst v63  }
0x79: {  	s8 =	sadd.s32 $0x100, s8  }
.Ltmp8:
0x7a: {  	_ = 	snop;
	(pc) =	sbr.rel .LBB2_5-.Ltmp8, $1  }
0x7b: {  	_ =	sdelay $0x3  }
.LBB2_9:
0x7c: {  	p2 =	slt.u32 s20, $0x2  }
.Ltmp9:
0x7d: {  	_ = 	snop;
	(pc) =	sbr.rel @p2 .LBB2_27-.Ltmp9, $1  }
0x7e: {  	_ =	sdelay $0x3  }
0x7f: {  	p2 =	sgt.s32 s21, $0x26A0;
	s0 =	smov.u32 s21  }
0x80: {  	s2 =	sshra.s32 s21, $0x1F;
	s8 =	ssub.s32 $0x2710, s21;
	s0 =	simm.s32 @!p2 $0x26A0  }
0x81: {  	s2 =	sand.u32 s2, s21;
	p2 =	slt.s32 s8, $0x70;
	s9 =	smov.u32 s8  }
0x82: {  	s0 =	ssub.s32 s0, s2;
	s9 =	simm.s32 @!p2 $0x70  }
0x83: {  	s0 =	sadd.s32 $0xFFFFD960, s0;
	s25 =	sshll.u32 s9, $0x8  }
0x84: {  	s3 =	simm.s32 $0x7;
	s26 =	sshll.u32 s0, $0x2;
	s2 =	sand.u32 $0x3FFFFF00, s25  }
0x85: {  	p2 =	sgt.s32 s0, $0x6F;
	s29 =	ssub.s32 $0x1C0, s26;
	_ =	swait.ge [sflag:s3], s2  }
0x86: {  	s2 =	ssub.s32 $0x0, s2;
	[sflag:s3] =	ssyncset.done $0x0;
	s0 =	sshrl.u32 s29, $0x2  }
0x87: {  	s30 =	simm.s32 $0x9;
	[sflag:s3] =	ssyncadd.s32 s2;
	s0 =	simm.s32 @p2 $0x0  }
0x88: {  	_ =	swait.ge [sflag:s30], s0  }
0x89: {  	s0 =	ssub.s32 $0x0, s0;
	[sflag:s30] =	ssyncset.done $0x0  }
0x8a: {  	[sflag:s30] =	ssyncadd.s32 s0  }
0x8b: {  	v1 =	vld [tilespmem:$0xE408];
	_ =	sdelay $0x4  }
0x8c: {  	(v2sf) =	vpush v1, $0x0  }
0x8d: {  	(v2sf) =	vpush v1, $0x1  }
0x8e: {  	(v2sf) =	vpush v1, $0x2;
	_ =	sdelay $0x3  }
0x8f: {  	s0 =	sadd.s32 $0x70, s21  }
0x90: {  	p2 =	slt.s32 s7, s0  }
0x91: {  	s0 =	smov.u32 @p2 s7;
	p2 =	sgt.s32 s8, $0x0  }
0x92: {  	s25 =	ssub.s32 s0, s21;
	s8 =	simm.s32 @!p2 $0x0  }
0x93: {  	p2 =	slt.s32 s8, s25  }
0x94: {  	s25 =	smov.u32 @p2 s8  }
0x95: {  	s24 =	simm.s32 $0x1;
	p2 =	slt.s32 s25, $0x1  }
.Ltmp10:
0x96: {  	s24 =	simm.s32 @!p1 $0x0;
	(pc) =	sbr.rel @p2 .LBB2_14-.Ltmp10, $4  }
0x97: {  	s31 =	smul.u32 $0x1C0, s24  }
0x98: {  	s26 =	spop (v2sf)  }
0x99: {  	s0 =	sshrl.u32 s31, $0x2;
	s28 =	spop (v2sf)  }
0x9a: {  	s22 =	sor.u32 $0x10588, s0;
	s21 =	spop (v2sf)  }
0x9b: {  	s0 =	smin.u32 s25, $0x10  }
0x9c: {  	v1 =	vmov s0  }
0x9d: {  	vm1 =	vgt.u32 v1, v0  }
0x9e: {  	p3 =	sgt.s32 s25, $0x10  }
.Ltmp11:
0x9f: {  	_ = 	snop;
	(pc) =	sbr.rel @!p3 .LBB2_13-.Ltmp11, $2  }
0xa0: {  	_ =	sdelay $0x2  }
0xa1: {  	s23 =	simm.s32 $0x10;
	s29 =	sadd.s32 $0xFFFFFFF0, s25;
	s0 =	smov.u32 s22;
	vm0 =	vmmov vm1;
	v1 =	vld.msk [tilespmem:s22+$0x0 ss:$0x1], vm1  }
.LBB2_12:
0xa2: {  	s2 =	smin.u32 s29, $0x10;
	s23 =	sadd.s32 $0x10, s23  }
0xa3: {  	v2 =	vmov s2;
	p3 =	slt.s32 s23, s25  }
0xa4: {  	vm1 =	vgt.u32 v2, v0;
	_ =	sdelay $0x1  }
0xa5: {  	v2 =	vshll.u32 v1, $0x5;
	v1 =	vshll.u32 v1, $0x4  }
.Ltmp12:
0xa6: {  	v2 =	vand.u32 $0xFFFFFF00, v2;
	v1 =	vand.u32 $0x70, v1;
	(pc) =	sbr.rel @p3 .LBB2_12-.Ltmp12, $4  }
0xa7: {  	v1 =	vor.u32 v1, v2  }
0xa8: {  	[tilespmem:s0+$0x0] =	vst.msk vm0, v1;
	s0 =	sadd.s32 $0x10, s0;
	vm0 =	vmmov vm1  }
0xa9: {  	v1 =	vld.msk [tilespmem:s0+$0x0 ss:$0x1], vm1  }
0xaa: {  	s29 =	sadd.s32 $0xFFFFFFF0, s29  }
.LBB2_13:
0xab: {  	_ =	sdelay $0x3  }
0xac: {  	v2 =	vshll.u32 v1, $0x5;
	v1 =	vshll.u32 v1, $0x4  }
0xad: {  	v2 =	vand.u32 $0xFFFFFF00, v2;
	v1 =	vand.u32 $0x70, v1  }
0xae: {  	v1 =	vor.u32 v1, v2  }
0xaf: {  	[tilespmem:s0+$0x0] =	vst.msk vm0, v1  }
.LBB2_14:
0xb0: {  	s0 =	sand.u32 $0x1, s20  }
0xb1: {  	s2 =	smul.u32 $0x7000, s0  }
0xb2: {  	p3 =	sne.s32 s28, $0xFFFFFFFF  }
0xb3: {  	v1 =	vld @!p3 [tilespmem:s2+$0x10668];
	_ =	sdelay $0x2  }
0xb4: {  	s0 =	smul.u32 $0x70, s0;
	_ =	sdelay $0x1  }
0xb5: {  	v2 =	vld.msk @!p3 [tilespmem:s0+$0x10588], $0x1;
	[tilespmem:$0x208] =	vst @!p3 v1  }
0xb6: {  	v1 =	vld @!p3 [tilespmem:s2+$0x10678];
	_ =	sdelay $0x4  }
0xb7: {  	[tilespmem:$0x218] =	vst @!p3 v1  }
0xb8: {  	v1 =	vld @!p3 [tilespmem:s2+$0x10688];
	_ =	sdelay $0x4  }
0xb9: {  	[tilespmem:$0x228] =	vst @!p3 v1  }
0xba: {  	v1 =	vld @!p3 [tilespmem:s2+$0x10698];
	_ =	sdelay $0x4  }
0xbb: {  	[tilespmem:$0x238] =	vst @!p3 v1  }
0xbc: {  	v1 =	vld @!p3 [tilespmem:s2+$0x106A8];
	_ =	sdelay $0x4  }
0xbd: {  	[tilespmem:$0x248] =	vst @!p3 v1  }
0xbe: {  	v1 =	vld @!p3 [tilespmem:s2+$0x106B8];
	_ =	sdelay $0x4  }
0xbf: {  	[tilespmem:$0x258] =	vst @!p3 v1  }
0xc0: {  	v1 =	vld @!p3 [tilespmem:s2+$0x106C8];
	_ =	sdelay $0x4  }
0xc1: {  	[tilespmem:$0x268] =	vst @!p3 v1  }
0xc2: {  	v1 =	vld @!p3 [tilespmem:s2+$0x106D8];
	_ =	sdelay $0x4  }
0xc3: {  	[tilespmem:$0x278] =	vst @!p3 v1  }
0xc4: {  	v1 =	vld @!p3 [tilespmem:s2+$0x106E8];
	_ =	sdelay $0x4  }
0xc5: {  	[tilespmem:$0x288] =	vst @!p3 v1  }
0xc6: {  	v1 =	vld @!p3 [tilespmem:s2+$0x106F8];
	_ =	sdelay $0x4  }
0xc7: {  	[tilespmem:$0x298] =	vst @!p3 v1  }
0xc8: {  	v1 =	vld @!p3 [tilespmem:s2+$0x10708];
	_ =	sdelay $0x4  }
0xc9: {  	[tilespmem:$0x2A8] =	vst @!p3 v1  }
0xca: {  	v1 =	vld @!p3 [tilespmem:s2+$0x10718];
	_ =	sdelay $0x4  }
0xcb: {  	[tilespmem:$0x2B8] =	vst @!p3 v1  }
0xcc: {  	v1 =	vld @!p3 [tilespmem:s2+$0x10728];
	_ =	sdelay $0x4  }
0xcd: {  	[tilespmem:$0x2C8] =	vst @!p3 v1  }
0xce: {  	(v2sf) =	vpush @!p3 v2, $0x0;
	v1 =	vld @!p3 [tilespmem:s2+$0x10738];
	_ =	sdelay $0x4  }
0xcf: {  	[tilespmem:$0x2D8] =	vst @!p3 v1  }
0xd0: {  	v1 =	vld @!p3 [tilespmem:s2+$0x10748];
	_ =	sdelay $0x4  }
0xd1: {  	[tilespmem:$0x2E8] =	vst @!p3 v1  }
0xd2: {  	v1 =	vld @!p3 [tilespmem:s2+$0x10758]  }
.Ltmp13:
0xd3: {  	_ = 	snop;
	(pc) =	sbr.rel @p2 .LBB2_25-.Ltmp13, $4  }
0xd4: {  	_ = 	snop  }
0xd5: {  	s30 =	spop @!p3 (v2sf)  }
0xd6: {  	s21 =	simm.s32 @!p3 $0x0;
	s23 =	smov.u32 s30  }
0xd7: {  	s30 =	smov.u32 @p3 s26;
	s23 =	smov.u32 @p3 s28;
	[tilespmem:$0x2F8] =	vst @!p3 v1;
	[sflag:s17] =	ssyncpa.u1 $0x0  }
0xd8: {  	v1 =	vld.msk [tilespmem:s22+$0x0], $0x1;
	_ =	sdelay $0x4  }
0xd9: {  	(v2sf) =	vpush v1, $0x0;
	_ =	sdelay $0xd  }
0xda: {  	s17 =	smov.u32 s6  }
0xdb: {  	s6 =	smov.u32 s14;
	s14 =	smov.u32 s5;
	s29 =	spop (v2sf)  }
0xdc: {  	s5 =	smov.u32 s10;
	s0 =	smul.u32 $0x1C000, s24;
	p2 =	seq.s32 s30, s29  }
0xdd: {  	s2 =	smov.u32 s30;
	s25 =	ssub.s32 $0x0, s25;
	p3 =	sgt.s32 @!p2 s30, $0x0  }
0xde: {  	s26 =	simm.s32 $0x0;
	s0 =	sshrl.u32 s0, $0x2;
	p3 =	por !p3, p2  }
0xdf: {  	s28 =	sadd.s32 $0x1, s25;
	s24 =	sor.u32 $0x106E8, s0;
	s2 =	simm.s32 @p3 $0x0  }
0xe0: {  	s0 =	simm.s32 @!p2 $0x1;
	p3 =	seq.s32 s28, $0x0;
	s2 =	smin.u32 @!p2 s2, $0x770  }
.Ltmp14:
0xe1: {  	s9 =	simm.s32 @!p2 $0x7308;
	s8 =	sand.u32 @!p2 $0x7F8, s2;
	(pc) =	sbr.rel @p3 .LBB2_17-.Ltmp14, $4  }
0xe2: {  	s31 =	sadd.s32 @!p2 $0x80, s2;
	s10 =	sadd.s32 @!p2 s1, s8;
	s8 =	sand.u32 @!p2 $0x7, s2  }
0xe3: {  	[tilespmem:s9], [sflag:$0x2] =	stream.linear.gather @!p2 [hbm4b:s10+s8], $0x80, $0x38;
	[tilespmem:$0x1E668] =	vst v63  }
0xe4: {  	s0 =	smov.u32 @p2 s26;
	s9 =	sand.u32 @!p2 $0xFF8, s31  }
0xe5: {  	s2 =	simm.s32 @!p2 $0x7388;
	s31 =	sadd.s32 $0x1, s22;
	s9 =	sadd.s32 @!p2 s1, s9  }
.LBB2_16:
0xe6: {  	s10 =	smov.u32 s0  }
0xe7: {  	[tilespmem:s2], [sflag:$0x2] =	stream.linear.gather @!p2 [hbm4b:s9+s8], $0x80, $0x38;
	[tilespmem:$0x1E668] =	vst v63  }
0xe8: {  	s28 =	sadd.s32 $0x1, s28;
	s8 =	smov.u32 s29;
	v1 =	vld.msk [tilespmem:s31+$0x0], $0x1  }
0xe9: {  	p3 =	seq.s32 s28, $0x0;
	_ =	sdelay $0x3  }
0xea: {  	(v2sf) =	vpush v1, $0x0;
	_ =	sdelay $0xe  }
0xeb: {  	s29 =	spop (v2sf)  }
0xec: {  	p2 =	seq.s32 s8, s29  }
0xed: {  	p4 =	sgt.s32 @!p2 s8, $0x0;
	s2 =	sshll.u32 @!p2 s0, $0xA;
	s0 =	sadd.s32 @!p2 $0x1, s0  }
0xee: {  	p4 =	por !p4, p2;
	s2 =	sshra.s32 @!p2 s2, $0x2;
	s0 =	smov.u32 @p2 s10  }
0xef: {  	s8 =	simm.s32 @p4 $0x0;
	s9 =	sadd.s32 @!p2 $0x7308, s2;
	s2 =	sadd.s32 @!p2 $0x7388, s2  }
.Ltmp15:
0xf0: {  	s8 =	smin.u32 @!p2 s8, $0x770;
	(pc) =	sbr.rel @!p3 .LBB2_16-.Ltmp15, $4  }
0xf1: {  	s10 =	sand.u32 @!p2 $0x7F8, s8;
	s3 =	sadd.s32 @!p2 $0x80, s8  }
0xf2: {  	s8 =	sand.u32 @!p2 $0x7, s8;
	s10 =	sadd.s32 @!p2 s1, s10;
	s3 =	sand.u32 @!p2 $0xFF8, s3  }
0xf3: {  	[tilespmem:s9], [sflag:$0x2] =	stream.linear.gather @!p2 [hbm4b:s10+s8], $0x80, $0x38;
	[tilespmem:$0x1E668] =	vst v63  }
0xf4: {  	s31 =	sadd.s32 $0x1, s31;
	s9 =	sadd.s32 @!p2 s1, s3  }
.LBB2_17:
0xf5: {  	[tilespmem:s2], [sflag:$0x2] =	stream.linear.gather @!p2 [hbm4b:s9+s8], $0x80, $0x38;
	[tilespmem:$0x1E668] =	vst v63  }
.Ltmp16:
0xf6: {  	s0 =	sshll.u32 s0, $0x8;
	(pc) =	sbr.rel .LBB2_18-.Ltmp16, $4  }
0xf7: {  	s31 =	simm.s32 $0x2;
	s29 =	simm.s32 $0x0;
	s0 =	sand.u32 $0x3FFFFF00, s0  }
0xf8: {  	s10 =	smov.u32 s5;
	s5 =	smov.u32 s14;
	_ =	swait.ge [sflag:s31], s0  }
0xf9: {  	s14 =	smov.u32 s6;
	s0 =	ssub.s32 $0x0, s0;
	[sflag:s31] =	ssyncset.done $0x0  }
0xfa: {  	s6 =	smov.u32 s17;
	s17 =	simm.s32 $0xA;
	[sflag:s31] =	ssyncadd.s32 s0  }
.LBB2_19:
0xfb: {  	v1 =	vld [tilespmem:s24+$0xFFFFFF80]  }
0xfc: {  	v2 =	vld [tilespmem:s31+$0x208];
	_ =	sdelay $0x4  }
0xfd: {  	v1 =	vmax.f32 v1, v2  }
0xfe: {  	v2 =	vld [tilespmem:s31+$0x218];
	[tilespmem:s31+$0x208] =	vst v1  }
0xff: {  	v1 =	vld [tilespmem:s24+$0xFFFFFF90];
	_ =	sdelay $0x4  }
0x100: {  	v1 =	vmax.f32 v1, v2  }
0x101: {  	v2 =	vld [tilespmem:s31+$0x228];
	[tilespmem:s31+$0x218] =	vst v1  }
0x102: {  	v1 =	vld [tilespmem:s24+$0xFFFFFFA0];
	_ =	sdelay $0x4  }
0x103: {  	v1 =	vmax.f32 v1, v2  }
0x104: {  	v2 =	vld [tilespmem:s31+$0x238];
	[tilespmem:s31+$0x228] =	vst v1  }
0x105: {  	v1 =	vld [tilespmem:s24+$0xFFFFFFB0];
	_ =	sdelay $0x4  }
0x106: {  	v1 =	vmax.f32 v1, v2  }
0x107: {  	v2 =	vld [tilespmem:s31+$0x248];
	[tilespmem:s31+$0x238] =	vst v1  }
0x108: {  	v1 =	vld [tilespmem:s24+$0xFFFFFFC0];
	_ =	sdelay $0x4  }
0x109: {  	v1 =	vmax.f32 v1, v2  }
0x10a: {  	v2 =	vld [tilespmem:s31+$0x258];
	[tilespmem:s31+$0x248] =	vst v1  }
0x10b: {  	v1 =	vld [tilespmem:s24+$0xFFFFFFD0];
	_ =	sdelay $0x4  }
0x10c: {  	v1 =	vmax.f32 v1, v2  }
0x10d: {  	v2 =	vld [tilespmem:s31+$0x268];
	[tilespmem:s31+$0x258] =	vst v1  }
0x10e: {  	v1 =	vld [tilespmem:s24+$0xFFFFFFE0];
	_ =	sdelay $0x4  }
0x10f: {  	v1 =	vmax.f32 v1, v2  }
0x110: {  	v2 =	vld [tilespmem:s31+$0x278];
	[tilespmem:s31+$0x268] =	vst v1  }
0x111: {  	v1 =	vld [tilespmem:s24+$0xFFFFFFF0];
	_ =	sdelay $0x4  }
0x112: {  	v1 =	vmax.f32 v1, v2  }
0x113: {  	v2 =	vld [tilespmem:s31+$0x288];
	[tilespmem:s31+$0x278] =	vst v1  }
0x114: {  	v1 =	vld [tilespmem:s24+$0x0];
	_ =	sdelay $0x4  }
0x115: {  	v1 =	vmax.f32 v1, v2  }
0x116: {  	v2 =	vld [tilespmem:s31+$0x298];
	[tilespmem:s31+$0x288] =	vst v1  }
0x117: {  	v1 =	vld [tilespmem:s24+$0x10];
	_ =	sdelay $0x4  }
0x118: {  	v1 =	vmax.f32 v1, v2  }
0x119: {  	v2 =	vld [tilespmem:s31+$0x2A8];
	[tilespmem:s31+$0x298] =	vst v1  }
0x11a: {  	v1 =	vld [tilespmem:s24+$0x20];
	_ =	sdelay $0x4  }
0x11b: {  	v1 =	vmax.f32 v1, v2  }
0x11c: {  	v2 =	vld [tilespmem:s31+$0x2B8];
	[tilespmem:s31+$0x2A8] =	vst v1  }
0x11d: {  	v1 =	vld [tilespmem:s24+$0x30];
	_ =	sdelay $0x4  }
0x11e: {  	v1 =	vmax.f32 v1, v2  }
0x11f: {  	v2 =	vld [tilespmem:s31+$0x2C8];
	[tilespmem:s31+$0x2B8] =	vst v1  }
0x120: {  	v1 =	vld [tilespmem:s24+$0x40];
	_ =	sdelay $0x4  }
0x121: {  	v1 =	vmax.f32 v1, v2  }
0x122: {  	v2 =	vld [tilespmem:s31+$0x2D8];
	[tilespmem:s31+$0x2C8] =	vst v1  }
0x123: {  	v1 =	vld [tilespmem:s24+$0x50];
	_ =	sdelay $0x4  }
0x124: {  	v1 =	vmax.f32 v1, v2  }
0x125: {  	v2 =	vld [tilespmem:s31+$0x2E8];
	[tilespmem:s31+$0x2D8] =	vst v1  }
0x126: {  	v1 =	vld [tilespmem:s24+$0x60];
	_ =	sdelay $0x4  }
0x127: {  	v1 =	vmax.f32 v1, v2  }
0x128: {  	v2 =	vld [tilespmem:s31+$0x2F8];
	[tilespmem:s31+$0x2E8] =	vst v1  }
0x129: {  	v1 =	vld [tilespmem:s24+$0x70];
	_ =	sdelay $0x4  }
0x12a: {  	v1 =	vmax.f32 v1, v2  }
0x12b: {  	[tilespmem:s31+$0x2F8] =	vst v1  }
.LBB2_23:
0x12c: {  	s25 =	sadd.s32 $0x1, s25  }
0x12d: {  	p2 =	seq.s32 s25, $0x0  }
.Ltmp17:
0x12e: {  	_ = 	snop;
	(pc) =	sbr.rel @p2 .LBB2_24-.Ltmp17, $2  }
0x12f: {  	_ =	sdelay $0x2  }
0x130: {  	s22 =	sadd.s32 $0x1, s22;
	s24 =	sadd.s32 $0x100, s24;
	s30 =	smov.u32 s28  }
.LBB2_18:
0x131: {  	v1 =	vld.msk [tilespmem:s22+$0x0], $0x1;
	_ =	sdelay $0x4  }
0x132: {  	(v2sf) =	vpush v1, $0x0;
	_ =	sdelay $0xe  }
0x133: {  	s28 =	spop (v2sf)  }
0x134: {  	p2 =	sne.s32 s30, s28  }
.Ltmp18:
0x135: {  	_ = 	snop;
	(pc) =	sbr.rel @!p2 .LBB2_19-.Ltmp18, $3  }
0x136: {  	_ =	sdelay $0x1  }
0x137: {  	s0 =	sshll.u32 s21, $0xA  }
0x138: {  	s31 =	sshra.s32 s0, $0x2  }
0x139: {  	p2 =	seq.s32 s30, s23  }
.Ltmp19:
0x13a: {  	_ = 	snop;
	(pc) =	sbr.rel @!p2 .LBB2_21-.Ltmp19, $1  }
0x13b: {  	_ =	sdelay $0x3  }
.Ltmp20:
0x13c: {  	s0 =	sadd.s32 $0x208, s31;
	(pc) =	sbr.rel .LBB2_22-.Ltmp20, $4  }
0x13d: {  	[spmem:s13] =	stream.linear.scatter [tilespmem:s0], [sflag:$0x1], $0x100, $0x38;
	[tilespmem:$0x1E668] =	vst v63  }
0x13e: {  	_ =	swait.ge [sflag:s11], $0x100  }
0x13f: {  	[sflag:s11] =	ssyncset.done $0x0  }
0x140: {  	[sflag:s11] =	ssyncadd.s32 $0xFFFFFF00  }
.LBB2_21:
0x141: {  	s0 =	sshll.u32 s26, $0xA  }
0x142: {  	v2 =	vld [tilespmem:s31+$0x208];
	s0 =	sshra.s32 s0, $0x2  }
0x143: {  	v1 =	vld [tilespmem:s0+$0x7308];
	_ =	sdelay $0x4  }
0x144: {  	v1 =	vmax.f32 v1, v2  }
0x145: {  	v2 =	vld [tilespmem:s31+$0x218];
	[tilespmem:s31+$0x208] =	vst v1  }
0x146: {  	v1 =	vld [tilespmem:s0+$0x7318];
	_ =	sdelay $0x4  }
0x147: {  	v1 =	vmax.f32 v1, v2  }
0x148: {  	v2 =	vld [tilespmem:s31+$0x228];
	[tilespmem:s31+$0x218] =	vst v1  }
0x149: {  	v1 =	vld [tilespmem:s0+$0x7328];
	_ =	sdelay $0x4  }
0x14a: {  	v1 =	vmax.f32 v1, v2  }
0x14b: {  	v2 =	vld [tilespmem:s31+$0x238];
	[tilespmem:s31+$0x228] =	vst v1  }
0x14c: {  	v1 =	vld [tilespmem:s0+$0x7338];
	_ =	sdelay $0x4  }
0x14d: {  	v1 =	vmax.f32 v1, v2  }
0x14e: {  	v2 =	vld [tilespmem:s31+$0x248];
	[tilespmem:s31+$0x238] =	vst v1  }
0x14f: {  	v1 =	vld [tilespmem:s0+$0x7348];
	_ =	sdelay $0x4  }
0x150: {  	v1 =	vmax.f32 v1, v2  }
0x151: {  	v2 =	vld [tilespmem:s31+$0x258];
	[tilespmem:s31+$0x248] =	vst v1  }
0x152: {  	v1 =	vld [tilespmem:s0+$0x7358];
	_ =	sdelay $0x4  }
0x153: {  	v1 =	vmax.f32 v1, v2  }
0x154: {  	v2 =	vld [tilespmem:s31+$0x268];
	[tilespmem:s31+$0x258] =	vst v1  }
0x155: {  	v1 =	vld [tilespmem:s0+$0x7368];
	_ =	sdelay $0x4  }
0x156: {  	v1 =	vmax.f32 v1, v2  }
0x157: {  	v2 =	vld [tilespmem:s31+$0x278];
	[tilespmem:s31+$0x268] =	vst v1  }
0x158: {  	v1 =	vld [tilespmem:s0+$0x7378];
	_ =	sdelay $0x4  }
0x159: {  	v1 =	vmax.f32 v1, v2  }
0x15a: {  	v2 =	vld [tilespmem:s31+$0x288];
	[tilespmem:s31+$0x278] =	vst v1  }
0x15b: {  	v1 =	vld [tilespmem:s0+$0x7388];
	_ =	sdelay $0x4  }
0x15c: {  	v1 =	vmax.f32 v1, v2  }
0x15d: {  	v2 =	vld [tilespmem:s31+$0x298];
	[tilespmem:s31+$0x288] =	vst v1  }
0x15e: {  	v1 =	vld [tilespmem:s0+$0x7398];
	_ =	sdelay $0x4  }
0x15f: {  	v1 =	vmax.f32 v1, v2  }
0x160: {  	v2 =	vld [tilespmem:s31+$0x2A8];
	[tilespmem:s31+$0x298] =	vst v1  }
0x161: {  	v1 =	vld [tilespmem:s0+$0x73A8];
	_ =	sdelay $0x4  }
0x162: {  	v1 =	vmax.f32 v1, v2  }
0x163: {  	v2 =	vld [tilespmem:s31+$0x2B8];
	[tilespmem:s31+$0x2A8] =	vst v1  }
0x164: {  	v1 =	vld [tilespmem:s0+$0x73B8];
	_ =	sdelay $0x4  }
0x165: {  	v1 =	vmax.f32 v1, v2  }
0x166: {  	v2 =	vld [tilespmem:s31+$0x2C8];
	[tilespmem:s31+$0x2B8] =	vst v1  }
0x167: {  	v1 =	vld [tilespmem:s0+$0x73C8];
	_ =	sdelay $0x4  }
0x168: {  	v1 =	vmax.f32 v1, v2  }
0x169: {  	v2 =	vld [tilespmem:s31+$0x2D8];
	[tilespmem:s31+$0x2C8] =	vst v1  }
0x16a: {  	v1 =	vld [tilespmem:s0+$0x73D8];
	_ =	sdelay $0x4  }
0x16b: {  	v1 =	vmax.f32 v1, v2  }
0x16c: {  	v2 =	vld [tilespmem:s31+$0x2E8];
	[tilespmem:s31+$0x2D8] =	vst v1  }
0x16d: {  	v1 =	vld [tilespmem:s0+$0x73E8];
	_ =	sdelay $0x4  }
0x16e: {  	v1 =	vmax.f32 v1, v2  }
0x16f: {  	v2 =	vld [tilespmem:s31+$0x2F8];
	[tilespmem:s31+$0x2E8] =	vst v1  }
0x170: {  	v1 =	vld [tilespmem:s0+$0x73F8];
	_ =	sdelay $0x3  }
0x171: {  	p2 =	sgt.u32 s30, $0x770  }
0x172: {  	s0 =	sand.u32 @!p2 $0x7F8, s30;
	v1 =	vmax.f32 v1, v2  }
0x173: {  	s2 =	sadd.s32 $0x208, s31;
	s3 =	sand.u32 @!p2 $0x7, s30;
	s0 =	sadd.s32 @!p2 s1, s0;
	[tilespmem:s31+$0x2F8] =	vst v1  }
0x174: {  	[hbm4b:s0+s3] =	stream.linear.scatter @!p2 [tilespmem:s2], [sflag:$0xA], $0x80, $0x38;
	[tilespmem:$0x1E668] =	vst v63  }
0x175: {  	s0 =	sadd.s32 @!p2 $0x80, s30  }
0x176: {  	s0 =	sand.u32 @!p2 $0xFF8, s0  }
0x177: {  	s2 =	sadd.s32 $0x288, s31;
	s0 =	sadd.s32 @!p2 s1, s0  }
0x178: {  	[hbm4b:s0+s3] =	stream.linear.scatter @!p2 [tilespmem:s2], [sflag:$0xA], $0x80, $0x38;
	[tilespmem:$0x1E668] =	vst v63  }
0x179: {  	s0 =	simm.s32 $0x0  }
0x17a: {  	s0 =	simm.s32 @!p2 $0x400  }
0x17b: {  	s29 =	sadd.s32 s0, s29  }
.LBB2_22:
0x17c: {  	s0 =	sadd.s32 $0x1, s21  }
0x17d: {  	s2 =	sshrl.u32 s0, $0x4  }
0x17e: {  	s2 =	smulhi.u32 $0x24924925, s2  }
0x17f: {  	v1 =	vld [tilespmem:s24+$0xFFFFFF80]  }
0x180: {  	s2 =	smul.u32 $0x70, s2;
	_ =	sdelay $0x1  }
0x181: {  	s21 =	ssub.s32 s0, s2  }
0x182: {  	s0 =	sshll.u32 s21, $0x8  }
0x183: {  	[tilespmem:s0+$0x208] =	vst v1  }
0x184: {  	v1 =	vld [tilespmem:s24+$0xFFFFFF90];
	_ =	sdelay $0x4  }
0x185: {  	[tilespmem:s0+$0x218] =	vst v1  }
0x186: {  	v1 =	vld [tilespmem:s24+$0xFFFFFFA0];
	_ =	sdelay $0x4  }
0x187: {  	[tilespmem:s0+$0x228] =	vst v1  }
0x188: {  	v1 =	vld [tilespmem:s24+$0xFFFFFFB0];
	_ =	sdelay $0x4  }
0x189: {  	[tilespmem:s0+$0x238] =	vst v1  }
0x18a: {  	v1 =	vld [tilespmem:s24+$0xFFFFFFC0];
	_ =	sdelay $0x4  }
0x18b: {  	[tilespmem:s0+$0x248] =	vst v1  }
0x18c: {  	v1 =	vld [tilespmem:s24+$0xFFFFFFD0];
	_ =	sdelay $0x4  }
0x18d: {  	[tilespmem:s0+$0x258] =	vst v1  }
0x18e: {  	v1 =	vld [tilespmem:s24+$0xFFFFFFE0];
	_ =	sdelay $0x4  }
0x18f: {  	[tilespmem:s0+$0x268] =	vst v1  }
0x190: {  	v1 =	vld [tilespmem:s24+$0xFFFFFFF0];
	_ =	sdelay $0x4  }
0x191: {  	[tilespmem:s0+$0x278] =	vst v1  }
0x192: {  	v1 =	vld [tilespmem:s24+$0x0];
	_ =	sdelay $0x4  }
0x193: {  	[tilespmem:s0+$0x288] =	vst v1  }
0x194: {  	v1 =	vld [tilespmem:s24+$0x10];
	_ =	sdelay $0x4  }
0x195: {  	[tilespmem:s0+$0x298] =	vst v1  }
0x196: {  	v1 =	vld [tilespmem:s24+$0x20];
	_ =	sdelay $0x4  }
0x197: {  	[tilespmem:s0+$0x2A8] =	vst v1  }
0x198: {  	v1 =	vld [tilespmem:s24+$0x30];
	_ =	sdelay $0x4  }
0x199: {  	[tilespmem:s0+$0x2B8] =	vst v1  }
0x19a: {  	v1 =	vld [tilespmem:s24+$0x40];
	_ =	sdelay $0x4  }
0x19b: {  	[tilespmem:s0+$0x2C8] =	vst v1  }
0x19c: {  	v1 =	vld [tilespmem:s24+$0x50];
	_ =	sdelay $0x4  }
0x19d: {  	[tilespmem:s0+$0x2D8] =	vst v1  }
0x19e: {  	v1 =	vld [tilespmem:s24+$0x60];
	_ =	sdelay $0x4  }
0x19f: {  	[tilespmem:s0+$0x2E8] =	vst v1  }
0x1a0: {  	v1 =	vld [tilespmem:s24+$0x70]  }
.Ltmp21:
0x1a1: {  	_ = 	snop;
	(pc) =	sbr.rel .LBB2_23-.Ltmp21, $2  }
0x1a2: {  	_ =	sdelay $0x2  }
0x1a3: {  	s26 =	sadd.s32 $0x1, s26;
	[tilespmem:s0+$0x2F8] =	vst v1  }
.LBB2_25:
.Ltmp22:
0x1a4: {  	(pc) =	sbr.rel .LBB2_26-.Ltmp22, $4  }
0x1a5: {  	_ = 	snop  }
0x1a6: {  	s0 =	simm.s32 $0x2  }
0x1a7: {  	_ =	swait.ge [sflag:s0], $0x0  }
0x1a8: {  	s28 =	smov.u32 s30;
	[sflag:s0] =	ssyncset.done $0x0;
	s0 =	simm.s32 $0x0  }
.LBB2_28:
0x1a9: {  	_ =	sfence.sel $0x180000  }
0x1aa: {  	s0 =	simm.s32 $0x7;
	[bflag:$0x0] =	sbarrier.arrive $0xFFFF  }
0x1ab: {  	s25 =	simm.s32 $0x8;
	[sflag:s0] =	ssyncpa.u1 $0x1  }
0x1ac: {  	s26 =	simm.s32 $0x9;
	[sflag:s25] =	ssyncpa.u1 $0x1  }
0x1ad: {  	s28 =	simm.s32 $0x2;
	[sflag:s26] =	ssyncpa.u1 $0x1  }
0x1ae: {  	[sflag:s28] =	ssyncpa.u1 $0x1  }
0x1af: {  	v0 =	vld [tilespmem:$0xE408];
	_ =	sdelay $0x4  }
0x1b0: {  	(v2sf) =	vpush v0, $0x0  }
0x1b1: {  	(v2sf) =	vpush v0, $0x1;
	_ =	sdelay $0x1  }
0x1b2: {  	(v2sf) =	vpush v0, $0x2;
	_ =	sdelay $0xb  }
0x1b3: {  	s0 =	spop (v2sf)  }
0x1b4: {  	s2 =	spop (v2sf)  }
0x1b5: {  	s3 =	smov.u32 s0;
	p0 =	sne.s32 s0, s2  }
0x1b6: {  	s4 =	spop (v2sf);
	s3 =	simm.s32 @!p0 $0xFFFFFFFF  }
0x1b7: {  	v2 =	vimm.s32 $0x1;
	v3 =	vlaneseq.u32;
	p0 =	seq.s32 s4, $0xFFFFFFFF;
	v1 =	vmov s3  }
0x1b8: {  	s7 =	stileid.u32;
	v0 =	vperm.xlane v0, v2;
	p1 =	sne.s32 @!p0 s0, s2;
	v1 =	vperm.xlane v1, v3  }
0x1b9: {  	vm0 =	vcmask $0x3F04;
	s6 =	simm.s32 $0xE408;
	s0 =	simm.s32 @!p0 $0x1;
	p1 =	por !p1, p0  }
0x1ba: {  	s3 =	sshll.u32 s7, $0x1;
	s2 =	sshll.u32 @!p0 s4, $0xA;
	s0 =	simm.s32 @p1 $0x0;
	v0 =	vsel vm0, v1, v0  }
0x1bb: {  	s5 =	sor.u32 $0x2000, s3;
	s2 =	sshra.s32 @!p0 s2, $0x2;
	s0 =	sor.u32 @!p0 s0, s3;
	[tilespmem:$0xE408] =	vst v0  }
0x1bc: {  	[spmem:s5] =	stream.linear.scatter [tilespmem:s6], [sflag:$0x1], $0x2, $0x38;
	[tilespmem:$0x1E668] =	vst v63  }
0x1bd: {  	s2 =	sadd.s32 @!p0 $0x208, s2;
	s0 =	sshll.u32 @!p0 s0, $0x8  }
0x1be: {  	[spmem:s0] =	stream.linear.scatter @!p0 [tilespmem:s2], [sflag:$0x1], $0x100, $0x38;
	[tilespmem:$0x1E668] =	vst v63  }
0x1bf: {  	s2 =	simm.s32 @!p0 $0x102  }
0x1c0: {  	s0 =	simm.s32 $0x1;
	s2 =	simm.s32 @p0 $0x2  }
0x1c1: {  	_ =	swait.ge [sflag:s0], s2  }
0x1c2: {  	s2 =	ssub.s32 $0x0, s2;
	[sflag:s0] =	ssyncset.done $0x0  }
0x1c3: {  	[sflag:s0] =	ssyncadd.s32 s2  }
0x1c4: {  	_ =	sfence.stream.spmem  }
0x1c5: {  	s29 =	simm.s32 $0x3;
	[bflag:$0x0] =	sbarrier.arrive $0xFFFF  }
0x1c6: {  	s30 =	simm.s32 $0x4;
	[sflag:s29] =	ssyncpa.u1 $0x1  }
0x1c7: {  	s31 =	simm.s32 $0x3C;
	[sflag:s30] =	ssyncpa.u1 $0x1  }
0x1c8: {  	p0 =	sne.s32 s7, $0x0;
	[sflag:s31] =	ssyncpa.u1 $0x1  }
0x1c9: {  	_ =	sfence @p0  }
0x1ca: {  	[sflag:s0] =	ssyncpa.u1 @p0 $0x1  }
0x1cb: {  	_ =	strace @p0 $0x9000005F  }
0x1cc: {  	[bflag:$0x2] =	sbarrier.arrive @p0 $0xFFFF  }
0x1cd: {  	_ =	shalt @p0  }
.LBB2_29:
0x1ce: {  	_ =	sfence.stream.spmem;
	s0 =	simm.s32 $0x5  }
0x1cf: {  	s2 =	simm.s32 $0x2000;
	s3 =	simm.s32 $0xE418;
	[sflag:s0] =	ssyncpa.u1 $0x0  }
0x1d0: {  	[tilespmem:s3], [sflag:$0x5] =	stream.linear.gather [spmem:s2], $0x20, $0x38;
	[tilespmem:$0x1E668] =	vst v63  }
0x1d1: {  	s31 =	simm.s32 $0xE438;
	s2 =	simm.s32 $0x0  }
0x1d2: {  	[tilespmem:s31], [sflag:$0x5] =	stream.linear.gather [spmem:s2], $0x2000, $0x38;
	[tilespmem:$0x1E668] =	vst v63  }
.Ltmp23:
0x1d3: {  	_ = 	snop;
	(pc) =	sbr.rel .LBB2_30-.Ltmp23, $4  }
0x1d4: {  	_ =	swait.ge [sflag:s0], $0x2020  }
0x1d5: {  	[sflag:s0] =	ssyncset.done $0x0  }
0x1d6: {  	s4 =	simm.s32 $0xE308;
	s3 =	simm.s32 $0x6;
	[sflag:s0] =	ssyncadd.s32 $0xFFFFDFE0  }
0x1d7: {  	s5 =	simm.s32 $0xE388;
	s6 =	simm.s32 $0x0;
	[sflag:s3] =	ssyncpa.u1 $0x0  }
.LBB2_38:
0x1d8: {  	s0 =	sand.u32 $0x7F8, s7  }
0x1d9: {  	s8 =	sand.u32 $0x7, s7;
	s30 =	sadd.s32 $0x80, s7;
	s0 =	sadd.s32 s1, s0  }
0x1da: {  	[tilespmem:s4], [sflag:$0x6] =	stream.linear.gather [hbm4b:s0+s8], $0x80, $0x38;
	[tilespmem:$0x1E668] =	vst v63  }
0x1db: {  	s0 =	sand.u32 $0xFF8, s30  }
0x1dc: {  	s0 =	sadd.s32 s1, s0  }
0x1dd: {  	[tilespmem:s5], [sflag:$0x6] =	stream.linear.gather [hbm4b:s0+s8], $0x80, $0x38;
	[tilespmem:$0x1E668] =	vst v63  }
0x1de: {  	_ =	swait.ge [sflag:s3], $0x100  }
0x1df: {  	[sflag:s3] =	ssyncset.done $0x0  }
0x1e0: {  	s7 =	sshll.u32 s6, $0xA;
	[sflag:s3] =	ssyncadd.s32 $0xFFFFFF00  }
0x1e1: {  	s31 =	sshrl.u32 s7, $0x2;
	v1 =	vld [tilespmem:$0xE308]  }
0x1e2: {  	v2 =	vld [tilespmem:s31+$0xE438];
	_ =	sdelay $0x4  }
0x1e3: {  	v1 =	vmax.f32 v1, v2  }
0x1e4: {  	v2 =	vld [tilespmem:s31+$0xE448];
	[tilespmem:s31+$0xE438] =	vst v1  }
0x1e5: {  	v1 =	vld [tilespmem:$0xE318];
	_ =	sdelay $0x4  }
0x1e6: {  	v1 =	vmax.f32 v1, v2  }
0x1e7: {  	v2 =	vld [tilespmem:s31+$0xE458];
	[tilespmem:s31+$0xE448] =	vst v1  }
0x1e8: {  	v1 =	vld [tilespmem:$0xE328];
	_ =	sdelay $0x4  }
0x1e9: {  	v1 =	vmax.f32 v1, v2  }
0x1ea: {  	v2 =	vld [tilespmem:s31+$0xE468];
	[tilespmem:s31+$0xE458] =	vst v1  }
0x1eb: {  	v1 =	vld [tilespmem:$0xE338];
	_ =	sdelay $0x4  }
0x1ec: {  	v1 =	vmax.f32 v1, v2  }
0x1ed: {  	v2 =	vld [tilespmem:s31+$0xE478];
	[tilespmem:s31+$0xE468] =	vst v1  }
0x1ee: {  	v1 =	vld [tilespmem:$0xE348];
	_ =	sdelay $0x4  }
0x1ef: {  	v1 =	vmax.f32 v1, v2  }
0x1f0: {  	v2 =	vld [tilespmem:s31+$0xE488];
	[tilespmem:s31+$0xE478] =	vst v1  }
0x1f1: {  	v1 =	vld [tilespmem:$0xE358];
	_ =	sdelay $0x4  }
0x1f2: {  	v1 =	vmax.f32 v1, v2  }
0x1f3: {  	v2 =	vld [tilespmem:s31+$0xE498];
	[tilespmem:s31+$0xE488] =	vst v1  }
0x1f4: {  	v1 =	vld [tilespmem:$0xE368];
	_ =	sdelay $0x4  }
0x1f5: {  	v1 =	vmax.f32 v1, v2  }
0x1f6: {  	v2 =	vld [tilespmem:s31+$0xE4A8];
	[tilespmem:s31+$0xE498] =	vst v1  }
0x1f7: {  	v1 =	vld [tilespmem:$0xE378];
	_ =	sdelay $0x4  }
0x1f8: {  	v1 =	vmax.f32 v1, v2  }
0x1f9: {  	v2 =	vld [tilespmem:s31+$0xE4B8];
	[tilespmem:s31+$0xE4A8] =	vst v1  }
0x1fa: {  	v1 =	vld [tilespmem:$0xE388];
	_ =	sdelay $0x4  }
0x1fb: {  	v1 =	vmax.f32 v1, v2  }
0x1fc: {  	v2 =	vld [tilespmem:s31+$0xE4C8];
	[tilespmem:s31+$0xE4B8] =	vst v1  }
0x1fd: {  	v1 =	vld [tilespmem:$0xE398];
	_ =	sdelay $0x4  }
0x1fe: {  	v1 =	vmax.f32 v1, v2  }
0x1ff: {  	v2 =	vld [tilespmem:s31+$0xE4D8];
	[tilespmem:s31+$0xE4C8] =	vst v1  }
0x200: {  	v1 =	vld [tilespmem:$0xE3A8];
	_ =	sdelay $0x4  }
0x201: {  	v1 =	vmax.f32 v1, v2  }
0x202: {  	v2 =	vld [tilespmem:s31+$0xE4E8];
	[tilespmem:s31+$0xE4D8] =	vst v1  }
0x203: {  	v1 =	vld [tilespmem:$0xE3B8];
	_ =	sdelay $0x4  }
0x204: {  	v1 =	vmax.f32 v1, v2  }
0x205: {  	v2 =	vld [tilespmem:s31+$0xE4F8];
	[tilespmem:s31+$0xE4E8] =	vst v1  }
0x206: {  	v1 =	vld [tilespmem:$0xE3C8];
	_ =	sdelay $0x4  }
0x207: {  	v1 =	vmax.f32 v1, v2  }
0x208: {  	v2 =	vld [tilespmem:s31+$0xE508];
	[tilespmem:s31+$0xE4F8] =	vst v1  }
0x209: {  	v1 =	vld [tilespmem:$0xE3D8];
	_ =	sdelay $0x4  }
0x20a: {  	v1 =	vmax.f32 v1, v2  }
0x20b: {  	v2 =	vld [tilespmem:s31+$0xE518];
	[tilespmem:s31+$0xE508] =	vst v1  }
0x20c: {  	v1 =	vld [tilespmem:$0xE3E8];
	_ =	sdelay $0x4  }
0x20d: {  	v1 =	vmax.f32 v1, v2  }
0x20e: {  	v2 =	vld [tilespmem:s31+$0xE528];
	[tilespmem:s31+$0xE518] =	vst v1  }
0x20f: {  	v1 =	vld [tilespmem:$0xE3F8];
	_ =	sdelay $0x4  }
0x210: {  	v1 =	vmax.f32 v1, v2  }
0x211: {  	[tilespmem:s31+$0xE528] =	vst v1  }
.LBB2_39:
0x212: {  	[tilespmem:s2+$0xE418] =	vst.msk $0x1, v0;
	s0 =	sshrl.u32 s7, $0x2  }
0x213: {  	v0 =	vld [tilespmem:s0+$0xE438];
	_ =	sdelay $0x2  }
0x214: {  	s31 =	sshll.u32 s2, $0xA  }
0x215: {  	s7 =	sshra.s32 s31, $0x2  }
0x216: {  	[tilespmem:s7+$0xE438] =	vst v0  }
0x217: {  	v0 =	vld [tilespmem:s0+$0xE448];
	_ =	sdelay $0x4  }
0x218: {  	[tilespmem:s7+$0xE448] =	vst v0  }
0x219: {  	v0 =	vld [tilespmem:s0+$0xE458];
	_ =	sdelay $0x4  }
0x21a: {  	[tilespmem:s7+$0xE458] =	vst v0  }
0x21b: {  	v0 =	vld [tilespmem:s0+$0xE468];
	_ =	sdelay $0x4  }
0x21c: {  	[tilespmem:s7+$0xE468] =	vst v0  }
0x21d: {  	v0 =	vld [tilespmem:s0+$0xE478];
	_ =	sdelay $0x4  }
0x21e: {  	[tilespmem:s7+$0xE478] =	vst v0  }
0x21f: {  	v0 =	vld [tilespmem:s0+$0xE488];
	_ =	sdelay $0x4  }
0x220: {  	[tilespmem:s7+$0xE488] =	vst v0  }
0x221: {  	v0 =	vld [tilespmem:s0+$0xE498];
	_ =	sdelay $0x4  }
0x222: {  	[tilespmem:s7+$0xE498] =	vst v0  }
0x223: {  	v0 =	vld [tilespmem:s0+$0xE4A8];
	_ =	sdelay $0x4  }
0x224: {  	[tilespmem:s7+$0xE4A8] =	vst v0  }
0x225: {  	v0 =	vld [tilespmem:s0+$0xE4B8];
	_ =	sdelay $0x4  }
0x226: {  	[tilespmem:s7+$0xE4B8] =	vst v0  }
0x227: {  	v0 =	vld [tilespmem:s0+$0xE4C8];
	_ =	sdelay $0x4  }
0x228: {  	[tilespmem:s7+$0xE4C8] =	vst v0  }
0x229: {  	v0 =	vld [tilespmem:s0+$0xE4D8];
	_ =	sdelay $0x4  }
0x22a: {  	[tilespmem:s7+$0xE4D8] =	vst v0  }
0x22b: {  	v0 =	vld [tilespmem:s0+$0xE4E8];
	_ =	sdelay $0x4  }
0x22c: {  	[tilespmem:s7+$0xE4E8] =	vst v0  }
0x22d: {  	v0 =	vld [tilespmem:s0+$0xE4F8];
	_ =	sdelay $0x4  }
0x22e: {  	[tilespmem:s7+$0xE4F8] =	vst v0  }
0x22f: {  	v0 =	vld [tilespmem:s0+$0xE508];
	_ =	sdelay $0x4  }
0x230: {  	[tilespmem:s7+$0xE508] =	vst v0  }
0x231: {  	v0 =	vld [tilespmem:s0+$0xE518];
	_ =	sdelay $0x4  }
0x232: {  	[tilespmem:s7+$0xE518] =	vst v0  }
0x233: {  	v0 =	vld [tilespmem:s0+$0xE528];
	_ =	sdelay $0x4  }
0x234: {  	s2 =	sadd.s32 $0x1, s2;
	[tilespmem:s7+$0xE528] =	vst v0  }
.LBB2_40:
0x235: {  	s6 =	sadd.s32 $0x1, s6  }
0x236: {  	p0 =	sne.s32 s6, $0x20  }
.Ltmp24:
0x237: {  	_ = 	snop;
	(pc) =	sbr.rel @!p0 .LBB2_41-.Ltmp24, $1  }
0x238: {  	_ =	sdelay $0x3  }
.LBB2_30:
0x239: {  	v0 =	vld.msk [tilespmem:s6+$0xE418], $0x1;
	_ =	sdelay $0x4  }
0x23a: {  	(v2sf) =	vpush v0, $0x0;
	_ =	sdelay $0xe  }
0x23b: {  	s7 =	spop (v2sf)  }
0x23c: {  	p0 =	seq.s32 s7, $0xFFFFFFFF  }
.Ltmp25:
0x23d: {  	_ = 	snop;
	(pc) =	sbr.rel @p0 .LBB2_40-.Ltmp25, $1  }
0x23e: {  	_ =	sdelay $0x3  }
0x23f: {  	p0 =	slt.s32 s2, $0x1  }
.Ltmp26:
0x240: {  	_ = 	snop;
	(pc) =	sbr.rel @p0 .LBB2_36-.Ltmp26, $1  }
0x241: {  	_ =	sdelay $0x3  }
0x242: {  	s8 =	simm.s32 $0xE418;
	p0 =	por $0x0, $0x0  }
0x243: {  	v1 =	vld.msk @!p0 [tilespmem:s8+$0x0], $0x1;
	_ =	sdelay $0x4  }
0x244: {  	(v2sf) =	vpush @!p0 v1, $0x0;
	_ =	sdelay $0xd  }
0x245: {  	p2 =	sne.s32 s2, $0x1  }
.Ltmp27:
0x246: {  	s0 =	spop @!p0 (v2sf);
	(pc) =	sbr.rel @!p2 .LBB2_34-.Ltmp27, $4  }
0x247: {  	p1 =	seq.s32 @!p0 s7, s0  }
0x248: {  	s9 =	simm.s32 $0x0;
	p1 =	por !p1, p0  }
0x249: {  	s0 =	simm.s32 $0xFFFFFFFF;
	s9 =	simm.s32 @p1 $0xFFFFFFFF  }
0x24a: {  	s10 =	simm.s32 $0x1;
	s9 =	smov.u32 @p0 s0  }
.LBB2_33:
0x24b: {  	s0 =	smov.u32 s9;
	p0 =	sne.s32 s9, $0xFFFFFFFF  }
0x24c: {  	s8 =	sadd.s32 $0x1, s8;
	s9 =	smov.u32 s10;
	s10 =	sadd.s32 $0x1, s10  }
0x24d: {  	p1 =	sne.s32 s2, s10;
	v1 =	vld.msk @!p0 [tilespmem:s8+$0x0], $0x1;
	_ =	sdelay $0x4  }
0x24e: {  	(v2sf) =	vpush @!p0 v1, $0x0;
	_ =	sdelay $0xe  }
.Ltmp28:
0x24f: {  	s11 =	spop @!p0 (v2sf);
	(pc) =	sbr.rel @p1 .LBB2_33-.Ltmp28, $4  }
0x250: {  	p2 =	seq.s32 @!p0 s7, s11  }
0x251: {  	p2 =	por !p2, p0  }
0x252: {  	s9 =	simm.s32 @p2 $0xFFFFFFFF  }
0x253: {  	s9 =	smov.u32 @p0 s0  }
.LBB2_34:
0x254: {  	p0 =	seq.s32 s9, $0xFFFFFFFF  }
.Ltmp29:
0x255: {  	_ = 	snop;
	(pc) =	sbr.rel @p0 .LBB2_36-.Ltmp29, $1  }
0x256: {  	_ =	sdelay $0x3  }
0x257: {  	s0 =	sshll.u32 s6, $0x8  }
0x258: {  	s31 =	sshll.u32 s9, $0xA;
	s8 =	sand.u32 $0x3FFFFF00, s0  }
0x259: {  	s7 =	sshra.s32 s31, $0x2;
	v0 =	vld [tilespmem:s8+$0xE438]  }
0x25a: {  	v1 =	vld [tilespmem:s7+$0xE438];
	_ =	sdelay $0x4  }
0x25b: {  	v0 =	vmax.f32 v0, v1  }
0x25c: {  	v49 =	vld [tilespmem:s7+$0xE448];
	[tilespmem:s7+$0xE438] =	vst v0  }
0x25d: {  	v0 =	vld [tilespmem:s8+$0xE448];
	_ =	sdelay $0x4  }
0x25e: {  	v0 =	vmax.f32 v0, v49  }
0x25f: {  	v50 =	vld [tilespmem:s7+$0xE458];
	[tilespmem:s7+$0xE448] =	vst v0  }
0x260: {  	v0 =	vld [tilespmem:s8+$0xE458];
	_ =	sdelay $0x4  }
0x261: {  	v0 =	vmax.f32 v0, v50  }
0x262: {  	v51 =	vld [tilespmem:s7+$0xE468];
	[tilespmem:s7+$0xE458] =	vst v0  }
0x263: {  	v0 =	vld [tilespmem:s8+$0xE468];
	_ =	sdelay $0x4  }
0x264: {  	v0 =	vmax.f32 v0, v51  }
0x265: {  	v52 =	vld [tilespmem:s7+$0xE478];
	[tilespmem:s7+$0xE468] =	vst v0  }
0x266: {  	v0 =	vld [tilespmem:s8+$0xE478];
	_ =	sdelay $0x4  }
0x267: {  	v0 =	vmax.f32 v0, v52  }
0x268: {  	v53 =	vld [tilespmem:s7+$0xE488];
	[tilespmem:s7+$0xE478] =	vst v0  }
0x269: {  	v0 =	vld [tilespmem:s8+$0xE488];
	_ =	sdelay $0x4  }
0x26a: {  	v0 =	vmax.f32 v0, v53  }
0x26b: {  	v54 =	vld [tilespmem:s7+$0xE498];
	[tilespmem:s7+$0xE488] =	vst v0  }
0x26c: {  	v0 =	vld [tilespmem:s8+$0xE498];
	_ =	sdelay $0x4  }
0x26d: {  	v0 =	vmax.f32 v0, v54  }
0x26e: {  	v55 =	vld [tilespmem:s7+$0xE4A8];
	[tilespmem:s7+$0xE498] =	vst v0  }
0x26f: {  	v0 =	vld [tilespmem:s8+$0xE4A8];
	_ =	sdelay $0x4  }
0x270: {  	v0 =	vmax.f32 v0, v55  }
0x271: {  	v56 =	vld [tilespmem:s7+$0xE4B8];
	[tilespmem:s7+$0xE4A8] =	vst v0  }
0x272: {  	v0 =	vld [tilespmem:s8+$0xE4B8];
	_ =	sdelay $0x4  }
0x273: {  	v0 =	vmax.f32 v0, v56  }
0x274: {  	v57 =	vld [tilespmem:s7+$0xE4C8];
	[tilespmem:s7+$0xE4B8] =	vst v0  }
0x275: {  	v0 =	vld [tilespmem:s8+$0xE4C8];
	_ =	sdelay $0x4  }
0x276: {  	v0 =	vmax.f32 v0, v57  }
0x277: {  	v58 =	vld [tilespmem:s7+$0xE4D8];
	[tilespmem:s7+$0xE4C8] =	vst v0  }
0x278: {  	v0 =	vld [tilespmem:s8+$0xE4D8];
	_ =	sdelay $0x4  }
0x279: {  	v0 =	vmax.f32 v0, v58  }
0x27a: {  	v59 =	vld [tilespmem:s7+$0xE4E8];
	[tilespmem:s7+$0xE4D8] =	vst v0  }
0x27b: {  	v0 =	vld [tilespmem:s8+$0xE4E8];
	_ =	sdelay $0x4  }
0x27c: {  	v0 =	vmax.f32 v0, v59  }
0x27d: {  	v60 =	vld [tilespmem:s7+$0xE4F8];
	[tilespmem:s7+$0xE4E8] =	vst v0  }
0x27e: {  	v0 =	vld [tilespmem:s8+$0xE4F8];
	_ =	sdelay $0x4  }
0x27f: {  	v0 =	vmax.f32 v0, v60  }
0x280: {  	v61 =	vld [tilespmem:s7+$0xE508];
	[tilespmem:s7+$0xE4F8] =	vst v0  }
0x281: {  	v0 =	vld [tilespmem:s8+$0xE508];
	_ =	sdelay $0x4  }
0x282: {  	v0 =	vmax.f32 v0, v61  }
0x283: {  	v62 =	vld [tilespmem:s7+$0xE518];
	[tilespmem:s7+$0xE508] =	vst v0  }
0x284: {  	v0 =	vld [tilespmem:s8+$0xE518];
	_ =	sdelay $0x4  }
0x285: {  	v0 =	vmax.f32 v0, v62  }
0x286: {  	v63 =	vld [tilespmem:s7+$0xE528];
	[tilespmem:s7+$0xE518] =	vst v0  }
0x287: {  	v0 =	vld [tilespmem:s8+$0xE528];
	_ =	sdelay $0x1  }
.Ltmp30:
0x288: {  	_ = 	snop;
	(pc) =	sbr.rel .LBB2_40-.Ltmp30, $3  }
0x289: {  	_ =	sdelay $0x1  }
0x28a: {  	v0 =	vmax.f32 v0, v63  }
0x28b: {  	[tilespmem:s7+$0xE528] =	vst v0  }
.LBB2_36:
0x28c: {  	p0 =	slt.u32 s7, $0x771  }
.Ltmp31:
0x28d: {  	_ = 	snop;
	(pc) =	sbr.rel @p0 .LBB2_38-.Ltmp31, $1  }
0x28e: {  	_ =	sdelay $0x3  }
.Ltmp32:
0x28f: {  	(pc) =	sbr.rel .LBB2_39-.Ltmp32, $2  }
0x290: {  	_ =	sdelay $0x2  }
0x291: {  	s7 =	sshll.u32 s6, $0xA  }
.LBB2_41:
0x292: {  	p0 =	slt.s32 s2, $0x1  }
.Ltmp33:
0x293: {  	_ = 	snop;
	(pc) =	sbr.rel @p0 .LBB2_45-.Ltmp33, $3  }
0x294: {  	_ =	sdelay $0x1  }
0x295: {  	s0 =	simm.s32 $0x6  }
0x296: {  	[sflag:s0] =	ssyncpa.u1 $0x1;
	s0 =	simm.s32 $0x0  }
0x297: {  	s3 =	simm.s32 $0xE418  }
0x298: {  	v0 =	vld.msk [tilespmem:s3+$0x0], $0x1;
	_ =	sdelay $0x4  }
0x299: {  	(v2sf) =	vpush v0, $0x0;
	_ =	sdelay $0xe  }
0x29a: {  	s2 =	sadd.s32 $0xFFFFFFFF, s2;
	s4 =	spop (v2sf)  }
0x29b: {  	s5 =	simm.s32 $0xE438;
	p0 =	sne.s32 s2, $0x0;
	p1 =	sgt.u32 s4, $0x770  }
.Ltmp34:
0x29c: {  	s3 =	simm.s32 $0xE538;
	s6 =	sand.u32 @!p1 $0x7F8, s4;
	(pc) =	sbr.rel @!p0 .LBB2_44-.Ltmp34, $4  }
0x29d: {  	s7 =	sadd.s32 @!p1 $0x80, s4;
	s8 =	sadd.s32 @!p1 s1, s6;
	s6 =	sand.u32 @!p1 $0x7, s4  }
0x29e: {  	[hbm4b:s8+s6] =	stream.linear.scatter @!p1 [tilespmem:s5], [sflag:$0x5], $0x80, $0x38;
	[tilespmem:$0x1E668] =	vst v63  }
0x29f: {  	s0 =	simm.s32 @!p1 $0x400;
	s4 =	simm.s32 $0xE419;
	s5 =	sand.u32 @!p1 $0xFF8, s7  }
0x2a0: {  	s7 =	simm.s32 @!p1 $0xE4B8;
	s8 =	sadd.s32 @!p1 s1, s5;
	s5 =	sadd.s32 $0x0, s0  }
.LBB2_43:
0x2a1: {  	[hbm4b:s8+s6] =	stream.linear.scatter @!p1 [tilespmem:s7], [sflag:$0x5], $0x80, $0x38;
	[tilespmem:$0x1E668] =	vst v63  }
0x2a2: {  	s2 =	sadd.s32 $0xFFFFFFFF, s2;
	s0 =	smov.u32 s3;
	v0 =	vld.msk [tilespmem:s4+$0x0], $0x1  }
0x2a3: {  	p0 =	sne.s32 s2, $0x0;
	_ =	sdelay $0x3  }
0x2a4: {  	(v2sf) =	vpush v0, $0x0;
	_ =	sdelay $0xe  }
0x2a5: {  	s3 =	sadd.s32 $0x100, s3;
	s9 =	simm.s32 $0x0;
	s6 =	spop (v2sf)  }
.Ltmp35:
0x2a6: {  	s4 =	sadd.s32 $0x1, s4;
	p1 =	sgt.u32 s6, $0x770;
	(pc) =	sbr.rel @p0 .LBB2_43-.Ltmp35, $4  }
0x2a7: {  	s9 =	simm.s32 @!p1 $0x400;
	s7 =	sand.u32 @!p1 $0x7F8, s6;
	s8 =	sadd.s32 @!p1 $0x80, s6  }
0x2a8: {  	s6 =	sand.u32 @!p1 $0x7, s6;
	s7 =	sadd.s32 @!p1 s1, s7;
	s8 =	sand.u32 @!p1 $0xFF8, s8  }
0x2a9: {  	[hbm4b:s7+s6] =	stream.linear.scatter @!p1 [tilespmem:s0], [sflag:$0x5], $0x80, $0x38;
	[tilespmem:$0x1E668] =	vst v63  }
0x2aa: {  	s5 =	sadd.s32 s5, s9;
	s7 =	sadd.s32 @!p1 $0x80, s0;
	s8 =	sadd.s32 @!p1 s1, s8  }
.LBB2_44:
0x2ab: {  	[hbm4b:s8+s6] =	stream.linear.scatter @!p1 [tilespmem:s7], [sflag:$0x5], $0x80, $0x38;
	[tilespmem:$0x1E668] =	vst v63  }
0x2ac: {  	s0 =	sshrl.u32 s5, $0x2  }
.LBB2_45:
0x2ad: {  	s1 =	simm.s32 $0x5  }
0x2ae: {  	_ =	swait.ge [sflag:s1], s0  }
0x2af: {  	s29 =	ssub.s32 $0x0, s0;
	[sflag:s1] =	ssyncset.done $0x0  }
0x2b0: {  	[sflag:s1] =	ssyncadd.s32 s29  }
0x2b1: {  	[sflag:s1] =	ssyncpa.u1 $0x1  }
0x2b2: {  	s30 =	simm.s32 $0x1;
	_ =	sfence  }
0x2b3: {  	[sflag:s30] =	ssyncpa.u1 $0x1  }
0x2b4: {  	_ =	strace $0x9000005F  }
0x2b5: {  	[bflag:$0x2] =	sbarrier.arrive $0xFFFF  }
0x2b6: {  	s31 =	rddreg [dreg:$0x1]  }
0x2b7: {  	s0 =	sadd.s32 $0x100000, s31  }
0x2b8: {  	[sflag:s0] =	ssyncadd.tile.s32 $0x1;
	_ =	shalt  }
.Lfunc_end2:
_tile_overlayer_lowered:
.L_overlay_start_2:
0x2b9: {  	(tag) =	ssettag $0x2  }
0x2ba: {  	s0 =	rddreg [dreg:$0x0];
	s2 =	stileid.u32  }
0x2bb: {  	s1 =	rddreg [dreg:$0x1];
	p0 =	sne.s32 s2, $0x0  }
0x2bc: {  	s3 =	rddreg [dreg:$0x2];
	[bflag:$0x3] =	sbarrier.arrive $0xFFFF;
	s2 =	simm.s32 @!p0 $0x1C01  }
0x2bd: {  	[timem:s3], [sflag:s2] =	dma.local @!p0 [hbm:s0], s1  }
0x2be: {  	s0 =	simm.s32 @!p0 $0x1  }
0x2bf: {  	_ =	swait.ge @!p0 [sflag:s0], s1  }
0x2c0: {  	s1 =	ssub.s32 @!p0 $0x0, s1;
	[sflag:s0] =	ssyncset.done @!p0 $0x0  }
0x2c1: {  	[sflag:s0] =	ssyncadd.s32 @!p0 s1  }
0x2c2: {  	[bflag:$0x3] =	sbarrier.arrive $0xFFFF  }
0x2c3: {  	_ =	shalt  }

</sc_bundles>
